<compile_context>
chip_gen: v7x
topology: tpu7x:2x2x1
jax: 0.10.2.dev20260603
libtpu: 0.0.44.dev20260713+nightly
codegen_flags: <defaults>
</compile_context>

<pallas_src>
import functools

import jax
import jax.numpy as jnp
from jax import lax
from jax.experimental import pallas as pl
from jax.experimental.pallas import tpu as pltpu
from jax.experimental.pallas import tpu_sc as plsc

_B = 4096
_D = 64
_V = 1000000
_VP = 1048576
_NTOK = 204800
_NC = 2
_NS = 16
_NW = _NC * _NS
_SPW = _B // _NW
_BIG = _NTOK - _B
_PW = _BIG // _NW
_SCH = _PW // 128
_SEG = _VP // _NS
_ZB = 16384
_LAST_COUNT = _NTOK - (_B - 1)

_LB = 32768
_MGRID = (_V + _LB - 1) // _LB
_NBUF = 4

_BM = 512
_GRID = _B // _BM


def _sc_hist_body(text_hbm, hist_out, bidx2, ones, zbuf, shist,
                  sem_i, sem_z, sem_a):
    cid = lax.axis_index("c")
    sid = lax.axis_index("s")
    wid = sid * _NC + cid

    tbase = _B + wid * _PW
    for k in range(_SCH):
        pltpu.async_copy(text_hbm.at[pl.ds(tbase + k * 128, 128)],
                         bidx2.at[k], sem_i)

    zero = jnp.zeros((16,), jnp.float32)

    def zfill(k, _):
        zbuf[pl.ds(k * 16, 16)] = zero
        return 0

    lax.fori_loop(0, _ZB // 16, zfill, 0)
    for j in range(8):
        ones[pl.ds(j * 16, 16)] = zero + 1.0
    for k in range(_SEG // _ZB):
        pltpu.async_copy(zbuf, shist.at[pl.ds(sid * _SEG + k * _ZB, _ZB)], sem_z)
    for k in range(_SEG // _ZB):
        pltpu.make_async_copy(zbuf, shist.at[pl.ds(0, _ZB)], sem_z).wait()
    for k in range(_SCH):
        pltpu.make_async_copy(text_hbm.at[pl.ds(0, 128)], bidx2.at[k], sem_i).wait()
    plsc.subcore_barrier()

    for k in range(_SCH):
        pltpu.async_copy(ones, shist.at[bidx2.at[k]], sem_a, add=True)
    for k in range(_SCH):
        pltpu.make_async_copy(ones, shist.at[bidx2.at[0]], sem_a).wait()
    plsc.subcore_barrier()

    pltpu.sync_copy(shist.at[pl.ds(sid * _SEG, _SEG)],
                    hist_out.at[cid, pl.ds(sid * _SEG, _SEG)])


def _sc_single_body(text_hbm, wt_hbm, embt_out, vidx, colbuf, tilebuf, sem_s):
    cid = lax.axis_index("c")
    sid = lax.axis_index("s")
    wid = sid * _NC + cid

    pltpu.sync_copy(text_hbm.at[pl.ds(wid * _SPW, _SPW)], vidx)
    iot = lax.iota(jnp.int32, 16)

    def fire(t, slot):
        pltpu.async_copy(wt_hbm.at[:, pl.ds((t // 128) * 128, 128)],
                         tilebuf.at[pl.ds(slot * _D, _D), :], sem_s)

    def group(g, _):
        tvec = vidx[pl.ds(g * 16, 16)]
        for p in range(_NBUF):
            fire(tvec[p], p)
        for r in range(16):
            slot = r % _NBUF
            pltpu.make_async_copy(wt_hbm.at[:, pl.ds(0, 128)],
                                  tilebuf.at[pl.ds(0, _D), :], sem_s).wait()
            t = tvec[r]
            cvec = jnp.full((16,), t - (t // 128) * 128, jnp.int32)
            rvec = jnp.full((16,), g * 16 + r, jnp.int32)
            for j in range(4):
                v = plsc.load_gather(tilebuf, [slot * _D + j * 16 + iot, cvec])
                plsc.store_scatter(colbuf, [j * 16 + iot, rvec], v)
            if r + _NBUF < 16:
                fire(tvec[r + _NBUF], slot)
        return 0

    lax.fori_loop(0, _SPW // 16, group, 0)
    pltpu.sync_copy(colbuf, embt_out.at[:, pl.ds(wid * _SPW, _SPW)])


def _matvec_body(wt_ref, h_ref, out_ref):
    i = pl.program_id(0)

    @pl.when(i == 0)
    def _():
        out_ref[...] = jnp.zeros_like(out_ref)

    lanes = lax.broadcasted_iota(jnp.int32, (1, _LB), 1)
    mask = lanes < (_V - i * _LB)
    wt = jnp.where(mask, wt_ref[...], 0.0)
    c = h_ref[0:1, :] + h_ref[1:2, :]
    out_ref[...] += jnp.sum(wt * c, axis=1, keepdims=True)


def _head_body(embt_ref, big_ref, sym_ref, w_ref, b_ref, out_ref):
    i = pl.program_id(0)
    embt = embt_ref[...]
    mean = (big_ref[...] + embt[:, _BM - 1:_BM]) * (1.0 / _LAST_COUNT)
    cols = lax.broadcasted_iota(jnp.int32, (1, _BM), 1)
    sel = (cols == _BM - 1) & (i == _GRID - 1)
    embt = jnp.where(sel, mean, embt)
    w = w_ref[...]
    dn0 = (((0,), (1,)), ((), ()))
    dn1 = (((1,), (1,)), ((), ()))
    out_ref[...] = (
        lax.dot_general(embt, w[:, :_D], dn0, preferred_element_type=jnp.float32)
        + lax.dot_general(sym_ref[...], w[:, _D:], dn1,
                          preferred_element_type=jnp.float32)
        + b_ref[...]
    )


@functools.lru_cache(maxsize=2)
def _build(interpret=False):
    mesh = plsc.VectorSubcoreMesh(core_axis_name="c", subcore_axis_name="s",
                                  num_cores=_NC, num_subcores=_NS)
    sc_hist = pl.kernel(
        _sc_hist_body,
        out_type=jax.ShapeDtypeStruct((_NC, _VP), jnp.float32),
        mesh=mesh,
        scratch_types=[
            pltpu.VMEM((_SCH, 128), jnp.int32),
            pltpu.VMEM((128,), jnp.float32),
            pltpu.VMEM((_ZB,), jnp.float32),
            pltpu.VMEM_SHARED((_VP,), jnp.float32),
            pltpu.SemaphoreType.DMA,
            pltpu.SemaphoreType.DMA,
            pltpu.SemaphoreType.DMA,
        ],
        compiler_params=pltpu.CompilerParams(use_tc_tiling_on_sc=True,
                                             needs_layout_passes=False),
        interpret=interpret,
    )

    sc_single = pl.kernel(
        _sc_single_body,
        out_type=jax.ShapeDtypeStruct((_D, _B), jnp.float32),
        mesh=mesh,
        scratch_types=[
            pltpu.VMEM((_SPW,), jnp.int32),
            pltpu.VMEM((_D, _SPW), jnp.float32),
            pltpu.VMEM((_NBUF * _D, 128), jnp.float32),
            pltpu.SemaphoreType.DMA,
        ],
        compiler_params=pltpu.CompilerParams(use_tc_tiling_on_sc=True,
                                             needs_layout_passes=False),
        interpret=interpret,
    )

    matvec = pl.pallas_call(
        _matvec_body,
        grid=(_MGRID,),
        in_specs=[
            pl.BlockSpec((_D, _LB), lambda i: (0, i)),
            pl.BlockSpec((_NC, _LB), lambda i: (0, i)),
        ],
        out_specs=pl.BlockSpec((_D, 1), lambda i: (0, 0)),
        out_shape=jax.ShapeDtypeStruct((_D, 1), jnp.float32),
        interpret=interpret,
    )

    head = pl.pallas_call(
        _head_body,
        grid=(_GRID,),
        in_specs=[
            pl.BlockSpec((_D, _BM), lambda i: (0, i)),
            pl.BlockSpec((_D, 1), lambda i: (0, 0)),
            pl.BlockSpec((_BM, 3), lambda i: (i, 0)),
            pl.BlockSpec((100, _D + 3), lambda i: (0, 0)),
            pl.BlockSpec((1, 100), lambda i: (0, 0)),
        ],
        out_specs=pl.BlockSpec((_BM, 100), lambda i: (i, 0)),
        out_shape=jax.ShapeDtypeStruct((_B, 100), jnp.float32),
        interpret=interpret,
    )

    def run(text, offsets, sym_feats, W_emb, W_fc, b_fc):
        del offsets
        text = text.astype(jnp.int32)
        wt = W_emb.T
        hist = sc_hist(text)
        embt = sc_single(text, wt)
        big = matvec(wt, hist)
        return head(embt, big, sym_feats, W_fc, b_fc.reshape(1, 100))

    return run


def kernel(text, offsets, sym_feats, W_emb, W_fc, b_fc):
    return _build(False)(text, offsets, sym_feats, W_emb, W_fc, b_fc)

# --- scband reference (transcript-rebuilt; emitter-appended) ---
"""Pipeline reference for scband-neural-symbolic-classifier-38276748542695 (READ-ONLY COPY).

The authoritative reference and input builder live on the scoring server;
editing this copy changes nothing except your own understanding.
"""

import jax, jax.numpy as jnp
import numpy as np

VOCAB = 1000000
EMBED_DIM = 64
N_CLS = 100
N_SYM = 3
B = 4096
N_TOK = 204800


def setup_inputs(seed: int = 0) -> dict:
    key = jax.random.key(seed)
    k1, k2, k3, k4, k5 = jax.random.split(key, 5)
    text = jax.random.randint(k1, (N_TOK,), 0, VOCAB, dtype=jnp.int64) if jax.config.jax_enable_x64 else jax.random.randint(k1, (N_TOK,), 0, VOCAB, dtype=jnp.int32)
    offsets = jnp.arange(B, dtype=text.dtype)
    sym_feats = jax.random.normal(k2, (B, N_SYM), dtype=jnp.float32)
    W_emb = jax.random.normal(k3, (VOCAB, EMBED_DIM), dtype=jnp.float32) * 0.02
    W_fc = jax.random.normal(k4, (N_CLS, EMBED_DIM + N_SYM), dtype=jnp.float32) * 0.05
    b_fc = jax.random.normal(k5, (N_CLS,), dtype=jnp.float32) * 0.01
    return {"text": text, "offsets": offsets, "sym_feats": sym_feats, "W_emb": W_emb, "W_fc": W_fc, "b_fc": b_fc}


def reference(text, offsets, sym_feats, W_emb, W_fc, b_fc):
    n = text.shape[0]
    b = offsets.shape[0]
    # EmbeddingBag(mode='mean'): bag i covers text[offsets[i]:offsets[i+1]] (last bag to end)
    seg = jnp.searchsorted(offsets, jnp.arange(n, dtype=offsets.dtype), side='right') - 1
    gathered = jnp.take(W_emb, text, axis=0)  # [N_TOK, EMBED_DIM] gather
    sums = jax.ops.segment_sum(gathered, seg, num_segments=b)  # scatter-add
    bounds = jnp.concatenate([offsets, jnp.array([n], dtype=offsets.dtype)])
    counts = (bounds[1:] - bounds[:-1]).astype(jnp.float32)
    emb = sums / jnp.maximum(counts, 1.0)[:, None]
    x = jnp.concatenate([emb, sym_feats], axis=1)
    return x @ W_fc.T + b_fc

if __name__ == "__main__":
    import jax
    _d = setup_inputs()
    print(jax.jit(kernel)(*tuple(_d.values())))

</pallas_src>

<mosaic_0001>
#map = affine_map<(d0, d1) -> (0)>
#map1 = affine_map<(d0, d1) -> (0, 0)>
module attributes {stable_mosaic.version = 14 : i64} {
  func.func @_sc_single_body(%arg0: i32, %arg1: i32, %arg2: memref<204800xi32, #tpu.memory_space<hbm>>, %arg3: memref<64x1000000xf32, #tpu.memory_space<hbm>>, %arg4: memref<64x4096xf32, #tpu.memory_space<hbm>>, %arg5: memref<128xi32, #tpu.memory_space<vmem>>, %arg6: memref<64x128xf32, #tpu.memory_space<vmem>>, %arg7: memref<256x128xf32, #tpu.memory_space<vmem>>, %arg8: memref<!tpu.dma_semaphore, #tpu.memory_space<semaphore_mem>>) attributes {dimension_semantics = [#tpu.dimension_semantics<core_parallel>, #tpu.dimension_semantics<subcore_parallel>], iteration_bounds = array<i64: 2, 16>, scalar_prefetch = 0 : i64, scratch_operands = 4 : i64, tpu.core_type = #tpu.core_type<sc_vector_subcore>, window_params = [{transform_indices = #map}, {transform_indices = #map1}, {transform_indices = #map1}]} {
    %mul3A = arith.constant 2 : i32
    %mul3A_0 = arith.muli %arg1, %mul3A : i32
    %add3A = arith.addi %mul3A_0, %arg0 : i32
    %mul3A_1 = arith.constant 128 : i32
    %mul3A_2 = arith.muli %add3A, %mul3A_1 : i32
    "tpu.region"() ({
      %run_scoped3A = tpu.sem_alloc : memref<!tpu.dma_semaphore, #tpu.memory_space<semaphore_mem>>
      %dma_start3A = tpu.memref_slice %arg2[%mul3A_2] : memref<204800xi32, #tpu.memory_space<hbm>> -> memref<128xi32, #tpu.memory_space<hbm>>
      %dma_start3A_11 = tpu.memref_slice %arg2[%mul3A_2] : memref<204800xi32, #tpu.memory_space<hbm>> -> memref<128xi32, #tpu.memory_space<hbm>>
      tpu.enqueue_dma source(%dma_start3A_11 : memref<128xi32, #tpu.memory_space<hbm>>) target(%arg5 : memref<128xi32, #tpu.memory_space<vmem>>) target_semaphore(%run_scoped3A : memref<!tpu.dma_semaphore, #tpu.memory_space<semaphore_mem>>)
      %dma_wait3A = tpu.memref_slice %arg2[%mul3A_2] : memref<204800xi32, #tpu.memory_space<hbm>> -> memref<128xi32, #tpu.memory_space<hbm>>
      %dma_wait3A_12 = tpu.memref_slice %arg2[%mul3A_2] : memref<204800xi32, #tpu.memory_space<hbm>> -> memref<128xi32, #tpu.memory_space<hbm>>
      tpu.wait_dma2 semaphore(%run_scoped3A : memref<!tpu.dma_semaphore, #tpu.memory_space<semaphore_mem>>) src(%dma_wait3A_12 : memref<128xi32, #tpu.memory_space<hbm>>) dst(%arg5 : memref<128xi32, #tpu.memory_space<vmem>>)
      tpu.yield
    }) : () -> ()
    %iota3A = tpu.iota {dimensions = array<i32: 0>} : vector<16xi32>
    %scan3A = arith.constant 0 : i32
    %scan3A_3 = arith.constant 0 : i32
    %scan3A_4 = arith.constant 8 : i32
    %scan3A_5 = arith.addi %scan3A_3, %scan3A_4 : i32
    %scan3A_6 = arith.constant 1 : i32
    %scan3A_7 = scf.for %scan3A_11 = %scan3A_3 to %scan3A_5 step %scan3A_6 iter_args(%scan3A_12 = %scan3A) -> (i32)  : i32 {
      %mul3A_13 = arith.constant 16 : i32
      %mul3A_14 = arith.muli %scan3A_11, %mul3A_13 : i32
      %get3A = arith.index_cast %mul3A_14 : i32 to index
      %get3A_15 = tpu.vector_load %arg5[%get3A] {strides = array<i32>} : memref<128xi32, #tpu.memory_space<vmem>>, vector<16xi32>,
      %slice3A = vector.extract_strided_slice %get3A_15 {offsets = [0], sizes = [1], strides = [1]} : vector<16xi32> to vector<1xi32>
      %squeeze3A = vector.extract %slice3A[0] : i32 from vector<1xi32>
      %jit3A = arith.constant 128 : i32
      %div3A = arith.divsi %squeeze3A, %jit3A : i32
      %sign3A = arith.constant 0 : i32
      %sign3A_16 = arith.cmpi sgt, %squeeze3A, %sign3A : i32
      %sign3A_17 = arith.extui %sign3A_16 : i1 to i32
      %sign3A_18 = arith.constant 0 : i32
      %sign3A_19 = arith.cmpi slt, %squeeze3A, %sign3A_18 : i32
      %sign3A_20 = arith.extui %sign3A_19 : i1 to i32
      %sign3A_21 = arith.subi %sign3A_17, %sign3A_20 : i32
      %sign3A_22 = arith.constant 0 : i32
      %sign3A_23 = arith.cmpi sgt, %jit3A, %sign3A_22 : i32
      %sign3A_24 = arith.extui %sign3A_23 : i1 to i32
      %sign3A_25 = arith.constant 0 : i32
      %sign3A_26 = arith.cmpi slt, %jit3A, %sign3A_25 : i32
      %sign3A_27 = arith.extui %sign3A_26 : i1 to i32
      %sign3A_28 = arith.subi %sign3A_24, %sign3A_27 : i32
      %ne3A = arith.cmpi ne, %sign3A_21, %sign3A_28 : i32
      %rem3A = arith.remsi %squeeze3A, %jit3A : i32
      %ne3A_29 = arith.constant 0 : i32
      %ne3A_30 = arith.cmpi ne, %rem3A, %ne3A_29 : i32
      %and3A = arith.andi %ne3A, %ne3A_30 : i1
      %sub3A = arith.constant 1 : i32
      %sub3A_31 = arith.subi %div3A, %sub3A : i32
      %select_n3A = arith.select %and3A, %sub3A_31, %div3A : i32
      %mul3A_32 = arith.constant 128 : i32
      %mul3A_33 = arith.muli %select_n3A, %mul3A_32 : i32
      %dma_start3A = arith.constant 0 : i32
      %dma_start3A_34 = arith.constant 0 : i32
      %dma_start3A_35 = tpu.memref_slice %arg7[%dma_start3A, %dma_start3A_34] : memref<256x128xf32, #tpu.memory_space<vmem>> -> memref<64x128xf32, #tpu.memory_space<vmem>>
      %dma_start3A_36 = arith.constant 0 : i32
      %dma_start3A_37 = tpu.memref_slice %arg3[%dma_start3A_36, %mul3A_33] : memref<64x1000000xf32, #tpu.memory_space<hbm>> -> memref<64x128xf32, #tpu.memory_space<hbm>>
      %dma_start3A_38 = arith.constant 0 : i32
      %dma_start3A_39 = arith.constant 0 : i32
      %dma_start3A_40 = tpu.memref_slice %arg7[%dma_start3A_38, %dma_start3A_39] : memref<256x128xf32, #tpu.memory_space<vmem>> -> memref<64x128xf32, #tpu.memory_space<vmem>>
      %dma_start3A_41 = arith.constant 0 : i32
      %dma_start3A_42 = tpu.memref_slice %arg3[%dma_start3A_41, %mul3A_33] : memref<64x1000000xf32, #tpu.memory_space<hbm>> -> memref<64x128xf32, #tpu.memory_space<hbm>>
      tpu.enqueue_dma source(%dma_start3A_42 : memref<64x128xf32, #tpu.memory_space<hbm>>) target(%dma_start3A_40 : memref<64x128xf32, #tpu.memory_space<vmem>>) target_semaphore(%arg8 : memref<!tpu.dma_semaphore, #tpu.memory_space<semaphore_mem>>)
      %slice3A_43 = vector.extract_strided_slice %get3A_15 {offsets = [1], sizes = [1], strides = [1]} : vector<16xi32> to vector<1xi32>
      %squeeze3A_44 = vector.extract %slice3A_43[0] : i32 from vector<1xi32>
      %jit3A_45 = arith.constant 128 : i32
      %div3A_46 = arith.divsi %squeeze3A_44, %jit3A_45 : i32
      %sign3A_47 = arith.constant 0 : i32
      %sign3A_48 = arith.cmpi sgt, %squeeze3A_44, %sign3A_47 : i32
      %sign3A_49 = arith.extui %sign3A_48 : i1 to i32
      %sign3A_50 = arith.constant 0 : i32
      %sign3A_51 = arith.cmpi slt, %squeeze3A_44, %sign3A_50 : i32
      %sign3A_52 = arith.extui %sign3A_51 : i1 to i32
      %sign3A_53 = arith.subi %sign3A_49, %sign3A_52 : i32
      %sign3A_54 = arith.constant 0 : i32
      %sign3A_55 = arith.cmpi sgt, %jit3A_45, %sign3A_54 : i32
      %sign3A_56 = arith.extui %sign3A_55 : i1 to i32
      %sign3A_57 = arith.constant 0 : i32
      %sign3A_58 = arith.cmpi slt, %jit3A_45, %sign3A_57 : i32
      %sign3A_59 = arith.extui %sign3A_58 : i1 to i32
      %sign3A_60 = arith.subi %sign3A_56, %sign3A_59 : i32
      %ne3A_61 = arith.cmpi ne, %sign3A_53, %sign3A_60 : i32
      %rem3A_62 = arith.remsi %squeeze3A_44, %jit3A_45 : i32
      %ne3A_63 = arith.constant 0 : i32
      %ne3A_64 = arith.cmpi ne, %rem3A_62, %ne3A_63 : i32
      %and3A_65 = arith.andi %ne3A_61, %ne3A_64 : i1
      %sub3A_66 = arith.constant 1 : i32
      %sub3A_67 = arith.subi %div3A_46, %sub3A_66 : i32
      %select_n3A_68 = arith.select %and3A_65, %sub3A_67, %div3A_46 : i32
      %mul3A_69 = arith.constant 128 : i32
      %mul3A_70 = arith.muli %select_n3A_68, %mul3A_69 : i32
      %dma_start3A_71 = arith.constant 64 : i32
      %dma_start3A_72 = arith.constant 0 : i32
      %dma_start3A_73 = tpu.memref_slice %arg7[%dma_start3A_71, %dma_start3A_72] : memref<256x128xf32, #tpu.memory_space<vmem>> -> memref<64x128xf32, #tpu.memory_space<vmem>>
      %dma_start3A_74 = arith.constant 0 : i32
      %dma_start3A_75 = tpu.memref_slice %arg3[%dma_start3A_74, %mul3A_70] : memref<64x1000000xf32, #tpu.memory_space<hbm>> -> memref<64x128xf32, #tpu.memory_space<hbm>>
      %dma_start3A_76 = arith.constant 64 : i32
      %dma_start3A_77 = arith.constant 0 : i32
      %dma_start3A_78 = tpu.memref_slice %arg7[%dma_start3A_76, %dma_start3A_77] : memref<256x128xf32, #tpu.memory_space<vmem>> -> memref<64x128xf32, #tpu.memory_space<vmem>>
      %dma_start3A_79 = arith.constant 0 : i32
      %dma_start3A_80 = tpu.memref_slice %arg3[%dma_start3A_79, %mul3A_70] : memref<64x1000000xf32, #tpu.memory_space<hbm>> -> memref<64x128xf32, #tpu.memory_space<hbm>>
      tpu.enqueue_dma source(%dma_start3A_80 : memref<64x128xf32, #tpu.memory_space<hbm>>) target(%dma_start3A_78 : memref<64x128xf32, #tpu.memory_space<vmem>>) target_semaphore(%arg8 : memref<!tpu.dma_semaphore, #tpu.memory_space<semaphore_mem>>)
      %slice3A_81 = vector.extract_strided_slice %get3A_15 {offsets = [2], sizes = [1], strides = [1]} : vector<16xi32> to vector<1xi32>
      %squeeze3A_82 = vector.extract %slice3A_81[0] : i32 from vector<1xi32>
      %jit3A_83 = arith.constant 128 : i32
      %div3A_84 = arith.divsi %squeeze3A_82, %jit3A_83 : i32
      %sign3A_85 = arith.constant 0 : i32
      %sign3A_86 = arith.cmpi sgt, %squeeze3A_82, %sign3A_85 : i32
      %sign3A_87 = arith.extui %sign3A_86 : i1 to i32
      %sign3A_88 = arith.constant 0 : i32
      %sign3A_89 = arith.cmpi slt, %squeeze3A_82, %sign3A_88 : i32
      %sign3A_90 = arith.extui %sign3A_89 : i1 to i32
      %sign3A_91 = arith.subi %sign3A_87, %sign3A_90 : i32
      %sign3A_92 = arith.constant 0 : i32
      %sign3A_93 = arith.cmpi sgt, %jit3A_83, %sign3A_92 : i32
      %sign3A_94 = arith.extui %sign3A_93 : i1 to i32
      %sign3A_95 = arith.constant 0 : i32
      %sign3A_96 = arith.cmpi slt, %jit3A_83, %sign3A_95 : i32
      %sign3A_97 = arith.extui %sign3A_96 : i1 to i32
      %sign3A_98 = arith.subi %sign3A_94, %sign3A_97 : i32
      %ne3A_99 = arith.cmpi ne, %sign3A_91, %sign3A_98 : i32
      %rem3A_100 = arith.remsi %squeeze3A_82, %jit3A_83 : i32
      %ne3A_101 = arith.constant 0 : i32
      %ne3A_102 = arith.cmpi ne, %rem3A_100, %ne3A_101 : i32
      %and3A_103 = arith.andi %ne3A_99, %ne3A_102 : i1
      %sub3A_104 = arith.constant 1 : i32
      %sub3A_105 = arith.subi %div3A_84, %sub3A_104 : i32
      %select_n3A_106 = arith.select %and3A_103, %sub3A_105, %div3A_84 : i32
      %mul3A_107 = arith.constant 128 : i32
      %mul3A_108 = arith.muli %select_n3A_106, %mul3A_107 : i32
      %dma_start3A_109 = arith.constant 128 : i32
      %dma_start3A_110 = arith.constant 0 : i32
      %dma_start3A_111 = tpu.memref_slice %arg7[%dma_start3A_109, %dma_start3A_110] : memref<256x128xf32, #tpu.memory_space<vmem>> -> memref<64x128xf32, #tpu.memory_space<vmem>>
      %dma_start3A_112 = arith.constant 0 : i32
      %dma_start3A_113 = tpu.memref_slice %arg3[%dma_start3A_112, %mul3A_108] : memref<64x1000000xf32, #tpu.memory_space<hbm>> -> memref<64x128xf32, #tpu.memory_space<hbm>>
      %dma_start3A_114 = arith.constant 128 : i32
      %dma_start3A_115 = arith.constant 0 : i32
      %dma_start3A_116 = tpu.memref_slice %arg7[%dma_start3A_114, %dma_start3A_115] : memref<256x128xf32, #tpu.memory_space<vmem>> -> memref<64x128xf32, #tpu.memory_space<vmem>>
      %dma_start3A_117 = arith.constant 0 : i32
      %dma_start3A_118 = tpu.memref_slice %arg3[%dma_start3A_117, %mul3A_108] : memref<64x1000000xf32, #tpu.memory_space<hbm>> -> memref<64x128xf32, #tpu.memory_space<hbm>>
      tpu.enqueue_dma source(%dma_start3A_118 : memref<64x128xf32, #tpu.memory_space<hbm>>) target(%dma_start3A_116 : memref<64x128xf32, #tpu.memory_space<vmem>>) target_semaphore(%arg8 : memref<!tpu.dma_semaphore, #tpu.memory_space<semaphore_mem>>)
      %slice3A_119 = vector.extract_strided_slice %get3A_15 {offsets = [3], sizes = [1], strides = [1]} : vector<16xi32> to vector<1xi32>
      %squeeze3A_120 = vector.extract %slice3A_119[0] : i32 from vector<1xi32>
      %jit3A_121 = arith.constant 128 : i32
      %div3A_122 = arith.divsi %squeeze3A_120, %jit3A_121 : i32
      %sign3A_123 = arith.constant 0 : i32
      %sign3A_124 = arith.cmpi sgt, %squeeze3A_120, %sign3A_123 : i32
      %sign3A_125 = arith.extui %sign3A_124 : i1 to i32
      %sign3A_126 = arith.constant 0 : i32
      %sign3A_127 = arith.cmpi slt, %squeeze3A_120, %sign3A_126 : i32
      %sign3A_128 = arith.extui %sign3A_127 : i1 to i32
      %sign3A_129 = arith.subi %sign3A_125, %sign3A_128 : i32
      %sign3A_130 = arith.constant 0 : i32
      %sign3A_131 = arith.cmpi sgt, %jit3A_121, %sign3A_130 : i32
      %sign3A_132 = arith.extui %sign3A_131 : i1 to i32
      %sign3A_133 = arith.constant 0 : i32
      %sign3A_134 = arith.cmpi slt, %jit3A_121, %sign3A_133 : i32
      %sign3A_135 = arith.extui %sign3A_134 : i1 to i32
      %sign3A_136 = arith.subi %sign3A_132, %sign3A_135 : i32
      %ne3A_137 = arith.cmpi ne, %sign3A_129, %sign3A_136 : i32
      %rem3A_138 = arith.remsi %squeeze3A_120, %jit3A_121 : i32
      %ne3A_139 = arith.constant 0 : i32
      %ne3A_140 = arith.cmpi ne, %rem3A_138, %ne3A_139 : i32
      %and3A_141 = arith.andi %ne3A_137, %ne3A_140 : i1
      %sub3A_142 = arith.constant 1 : i32
      %sub3A_143 = arith.subi %div3A_122, %sub3A_142 : i32
      %select_n3A_144 = arith.select %and3A_141, %sub3A_143, %div3A_122 : i32
      %mul3A_145 = arith.constant 128 : i32
      %mul3A_146 = arith.muli %select_n3A_144, %mul3A_145 : i32
      %dma_start3A_147 = arith.constant 192 : i32
      %dma_start3A_148 = arith.constant 0 : i32
      %dma_start3A_149 = tpu.memref_slice %arg7[%dma_start3A_147, %dma_start3A_148] : memref<256x128xf32, #tpu.memory_space<vmem>> -> memref<64x128xf32, #tpu.memory_space<vmem>>
      %dma_start3A_150 = arith.constant 0 : i32
      %dma_start3A_151 = tpu.memref_slice %arg3[%dma_start3A_150, %mul3A_146] : memref<64x1000000xf32, #tpu.memory_space<hbm>> -> memref<64x128xf32, #tpu.memory_space<hbm>>
      %dma_start3A_152 = arith.constant 192 : i32
      %dma_start3A_153 = arith.constant 0 : i32
      %dma_start3A_154 = tpu.memref_slice %arg7[%dma_start3A_152, %dma_start3A_153] : memref<256x128xf32, #tpu.memory_space<vmem>> -> memref<64x128xf32, #tpu.memory_space<vmem>>
      %dma_start3A_155 = arith.constant 0 : i32
      %dma_start3A_156 = tpu.memref_slice %arg3[%dma_start3A_155, %mul3A_146] : memref<64x1000000xf32, #tpu.memory_space<hbm>> -> memref<64x128xf32, #tpu.memory_space<hbm>>
      tpu.enqueue_dma source(%dma_start3A_156 : memref<64x128xf32, #tpu.memory_space<hbm>>) target(%dma_start3A_154 : memref<64x128xf32, #tpu.memory_space<vmem>>) target_semaphore(%arg8 : memref<!tpu.dma_semaphore, #tpu.memory_space<semaphore_mem>>)
      %dma_wait3A = arith.constant 0 : i32
      %dma_wait3A_157 = arith.constant 0 : i32
      %dma_wait3A_158 = tpu.memref_slice %arg7[%dma_wait3A, %dma_wait3A_157] : memref<256x128xf32, #tpu.memory_space<vmem>> -> memref<64x128xf32, #tpu.memory_space<vmem>>
      %dma_wait3A_159 = arith.constant 0 : i32
      %dma_wait3A_160 = arith.constant 0 : i32
      %dma_wait3A_161 = tpu.memref_slice %arg3[%dma_wait3A_159, %dma_wait3A_160] : memref<64x1000000xf32, #tpu.memory_space<hbm>> -> memref<64x128xf32, #tpu.memory_space<hbm>>
      %dma_wait3A_162 = arith.constant 0 : i32
      %dma_wait3A_163 = arith.constant 0 : i32
      %dma_wait3A_164 = tpu.memref_slice %arg7[%dma_wait3A_162, %dma_wait3A_163] : memref<256x128xf32, #tpu.memory_space<vmem>> -> memref<64x128xf32, #tpu.memory_space<vmem>>
      %dma_wait3A_165 = arith.constant 0 : i32
      %dma_wait3A_166 = arith.constant 0 : i32
      %dma_wait3A_167 = tpu.memref_slice %arg3[%dma_wait3A_165, %dma_wait3A_166] : memref<64x1000000xf32, #tpu.memory_space<hbm>> -> memref<64x128xf32, #tpu.memory_space<hbm>>
      tpu.wait_dma2 semaphore(%arg8 : memref<!tpu.dma_semaphore, #tpu.memory_space<semaphore_mem>>) src(%dma_wait3A_167 : memref<64x128xf32, #tpu.memory_space<hbm>>) dst(%dma_wait3A_164 : memref<64x128xf32, #tpu.memory_space<vmem>>)
      %slice3A_168 = vector.extract_strided_slice %get3A_15 {offsets = [0], sizes = [1], strides = [1]} : vector<16xi32> to vector<1xi32>
      %squeeze3A_169 = vector.extract %slice3A_168[0] : i32 from vector<1xi32>
      %jit3A_170 = arith.constant 128 : i32
      %div3A_171 = arith.divsi %squeeze3A_169, %jit3A_170 : i32
      %sign3A_172 = arith.constant 0 : i32
      %sign3A_173 = arith.cmpi sgt, %squeeze3A_169, %sign3A_172 : i32
      %sign3A_174 = arith.extui %sign3A_173 : i1 to i32
      %sign3A_175 = arith.constant 0 : i32
      %sign3A_176 = arith.cmpi slt, %squeeze3A_169, %sign3A_175 : i32
      %sign3A_177 = arith.extui %sign3A_176 : i1 to i32
      %sign3A_178 = arith.subi %sign3A_174, %sign3A_177 : i32
      %sign3A_179 = arith.constant 0 : i32
      %sign3A_180 = arith.cmpi sgt, %jit3A_170, %sign3A_179 : i32
      %sign3A_181 = arith.extui %sign3A_180 : i1 to i32
      %sign3A_182 = arith.constant 0 : i32
      %sign3A_183 = arith.cmpi slt, %jit3A_170, %sign3A_182 : i32
      %sign3A_184 = arith.extui %sign3A_183 : i1 to i32
      %sign3A_185 = arith.subi %sign3A_181, %sign3A_184 : i32
      %ne3A_186 = arith.cmpi ne, %sign3A_178, %sign3A_185 : i32
      %rem3A_187 = arith.remsi %squeeze3A_169, %jit3A_170 : i32
      %ne3A_188 = arith.constant 0 : i32
      %ne3A_189 = arith.cmpi ne, %rem3A_187, %ne3A_188 : i32
      %and3A_190 = arith.andi %ne3A_186, %ne3A_189 : i1
      %sub3A_191 = arith.constant 1 : i32
      %sub3A_192 = arith.subi %div3A_171, %sub3A_191 : i32
      %select_n3A_193 = arith.select %and3A_190, %sub3A_192, %div3A_171 : i32
      %mul3A_194 = arith.constant 128 : i32
      %mul3A_195 = arith.muli %select_n3A_193, %mul3A_194 : i32
      %sub3A_196 = arith.subi %squeeze3A_169, %mul3A_195 : i32
      %broadcast_in_dim3A = vector.broadcast %sub3A_196 : i32 to vector<16xi32>
      %mul3A_197 = arith.constant 16 : i32
      %mul3A_198 = arith.muli %scan3A_11, %mul3A_197 : i32
      %add3A_199 = arith.constant 0 : i32
      %add3A_200 = arith.addi %mul3A_198, %add3A_199 : i32
      %broadcast_in_dim3A_201 = vector.broadcast %add3A_200 : i32 to vector<16xi32>
      %add3A_202 = arith.constant 0 : i32
      %add3A_203 = vector.broadcast %add3A_202 : i32 to vector<16xi32>
      %add3A_204 = arith.addi %add3A_203, %iota3A : vector<16xi32>
      %gather3A = tpu.vector_load_idx %arg7[%add3A_204, %broadcast_in_dim3A] : memref<256x128xf32, #tpu.memory_space<vmem>>[vector<16xi32>, vector<16xi32>], vector<16xf32>,
      %add3A_205 = arith.constant 0 : i32
      %add3A_206 = vector.broadcast %add3A_205 : i32 to vector<16xi32>
      %add3A_207 = arith.addi %add3A_206, %iota3A : vector<16xi32>
      tpu.vector_store_idx %arg6[%add3A_207, %broadcast_in_dim3A_201], %gather3A : memref<64x128xf32, #tpu.memory_space<vmem>>[vector<16xi32>, vector<16xi32>], vector<16xf32>,
      %add3A_208 = arith.constant 16 : i32
      %add3A_209 = vector.broadcast %add3A_208 : i32 to vector<16xi32>
      %add3A_210 = arith.addi %add3A_209, %iota3A : vector<16xi32>
      %gather3A_211 = tpu.vector_load_idx %arg7[%add3A_210, %broadcast_in_dim3A] : memref<256x128xf32, #tpu.memory_space<vmem>>[vector<16xi32>, vector<16xi32>], vector<16xf32>,
      %add3A_212 = arith.constant 16 : i32
      %add3A_213 = vector.broadcast %add3A_212 : i32 to vector<16xi32>
      %add3A_214 = arith.addi %add3A_213, %iota3A : vector<16xi32>
      tpu.vector_store_idx %arg6[%add3A_214, %broadcast_in_dim3A_201], %gather3A_211 : memref<64x128xf32, #tpu.memory_space<vmem>>[vector<16xi32>, vector<16xi32>], vector<16xf32>,
      %add3A_215 = arith.constant 32 : i32
      %add3A_216 = vector.broadcast %add3A_215 : i32 to vector<16xi32>
      %add3A_217 = arith.addi %add3A_216, %iota3A : vector<16xi32>
      %gather3A_218 = tpu.vector_load_idx %arg7[%add3A_217, %broadcast_in_dim3A] : memref<256x128xf32, #tpu.memory_space<vmem>>[vector<16xi32>, vector<16xi32>], vector<16xf32>,
      %add3A_219 = arith.constant 32 : i32
      %add3A_220 = vector.broadcast %add3A_219 : i32 to vector<16xi32>
      %add3A_221 = arith.addi %add3A_220, %iota3A : vector<16xi32>
      tpu.vector_store_idx %arg6[%add3A_221, %broadcast_in_dim3A_201], %gather3A_218 : memref<64x128xf32, #tpu.memory_space<vmem>>[vector<16xi32>, vector<16xi32>], vector<16xf32>,
      %add3A_222 = arith.constant 48 : i32
      %add3A_223 = vector.broadcast %add3A_222 : i32 to vector<16xi32>
      %add3A_224 = arith.addi %add3A_223, %iota3A : vector<16xi32>
      %gather3A_225 = tpu.vector_load_idx %arg7[%add3A_224, %broadcast_in_dim3A] : memref<256x128xf32, #tpu.memory_space<vmem>>[vector<16xi32>, vector<16xi32>], vector<16xf32>,
      %add3A_226 = arith.constant 48 : i32
      %add3A_227 = vector.broadcast %add3A_226 : i32 to vector<16xi32>
      %add3A_228 = arith.addi %add3A_227, %iota3A : vector<16xi32>
      tpu.vector_store_idx %arg6[%add3A_228, %broadcast_in_dim3A_201], %gather3A_225 : memref<64x128xf32, #tpu.memory_space<vmem>>[vector<16xi32>, vector<16xi32>], vector<16xf32>,
      %slice3A_229 = vector.extract_strided_slice %get3A_15 {offsets = [4], sizes = [1], strides = [1]} : vector<16xi32> to vector<1xi32>
      %squeeze3A_230 = vector.extract %slice3A_229[0] : i32 from vector<1xi32>
      %jit3A_231 = arith.constant 128 : i32
      %div3A_232 = arith.divsi %squeeze3A_230, %jit3A_231 : i32
      %sign3A_233 = arith.constant 0 : i32
      %sign3A_234 = arith.cmpi sgt, %squeeze3A_230, %sign3A_233 : i32
      %sign3A_235 = arith.extui %sign3A_234 : i1 to i32
      %sign3A_236 = arith.constant 0 : i32
      %sign3A_237 = arith.cmpi slt, %squeeze3A_230, %sign3A_236 : i32
      %sign3A_238 = arith.extui %sign3A_237 : i1 to i32
      %sign3A_239 = arith.subi %sign3A_235, %sign3A_238 : i32
      %sign3A_240 = arith.constant 0 : i32
      %sign3A_241 = arith.cmpi sgt, %jit3A_231, %sign3A_240 : i32
      %sign3A_242 = arith.extui %sign3A_241 : i1 to i32
      %sign3A_243 = arith.constant 0 : i32
      %sign3A_244 = arith.cmpi slt, %jit3A_231, %sign3A_243 : i32
      %sign3A_245 = arith.extui %sign3A_244 : i1 to i32
      %sign3A_246 = arith.subi %sign3A_242, %sign3A_245 : i32
      %ne3A_247 = arith.cmpi ne, %sign3A_239, %sign3A_246 : i32
      %rem3A_248 = arith.remsi %squeeze3A_230, %jit3A_231 : i32
      %ne3A_249 = arith.constant 0 : i32
      %ne3A_250 = arith.cmpi ne, %rem3A_248, %ne3A_249 : i32
      %and3A_251 = arith.andi %ne3A_247, %ne3A_250 : i1
      %sub3A_252 = arith.constant 1 : i32
      %sub3A_253 = arith.subi %div3A_232, %sub3A_252 : i32
      %select_n3A_254 = arith.select %and3A_251, %sub3A_253, %div3A_232 : i32
      %mul3A_255 = arith.constant 128 : i32
      %mul3A_256 = arith.muli %select_n3A_254, %mul3A_255 : i32
      %dma_start3A_257 = arith.constant 0 : i32
      %dma_start3A_258 = arith.constant 0 : i32
      %dma_start3A_259 = tpu.memref_slice %arg7[%dma_start3A_257, %dma_start3A_258] : memref<256x128xf32, #tpu.memory_space<vmem>> -> memref<64x128xf32, #tpu.memory_space<vmem>>
      %dma_start3A_260 = arith.constant 0 : i32
      %dma_start3A_261 = tpu.memref_slice %arg3[%dma_start3A_260, %mul3A_256] : memref<64x1000000xf32, #tpu.memory_space<hbm>> -> memref<64x128xf32, #tpu.memory_space<hbm>>
      %dma_start3A_262 = arith.constant 0 : i32
      %dma_start3A_263 = arith.constant 0 : i32
      %dma_start3A_264 = tpu.memref_slice %arg7[%dma_start3A_262, %dma_start3A_263] : memref<256x128xf32, #tpu.memory_space<vmem>> -> memref<64x128xf32, #tpu.memory_space<vmem>>
      %dma_start3A_265 = arith.constant 0 : i32
      %dma_start3A_266 = tpu.memref_slice %arg3[%dma_start3A_265, %mul3A_256] : memref<64x1000000xf32, #tpu.memory_space<hbm>> -> memref<64x128xf32, #tpu.memory_space<hbm>>
      tpu.enqueue_dma source(%dma_start3A_266 : memref<64x128xf32, #tpu.memory_space<hbm>>) target(%dma_start3A_264 : memref<64x128xf32, #tpu.memory_space<vmem>>) target_semaphore(%arg8 : memref<!tpu.dma_semaphore, #tpu.memory_space<semaphore_mem>>)
      %dma_wait3A_267 = arith.constant 0 : i32
      %dma_wait3A_268 = arith.constant 0 : i32
      %dma_wait3A_269 = tpu.memref_slice %arg7[%dma_wait3A_267, %dma_wait3A_268] : memref<256x128xf32, #tpu.memory_space<vmem>> -> memref<64x128xf32, #tpu.memory_space<vmem>>
      %dma_wait3A_270 = arith.constant 0 : i32
      %dma_wait3A_271 = arith.constant 0 : i32
      %dma_wait3A_272 = tpu.memref_slice %arg3[%dma_wait3A_270, %dma_wait3A_271] : memref<64x1000000xf32, #tpu.memory_space<hbm>> -> memref<64x128xf32, #tpu.memory_space<hbm>>
      %dma_wait3A_273 = arith.constant 0 : i32
      %dma_wait3A_274 = arith.constant 0 : i32
      %dma_wait3A_275 = tpu.memref_slice %arg7[%dma_wait3A_273, %dma_wait3A_274] : memref<256x128xf32, #tpu.memory_space<vmem>> -> memref<64x128xf32, #tpu.memory_space<vmem>>
      %dma_wait3A_276 = arith.constant 0 : i32
      %dma_wait3A_277 = arith.constant 0 : i32
      %dma_wait3A_278 = tpu.memref_slice %arg3[%dma_wait3A_276, %dma_wait3A_277] : memref<64x1000000xf32, #tpu.memory_space<hbm>> -> memref<64x128xf32, #tpu.memory_space<hbm>>
      tpu.wait_dma2 semaphore(%arg8 : memref<!tpu.dma_semaphore, #tpu.memory_space<semaphore_mem>>) src(%dma_wait3A_278 : memref<64x128xf32, #tpu.memory_space<hbm>>) dst(%dma_wait3A_275 : memref<64x128xf32, #tpu.memory_space<vmem>>)
      %slice3A_279 = vector.extract_strided_slice %get3A_15 {offsets = [1], sizes = [1], strides = [1]} : vector<16xi32> to vector<1xi32>
      %squeeze3A_280 = vector.extract %slice3A_279[0] : i32 from vector<1xi32>
      %jit3A_281 = arith.constant 128 : i32
      %div3A_282 = arith.divsi %squeeze3A_280, %jit3A_281 : i32
      %sign3A_283 = arith.constant 0 : i32
      %sign3A_284 = arith.cmpi sgt, %squeeze3A_280, %sign3A_283 : i32
      %sign3A_285 = arith.extui %sign3A_284 : i1 to i32
      %sign3A_286 = arith.constant 0 : i32
      %sign3A_287 = arith.cmpi slt, %squeeze3A_280, %sign3A_286 : i32
      %sign3A_288 = arith.extui %sign3A_287 : i1 to i32
      %sign3A_289 = arith.subi %sign3A_285, %sign3A_288 : i32
      %sign3A_290 = arith.constant 0 : i32
      %sign3A_291 = arith.cmpi sgt, %jit3A_281, %sign3A_290 : i32
      %sign3A_292 = arith.extui %sign3A_291 : i1 to i32
      %sign3A_293 = arith.constant 0 : i32
      %sign3A_294 = arith.cmpi slt, %jit3A_281, %sign3A_293 : i32
      %sign3A_295 = arith.extui %sign3A_294 : i1 to i32
      %sign3A_296 = arith.subi %sign3A_292, %sign3A_295 : i32
      %ne3A_297 = arith.cmpi ne, %sign3A_289, %sign3A_296 : i32
      %rem3A_298 = arith.remsi %squeeze3A_280, %jit3A_281 : i32
      %ne3A_299 = arith.constant 0 : i32
      %ne3A_300 = arith.cmpi ne, %rem3A_298, %ne3A_299 : i32
      %and3A_301 = arith.andi %ne3A_297, %ne3A_300 : i1
      %sub3A_302 = arith.constant 1 : i32
      %sub3A_303 = arith.subi %div3A_282, %sub3A_302 : i32
      %select_n3A_304 = arith.select %and3A_301, %sub3A_303, %div3A_282 : i32
      %mul3A_305 = arith.constant 128 : i32
      %mul3A_306 = arith.muli %select_n3A_304, %mul3A_305 : i32
      %sub3A_307 = arith.subi %squeeze3A_280, %mul3A_306 : i32
      %broadcast_in_dim3A_308 = vector.broadcast %sub3A_307 : i32 to vector<16xi32>
      %mul3A_309 = arith.constant 16 : i32
      %mul3A_310 = arith.muli %scan3A_11, %mul3A_309 : i32
      %add3A_311 = arith.constant 1 : i32
      %add3A_312 = arith.addi %mul3A_310, %add3A_311 : i32
      %broadcast_in_dim3A_313 = vector.broadcast %add3A_312 : i32 to vector<16xi32>
      %add3A_314 = arith.constant 64 : i32
      %add3A_315 = vector.broadcast %add3A_314 : i32 to vector<16xi32>
      %add3A_316 = arith.addi %add3A_315, %iota3A : vector<16xi32>
      %gather3A_317 = tpu.vector_load_idx %arg7[%add3A_316, %broadcast_in_dim3A_308] : memref<256x128xf32, #tpu.memory_space<vmem>>[vector<16xi32>, vector<16xi32>], vector<16xf32>,
      %add3A_318 = arith.constant 0 : i32
      %add3A_319 = vector.broadcast %add3A_318 : i32 to vector<16xi32>
      %add3A_320 = arith.addi %add3A_319, %iota3A : vector<16xi32>
      tpu.vector_store_idx %arg6[%add3A_320, %broadcast_in_dim3A_313], %gather3A_317 : memref<64x128xf32, #tpu.memory_space<vmem>>[vector<16xi32>, vector<16xi32>], vector<16xf32>,
      %add3A_321 = arith.constant 80 : i32
      %add3A_322 = vector.broadcast %add3A_321 : i32 to vector<16xi32>
      %add3A_323 = arith.addi %add3A_322, %iota3A : vector<16xi32>
      %gather3A_324 = tpu.vector_load_idx %arg7[%add3A_323, %broadcast_in_dim3A_308] : memref<256x128xf32, #tpu.memory_space<vmem>>[vector<16xi32>, vector<16xi32>], vector<16xf32>,
      %add3A_325 = arith.constant 16 : i32
      %add3A_326 = vector.broadcast %add3A_325 : i32 to vector<16xi32>
      %add3A_327 = arith.addi %add3A_326, %iota3A : vector<16xi32>
      tpu.vector_store_idx %arg6[%add3A_327, %broadcast_in_dim3A_313], %gather3A_324 : memref<64x128xf32, #tpu.memory_space<vmem>>[vector<16xi32>, vector<16xi32>], vector<16xf32>,
      %add3A_328 = arith.constant 96 : i32
      %add3A_329 = vector.broadcast %add3A_328 : i32 to vector<16xi32>
      %add3A_330 = arith.addi %add3A_329, %iota3A : vector<16xi32>
      %gather3A_331 = tpu.vector_load_idx %arg7[%add3A_330, %broadcast_in_dim3A_308] : memref<256x128xf32, #tpu.memory_space<vmem>>[vector<16xi32>, vector<16xi32>], vector<16xf32>,
      %add3A_332 = arith.constant 32 : i32
      %add3A_333 = vector.broadcast %add3A_332 : i32 to vector<16xi32>
      %add3A_334 = arith.addi %add3A_333, %iota3A : vector<16xi32>
      tpu.vector_store_idx %arg6[%add3A_334, %broadcast_in_dim3A_313], %gather3A_331 : memref<64x128xf32, #tpu.memory_space<vmem>>[vector<16xi32>, vector<16xi32>], vector<16xf32>,
      %add3A_335 = arith.constant 112 : i32
      %add3A_336 = vector.broadcast %add3A_335 : i32 to vector<16xi32>
      %add3A_337 = arith.addi %add3A_336, %iota3A : vector<16xi32>
      %gather3A_338 = tpu.vector_load_idx %arg7[%add3A_337, %broadcast_in_dim3A_308] : memref<256x128xf32, #tpu.memory_space<vmem>>[vector<16xi32>, vector<16xi32>], vector<16xf32>,
      %add3A_339 = arith.constant 48 : i32
      %add3A_340 = vector.broadcast %add3A_339 : i32 to vector<16xi32>
      %add3A_341 = arith.addi %add3A_340, %iota3A : vector<16xi32>
      tpu.vector_store_idx %arg6[%add3A_341, %broadcast_in_dim3A_313], %gather3A_338 : memref<64x128xf32, #tpu.memory_space<vmem>>[vector<16xi32>, vector<16xi32>], vector<16xf32>,
      %slice3A_342 = vector.extract_strided_slice %get3A_15 {offsets = [5], sizes = [1], strides = [1]} : vector<16xi32> to vector<1xi32>
      %squeeze3A_343 = vector.extract %slice3A_342[0] : i32 from vector<1xi32>
      %jit3A_344 = arith.constant 128 : i32
      %div3A_345 = arith.divsi %squeeze3A_343, %jit3A_344 : i32
      %sign3A_346 = arith.constant 0 : i32
      %sign3A_347 = arith.cmpi sgt, %squeeze3A_343, %sign3A_346 : i32
      %sign3A_348 = arith.extui %sign3A_347 : i1 to i32
      %sign3A_349 = arith.constant 0 : i32
      %sign3A_350 = arith.cmpi slt, %squeeze3A_343, %sign3A_349 : i32
      %sign3A_351 = arith.extui %sign3A_350 : i1 to i32
      %sign3A_352 = arith.subi %sign3A_348, %sign3A_351 : i32
      %sign3A_353 = arith.constant 0 : i32
      %sign3A_354 = arith.cmpi sgt, %jit3A_344, %sign3A_353 : i32
      %sign3A_355 = arith.extui %sign3A_354 : i1 to i32
      %sign3A_356 = arith.constant 0 : i32
      %sign3A_357 = arith.cmpi slt, %jit3A_344, %sign3A_356 : i32
      %sign3A_358 = arith.extui %sign3A_357 : i1 to i32
      %sign3A_359 = arith.subi %sign3A_355, %sign3A_358 : i32
      %ne3A_360 = arith.cmpi ne, %sign3A_352, %sign3A_359 : i32
      %rem3A_361 = arith.remsi %squeeze3A_343, %jit3A_344 : i32
      %ne3A_362 = arith.constant 0 : i32
      %ne3A_363 = arith.cmpi ne, %rem3A_361, %ne3A_362 : i32
      %and3A_364 = arith.andi %ne3A_360, %ne3A_363 : i1
      %sub3A_365 = arith.constant 1 : i32
      %sub3A_366 = arith.subi %div3A_345, %sub3A_365 : i32
      %select_n3A_367 = arith.select %and3A_364, %sub3A_366, %div3A_345 : i32
      %mul3A_368 = arith.constant 128 : i32
      %mul3A_369 = arith.muli %select_n3A_367, %mul3A_368 : i32
      %dma_start3A_370 = arith.constant 64 : i32
      %dma_start3A_371 = arith.constant 0 : i32
      %dma_start3A_372 = tpu.memref_slice %arg7[%dma_start3A_370, %dma_start3A_371] : memref<256x128xf32, #tpu.memory_space<vmem>> -> memref<64x128xf32, #tpu.memory_space<vmem>>
      %dma_start3A_373 = arith.constant 0 : i32
      %dma_start3A_374 = tpu.memref_slice %arg3[%dma_start3A_373, %mul3A_369] : memref<64x1000000xf32, #tpu.memory_space<hbm>> -> memref<64x128xf32, #tpu.memory_space<hbm>>
      %dma_start3A_375 = arith.constant 64 : i32
      %dma_start3A_376 = arith.constant 0 : i32
      %dma_start3A_377 = tpu.memref_slice %arg7[%dma_start3A_375, %dma_start3A_376] : memref<256x128xf32, #tpu.memory_space<vmem>> -> memref<64x128xf32, #tpu.memory_space<vmem>>
      %dma_start3A_378 = arith.constant 0 : i32
      %dma_start3A_379 = tpu.memref_slice %arg3[%dma_start3A_378, %mul3A_369] : memref<64x1000000xf32, #tpu.memory_space<hbm>> -> memref<64x128xf32, #tpu.memory_space<hbm>>
      tpu.enqueue_dma source(%dma_start3A_379 : memref<64x128xf32, #tpu.memory_space<hbm>>) target(%dma_start3A_377 : memref<64x128xf32, #tpu.memory_space<vmem>>) target_semaphore(%arg8 : memref<!tpu.dma_semaphore, #tpu.memory_space<semaphore_mem>>)
      %dma_wait3A_380 = arith.constant 0 : i32
      %dma_wait3A_381 = arith.constant 0 : i32
      %dma_wait3A_382 = tpu.memref_slice %arg7[%dma_wait3A_380, %dma_wait3A_381] : memref<256x128xf32, #tpu.memory_space<vmem>> -> memref<64x128xf32, #tpu.memory_space<vmem>>
      %dma_wait3A_383 = arith.constant 0 : i32
      %dma_wait3A_384 = arith.constant 0 : i32
      %dma_wait3A_385 = tpu.memref_slice %arg3[%dma_wait3A_383, %dma_wait3A_384] : memref<64x1000000xf32, #tpu.memory_space<hbm>> -> memref<64x128xf32, #tpu.memory_space<hbm>>
      %dma_wait3A_386 = arith.constant 0 : i32
      %dma_wait3A_387 = arith.constant 0 : i32
      %dma_wait3A_388 = tpu.memref_slice %arg7[%dma_wait3A_386, %dma_wait3A_387] : memref<256x128xf32, #tpu.memory_space<vmem>> -> memref<64x128xf32, #tpu.memory_space<vmem>>
      %dma_wait3A_389 = arith.constant 0 : i32
      %dma_wait3A_390 = arith.constant 0 : i32
      %dma_wait3A_391 = tpu.memref_slice %arg3[%dma_wait3A_389, %dma_wait3A_390] : memref<64x1000000xf32, #tpu.memory_space<hbm>> -> memref<64x128xf32, #tpu.memory_space<hbm>>
      tpu.wait_dma2 semaphore(%arg8 : memref<!tpu.dma_semaphore, #tpu.memory_space<semaphore_mem>>) src(%dma_wait3A_391 : memref<64x128xf32, #tpu.memory_space<hbm>>) dst(%dma_wait3A_388 : memref<64x128xf32, #tpu.memory_space<vmem>>)
      %slice3A_392 = vector.extract_strided_slice %get3A_15 {offsets = [2], sizes = [1], strides = [1]} : vector<16xi32> to vector<1xi32>
      %squeeze3A_393 = vector.extract %slice3A_392[0] : i32 from vector<1xi32>
      %jit3A_394 = arith.constant 128 : i32
      %div3A_395 = arith.divsi %squeeze3A_393, %jit3A_394 : i32
      %sign3A_396 = arith.constant 0 : i32
      %sign3A_397 = arith.cmpi sgt, %squeeze3A_393, %sign3A_396 : i32
      %sign3A_398 = arith.extui %sign3A_397 : i1 to i32
      %sign3A_399 = arith.constant 0 : i32
      %sign3A_400 = arith.cmpi slt, %squeeze3A_393, %sign3A_399 : i32
      %sign3A_401 = arith.extui %sign3A_400 : i1 to i32
      %sign3A_402 = arith.subi %sign3A_398, %sign3A_401 : i32
      %sign3A_403 = arith.constant 0 : i32
      %sign3A_404 = arith.cmpi sgt, %jit3A_394, %sign3A_403 : i32
      %sign3A_405 = arith.extui %sign3A_404 : i1 to i32
      %sign3A_406 = arith.constant 0 : i32
      %sign3A_407 = arith.cmpi slt, %jit3A_394, %sign3A_406 : i32
      %sign3A_408 = arith.extui %sign3A_407 : i1 to i32
      %sign3A_409 = arith.subi %sign3A_405, %sign3A_408 : i32
      %ne3A_410 = arith.cmpi ne, %sign3A_402, %sign3A_409 : i32
      %rem3A_411 = arith.remsi %squeeze3A_393, %jit3A_394 : i32
      %ne3A_412 = arith.constant 0 : i32
      %ne3A_413 = arith.cmpi ne, %rem3A_411, %ne3A_412 : i32
      %and3A_414 = arith.andi %ne3A_410, %ne3A_413 : i1
      %sub3A_415 = arith.constant 1 : i32
      %sub3A_416 = arith.subi %div3A_395, %sub3A_415 : i32
      %select_n3A_417 = arith.select %and3A_414, %sub3A_416, %div3A_395 : i32
      %mul3A_418 = arith.constant 128 : i32
      %mul3A_419 = arith.muli %select_n3A_417, %mul3A_418 : i32
      %sub3A_420 = arith.subi %squeeze3A_393, %mul3A_419 : i32
      %broadcast_in_dim3A_421 = vector.broadcast %sub3A_420 : i32 to vector<16xi32>
      %mul3A_422 = arith.constant 16 : i32
      %mul3A_423 = arith.muli %scan3A_11, %mul3A_422 : i32
      %add3A_424 = arith.constant 2 : i32
      %add3A_425 = arith.addi %mul3A_423, %add3A_424 : i32
      %broadcast_in_dim3A_426 = vector.broadcast %add3A_425 : i32 to vector<16xi32>
      %add3A_427 = arith.constant 128 : i32
      %add3A_428 = vector.broadcast %add3A_427 : i32 to vector<16xi32>
      %add3A_429 = arith.addi %add3A_428, %iota3A : vector<16xi32>
      %gather3A_430 = tpu.vector_load_idx %arg7[%add3A_429, %broadcast_in_dim3A_421] : memref<256x128xf32, #tpu.memory_space<vmem>>[vector<16xi32>, vector<16xi32>], vector<16xf32>,
      %add3A_431 = arith.constant 0 : i32
      %add3A_432 = vector.broadcast %add3A_431 : i32 to vector<16xi32>
      %add3A_433 = arith.addi %add3A_432, %iota3A : vector<16xi32>
      tpu.vector_store_idx %arg6[%add3A_433, %broadcast_in_dim3A_426], %gather3A_430 : memref<64x128xf32, #tpu.memory_space<vmem>>[vector<16xi32>, vector<16xi32>], vector<16xf32>,
      %add3A_434 = arith.constant 144 : i32
      %add3A_435 = vector.broadcast %add3A_434 : i32 to vector<16xi32>
      %add3A_436 = arith.addi %add3A_435, %iota3A : vector<16xi32>
      %gather3A_437 = tpu.vector_load_idx %arg7[%add3A_436, %broadcast_in_dim3A_421] : memref<256x128xf32, #tpu.memory_space<vmem>>[vector<16xi32>, vector<16xi32>], vector<16xf32>,
      %add3A_438 = arith.constant 16 : i32
      %add3A_439 = vector.broadcast %add3A_438 : i32 to vector<16xi32>
      %add3A_440 = arith.addi %add3A_439, %iota3A : vector<16xi32>
      tpu.vector_store_idx %arg6[%add3A_440, %broadcast_in_dim3A_426], %gather3A_437 : memref<64x128xf32, #tpu.memory_space<vmem>>[vector<16xi32>, vector<16xi32>], vector<16xf32>,
      %add3A_441 = arith.constant 160 : i32
      %add3A_442 = vector.broadcast %add3A_441 : i32 to vector<16xi32>
      %add3A_443 = arith.addi %add3A_442, %iota3A : vector<16xi32>
      %gather3A_444 = tpu.vector_load_idx %arg7[%add3A_443, %broadcast_in_dim3A_421] : memref<256x128xf32, #tpu.memory_space<vmem>>[vector<16xi32>, vector<16xi32>], vector<16xf32>,
      %add3A_445 = arith.constant 32 : i32
      %add3A_446 = vector.broadcast %add3A_445 : i32 to vector<16xi32>
      %add3A_447 = arith.addi %add3A_446, %iota3A : vector<16xi32>
      tpu.vector_store_idx %arg6[%add3A_447, %broadcast_in_dim3A_426], %gather3A_444 : memref<64x128xf32, #tpu.memory_space<vmem>>[vector<16xi32>, vector<16xi32>], vector<16xf32>,
      %add3A_448 = arith.constant 176 : i32
      %add3A_449 = vector.broadcast %add3A_448 : i32 to vector<16xi32>
      %add3A_450 = arith.addi %add3A_449, %iota3A : vector<16xi32>
      %gather3A_451 = tpu.vector_load_idx %arg7[%add3A_450, %broadcast_in_dim3A_421] : memref<256x128xf32, #tpu.memory_space<vmem>>[vector<16xi32>, vector<16xi32>], vector<16xf32>,
      %add3A_452 = arith.constant 48 : i32
      %add3A_453 = vector.broadcast %add3A_452 : i32 to vector<16xi32>
      %add3A_454 = arith.addi %add3A_453, %iota3A : vector<16xi32>
      tpu.vector_store_idx %arg6[%add3A_454, %broadcast_in_dim3A_426], %gather3A_451 : memref<64x128xf32, #tpu.memory_space<vmem>>[vector<16xi32>, vector<16xi32>], vector<16xf32>,
      %slice3A_455 = vector.extract_strided_slice %get3A_15 {offsets = [6], sizes = [1], strides = [1]} : vector<16xi32> to vector<1xi32>
      %squeeze3A_456 = vector.extract %slice3A_455[0] : i32 from vector<1xi32>
      %jit3A_457 = arith.constant 128 : i32
      %div3A_458 = arith.divsi %squeeze3A_456, %jit3A_457 : i32
      %sign3A_459 = arith.constant 0 : i32
      %sign3A_460 = arith.cmpi sgt, %squeeze3A_456, %sign3A_459 : i32
      %sign3A_461 = arith.extui %sign3A_460 : i1 to i32
      %sign3A_462 = arith.constant 0 : i32
      %sign3A_463 = arith.cmpi slt, %squeeze3A_456, %sign3A_462 : i32
      %sign3A_464 = arith.extui %sign3A_463 : i1 to i32
      %sign3A_465 = arith.subi %sign3A_461, %sign3A_464 : i32
      %sign3A_466 = arith.constant 0 : i32
      %sign3A_467 = arith.cmpi sgt, %jit3A_457, %sign3A_466 : i32
      %sign3A_468 = arith.extui %sign3A_467 : i1 to i32
      %sign3A_469 = arith.constant 0 : i32
      %sign3A_470 = arith.cmpi slt, %jit3A_457, %sign3A_469 : i32
      %sign3A_471 = arith.extui %sign3A_470 : i1 to i32
      %sign3A_472 = arith.subi %sign3A_468, %sign3A_471 : i32
      %ne3A_473 = arith.cmpi ne, %sign3A_465, %sign3A_472 : i32
      %rem3A_474 = arith.remsi %squeeze3A_456, %jit3A_457 : i32
      %ne3A_475 = arith.constant 0 : i32
      %ne3A_476 = arith.cmpi ne, %rem3A_474, %ne3A_475 : i32
      %and3A_477 = arith.andi %ne3A_473, %ne3A_476 : i1
      %sub3A_478 = arith.constant 1 : i32
      %sub3A_479 = arith.subi %div3A_458, %sub3A_478 : i32
      %select_n3A_480 = arith.select %and3A_477, %sub3A_479, %div3A_458 : i32
      %mul3A_481 = arith.constant 128 : i32
      %mul3A_482 = arith.muli %select_n3A_480, %mul3A_481 : i32
      %dma_start3A_483 = arith.constant 128 : i32
      %dma_start3A_484 = arith.constant 0 : i32
      %dma_start3A_485 = tpu.memref_slice %arg7[%dma_start3A_483, %dma_start3A_484] : memref<256x128xf32, #tpu.memory_space<vmem>> -> memref<64x128xf32, #tpu.memory_space<vmem>>
      %dma_start3A_486 = arith.constant 0 : i32
      %dma_start3A_487 = tpu.memref_slice %arg3[%dma_start3A_486, %mul3A_482] : memref<64x1000000xf32, #tpu.memory_space<hbm>> -> memref<64x128xf32, #tpu.memory_space<hbm>>
      %dma_start3A_488 = arith.constant 128 : i32
      %dma_start3A_489 = arith.constant 0 : i32
      %dma_start3A_490 = tpu.memref_slice %arg7[%dma_start3A_488, %dma_start3A_489] : memref<256x128xf32, #tpu.memory_space<vmem>> -> memref<64x128xf32, #tpu.memory_space<vmem>>
      %dma_start3A_491 = arith.constant 0 : i32
      %dma_start3A_492 = tpu.memref_slice %arg3[%dma_start3A_491, %mul3A_482] : memref<64x1000000xf32, #tpu.memory_space<hbm>> -> memref<64x128xf32, #tpu.memory_space<hbm>>
      tpu.enqueue_dma source(%dma_start3A_492 : memref<64x128xf32, #tpu.memory_space<hbm>>) target(%dma_start3A_490 : memref<64x128xf32, #tpu.memory_space<vmem>>) target_semaphore(%arg8 : memref<!tpu.dma_semaphore, #tpu.memory_space<semaphore_mem>>)
      %dma_wait3A_493 = arith.constant 0 : i32
      %dma_wait3A_494 = arith.constant 0 : i32
      %dma_wait3A_495 = tpu.memref_slice %arg7[%dma_wait3A_493, %dma_wait3A_494] : memref<256x128xf32, #tpu.memory_space<vmem>> -> memref<64x128xf32, #tpu.memory_space<vmem>>
      %dma_wait3A_496 = arith.constant 0 : i32
      %dma_wait3A_497 = arith.constant 0 : i32
      %dma_wait3A_498 = tpu.memref_slice %arg3[%dma_wait3A_496, %dma_wait3A_497] : memref<64x1000000xf32, #tpu.memory_space<hbm>> -> memref<64x128xf32, #tpu.memory_space<hbm>>
      %dma_wait3A_499 = arith.constant 0 : i32
      %dma_wait3A_500 = arith.constant 0 : i32
      %dma_wait3A_501 = tpu.memref_slice %arg7[%dma_wait3A_499, %dma_wait3A_500] : memref<256x128xf32, #tpu.memory_space<vmem>> -> memref<64x128xf32, #tpu.memory_space<vmem>>
      %dma_wait3A_502 = arith.constant 0 : i32
      %dma_wait3A_503 = arith.constant 0 : i32
      %dma_wait3A_504 = tpu.memref_slice %arg3[%dma_wait3A_502, %dma_wait3A_503] : memref<64x1000000xf32, #tpu.memory_space<hbm>> -> memref<64x128xf32, #tpu.memory_space<hbm>>
      tpu.wait_dma2 semaphore(%arg8 : memref<!tpu.dma_semaphore, #tpu.memory_space<semaphore_mem>>) src(%dma_wait3A_504 : memref<64x128xf32, #tpu.memory_space<hbm>>) dst(%dma_wait3A_501 : memref<64x128xf32, #tpu.memory_space<vmem>>)
      %slice3A_505 = vector.extract_strided_slice %get3A_15 {offsets = [3], sizes = [1], strides = [1]} : vector<16xi32> to vector<1xi32>
      %squeeze3A_506 = vector.extract %slice3A_505[0] : i32 from vector<1xi32>
      %jit3A_507 = arith.constant 128 : i32
      %div3A_508 = arith.divsi %squeeze3A_506, %jit3A_507 : i32
      %sign3A_509 = arith.constant 0 : i32
      %sign3A_510 = arith.cmpi sgt, %squeeze3A_506, %sign3A_509 : i32
      %sign3A_511 = arith.extui %sign3A_510 : i1 to i32
      %sign3A_512 = arith.constant 0 : i32
      %sign3A_513 = arith.cmpi slt, %squeeze3A_506, %sign3A_512 : i32
      %sign3A_514 = arith.extui %sign3A_513 : i1 to i32
      %sign3A_515 = arith.subi %sign3A_511, %sign3A_514 : i32
      %sign3A_516 = arith.constant 0 : i32
      %sign3A_517 = arith.cmpi sgt, %jit3A_507, %sign3A_516 : i32
      %sign3A_518 = arith.extui %sign3A_517 : i1 to i32
      %sign3A_519 = arith.constant 0 : i32
      %sign3A_520 = arith.cmpi slt, %jit3A_507, %sign3A_519 : i32
      %sign3A_521 = arith.extui %sign3A_520 : i1 to i32
      %sign3A_522 = arith.subi %sign3A_518, %sign3A_521 : i32
      %ne3A_523 = arith.cmpi ne, %sign3A_515, %sign3A_522 : i32
      %rem3A_524 = arith.remsi %squeeze3A_506, %jit3A_507 : i32
      %ne3A_525 = arith.constant 0 : i32
      %ne3A_526 = arith.cmpi ne, %rem3A_524, %ne3A_525 : i32
      %and3A_527 = arith.andi %ne3A_523, %ne3A_526 : i1
      %sub3A_528 = arith.constant 1 : i32
      %sub3A_529 = arith.subi %div3A_508, %sub3A_528 : i32
      %select_n3A_530 = arith.select %and3A_527, %sub3A_529, %div3A_508 : i32
      %mul3A_531 = arith.constant 128 : i32
      %mul3A_532 = arith.muli %select_n3A_530, %mul3A_531 : i32
      %sub3A_533 = arith.subi %squeeze3A_506, %mul3A_532 : i32
      %broadcast_in_dim3A_534 = vector.broadcast %sub3A_533 : i32 to vector<16xi32>
      %mul3A_535 = arith.constant 16 : i32
      %mul3A_536 = arith.muli %scan3A_11, %mul3A_535 : i32
      %add3A_537 = arith.constant 3 : i32
      %add3A_538 = arith.addi %mul3A_536, %add3A_537 : i32
      %broadcast_in_dim3A_539 = vector.broadcast %add3A_538 : i32 to vector<16xi32>
      %add3A_540 = arith.constant 192 : i32
      %add3A_541 = vector.broadcast %add3A_540 : i32 to vector<16xi32>
      %add3A_542 = arith.addi %add3A_541, %iota3A : vector<16xi32>
      %gather3A_543 = tpu.vector_load_idx %arg7[%add3A_542, %broadcast_in_dim3A_534] : memref<256x128xf32, #tpu.memory_space<vmem>>[vector<16xi32>, vector<16xi32>], vector<16xf32>,
      %add3A_544 = arith.constant 0 : i32
      %add3A_545 = vector.broadcast %add3A_544 : i32 to vector<16xi32>
      %add3A_546 = arith.addi %add3A_545, %iota3A : vector<16xi32>
      tpu.vector_store_idx %arg6[%add3A_546, %broadcast_in_dim3A_539], %gather3A_543 : memref<64x128xf32, #tpu.memory_space<vmem>>[vector<16xi32>, vector<16xi32>], vector<16xf32>,
      %add3A_547 = arith.constant 208 : i32
      %add3A_548 = vector.broadcast %add3A_547 : i32 to vector<16xi32>
      %add3A_549 = arith.addi %add3A_548, %iota3A : vector<16xi32>
      %gather3A_550 = tpu.vector_load_idx %arg7[%add3A_549, %broadcast_in_dim3A_534] : memref<256x128xf32, #tpu.memory_space<vmem>>[vector<16xi32>, vector<16xi32>], vector<16xf32>,
      %add3A_551 = arith.constant 16 : i32
      %add3A_552 = vector.broadcast %add3A_551 : i32 to vector<16xi32>
      %add3A_553 = arith.addi %add3A_552, %iota3A : vector<16xi32>
      tpu.vector_store_idx %arg6[%add3A_553, %broadcast_in_dim3A_539], %gather3A_550 : memref<64x128xf32, #tpu.memory_space<vmem>>[vector<16xi32>, vector<16xi32>], vector<16xf32>,
      %add3A_554 = arith.constant 224 : i32
      %add3A_555 = vector.broadcast %add3A_554 : i32 to vector<16xi32>
      %add3A_556 = arith.addi %add3A_555, %iota3A : vector<16xi32>
      %gather3A_557 = tpu.vector_load_idx %arg7[%add3A_556, %broadcast_in_dim3A_534] : memref<256x128xf32, #tpu.memory_space<vmem>>[vector<16xi32>, vector<16xi32>], vector<16xf32>,
      %add3A_558 = arith.constant 32 : i32
      %add3A_559 = vector.broadcast %add3A_558 : i32 to vector<16xi32>
      %add3A_560 = arith.addi %add3A_559, %iota3A : vector<16xi32>
      tpu.vector_store_idx %arg6[%add3A_560, %broadcast_in_dim3A_539], %gather3A_557 : memref<64x128xf32, #tpu.memory_space<vmem>>[vector<16xi32>, vector<16xi32>], vector<16xf32>,
      %add3A_561 = arith.constant 240 : i32
      %add3A_562 = vector.broadcast %add3A_561 : i32 to vector<16xi32>
      %add3A_563 = arith.addi %add3A_562, %iota3A : vector<16xi32>
      %gather3A_564 = tpu.vector_load_idx %arg7[%add3A_563, %broadcast_in_dim3A_534] : memref<256x128xf32, #tpu.memory_space<vmem>>[vector<16xi32>, vector<16xi32>], vector<16xf32>,
      %add3A_565 = arith.constant 48 : i32
      %add3A_566 = vector.broadcast %add3A_565 : i32 to vector<16xi32>
      %add3A_567 = arith.addi %add3A_566, %iota3A : vector<16xi32>
      tpu.vector_store_idx %arg6[%add3A_567, %broadcast_in_dim3A_539], %gather3A_564 : memref<64x128xf32, #tpu.memory_space<vmem>>[vector<16xi32>, vector<16xi32>], vector<16xf32>,
      %slice3A_568 = vector.extract_strided_slice %get3A_15 {offsets = [7], sizes = [1], strides = [1]} : vector<16xi32> to vector<1xi32>
      %squeeze3A_569 = vector.extract %slice3A_568[0] : i32 from vector<1xi32>
      %jit3A_570 = arith.constant 128 : i32
      %div3A_571 = arith.divsi %squeeze3A_569, %jit3A_570 : i32
      %sign3A_572 = arith.constant 0 : i32
      %sign3A_573 = arith.cmpi sgt, %squeeze3A_569, %sign3A_572 : i32
      %sign3A_574 = arith.extui %sign3A_573 : i1 to i32
      %sign3A_575 = arith.constant 0 : i32
      %sign3A_576 = arith.cmpi slt, %squeeze3A_569, %sign3A_575 : i32
      %sign3A_577 = arith.extui %sign3A_576 : i1 to i32
      %sign3A_578 = arith.subi %sign3A_574, %sign3A_577 : i32
      %sign3A_579 = arith.constant 0 : i32
      %sign3A_580 = arith.cmpi sgt, %jit3A_570, %sign3A_579 : i32
      %sign3A_581 = arith.extui %sign3A_580 : i1 to i32
      %sign3A_582 = arith.constant 0 : i32
      %sign3A_583 = arith.cmpi slt, %jit3A_570, %sign3A_582 : i32
      %sign3A_584 = arith.extui %sign3A_583 : i1 to i32
      %sign3A_585 = arith.subi %sign3A_581, %sign3A_584 : i32
      %ne3A_586 = arith.cmpi ne, %sign3A_578, %sign3A_585 : i32
      %rem3A_587 = arith.remsi %squeeze3A_569, %jit3A_570 : i32
      %ne3A_588 = arith.constant 0 : i32
      %ne3A_589 = arith.cmpi ne, %rem3A_587, %ne3A_588 : i32
      %and3A_590 = arith.andi %ne3A_586, %ne3A_589 : i1
      %sub3A_591 = arith.constant 1 : i32
      %sub3A_592 = arith.subi %div3A_571, %sub3A_591 : i32
      %select_n3A_593 = arith.select %and3A_590, %sub3A_592, %div3A_571 : i32
      %mul3A_594 = arith.constant 128 : i32
      %mul3A_595 = arith.muli %select_n3A_593, %mul3A_594 : i32
      %dma_start3A_596 = arith.constant 192 : i32
      %dma_start3A_597 = arith.constant 0 : i32
      %dma_start3A_598 = tpu.memref_slice %arg7[%dma_start3A_596, %dma_start3A_597] : memref<256x128xf32, #tpu.memory_space<vmem>> -> memref<64x128xf32, #tpu.memory_space<vmem>>
      %dma_start3A_599 = arith.constant 0 : i32
      %dma_start3A_600 = tpu.memref_slice %arg3[%dma_start3A_599, %mul3A_595] : memref<64x1000000xf32, #tpu.memory_space<hbm>> -> memref<64x128xf32, #tpu.memory_space<hbm>>
      %dma_start3A_601 = arith.constant 192 : i32
      %dma_start3A_602 = arith.constant 0 : i32
      %dma_start3A_603 = tpu.memref_slice %arg7[%dma_start3A_601, %dma_start3A_602] : memref<256x128xf32, #tpu.memory_space<vmem>> -> memref<64x128xf32, #tpu.memory_space<vmem>>
      %dma_start3A_604 = arith.constant 0 : i32
      %dma_start3A_605 = tpu.memref_slice %arg3[%dma_start3A_604, %mul3A_595] : memref<64x1000000xf32, #tpu.memory_space<hbm>> -> memref<64x128xf32, #tpu.memory_space<hbm>>
      tpu.enqueue_dma source(%dma_start3A_605 : memref<64x128xf32, #tpu.memory_space<hbm>>) target(%dma_start3A_603 : memref<64x128xf32, #tpu.memory_space<vmem>>) target_semaphore(%arg8 : memref<!tpu.dma_semaphore, #tpu.memory_space<semaphore_mem>>)
      %dma_wait3A_606 = arith.constant 0 : i32
      %dma_wait3A_607 = arith.constant 0 : i32
      %dma_wait3A_608 = tpu.memref_slice %arg7[%dma_wait3A_606, %dma_wait3A_607] : memref<256x128xf32, #tpu.memory_space<vmem>> -> memref<64x128xf32, #tpu.memory_space<vmem>>
      %dma_wait3A_609 = arith.constant 0 : i32
      %dma_wait3A_610 = arith.constant 0 : i32
      %dma_wait3A_611 = tpu.memref_slice %arg3[%dma_wait3A_609, %dma_wait3A_610] : memref<64x1000000xf32, #tpu.memory_space<hbm>> -> memref<64x128xf32, #tpu.memory_space<hbm>>
      %dma_wait3A_612 = arith.constant 0 : i32
      %dma_wait3A_613 = arith.constant 0 : i32
      %dma_wait3A_614 = tpu.memref_slice %arg7[%dma_wait3A_612, %dma_wait3A_613] : memref<256x128xf32, #tpu.memory_space<vmem>> -> memref<64x128xf32, #tpu.memory_space<vmem>>
      %dma_wait3A_615 = arith.constant 0 : i32
      %dma_wait3A_616 = arith.constant 0 : i32
      %dma_wait3A_617 = tpu.memref_slice %arg3[%dma_wait3A_615, %dma_wait3A_616] : memref<64x1000000xf32, #tpu.memory_space<hbm>> -> memref<64x128xf32, #tpu.memory_space<hbm>>
      tpu.wait_dma2 semaphore(%arg8 : memref<!tpu.dma_semaphore, #tpu.memory_space<semaphore_mem>>) src(%dma_wait3A_617 : memref<64x128xf32, #tpu.memory_space<hbm>>) dst(%dma_wait3A_614 : memref<64x128xf32, #tpu.memory_space<vmem>>)
      %slice3A_618 = vector.extract_strided_slice %get3A_15 {offsets = [4], sizes = [1], strides = [1]} : vector<16xi32> to vector<1xi32>
      %squeeze3A_619 = vector.extract %slice3A_618[0] : i32 from vector<1xi32>
      %jit3A_620 = arith.constant 128 : i32
      %div3A_621 = arith.divsi %squeeze3A_619, %jit3A_620 : i32
      %sign3A_622 = arith.constant 0 : i32
      %sign3A_623 = arith.cmpi sgt, %squeeze3A_619, %sign3A_622 : i32
      %sign3A_624 = arith.extui %sign3A_623 : i1 to i32
      %sign3A_625 = arith.constant 0 : i32
      %sign3A_626 = arith.cmpi slt, %squeeze3A_619, %sign3A_625 : i32
      %sign3A_627 = arith.extui %sign3A_626 : i1 to i32
      %sign3A_628 = arith.subi %sign3A_624, %sign3A_627 : i32
      %sign3A_629 = arith.constant 0 : i32
      %sign3A_630 = arith.cmpi sgt, %jit3A_620, %sign3A_629 : i32
      %sign3A_631 = arith.extui %sign3A_630 : i1 to i32
      %sign3A_632 = arith.constant 0 : i32
      %sign3A_633 = arith.cmpi slt, %jit3A_620, %sign3A_632 : i32
      %sign3A_634 = arith.extui %sign3A_633 : i1 to i32
      %sign3A_635 = arith.subi %sign3A_631, %sign3A_634 : i32
      %ne3A_636 = arith.cmpi ne, %sign3A_628, %sign3A_635 : i32
      %rem3A_637 = arith.remsi %squeeze3A_619, %jit3A_620 : i32
      %ne3A_638 = arith.constant 0 : i32
      %ne3A_639 = arith.cmpi ne, %rem3A_637, %ne3A_638 : i32
      %and3A_640 = arith.andi %ne3A_636, %ne3A_639 : i1
      %sub3A_641 = arith.constant 1 : i32
      %sub3A_642 = arith.subi %div3A_621, %sub3A_641 : i32
      %select_n3A_643 = arith.select %and3A_640, %sub3A_642, %div3A_621 : i32
      %mul3A_644 = arith.constant 128 : i32
      %mul3A_645 = arith.muli %select_n3A_643, %mul3A_644 : i32
      %sub3A_646 = arith.subi %squeeze3A_619, %mul3A_645 : i32
      %broadcast_in_dim3A_647 = vector.broadcast %sub3A_646 : i32 to vector<16xi32>
      %mul3A_648 = arith.constant 16 : i32
      %mul3A_649 = arith.muli %scan3A_11, %mul3A_648 : i32
      %add3A_650 = arith.constant 4 : i32
      %add3A_651 = arith.addi %mul3A_649, %add3A_650 : i32
      %broadcast_in_dim3A_652 = vector.broadcast %add3A_651 : i32 to vector<16xi32>
      %add3A_653 = arith.constant 0 : i32
      %add3A_654 = vector.broadcast %add3A_653 : i32 to vector<16xi32>
      %add3A_655 = arith.addi %add3A_654, %iota3A : vector<16xi32>
      %gather3A_656 = tpu.vector_load_idx %arg7[%add3A_655, %broadcast_in_dim3A_647] : memref<256x128xf32, #tpu.memory_space<vmem>>[vector<16xi32>, vector<16xi32>], vector<16xf32>,
      %add3A_657 = arith.constant 0 : i32
      %add3A_658 = vector.broadcast %add3A_657 : i32 to vector<16xi32>
      %add3A_659 = arith.addi %add3A_658, %iota3A : vector<16xi32>
      tpu.vector_store_idx %arg6[%add3A_659, %broadcast_in_dim3A_652], %gather3A_656 : memref<64x128xf32, #tpu.memory_space<vmem>>[vector<16xi32>, vector<16xi32>], vector<16xf32>,
      %add3A_660 = arith.constant 16 : i32
      %add3A_661 = vector.broadcast %add3A_660 : i32 to vector<16xi32>
      %add3A_662 = arith.addi %add3A_661, %iota3A : vector<16xi32>
      %gather3A_663 = tpu.vector_load_idx %arg7[%add3A_662, %broadcast_in_dim3A_647] : memref<256x128xf32, #tpu.memory_space<vmem>>[vector<16xi32>, vector<16xi32>], vector<16xf32>,
      %add3A_664 = arith.constant 16 : i32
      %add3A_665 = vector.broadcast %add3A_664 : i32 to vector<16xi32>
      %add3A_666 = arith.addi %add3A_665, %iota3A : vector<16xi32>
      tpu.vector_store_idx %arg6[%add3A_666, %broadcast_in_dim3A_652], %gather3A_663 : memref<64x128xf32, #tpu.memory_space<vmem>>[vector<16xi32>, vector<16xi32>], vector<16xf32>,
      %add3A_667 = arith.constant 32 : i32
      %add3A_668 = vector.broadcast %add3A_667 : i32 to vector<16xi32>
      %add3A_669 = arith.addi %add3A_668, %iota3A : vector<16xi32>
      %gather3A_670 = tpu.vector_load_idx %arg7[%add3A_669, %broadcast_in_dim3A_647] : memref<256x128xf32, #tpu.memory_space<vmem>>[vector<16xi32>, vector<16xi32>], vector<16xf32>,
      %add3A_671 = arith.constant 32 : i32
      %add3A_672 = vector.broadcast %add3A_671 : i32 to vector<16xi32>
      %add3A_673 = arith.addi %add3A_672, %iota3A : vector<16xi32>
      tpu.vector_store_idx %arg6[%add3A_673, %broadcast_in_dim3A_652], %gather3A_670 : memref<64x128xf32, #tpu.memory_space<vmem>>[vector<16xi32>, vector<16xi32>], vector<16xf32>,
      %add3A_674 = arith.constant 48 : i32
      %add3A_675 = vector.broadcast %add3A_674 : i32 to vector<16xi32>
      %add3A_676 = arith.addi %add3A_675, %iota3A : vector<16xi32>
      %gather3A_677 = tpu.vector_load_idx %arg7[%add3A_676, %broadcast_in_dim3A_647] : memref<256x128xf32, #tpu.memory_space<vmem>>[vector<16xi32>, vector<16xi32>], vector<16xf32>,
      %add3A_678 = arith.constant 48 : i32
      %add3A_679 = vector.broadcast %add3A_678 : i32 to vector<16xi32>
      %add3A_680 = arith.addi %add3A_679, %iota3A : vector<16xi32>
      tpu.vector_store_idx %arg6[%add3A_680, %broadcast_in_dim3A_652], %gather3A_677 : memref<64x128xf32, #tpu.memory_space<vmem>>[vector<16xi32>, vector<16xi32>], vector<16xf32>,
      %slice3A_681 = vector.extract_strided_slice %get3A_15 {offsets = [8], sizes = [1], strides = [1]} : vector<16xi32> to vector<1xi32>
      %squeeze3A_682 = vector.extract %slice3A_681[0] : i32 from vector<1xi32>
      %jit3A_683 = arith.constant 128 : i32
      %div3A_684 = arith.divsi %squeeze3A_682, %jit3A_683 : i32
      %sign3A_685 = arith.constant 0 : i32
      %sign3A_686 = arith.cmpi sgt, %squeeze3A_682, %sign3A_685 : i32
      %sign3A_687 = arith.extui %sign3A_686 : i1 to i32
      %sign3A_688 = arith.constant 0 : i32
      %sign3A_689 = arith.cmpi slt, %squeeze3A_682, %sign3A_688 : i32
      %sign3A_690 = arith.extui %sign3A_689 : i1 to i32
      %sign3A_691 = arith.subi %sign3A_687, %sign3A_690 : i32
      %sign3A_692 = arith.constant 0 : i32
      %sign3A_693 = arith.cmpi sgt, %jit3A_683, %sign3A_692 : i32
      %sign3A_694 = arith.extui %sign3A_693 : i1 to i32
      %sign3A_695 = arith.constant 0 : i32
      %sign3A_696 = arith.cmpi slt, %jit3A_683, %sign3A_695 : i32
      %sign3A_697 = arith.extui %sign3A_696 : i1 to i32
      %sign3A_698 = arith.subi %sign3A_694, %sign3A_697 : i32
      %ne3A_699 = arith.cmpi ne, %sign3A_691, %sign3A_698 : i32
      %rem3A_700 = arith.remsi %squeeze3A_682, %jit3A_683 : i32
      %ne3A_701 = arith.constant 0 : i32
      %ne3A_702 = arith.cmpi ne, %rem3A_700, %ne3A_701 : i32
      %and3A_703 = arith.andi %ne3A_699, %ne3A_702 : i1
      %sub3A_704 = arith.constant 1 : i32
      %sub3A_705 = arith.subi %div3A_684, %sub3A_704 : i32
      %select_n3A_706 = arith.select %and3A_703, %sub3A_705, %div3A_684 : i32
      %mul3A_707 = arith.constant 128 : i32
      %mul3A_708 = arith.muli %select_n3A_706, %mul3A_707 : i32
      %dma_start3A_709 = arith.constant 0 : i32
      %dma_start3A_710 = arith.constant 0 : i32
      %dma_start3A_711 = tpu.memref_slice %arg7[%dma_start3A_709, %dma_start3A_710] : memref<256x128xf32, #tpu.memory_space<vmem>> -> memref<64x128xf32, #tpu.memory_space<vmem>>
      %dma_start3A_712 = arith.constant 0 : i32
      %dma_start3A_713 = tpu.memref_slice %arg3[%dma_start3A_712, %mul3A_708] : memref<64x1000000xf32, #tpu.memory_space<hbm>> -> memref<64x128xf32, #tpu.memory_space<hbm>>
      %dma_start3A_714 = arith.constant 0 : i32
      %dma_start3A_715 = arith.constant 0 : i32
      %dma_start3A_716 = tpu.memref_slice %arg7[%dma_start3A_714, %dma_start3A_715] : memref<256x128xf32, #tpu.memory_space<vmem>> -> memref<64x128xf32, #tpu.memory_space<vmem>>
      %dma_start3A_717 = arith.constant 0 : i32
      %dma_start3A_718 = tpu.memref_slice %arg3[%dma_start3A_717, %mul3A_708] : memref<64x1000000xf32, #tpu.memory_space<hbm>> -> memref<64x128xf32, #tpu.memory_space<hbm>>
      tpu.enqueue_dma source(%dma_start3A_718 : memref<64x128xf32, #tpu.memory_space<hbm>>) target(%dma_start3A_716 : memref<64x128xf32, #tpu.memory_space<vmem>>) target_semaphore(%arg8 : memref<!tpu.dma_semaphore, #tpu.memory_space<semaphore_mem>>)
      %dma_wait3A_719 = arith.constant 0 : i32
      %dma_wait3A_720 = arith.constant 0 : i32
      %dma_wait3A_721 = tpu.memref_slice %arg7[%dma_wait3A_719, %dma_wait3A_720] : memref<256x128xf32, #tpu.memory_space<vmem>> -> memref<64x128xf32, #tpu.memory_space<vmem>>
      %dma_wait3A_722 = arith.constant 0 : i32
      %dma_wait3A_723 = arith.constant 0 : i32
      %dma_wait3A_724 = tpu.memref_slice %arg3[%dma_wait3A_722, %dma_wait3A_723] : memref<64x1000000xf32, #tpu.memory_space<hbm>> -> memref<64x128xf32, #tpu.memory_space<hbm>>
      %dma_wait3A_725 = arith.constant 0 : i32
      %dma_wait3A_726 = arith.constant 0 : i32
      %dma_wait3A_727 = tpu.memref_slice %arg7[%dma_wait3A_725, %dma_wait3A_726] : memref<256x128xf32, #tpu.memory_space<vmem>> -> memref<64x128xf32, #tpu.memory_space<vmem>>
      %dma_wait3A_728 = arith.constant 0 : i32
      %dma_wait3A_729 = arith.constant 0 : i32
      %dma_wait3A_730 = tpu.memref_slice %arg3[%dma_wait3A_728, %dma_wait3A_729] : memref<64x1000000xf32, #tpu.memory_space<hbm>> -> memref<64x128xf32, #tpu.memory_space<hbm>>
      tpu.wait_dma2 semaphore(%arg8 : memref<!tpu.dma_semaphore, #tpu.memory_space<semaphore_mem>>) src(%dma_wait3A_730 : memref<64x128xf32, #tpu.memory_space<hbm>>) dst(%dma_wait3A_727 : memref<64x128xf32, #tpu.memory_space<vmem>>)
      %slice3A_731 = vector.extract_strided_slice %get3A_15 {offsets = [5], sizes = [1], strides = [1]} : vector<16xi32> to vector<1xi32>
      %squeeze3A_732 = vector.extract %slice3A_731[0] : i32 from vector<1xi32>
      %jit3A_733 = arith.constant 128 : i32
      %div3A_734 = arith.divsi %squeeze3A_732, %jit3A_733 : i32
      %sign3A_735 = arith.constant 0 : i32
      %sign3A_736 = arith.cmpi sgt, %squeeze3A_732, %sign3A_735 : i32
      %sign3A_737 = arith.extui %sign3A_736 : i1 to i32
      %sign3A_738 = arith.constant 0 : i32
      %sign3A_739 = arith.cmpi slt, %squeeze3A_732, %sign3A_738 : i32
      %sign3A_740 = arith.extui %sign3A_739 : i1 to i32
      %sign3A_741 = arith.subi %sign3A_737, %sign3A_740 : i32
      %sign3A_742 = arith.constant 0 : i32
      %sign3A_743 = arith.cmpi sgt, %jit3A_733, %sign3A_742 : i32
      %sign3A_744 = arith.extui %sign3A_743 : i1 to i32
      %sign3A_745 = arith.constant 0 : i32
      %sign3A_746 = arith.cmpi slt, %jit3A_733, %sign3A_745 : i32
      %sign3A_747 = arith.extui %sign3A_746 : i1 to i32
      %sign3A_748 = arith.subi %sign3A_744, %sign3A_747 : i32
      %ne3A_749 = arith.cmpi ne, %sign3A_741, %sign3A_748 : i32
      %rem3A_750 = arith.remsi %squeeze3A_732, %jit3A_733 : i32
      %ne3A_751 = arith.constant 0 : i32
      %ne3A_752 = arith.cmpi ne, %rem3A_750, %ne3A_751 : i32
      %and3A_753 = arith.andi %ne3A_749, %ne3A_752 : i1
      %sub3A_754 = arith.constant 1 : i32
      %sub3A_755 = arith.subi %div3A_734, %sub3A_754 : i32
      %select_n3A_756 = arith.select %and3A_753, %sub3A_755, %div3A_734 : i32
      %mul3A_757 = arith.constant 128 : i32
      %mul3A_758 = arith.muli %select_n3A_756, %mul3A_757 : i32
      %sub3A_759 = arith.subi %squeeze3A_732, %mul3A_758 : i32
      %broadcast_in_dim3A_760 = vector.broadcast %sub3A_759 : i32 to vector<16xi32>
      %mul3A_761 = arith.constant 16 : i32
      %mul3A_762 = arith.muli %scan3A_11, %mul3A_761 : i32
      %add3A_763 = arith.constant 5 : i32
      %add3A_764 = arith.addi %mul3A_762, %add3A_763 : i32
      %broadcast_in_dim3A_765 = vector.broadcast %add3A_764 : i32 to vector<16xi32>
      %add3A_766 = arith.constant 64 : i32
      %add3A_767 = vector.broadcast %add3A_766 : i32 to vector<16xi32>
      %add3A_768 = arith.addi %add3A_767, %iota3A : vector<16xi32>
      %gather3A_769 = tpu.vector_load_idx %arg7[%add3A_768, %broadcast_in_dim3A_760] : memref<256x128xf32, #tpu.memory_space<vmem>>[vector<16xi32>, vector<16xi32>], vector<16xf32>,
      %add3A_770 = arith.constant 0 : i32
      %add3A_771 = vector.broadcast %add3A_770 : i32 to vector<16xi32>
      %add3A_772 = arith.addi %add3A_771, %iota3A : vector<16xi32>
      tpu.vector_store_idx %arg6[%add3A_772, %broadcast_in_dim3A_765], %gather3A_769 : memref<64x128xf32, #tpu.memory_space<vmem>>[vector<16xi32>, vector<16xi32>], vector<16xf32>,
      %add3A_773 = arith.constant 80 : i32
      %add3A_774 = vector.broadcast %add3A_773 : i32 to vector<16xi32>
      %add3A_775 = arith.addi %add3A_774, %iota3A : vector<16xi32>
      %gather3A_776 = tpu.vector_load_idx %arg7[%add3A_775, %broadcast_in_dim3A_760] : memref<256x128xf32, #tpu.memory_space<vmem>>[vector<16xi32>, vector<16xi32>], vector<16xf32>,
      %add3A_777 = arith.constant 16 : i32
      %add3A_778 = vector.broadcast %add3A_777 : i32 to vector<16xi32>
      %add3A_779 = arith.addi %add3A_778, %iota3A : vector<16xi32>
      tpu.vector_store_idx %arg6[%add3A_779, %broadcast_in_dim3A_765], %gather3A_776 : memref<64x128xf32, #tpu.memory_space<vmem>>[vector<16xi32>, vector<16xi32>], vector<16xf32>,
      %add3A_780 = arith.constant 96 : i32
      %add3A_781 = vector.broadcast %add3A_780 : i32 to vector<16xi32>
      %add3A_782 = arith.addi %add3A_781, %iota3A : vector<16xi32>
      %gather3A_783 = tpu.vector_load_idx %arg7[%add3A_782, %broadcast_in_dim3A_760] : memref<256x128xf32, #tpu.memory_space<vmem>>[vector<16xi32>, vector<16xi32>], vector<16xf32>,
      %add3A_784 = arith.constant 32 : i32
      %add3A_785 = vector.broadcast %add3A_784 : i32 to vector<16xi32>
      %add3A_786 = arith.addi %add3A_785, %iota3A : vector<16xi32>
      tpu.vector_store_idx %arg6[%add3A_786, %broadcast_in_dim3A_765], %gather3A_783 : memref<64x128xf32, #tpu.memory_space<vmem>>[vector<16xi32>, vector<16xi32>], vector<16xf32>,
      %add3A_787 = arith.constant 112 : i32
      %add3A_788 = vector.broadcast %add3A_787 : i32 to vector<16xi32>
      %add3A_789 = arith.addi %add3A_788, %iota3A : vector<16xi32>
      %gather3A_790 = tpu.vector_load_idx %arg7[%add3A_789, %broadcast_in_dim3A_760] : memref<256x128xf32, #tpu.memory_space<vmem>>[vector<16xi32>, vector<16xi32>], vector<16xf32>,
      %add3A_791 = arith.constant 48 : i32
      %add3A_792 = vector.broadcast %add3A_791 : i32 to vector<16xi32>
      %add3A_793 = arith.addi %add3A_792, %iota3A : vector<16xi32>
      tpu.vector_store_idx %arg6[%add3A_793, %broadcast_in_dim3A_765], %gather3A_790 : memref<64x128xf32, #tpu.memory_space<vmem>>[vector<16xi32>, vector<16xi32>], vector<16xf32>,
      %slice3A_794 = vector.extract_strided_slice %get3A_15 {offsets = [9], sizes = [1], strides = [1]} : vector<16xi32> to vector<1xi32>
      %squeeze3A_795 = vector.extract %slice3A_794[0] : i32 from vector<1xi32>
      %jit3A_796 = arith.constant 128 : i32
      %div3A_797 = arith.divsi %squeeze3A_795, %jit3A_796 : i32
      %sign3A_798 = arith.constant 0 : i32
      %sign3A_799 = arith.cmpi sgt, %squeeze3A_795, %sign3A_798 : i32
      %sign3A_800 = arith.extui %sign3A_799 : i1 to i32
      %sign3A_801 = arith.constant 0 : i32
      %sign3A_802 = arith.cmpi slt, %squeeze3A_795, %sign3A_801 : i32
      %sign3A_803 = arith.extui %sign3A_802 : i1 to i32
      %sign3A_804 = arith.subi %sign3A_800, %sign3A_803 : i32
      %sign3A_805 = arith.constant 0 : i32
      %sign3A_806 = arith.cmpi sgt, %jit3A_796, %sign3A_805 : i32
      %sign3A_807 = arith.extui %sign3A_806 : i1 to i32
      %sign3A_808 = arith.constant 0 : i32
      %sign3A_809 = arith.cmpi slt, %jit3A_796, %sign3A_808 : i32
      %sign3A_810 = arith.extui %sign3A_809 : i1 to i32
      %sign3A_811 = arith.subi %sign3A_807, %sign3A_810 : i32
      %ne3A_812 = arith.cmpi ne, %sign3A_804, %sign3A_811 : i32
      %rem3A_813 = arith.remsi %squeeze3A_795, %jit3A_796 : i32
      %ne3A_814 = arith.constant 0 : i32
      %ne3A_815 = arith.cmpi ne, %rem3A_813, %ne3A_814 : i32
      %and3A_816 = arith.andi %ne3A_812, %ne3A_815 : i1
      %sub3A_817 = arith.constant 1 : i32
      %sub3A_818 = arith.subi %div3A_797, %sub3A_817 : i32
      %select_n3A_819 = arith.select %and3A_816, %sub3A_818, %div3A_797 : i32
      %mul3A_820 = arith.constant 128 : i32
      %mul3A_821 = arith.muli %select_n3A_819, %mul3A_820 : i32
      %dma_start3A_822 = arith.constant 64 : i32
      %dma_start3A_823 = arith.constant 0 : i32
      %dma_start3A_824 = tpu.memref_slice %arg7[%dma_start3A_822, %dma_start3A_823] : memref<256x128xf32, #tpu.memory_space<vmem>> -> memref<64x128xf32, #tpu.memory_space<vmem>>
      %dma_start3A_825 = arith.constant 0 : i32
      %dma_start3A_826 = tpu.memref_slice %arg3[%dma_start3A_825, %mul3A_821] : memref<64x1000000xf32, #tpu.memory_space<hbm>> -> memref<64x128xf32, #tpu.memory_space<hbm>>
      %dma_start3A_827 = arith.constant 64 : i32
      %dma_start3A_828 = arith.constant 0 : i32
      %dma_start3A_829 = tpu.memref_slice %arg7[%dma_start3A_827, %dma_start3A_828] : memref<256x128xf32, #tpu.memory_space<vmem>> -> memref<64x128xf32, #tpu.memory_space<vmem>>
      %dma_start3A_830 = arith.constant 0 : i32
      %dma_start3A_831 = tpu.memref_slice %arg3[%dma_start3A_830, %mul3A_821] : memref<64x1000000xf32, #tpu.memory_space<hbm>> -> memref<64x128xf32, #tpu.memory_space<hbm>>
      tpu.enqueue_dma source(%dma_start3A_831 : memref<64x128xf32, #tpu.memory_space<hbm>>) target(%dma_start3A_829 : memref<64x128xf32, #tpu.memory_space<vmem>>) target_semaphore(%arg8 : memref<!tpu.dma_semaphore, #tpu.memory_space<semaphore_mem>>)
      %dma_wait3A_832 = arith.constant 0 : i32
      %dma_wait3A_833 = arith.constant 0 : i32
      %dma_wait3A_834 = tpu.memref_slice %arg7[%dma_wait3A_832, %dma_wait3A_833] : memref<256x128xf32, #tpu.memory_space<vmem>> -> memref<64x128xf32, #tpu.memory_space<vmem>>
      %dma_wait3A_835 = arith.constant 0 : i32
      %dma_wait3A_836 = arith.constant 0 : i32
      %dma_wait3A_837 = tpu.memref_slice %arg3[%dma_wait3A_835, %dma_wait3A_836] : memref<64x1000000xf32, #tpu.memory_space<hbm>> -> memref<64x128xf32, #tpu.memory_space<hbm>>
      %dma_wait3A_838 = arith.constant 0 : i32
      %dma_wait3A_839 = arith.constant 0 : i32
      %dma_wait3A_840 = tpu.memref_slice %arg7[%dma_wait3A_838, %dma_wait3A_839] : memref<256x128xf32, #tpu.memory_space<vmem>> -> memref<64x128xf32, #tpu.memory_space<vmem>>
      %dma_wait3A_841 = arith.constant 0 : i32
      %dma_wait3A_842 = arith.constant 0 : i32
      %dma_wait3A_843 = tpu.memref_slice %arg3[%dma_wait3A_841, %dma_wait3A_842] : memref<64x1000000xf32, #tpu.memory_space<hbm>> -> memref<64x128xf32, #tpu.memory_space<hbm>>
      tpu.wait_dma2 semaphore(%arg8 : memref<!tpu.dma_semaphore, #tpu.memory_space<semaphore_mem>>) src(%dma_wait3A_843 : memref<64x128xf32, #tpu.memory_space<hbm>>) dst(%dma_wait3A_840 : memref<64x128xf32, #tpu.memory_space<vmem>>)
      %slice3A_844 = vector.extract_strided_slice %get3A_15 {offsets = [6], sizes = [1], strides = [1]} : vector<16xi32> to vector<1xi32>
      %squeeze3A_845 = vector.extract %slice3A_844[0] : i32 from vector<1xi32>
      %jit3A_846 = arith.constant 128 : i32
      %div3A_847 = arith.divsi %squeeze3A_845, %jit3A_846 : i32
      %sign3A_848 = arith.constant 0 : i32
      %sign3A_849 = arith.cmpi sgt, %squeeze3A_845, %sign3A_848 : i32
      %sign3A_850 = arith.extui %sign3A_849 : i1 to i32
      %sign3A_851 = arith.constant 0 : i32
      %sign3A_852 = arith.cmpi slt, %squeeze3A_845, %sign3A_851 : i32
      %sign3A_853 = arith.extui %sign3A_852 : i1 to i32
      %sign3A_854 = arith.subi %sign3A_850, %sign3A_853 : i32
      %sign3A_855 = arith.constant 0 : i32
      %sign3A_856 = arith.cmpi sgt, %jit3A_846, %sign3A_855 : i32
      %sign3A_857 = arith.extui %sign3A_856 : i1 to i32
      %sign3A_858 = arith.constant 0 : i32
      %sign3A_859 = arith.cmpi slt, %jit3A_846, %sign3A_858 : i32
      %sign3A_860 = arith.extui %sign3A_859 : i1 to i32
      %sign3A_861 = arith.subi %sign3A_857, %sign3A_860 : i32
      %ne3A_862 = arith.cmpi ne, %sign3A_854, %sign3A_861 : i32
      %rem3A_863 = arith.remsi %squeeze3A_845, %jit3A_846 : i32
      %ne3A_864 = arith.constant 0 : i32
      %ne3A_865 = arith.cmpi ne, %rem3A_863, %ne3A_864 : i32
      %and3A_866 = arith.andi %ne3A_862, %ne3A_865 : i1
      %sub3A_867 = arith.constant 1 : i32
      %sub3A_868 = arith.subi %div3A_847, %sub3A_867 : i32
      %select_n3A_869 = arith.select %and3A_866, %sub3A_868, %div3A_847 : i32
      %mul3A_870 = arith.constant 128 : i32
      %mul3A_871 = arith.muli %select_n3A_869, %mul3A_870 : i32
      %sub3A_872 = arith.subi %squeeze3A_845, %mul3A_871 : i32
      %broadcast_in_dim3A_873 = vector.broadcast %sub3A_872 : i32 to vector<16xi32>
      %mul3A_874 = arith.constant 16 : i32
      %mul3A_875 = arith.muli %scan3A_11, %mul3A_874 : i32
      %add3A_876 = arith.constant 6 : i32
      %add3A_877 = arith.addi %mul3A_875, %add3A_876 : i32
      %broadcast_in_dim3A_878 = vector.broadcast %add3A_877 : i32 to vector<16xi32>
      %add3A_879 = arith.constant 128 : i32
      %add3A_880 = vector.broadcast %add3A_879 : i32 to vector<16xi32>
      %add3A_881 = arith.addi %add3A_880, %iota3A : vector<16xi32>
      %gather3A_882 = tpu.vector_load_idx %arg7[%add3A_881, %broadcast_in_dim3A_873] : memref<256x128xf32, #tpu.memory_space<vmem>>[vector<16xi32>, vector<16xi32>], vector<16xf32>,
      %add3A_883 = arith.constant 0 : i32
      %add3A_884 = vector.broadcast %add3A_883 : i32 to vector<16xi32>
      %add3A_885 = arith.addi %add3A_884, %iota3A : vector<16xi32>
      tpu.vector_store_idx %arg6[%add3A_885, %broadcast_in_dim3A_878], %gather3A_882 : memref<64x128xf32, #tpu.memory_space<vmem>>[vector<16xi32>, vector<16xi32>], vector<16xf32>,
      %add3A_886 = arith.constant 144 : i32
      %add3A_887 = vector.broadcast %add3A_886 : i32 to vector<16xi32>
      %add3A_888 = arith.addi %add3A_887, %iota3A : vector<16xi32>
      %gather3A_889 = tpu.vector_load_idx %arg7[%add3A_888, %broadcast_in_dim3A_873] : memref<256x128xf32, #tpu.memory_space<vmem>>[vector<16xi32>, vector<16xi32>], vector<16xf32>,
      %add3A_890 = arith.constant 16 : i32
      %add3A_891 = vector.broadcast %add3A_890 : i32 to vector<16xi32>
      %add3A_892 = arith.addi %add3A_891, %iota3A : vector<16xi32>
      tpu.vector_store_idx %arg6[%add3A_892, %broadcast_in_dim3A_878], %gather3A_889 : memref<64x128xf32, #tpu.memory_space<vmem>>[vector<16xi32>, vector<16xi32>], vector<16xf32>,
      %add3A_893 = arith.constant 160 : i32
      %add3A_894 = vector.broadcast %add3A_893 : i32 to vector<16xi32>
      %add3A_895 = arith.addi %add3A_894, %iota3A : vector<16xi32>
      %gather3A_896 = tpu.vector_load_idx %arg7[%add3A_895, %broadcast_in_dim3A_873] : memref<256x128xf32, #tpu.memory_space<vmem>>[vector<16xi32>, vector<16xi32>], vector<16xf32>,
      %add3A_897 = arith.constant 32 : i32
      %add3A_898 = vector.broadcast %add3A_897 : i32 to vector<16xi32>
      %add3A_899 = arith.addi %add3A_898, %iota3A : vector<16xi32>
      tpu.vector_store_idx %arg6[%add3A_899, %broadcast_in_dim3A_878], %gather3A_896 : memref<64x128xf32, #tpu.memory_space<vmem>>[vector<16xi32>, vector<16xi32>], vector<16xf32>,
      %add3A_900 = arith.constant 176 : i32
      %add3A_901 = vector.broadcast %add3A_900 : i32 to vector<16xi32>
      %add3A_902 = arith.addi %add3A_901, %iota3A : vector<16xi32>
      %gather3A_903 = tpu.vector_load_idx %arg7[%add3A_902, %broadcast_in_dim3A_873] : memref<256x128xf32, #tpu.memory_space<vmem>>[vector<16xi32>, vector<16xi32>], vector<16xf32>,
      %add3A_904 = arith.constant 48 : i32
      %add3A_905 = vector.broadcast %add3A_904 : i32 to vector<16xi32>
      %add3A_906 = arith.addi %add3A_905, %iota3A : vector<16xi32>
      tpu.vector_store_idx %arg6[%add3A_906, %broadcast_in_dim3A_878], %gather3A_903 : memref<64x128xf32, #tpu.memory_space<vmem>>[vector<16xi32>, vector<16xi32>], vector<16xf32>,
      %slice3A_907 = vector.extract_strided_slice %get3A_15 {offsets = [10], sizes = [1], strides = [1]} : vector<16xi32> to vector<1xi32>
      %squeeze3A_908 = vector.extract %slice3A_907[0] : i32 from vector<1xi32>
      %jit3A_909 = arith.constant 128 : i32
      %div3A_910 = arith.divsi %squeeze3A_908, %jit3A_909 : i32
      %sign3A_911 = arith.constant 0 : i32
      %sign3A_912 = arith.cmpi sgt, %squeeze3A_908, %sign3A_911 : i32
      %sign3A_913 = arith.extui %sign3A_912 : i1 to i32
      %sign3A_914 = arith.constant 0 : i32
      %sign3A_915 = arith.cmpi slt, %squeeze3A_908, %sign3A_914 : i32
      %sign3A_916 = arith.extui %sign3A_915 : i1 to i32
      %sign3A_917 = arith.subi %sign3A_913, %sign3A_916 : i32
      %sign3A_918 = arith.constant 0 : i32
      %sign3A_919 = arith.cmpi sgt, %jit3A_909, %sign3A_918 : i32
      %sign3A_920 = arith.extui %sign3A_919 : i1 to i32
      %sign3A_921 = arith.constant 0 : i32
      %sign3A_922 = arith.cmpi slt, %jit3A_909, %sign3A_921 : i32
      %sign3A_923 = arith.extui %sign3A_922 : i1 to i32
      %sign3A_924 = arith.subi %sign3A_920, %sign3A_923 : i32
      %ne3A_925 = arith.cmpi ne, %sign3A_917, %sign3A_924 : i32
      %rem3A_926 = arith.remsi %squeeze3A_908, %jit3A_909 : i32
      %ne3A_927 = arith.constant 0 : i32
      %ne3A_928 = arith.cmpi ne, %rem3A_926, %ne3A_927 : i32
      %and3A_929 = arith.andi %ne3A_925, %ne3A_928 : i1
      %sub3A_930 = arith.constant 1 : i32
      %sub3A_931 = arith.subi %div3A_910, %sub3A_930 : i32
      %select_n3A_932 = arith.select %and3A_929, %sub3A_931, %div3A_910 : i32
      %mul3A_933 = arith.constant 128 : i32
      %mul3A_934 = arith.muli %select_n3A_932, %mul3A_933 : i32
      %dma_start3A_935 = arith.constant 128 : i32
      %dma_start3A_936 = arith.constant 0 : i32
      %dma_start3A_937 = tpu.memref_slice %arg7[%dma_start3A_935, %dma_start3A_936] : memref<256x128xf32, #tpu.memory_space<vmem>> -> memref<64x128xf32, #tpu.memory_space<vmem>>
      %dma_start3A_938 = arith.constant 0 : i32
      %dma_start3A_939 = tpu.memref_slice %arg3[%dma_start3A_938, %mul3A_934] : memref<64x1000000xf32, #tpu.memory_space<hbm>> -> memref<64x128xf32, #tpu.memory_space<hbm>>
      %dma_start3A_940 = arith.constant 128 : i32
      %dma_start3A_941 = arith.constant 0 : i32
      %dma_start3A_942 = tpu.memref_slice %arg7[%dma_start3A_940, %dma_start3A_941] : memref<256x128xf32, #tpu.memory_space<vmem>> -> memref<64x128xf32, #tpu.memory_space<vmem>>
      %dma_start3A_943 = arith.constant 0 : i32
      %dma_start3A_944 = tpu.memref_slice %arg3[%dma_start3A_943, %mul3A_934] : memref<64x1000000xf32, #tpu.memory_space<hbm>> -> memref<64x128xf32, #tpu.memory_space<hbm>>
      tpu.enqueue_dma source(%dma_start3A_944 : memref<64x128xf32, #tpu.memory_space<hbm>>) target(%dma_start3A_942 : memref<64x128xf32, #tpu.memory_space<vmem>>) target_semaphore(%arg8 : memref<!tpu.dma_semaphore, #tpu.memory_space<semaphore_mem>>)
      %dma_wait3A_945 = arith.constant 0 : i32
      %dma_wait3A_946 = arith.constant 0 : i32
      %dma_wait3A_947 = tpu.memref_slice %arg7[%dma_wait3A_945, %dma_wait3A_946] : memref<256x128xf32, #tpu.memory_space<vmem>> -> memref<64x128xf32, #tpu.memory_space<vmem>>
      %dma_wait3A_948 = arith.constant 0 : i32
      %dma_wait3A_949 = arith.constant 0 : i32
      %dma_wait3A_950 = tpu.memref_slice %arg3[%dma_wait3A_948, %dma_wait3A_949] : memref<64x1000000xf32, #tpu.memory_space<hbm>> -> memref<64x128xf32, #tpu.memory_space<hbm>>
      %dma_wait3A_951 = arith.constant 0 : i32
      %dma_wait3A_952 = arith.constant 0 : i32
      %dma_wait3A_953 = tpu.memref_slice %arg7[%dma_wait3A_951, %dma_wait3A_952] : memref<256x128xf32, #tpu.memory_space<vmem>> -> memref<64x128xf32, #tpu.memory_space<vmem>>
      %dma_wait3A_954 = arith.constant 0 : i32
      %dma_wait3A_955 = arith.constant 0 : i32
      %dma_wait3A_956 = tpu.memref_slice %arg3[%dma_wait3A_954, %dma_wait3A_955] : memref<64x1000000xf32, #tpu.memory_space<hbm>> -> memref<64x128xf32, #tpu.memory_space<hbm>>
      tpu.wait_dma2 semaphore(%arg8 : memref<!tpu.dma_semaphore, #tpu.memory_space<semaphore_mem>>) src(%dma_wait3A_956 : memref<64x128xf32, #tpu.memory_space<hbm>>) dst(%dma_wait3A_953 : memref<64x128xf32, #tpu.memory_space<vmem>>)
      %slice3A_957 = vector.extract_strided_slice %get3A_15 {offsets = [7], sizes = [1], strides = [1]} : vector<16xi32> to vector<1xi32>
      %squeeze3A_958 = vector.extract %slice3A_957[0] : i32 from vector<1xi32>
      %jit3A_959 = arith.constant 128 : i32
      %div3A_960 = arith.divsi %squeeze3A_958, %jit3A_959 : i32
      %sign3A_961 = arith.constant 0 : i32
      %sign3A_962 = arith.cmpi sgt, %squeeze3A_958, %sign3A_961 : i32
      %sign3A_963 = arith.extui %sign3A_962 : i1 to i32
      %sign3A_964 = arith.constant 0 : i32
      %sign3A_965 = arith.cmpi slt, %squeeze3A_958, %sign3A_964 : i32
      %sign3A_966 = arith.extui %sign3A_965 : i1 to i32
      %sign3A_967 = arith.subi %sign3A_963, %sign3A_966 : i32
      %sign3A_968 = arith.constant 0 : i32
      %sign3A_969 = arith.cmpi sgt, %jit3A_959, %sign3A_968 : i32
      %sign3A_970 = arith.extui %sign3A_969 : i1 to i32
      %sign3A_971 = arith.constant 0 : i32
      %sign3A_972 = arith.cmpi slt, %jit3A_959, %sign3A_971 : i32
      %sign3A_973 = arith.extui %sign3A_972 : i1 to i32
      %sign3A_974 = arith.subi %sign3A_970, %sign3A_973 : i32
      %ne3A_975 = arith.cmpi ne, %sign3A_967, %sign3A_974 : i32
      %rem3A_976 = arith.remsi %squeeze3A_958, %jit3A_959 : i32
      %ne3A_977 = arith.constant 0 : i32
      %ne3A_978 = arith.cmpi ne, %rem3A_976, %ne3A_977 : i32
      %and3A_979 = arith.andi %ne3A_975, %ne3A_978 : i1
      %sub3A_980 = arith.constant 1 : i32
      %sub3A_981 = arith.subi %div3A_960, %sub3A_980 : i32
      %select_n3A_982 = arith.select %and3A_979, %sub3A_981, %div3A_960 : i32
      %mul3A_983 = arith.constant 128 : i32
      %mul3A_984 = arith.muli %select_n3A_982, %mul3A_983 : i32
      %sub3A_985 = arith.subi %squeeze3A_958, %mul3A_984 : i32
      %broadcast_in_dim3A_986 = vector.broadcast %sub3A_985 : i32 to vector<16xi32>
      %mul3A_987 = arith.constant 16 : i32
      %mul3A_988 = arith.muli %scan3A_11, %mul3A_987 : i32
      %add3A_989 = arith.constant 7 : i32
      %add3A_990 = arith.addi %mul3A_988, %add3A_989 : i32
      %broadcast_in_dim3A_991 = vector.broadcast %add3A_990 : i32 to vector<16xi32>
      %add3A_992 = arith.constant 192 : i32
      %add3A_993 = vector.broadcast %add3A_992 : i32 to vector<16xi32>
      %add3A_994 = arith.addi %add3A_993, %iota3A : vector<16xi32>
      %gather3A_995 = tpu.vector_load_idx %arg7[%add3A_994, %broadcast_in_dim3A_986] : memref<256x128xf32, #tpu.memory_space<vmem>>[vector<16xi32>, vector<16xi32>], vector<16xf32>,
      %add3A_996 = arith.constant 0 : i32
      %add3A_997 = vector.broadcast %add3A_996 : i32 to vector<16xi32>
      %add3A_998 = arith.addi %add3A_997, %iota3A : vector<16xi32>
      tpu.vector_store_idx %arg6[%add3A_998, %broadcast_in_dim3A_991], %gather3A_995 : memref<64x128xf32, #tpu.memory_space<vmem>>[vector<16xi32>, vector<16xi32>], vector<16xf32>,
      %add3A_999 = arith.constant 208 : i32
      %add3A_1000 = vector.broadcast %add3A_999 : i32 to vector<16xi32>
      %add3A_1001 = arith.addi %add3A_1000, %iota3A : vector<16xi32>
      %gather3A_1002 = tpu.vector_load_idx %arg7[%add3A_1001, %broadcast_in_dim3A_986] : memref<256x128xf32, #tpu.memory_space<vmem>>[vector<16xi32>, vector<16xi32>], vector<16xf32>,
      %add3A_1003 = arith.constant 16 : i32
      %add3A_1004 = vector.broadcast %add3A_1003 : i32 to vector<16xi32>
      %add3A_1005 = arith.addi %add3A_1004, %iota3A : vector<16xi32>
      tpu.vector_store_idx %arg6[%add3A_1005, %broadcast_in_dim3A_991], %gather3A_1002 : memref<64x128xf32, #tpu.memory_space<vmem>>[vector<16xi32>, vector<16xi32>], vector<16xf32>,
      %add3A_1006 = arith.constant 224 : i32
      %add3A_1007 = vector.broadcast %add3A_1006 : i32 to vector<16xi32>
      %add3A_1008 = arith.addi %add3A_1007, %iota3A : vector<16xi32>
      %gather3A_1009 = tpu.vector_load_idx %arg7[%add3A_1008, %broadcast_in_dim3A_986] : memref<256x128xf32, #tpu.memory_space<vmem>>[vector<16xi32>, vector<16xi32>], vector<16xf32>,
      %add3A_1010 = arith.constant 32 : i32
      %add3A_1011 = vector.broadcast %add3A_1010 : i32 to vector<16xi32>
      %add3A_1012 = arith.addi %add3A_1011, %iota3A : vector<16xi32>
      tpu.vector_store_idx %arg6[%add3A_1012, %broadcast_in_dim3A_991], %gather3A_1009 : memref<64x128xf32, #tpu.memory_space<vmem>>[vector<16xi32>, vector<16xi32>], vector<16xf32>,
      %add3A_1013 = arith.constant 240 : i32
      %add3A_1014 = vector.broadcast %add3A_1013 : i32 to vector<16xi32>
      %add3A_1015 = arith.addi %add3A_1014, %iota3A : vector<16xi32>
      %gather3A_1016 = tpu.vector_load_idx %arg7[%add3A_1015, %broadcast_in_dim3A_986] : memref<256x128xf32, #tpu.memory_space<vmem>>[vector<16xi32>, vector<16xi32>], vector<16xf32>,
      %add3A_1017 = arith.constant 48 : i32
      %add3A_1018 = vector.broadcast %add3A_1017 : i32 to vector<16xi32>
      %add3A_1019 = arith.addi %add3A_1018, %iota3A : vector<16xi32>
      tpu.vector_store_idx %arg6[%add3A_1019, %broadcast_in_dim3A_991], %gather3A_1016 : memref<64x128xf32, #tpu.memory_space<vmem>>[vector<16xi32>, vector<16xi32>], vector<16xf32>,
      %slice3A_1020 = vector.extract_strided_slice %get3A_15 {offsets = [11], sizes = [1], strides = [1]} : vector<16xi32> to vector<1xi32>
      %squeeze3A_1021 = vector.extract %slice3A_1020[0] : i32 from vector<1xi32>
      %jit3A_1022 = arith.constant 128 : i32
      %div3A_1023 = arith.divsi %squeeze3A_1021, %jit3A_1022 : i32
      %sign3A_1024 = arith.constant 0 : i32
      %sign3A_1025 = arith.cmpi sgt, %squeeze3A_1021, %sign3A_1024 : i32
      %sign3A_1026 = arith.extui %sign3A_1025 : i1 to i32
      %sign3A_1027 = arith.constant 0 : i32
      %sign3A_1028 = arith.cmpi slt, %squeeze3A_1021, %sign3A_1027 : i32
      %sign3A_1029 = arith.extui %sign3A_1028 : i1 to i32
      %sign3A_1030 = arith.subi %sign3A_1026, %sign3A_1029 : i32
      %sign3A_1031 = arith.constant 0 : i32
      %sign3A_1032 = arith.cmpi sgt, %jit3A_1022, %sign3A_1031 : i32
      %sign3A_1033 = arith.extui %sign3A_1032 : i1 to i32
      %sign3A_1034 = arith.constant 0 : i32
      %sign3A_1035 = arith.cmpi slt, %jit3A_1022, %sign3A_1034 : i32
      %sign3A_1036 = arith.extui %sign3A_1035 : i1 to i32
      %sign3A_1037 = arith.subi %sign3A_1033, %sign3A_1036 : i32
      %ne3A_1038 = arith.cmpi ne, %sign3A_1030, %sign3A_1037 : i32
      %rem3A_1039 = arith.remsi %squeeze3A_1021, %jit3A_1022 : i32
      %ne3A_1040 = arith.constant 0 : i32
      %ne3A_1041 = arith.cmpi ne, %rem3A_1039, %ne3A_1040 : i32
      %and3A_1042 = arith.andi %ne3A_1038, %ne3A_1041 : i1
      %sub3A_1043 = arith.constant 1 : i32
      %sub3A_1044 = arith.subi %div3A_1023, %sub3A_1043 : i32
      %select_n3A_1045 = arith.select %and3A_1042, %sub3A_1044, %div3A_1023 : i32
      %mul3A_1046 = arith.constant 128 : i32
      %mul3A_1047 = arith.muli %select_n3A_1045, %mul3A_1046 : i32
      %dma_start3A_1048 = arith.constant 192 : i32
      %dma_start3A_1049 = arith.constant 0 : i32
      %dma_start3A_1050 = tpu.memref_slice %arg7[%dma_start3A_1048, %dma_start3A_1049] : memref<256x128xf32, #tpu.memory_space<vmem>> -> memref<64x128xf32, #tpu.memory_space<vmem>>
      %dma_start3A_1051 = arith.constant 0 : i32
      %dma_start3A_1052 = tpu.memref_slice %arg3[%dma_start3A_1051, %mul3A_1047] : memref<64x1000000xf32, #tpu.memory_space<hbm>> -> memref<64x128xf32, #tpu.memory_space<hbm>>
      %dma_start3A_1053 = arith.constant 192 : i32
      %dma_start3A_1054 = arith.constant 0 : i32
      %dma_start3A_1055 = tpu.memref_slice %arg7[%dma_start3A_1053, %dma_start3A_1054] : memref<256x128xf32, #tpu.memory_space<vmem>> -> memref<64x128xf32, #tpu.memory_space<vmem>>
      %dma_start3A_1056 = arith.constant 0 : i32
      %dma_start3A_1057 = tpu.memref_slice %arg3[%dma_start3A_1056, %mul3A_1047] : memref<64x1000000xf32, #tpu.memory_space<hbm>> -> memref<64x128xf32, #tpu.memory_space<hbm>>
      tpu.enqueue_dma source(%dma_start3A_1057 : memref<64x128xf32, #tpu.memory_space<hbm>>) target(%dma_start3A_1055 : memref<64x128xf32, #tpu.memory_space<vmem>>) target_semaphore(%arg8 : memref<!tpu.dma_semaphore, #tpu.memory_space<semaphore_mem>>)
      %dma_wait3A_1058 = arith.constant 0 : i32
      %dma_wait3A_1059 = arith.constant 0 : i32
      %dma_wait3A_1060 = tpu.memref_slice %arg7[%dma_wait3A_1058, %dma_wait3A_1059] : memref<256x128xf32, #tpu.memory_space<vmem>> -> memref<64x128xf32, #tpu.memory_space<vmem>>
      %dma_wait3A_1061 = arith.constant 0 : i32
      %dma_wait3A_1062 = arith.constant 0 : i32
      %dma_wait3A_1063 = tpu.memref_slice %arg3[%dma_wait3A_1061, %dma_wait3A_1062] : memref<64x1000000xf32, #tpu.memory_space<hbm>> -> memref<64x128xf32, #tpu.memory_space<hbm>>
      %dma_wait3A_1064 = arith.constant 0 : i32
      %dma_wait3A_1065 = arith.constant 0 : i32
      %dma_wait3A_1066 = tpu.memref_slice %arg7[%dma_wait3A_1064, %dma_wait3A_1065] : memref<256x128xf32, #tpu.memory_space<vmem>> -> memref<64x128xf32, #tpu.memory_space<vmem>>
      %dma_wait3A_1067 = arith.constant 0 : i32
      %dma_wait3A_1068 = arith.constant 0 : i32
      %dma_wait3A_1069 = tpu.memref_slice %arg3[%dma_wait3A_1067, %dma_wait3A_1068] : memref<64x1000000xf32, #tpu.memory_space<hbm>> -> memref<64x128xf32, #tpu.memory_space<hbm>>
      tpu.wait_dma2 semaphore(%arg8 : memref<!tpu.dma_semaphore, #tpu.memory_space<semaphore_mem>>) src(%dma_wait3A_1069 : memref<64x128xf32, #tpu.memory_space<hbm>>) dst(%dma_wait3A_1066 : memref<64x128xf32, #tpu.memory_space<vmem>>)
      %slice3A_1070 = vector.extract_strided_slice %get3A_15 {offsets = [8], sizes = [1], strides = [1]} : vector<16xi32> to vector<1xi32>
      %squeeze3A_1071 = vector.extract %slice3A_1070[0] : i32 from vector<1xi32>
      %jit3A_1072 = arith.constant 128 : i32
      %div3A_1073 = arith.divsi %squeeze3A_1071, %jit3A_1072 : i32
      %sign3A_1074 = arith.constant 0 : i32
      %sign3A_1075 = arith.cmpi sgt, %squeeze3A_1071, %sign3A_1074 : i32
      %sign3A_1076 = arith.extui %sign3A_1075 : i1 to i32
      %sign3A_1077 = arith.constant 0 : i32
      %sign3A_1078 = arith.cmpi slt, %squeeze3A_1071, %sign3A_1077 : i32
      %sign3A_1079 = arith.extui %sign3A_1078 : i1 to i32
      %sign3A_1080 = arith.subi %sign3A_1076, %sign3A_1079 : i32
      %sign3A_1081 = arith.constant 0 : i32
      %sign3A_1082 = arith.cmpi sgt, %jit3A_1072, %sign3A_1081 : i32
      %sign3A_1083 = arith.extui %sign3A_1082 : i1 to i32
      %sign3A_1084 = arith.constant 0 : i32
      %sign3A_1085 = arith.cmpi slt, %jit3A_1072, %sign3A_1084 : i32
      %sign3A_1086 = arith.extui %sign3A_1085 : i1 to i32
      %sign3A_1087 = arith.subi %sign3A_1083, %sign3A_1086 : i32
      %ne3A_1088 = arith.cmpi ne, %sign3A_1080, %sign3A_1087 : i32
      %rem3A_1089 = arith.remsi %squeeze3A_1071, %jit3A_1072 : i32
      %ne3A_1090 = arith.constant 0 : i32
      %ne3A_1091 = arith.cmpi ne, %rem3A_1089, %ne3A_1090 : i32
      %and3A_1092 = arith.andi %ne3A_1088, %ne3A_1091 : i1
      %sub3A_1093 = arith.constant 1 : i32
      %sub3A_1094 = arith.subi %div3A_1073, %sub3A_1093 : i32
      %select_n3A_1095 = arith.select %and3A_1092, %sub3A_1094, %div3A_1073 : i32
      %mul3A_1096 = arith.constant 128 : i32
      %mul3A_1097 = arith.muli %select_n3A_1095, %mul3A_1096 : i32
      %sub3A_1098 = arith.subi %squeeze3A_1071, %mul3A_1097 : i32
      %broadcast_in_dim3A_1099 = vector.broadcast %sub3A_1098 : i32 to vector<16xi32>
      %mul3A_1100 = arith.constant 16 : i32
      %mul3A_1101 = arith.muli %scan3A_11, %mul3A_1100 : i32
      %add3A_1102 = arith.constant 8 : i32
      %add3A_1103 = arith.addi %mul3A_1101, %add3A_1102 : i32
      %broadcast_in_dim3A_1104 = vector.broadcast %add3A_1103 : i32 to vector<16xi32>
      %add3A_1105 = arith.constant 0 : i32
      %add3A_1106 = vector.broadcast %add3A_1105 : i32 to vector<16xi32>
      %add3A_1107 = arith.addi %add3A_1106, %iota3A : vector<16xi32>
      %gather3A_1108 = tpu.vector_load_idx %arg7[%add3A_1107, %broadcast_in_dim3A_1099] : memref<256x128xf32, #tpu.memory_space<vmem>>[vector<16xi32>, vector<16xi32>], vector<16xf32>,
      %add3A_1109 = arith.constant 0 : i32
      %add3A_1110 = vector.broadcast %add3A_1109 : i32 to vector<16xi32>
      %add3A_1111 = arith.addi %add3A_1110, %iota3A : vector<16xi32>
      tpu.vector_store_idx %arg6[%add3A_1111, %broadcast_in_dim3A_1104], %gather3A_1108 : memref<64x128xf32, #tpu.memory_space<vmem>>[vector<16xi32>, vector<16xi32>], vector<16xf32>,
      %add3A_1112 = arith.constant 16 : i32
      %add3A_1113 = vector.broadcast %add3A_1112 : i32 to vector<16xi32>
      %add3A_1114 = arith.addi %add3A_1113, %iota3A : vector<16xi32>
      %gather3A_1115 = tpu.vector_load_idx %arg7[%add3A_1114, %broadcast_in_dim3A_1099] : memref<256x128xf32, #tpu.memory_space<vmem>>[vector<16xi32>, vector<16xi32>], vector<16xf32>,
      %add3A_1116 = arith.constant 16 : i32
      %add3A_1117 = vector.broadcast %add3A_1116 : i32 to vector<16xi32>
      %add3A_1118 = arith.addi %add3A_1117, %iota3A : vector<16xi32>
      tpu.vector_store_idx %arg6[%add3A_1118, %broadcast_in_dim3A_1104], %gather3A_1115 : memref<64x128xf32, #tpu.memory_space<vmem>>[vector<16xi32>, vector<16xi32>], vector<16xf32>,
      %add3A_1119 = arith.constant 32 : i32
      %add3A_1120 = vector.broadcast %add3A_1119 : i32 to vector<16xi32>
      %add3A_1121 = arith.addi %add3A_1120, %iota3A : vector<16xi32>
      %gather3A_1122 = tpu.vector_load_idx %arg7[%add3A_1121, %broadcast_in_dim3A_1099] : memref<256x128xf32, #tpu.memory_space<vmem>>[vector<16xi32>, vector<16xi32>], vector<16xf32>,
      %add3A_1123 = arith.constant 32 : i32
      %add3A_1124 = vector.broadcast %add3A_1123 : i32 to vector<16xi32>
      %add3A_1125 = arith.addi %add3A_1124, %iota3A : vector<16xi32>
      tpu.vector_store_idx %arg6[%add3A_1125, %broadcast_in_dim3A_1104], %gather3A_1122 : memref<64x128xf32, #tpu.memory_space<vmem>>[vector<16xi32>, vector<16xi32>], vector<16xf32>,
      %add3A_1126 = arith.constant 48 : i32
      %add3A_1127 = vector.broadcast %add3A_1126 : i32 to vector<16xi32>
      %add3A_1128 = arith.addi %add3A_1127, %iota3A : vector<16xi32>
      %gather3A_1129 = tpu.vector_load_idx %arg7[%add3A_1128, %broadcast_in_dim3A_1099] : memref<256x128xf32, #tpu.memory_space<vmem>>[vector<16xi32>, vector<16xi32>], vector<16xf32>,
      %add3A_1130 = arith.constant 48 : i32
      %add3A_1131 = vector.broadcast %add3A_1130 : i32 to vector<16xi32>
      %add3A_1132 = arith.addi %add3A_1131, %iota3A : vector<16xi32>
      tpu.vector_store_idx %arg6[%add3A_1132, %broadcast_in_dim3A_1104], %gather3A_1129 : memref<64x128xf32, #tpu.memory_space<vmem>>[vector<16xi32>, vector<16xi32>], vector<16xf32>,
      %slice3A_1133 = vector.extract_strided_slice %get3A_15 {offsets = [12], sizes = [1], strides = [1]} : vector<16xi32> to vector<1xi32>
      %squeeze3A_1134 = vector.extract %slice3A_1133[0] : i32 from vector<1xi32>
      %jit3A_1135 = arith.constant 128 : i32
      %div3A_1136 = arith.divsi %squeeze3A_1134, %jit3A_1135 : i32
      %sign3A_1137 = arith.constant 0 : i32
      %sign3A_1138 = arith.cmpi sgt, %squeeze3A_1134, %sign3A_1137 : i32
      %sign3A_1139 = arith.extui %sign3A_1138 : i1 to i32
      %sign3A_1140 = arith.constant 0 : i32
      %sign3A_1141 = arith.cmpi slt, %squeeze3A_1134, %sign3A_1140 : i32
      %sign3A_1142 = arith.extui %sign3A_1141 : i1 to i32
      %sign3A_1143 = arith.subi %sign3A_1139, %sign3A_1142 : i32
      %sign3A_1144 = arith.constant 0 : i32
      %sign3A_1145 = arith.cmpi sgt, %jit3A_1135, %sign3A_1144 : i32
      %sign3A_1146 = arith.extui %sign3A_1145 : i1 to i32
      %sign3A_1147 = arith.constant 0 : i32
      %sign3A_1148 = arith.cmpi slt, %jit3A_1135, %sign3A_1147 : i32
      %sign3A_1149 = arith.extui %sign3A_1148 : i1 to i32
      %sign3A_1150 = arith.subi %sign3A_1146, %sign3A_1149 : i32
      %ne3A_1151 = arith.cmpi ne, %sign3A_1143, %sign3A_1150 : i32
      %rem3A_1152 = arith.remsi %squeeze3A_1134, %jit3A_1135 : i32
      %ne3A_1153 = arith.constant 0 : i32
      %ne3A_1154 = arith.cmpi ne, %rem3A_1152, %ne3A_1153 : i32
      %and3A_1155 = arith.andi %ne3A_1151, %ne3A_1154 : i1
      %sub3A_1156 = arith.constant 1 : i32
      %sub3A_1157 = arith.subi %div3A_1136, %sub3A_1156 : i32
      %select_n3A_1158 = arith.select %and3A_1155, %sub3A_1157, %div3A_1136 : i32
      %mul3A_1159 = arith.constant 128 : i32
      %mul3A_1160 = arith.muli %select_n3A_1158, %mul3A_1159 : i32
      %dma_start3A_1161 = arith.constant 0 : i32
      %dma_start3A_1162 = arith.constant 0 : i32
      %dma_start3A_1163 = tpu.memref_slice %arg7[%dma_start3A_1161, %dma_start3A_1162] : memref<256x128xf32, #tpu.memory_space<vmem>> -> memref<64x128xf32, #tpu.memory_space<vmem>>
      %dma_start3A_1164 = arith.constant 0 : i32
      %dma_start3A_1165 = tpu.memref_slice %arg3[%dma_start3A_1164, %mul3A_1160] : memref<64x1000000xf32, #tpu.memory_space<hbm>> -> memref<64x128xf32, #tpu.memory_space<hbm>>
      %dma_start3A_1166 = arith.constant 0 : i32
      %dma_start3A_1167 = arith.constant 0 : i32
      %dma_start3A_1168 = tpu.memref_slice %arg7[%dma_start3A_1166, %dma_start3A_1167] : memref<256x128xf32, #tpu.memory_space<vmem>> -> memref<64x128xf32, #tpu.memory_space<vmem>>
      %dma_start3A_1169 = arith.constant 0 : i32
      %dma_start3A_1170 = tpu.memref_slice %arg3[%dma_start3A_1169, %mul3A_1160] : memref<64x1000000xf32, #tpu.memory_space<hbm>> -> memref<64x128xf32, #tpu.memory_space<hbm>>
      tpu.enqueue_dma source(%dma_start3A_1170 : memref<64x128xf32, #tpu.memory_space<hbm>>) target(%dma_start3A_1168 : memref<64x128xf32, #tpu.memory_space<vmem>>) target_semaphore(%arg8 : memref<!tpu.dma_semaphore, #tpu.memory_space<semaphore_mem>>)
      %dma_wait3A_1171 = arith.constant 0 : i32
      %dma_wait3A_1172 = arith.constant 0 : i32
      %dma_wait3A_1173 = tpu.memref_slice %arg7[%dma_wait3A_1171, %dma_wait3A_1172] : memref<256x128xf32, #tpu.memory_space<vmem>> -> memref<64x128xf32, #tpu.memory_space<vmem>>
      %dma_wait3A_1174 = arith.constant 0 : i32
      %dma_wait3A_1175 = arith.constant 0 : i32
      %dma_wait3A_1176 = tpu.memref_slice %arg3[%dma_wait3A_1174, %dma_wait3A_1175] : memref<64x1000000xf32, #tpu.memory_space<hbm>> -> memref<64x128xf32, #tpu.memory_space<hbm>>
      %dma_wait3A_1177 = arith.constant 0 : i32
      %dma_wait3A_1178 = arith.constant 0 : i32
      %dma_wait3A_1179 = tpu.memref_slice %arg7[%dma_wait3A_1177, %dma_wait3A_1178] : memref<256x128xf32, #tpu.memory_space<vmem>> -> memref<64x128xf32, #tpu.memory_space<vmem>>
      %dma_wait3A_1180 = arith.constant 0 : i32
      %dma_wait3A_1181 = arith.constant 0 : i32
      %dma_wait3A_1182 = tpu.memref_slice %arg3[%dma_wait3A_1180, %dma_wait3A_1181] : memref<64x1000000xf32, #tpu.memory_space<hbm>> -> memref<64x128xf32, #tpu.memory_space<hbm>>
      tpu.wait_dma2 semaphore(%arg8 : memref<!tpu.dma_semaphore, #tpu.memory_space<semaphore_mem>>) src(%dma_wait3A_1182 : memref<64x128xf32, #tpu.memory_space<hbm>>) dst(%dma_wait3A_1179 : memref<64x128xf32, #tpu.memory_space<vmem>>)
      %slice3A_1183 = vector.extract_strided_slice %get3A_15 {offsets = [9], sizes = [1], strides = [1]} : vector<16xi32> to vector<1xi32>
      %squeeze3A_1184 = vector.extract %slice3A_1183[0] : i32 from vector<1xi32>
      %jit3A_1185 = arith.constant 128 : i32
      %div3A_1186 = arith.divsi %squeeze3A_1184, %jit3A_1185 : i32
      %sign3A_1187 = arith.constant 0 : i32
      %sign3A_1188 = arith.cmpi sgt, %squeeze3A_1184, %sign3A_1187 : i32
      %sign3A_1189 = arith.extui %sign3A_1188 : i1 to i32
      %sign3A_1190 = arith.constant 0 : i32
      %sign3A_1191 = arith.cmpi slt, %squeeze3A_1184, %sign3A_1190 : i32
      %sign3A_1192 = arith.extui %sign3A_1191 : i1 to i32
      %sign3A_1193 = arith.subi %sign3A_1189, %sign3A_1192 : i32
      %sign3A_1194 = arith.constant 0 : i32
      %sign3A_1195 = arith.cmpi sgt, %jit3A_1185, %sign3A_1194 : i32
      %sign3A_1196 = arith.extui %sign3A_1195 : i1 to i32
      %sign3A_1197 = arith.constant 0 : i32
      %sign3A_1198 = arith.cmpi slt, %jit3A_1185, %sign3A_1197 : i32
      %sign3A_1199 = arith.extui %sign3A_1198 : i1 to i32
      %sign3A_1200 = arith.subi %sign3A_1196, %sign3A_1199 : i32
      %ne3A_1201 = arith.cmpi ne, %sign3A_1193, %sign3A_1200 : i32
      %rem3A_1202 = arith.remsi %squeeze3A_1184, %jit3A_1185 : i32
      %ne3A_1203 = arith.constant 0 : i32
      %ne3A_1204 = arith.cmpi ne, %rem3A_1202, %ne3A_1203 : i32
      %and3A_1205 = arith.andi %ne3A_1201, %ne3A_1204 : i1
      %sub3A_1206 = arith.constant 1 : i32
      %sub3A_1207 = arith.subi %div3A_1186, %sub3A_1206 : i32
      %select_n3A_1208 = arith.select %and3A_1205, %sub3A_1207, %div3A_1186 : i32
      %mul3A_1209 = arith.constant 128 : i32
      %mul3A_1210 = arith.muli %select_n3A_1208, %mul3A_1209 : i32
      %sub3A_1211 = arith.subi %squeeze3A_1184, %mul3A_1210 : i32
      %broadcast_in_dim3A_1212 = vector.broadcast %sub3A_1211 : i32 to vector<16xi32>
      %mul3A_1213 = arith.constant 16 : i32
      %mul3A_1214 = arith.muli %scan3A_11, %mul3A_1213 : i32
      %add3A_1215 = arith.constant 9 : i32
      %add3A_1216 = arith.addi %mul3A_1214, %add3A_1215 : i32
      %broadcast_in_dim3A_1217 = vector.broadcast %add3A_1216 : i32 to vector<16xi32>
      %add3A_1218 = arith.constant 64 : i32
      %add3A_1219 = vector.broadcast %add3A_1218 : i32 to vector<16xi32>
      %add3A_1220 = arith.addi %add3A_1219, %iota3A : vector<16xi32>
      %gather3A_1221 = tpu.vector_load_idx %arg7[%add3A_1220, %broadcast_in_dim3A_1212] : memref<256x128xf32, #tpu.memory_space<vmem>>[vector<16xi32>, vector<16xi32>], vector<16xf32>,
      %add3A_1222 = arith.constant 0 : i32
      %add3A_1223 = vector.broadcast %add3A_1222 : i32 to vector<16xi32>
      %add3A_1224 = arith.addi %add3A_1223, %iota3A : vector<16xi32>
      tpu.vector_store_idx %arg6[%add3A_1224, %broadcast_in_dim3A_1217], %gather3A_1221 : memref<64x128xf32, #tpu.memory_space<vmem>>[vector<16xi32>, vector<16xi32>], vector<16xf32>,
      %add3A_1225 = arith.constant 80 : i32
      %add3A_1226 = vector.broadcast %add3A_1225 : i32 to vector<16xi32>
      %add3A_1227 = arith.addi %add3A_1226, %iota3A : vector<16xi32>
      %gather3A_1228 = tpu.vector_load_idx %arg7[%add3A_1227, %broadcast_in_dim3A_1212] : memref<256x128xf32, #tpu.memory_space<vmem>>[vector<16xi32>, vector<16xi32>], vector<16xf32>,
      %add3A_1229 = arith.constant 16 : i32
      %add3A_1230 = vector.broadcast %add3A_1229 : i32 to vector<16xi32>
      %add3A_1231 = arith.addi %add3A_1230, %iota3A : vector<16xi32>
      tpu.vector_store_idx %arg6[%add3A_1231, %broadcast_in_dim3A_1217], %gather3A_1228 : memref<64x128xf32, #tpu.memory_space<vmem>>[vector<16xi32>, vector<16xi32>], vector<16xf32>,
      %add3A_1232 = arith.constant 96 : i32
      %add3A_1233 = vector.broadcast %add3A_1232 : i32 to vector<16xi32>
      %add3A_1234 = arith.addi %add3A_1233, %iota3A : vector<16xi32>
      %gather3A_1235 = tpu.vector_load_idx %arg7[%add3A_1234, %broadcast_in_dim3A_1212] : memref<256x128xf32, #tpu.memory_space<vmem>>[vector<16xi32>, vector<16xi32>], vector<16xf32>,
      %add3A_1236 = arith.constant 32 : i32
      %add3A_1237 = vector.broadcast %add3A_1236 : i32 to vector<16xi32>
      %add3A_1238 = arith.addi %add3A_1237, %iota3A : vector<16xi32>
      tpu.vector_store_idx %arg6[%add3A_1238, %broadcast_in_dim3A_1217], %gather3A_1235 : memref<64x128xf32, #tpu.memory_space<vmem>>[vector<16xi32>, vector<16xi32>], vector<16xf32>,
      %add3A_1239 = arith.constant 112 : i32
      %add3A_1240 = vector.broadcast %add3A_1239 : i32 to vector<16xi32>
      %add3A_1241 = arith.addi %add3A_1240, %iota3A : vector<16xi32>
      %gather3A_1242 = tpu.vector_load_idx %arg7[%add3A_1241, %broadcast_in_dim3A_1212] : memref<256x128xf32, #tpu.memory_space<vmem>>[vector<16xi32>, vector<16xi32>], vector<16xf32>,
      %add3A_1243 = arith.constant 48 : i32
      %add3A_1244 = vector.broadcast %add3A_1243 : i32 to vector<16xi32>
      %add3A_1245 = arith.addi %add3A_1244, %iota3A : vector<16xi32>
      tpu.vector_store_idx %arg6[%add3A_1245, %broadcast_in_dim3A_1217], %gather3A_1242 : memref<64x128xf32, #tpu.memory_space<vmem>>[vector<16xi32>, vector<16xi32>], vector<16xf32>,
      %slice3A_1246 = vector.extract_strided_slice %get3A_15 {offsets = [13], sizes = [1], strides = [1]} : vector<16xi32> to vector<1xi32>
      %squeeze3A_1247 = vector.extract %slice3A_1246[0] : i32 from vector<1xi32>
      %jit3A_1248 = arith.constant 128 : i32
      %div3A_1249 = arith.divsi %squeeze3A_1247, %jit3A_1248 : i32
      %sign3A_1250 = arith.constant 0 : i32
      %sign3A_1251 = arith.cmpi sgt, %squeeze3A_1247, %sign3A_1250 : i32
      %sign3A_1252 = arith.extui %sign3A_1251 : i1 to i32
      %sign3A_1253 = arith.constant 0 : i32
      %sign3A_1254 = arith.cmpi slt, %squeeze3A_1247, %sign3A_1253 : i32
      %sign3A_1255 = arith.extui %sign3A_1254 : i1 to i32
      %sign3A_1256 = arith.subi %sign3A_1252, %sign3A_1255 : i32
      %sign3A_1257 = arith.constant 0 : i32
      %sign3A_1258 = arith.cmpi sgt, %jit3A_1248, %sign3A_1257 : i32
      %sign3A_1259 = arith.extui %sign3A_1258 : i1 to i32
      %sign3A_1260 = arith.constant 0 : i32
      %sign3A_1261 = arith.cmpi slt, %jit3A_1248, %sign3A_1260 : i32
      %sign3A_1262 = arith.extui %sign3A_1261 : i1 to i32
      %sign3A_1263 = arith.subi %sign3A_1259, %sign3A_1262 : i32
      %ne3A_1264 = arith.cmpi ne, %sign3A_1256, %sign3A_1263 : i32
      %rem3A_1265 = arith.remsi %squeeze3A_1247, %jit3A_1248 : i32
      %ne3A_1266 = arith.constant 0 : i32
      %ne3A_1267 = arith.cmpi ne, %rem3A_1265, %ne3A_1266 : i32
      %and3A_1268 = arith.andi %ne3A_1264, %ne3A_1267 : i1
      %sub3A_1269 = arith.constant 1 : i32
      %sub3A_1270 = arith.subi %div3A_1249, %sub3A_1269 : i32
      %select_n3A_1271 = arith.select %and3A_1268, %sub3A_1270, %div3A_1249 : i32
      %mul3A_1272 = arith.constant 128 : i32
      %mul3A_1273 = arith.muli %select_n3A_1271, %mul3A_1272 : i32
      %dma_start3A_1274 = arith.constant 64 : i32
      %dma_start3A_1275 = arith.constant 0 : i32
      %dma_start3A_1276 = tpu.memref_slice %arg7[%dma_start3A_1274, %dma_start3A_1275] : memref<256x128xf32, #tpu.memory_space<vmem>> -> memref<64x128xf32, #tpu.memory_space<vmem>>
      %dma_start3A_1277 = arith.constant 0 : i32
      %dma_start3A_1278 = tpu.memref_slice %arg3[%dma_start3A_1277, %mul3A_1273] : memref<64x1000000xf32, #tpu.memory_space<hbm>> -> memref<64x128xf32, #tpu.memory_space<hbm>>
      %dma_start3A_1279 = arith.constant 64 : i32
      %dma_start3A_1280 = arith.constant 0 : i32
      %dma_start3A_1281 = tpu.memref_slice %arg7[%dma_start3A_1279, %dma_start3A_1280] : memref<256x128xf32, #tpu.memory_space<vmem>> -> memref<64x128xf32, #tpu.memory_space<vmem>>
      %dma_start3A_1282 = arith.constant 0 : i32
      %dma_start3A_1283 = tpu.memref_slice %arg3[%dma_start3A_1282, %mul3A_1273] : memref<64x1000000xf32, #tpu.memory_space<hbm>> -> memref<64x128xf32, #tpu.memory_space<hbm>>
      tpu.enqueue_dma source(%dma_start3A_1283 : memref<64x128xf32, #tpu.memory_space<hbm>>) target(%dma_start3A_1281 : memref<64x128xf32, #tpu.memory_space<vmem>>) target_semaphore(%arg8 : memref<!tpu.dma_semaphore, #tpu.memory_space<semaphore_mem>>)
      %dma_wait3A_1284 = arith.constant 0 : i32
      %dma_wait3A_1285 = arith.constant 0 : i32
      %dma_wait3A_1286 = tpu.memref_slice %arg7[%dma_wait3A_1284, %dma_wait3A_1285] : memref<256x128xf32, #tpu.memory_space<vmem>> -> memref<64x128xf32, #tpu.memory_space<vmem>>
      %dma_wait3A_1287 = arith.constant 0 : i32
      %dma_wait3A_1288 = arith.constant 0 : i32
      %dma_wait3A_1289 = tpu.memref_slice %arg3[%dma_wait3A_1287, %dma_wait3A_1288] : memref<64x1000000xf32, #tpu.memory_space<hbm>> -> memref<64x128xf32, #tpu.memory_space<hbm>>
      %dma_wait3A_1290 = arith.constant 0 : i32
      %dma_wait3A_1291 = arith.constant 0 : i32
      %dma_wait3A_1292 = tpu.memref_slice %arg7[%dma_wait3A_1290, %dma_wait3A_1291] : memref<256x128xf32, #tpu.memory_space<vmem>> -> memref<64x128xf32, #tpu.memory_space<vmem>>
      %dma_wait3A_1293 = arith.constant 0 : i32
      %dma_wait3A_1294 = arith.constant 0 : i32
      %dma_wait3A_1295 = tpu.memref_slice %arg3[%dma_wait3A_1293, %dma_wait3A_1294] : memref<64x1000000xf32, #tpu.memory_space<hbm>> -> memref<64x128xf32, #tpu.memory_space<hbm>>
      tpu.wait_dma2 semaphore(%arg8 : memref<!tpu.dma_semaphore, #tpu.memory_space<semaphore_mem>>) src(%dma_wait3A_1295 : memref<64x128xf32, #tpu.memory_space<hbm>>) dst(%dma_wait3A_1292 : memref<64x128xf32, #tpu.memory_space<vmem>>)
      %slice3A_1296 = vector.extract_strided_slice %get3A_15 {offsets = [10], sizes = [1], strides = [1]} : vector<16xi32> to vector<1xi32>
      %squeeze3A_1297 = vector.extract %slice3A_1296[0] : i32 from vector<1xi32>
      %jit3A_1298 = arith.constant 128 : i32
      %div3A_1299 = arith.divsi %squeeze3A_1297, %jit3A_1298 : i32
      %sign3A_1300 = arith.constant 0 : i32
      %sign3A_1301 = arith.cmpi sgt, %squeeze3A_1297, %sign3A_1300 : i32
      %sign3A_1302 = arith.extui %sign3A_1301 : i1 to i32
      %sign3A_1303 = arith.constant 0 : i32
      %sign3A_1304 = arith.cmpi slt, %squeeze3A_1297, %sign3A_1303 : i32
      %sign3A_1305 = arith.extui %sign3A_1304 : i1 to i32
      %sign3A_1306 = arith.subi %sign3A_1302, %sign3A_1305 : i32
      %sign3A_1307 = arith.constant 0 : i32
      %sign3A_1308 = arith.cmpi sgt, %jit3A_1298, %sign3A_1307 : i32
      %sign3A_1309 = arith.extui %sign3A_1308 : i1 to i32
      %sign3A_1310 = arith.constant 0 : i32
      %sign3A_1311 = arith.cmpi slt, %jit3A_1298, %sign3A_1310 : i32
      %sign3A_1312 = arith.extui %sign3A_1311 : i1 to i32
      %sign3A_1313 = arith.subi %sign3A_1309, %sign3A_1312 : i32
      %ne3A_1314 = arith.cmpi ne, %sign3A_1306, %sign3A_1313 : i32
      %rem3A_1315 = arith.remsi %squeeze3A_1297, %jit3A_1298 : i32
      %ne3A_1316 = arith.constant 0 : i32
      %ne3A_1317 = arith.cmpi ne, %rem3A_1315, %ne3A_1316 : i32
      %and3A_1318 = arith.andi %ne3A_1314, %ne3A_1317 : i1
      %sub3A_1319 = arith.constant 1 : i32
      %sub3A_1320 = arith.subi %div3A_1299, %sub3A_1319 : i32
      %select_n3A_1321 = arith.select %and3A_1318, %sub3A_1320, %div3A_1299 : i32
      %mul3A_1322 = arith.constant 128 : i32
      %mul3A_1323 = arith.muli %select_n3A_1321, %mul3A_1322 : i32
      %sub3A_1324 = arith.subi %squeeze3A_1297, %mul3A_1323 : i32
      %broadcast_in_dim3A_1325 = vector.broadcast %sub3A_1324 : i32 to vector<16xi32>
      %mul3A_1326 = arith.constant 16 : i32
      %mul3A_1327 = arith.muli %scan3A_11, %mul3A_1326 : i32
      %add3A_1328 = arith.constant 10 : i32
      %add3A_1329 = arith.addi %mul3A_1327, %add3A_1328 : i32
      %broadcast_in_dim3A_1330 = vector.broadcast %add3A_1329 : i32 to vector<16xi32>
      %add3A_1331 = arith.constant 128 : i32
      %add3A_1332 = vector.broadcast %add3A_1331 : i32 to vector<16xi32>
      %add3A_1333 = arith.addi %add3A_1332, %iota3A : vector<16xi32>
      %gather3A_1334 = tpu.vector_load_idx %arg7[%add3A_1333, %broadcast_in_dim3A_1325] : memref<256x128xf32, #tpu.memory_space<vmem>>[vector<16xi32>, vector<16xi32>], vector<16xf32>,
      %add3A_1335 = arith.constant 0 : i32
      %add3A_1336 = vector.broadcast %add3A_1335 : i32 to vector<16xi32>
      %add3A_1337 = arith.addi %add3A_1336, %iota3A : vector<16xi32>
      tpu.vector_store_idx %arg6[%add3A_1337, %broadcast_in_dim3A_1330], %gather3A_1334 : memref<64x128xf32, #tpu.memory_space<vmem>>[vector<16xi32>, vector<16xi32>], vector<16xf32>,
      %add3A_1338 = arith.constant 144 : i32
      %add3A_1339 = vector.broadcast %add3A_1338 : i32 to vector<16xi32>
      %add3A_1340 = arith.addi %add3A_1339, %iota3A : vector<16xi32>
      %gather3A_1341 = tpu.vector_load_idx %arg7[%add3A_1340, %broadcast_in_dim3A_1325] : memref<256x128xf32, #tpu.memory_space<vmem>>[vector<16xi32>, vector<16xi32>], vector<16xf32>,
      %add3A_1342 = arith.constant 16 : i32
      %add3A_1343 = vector.broadcast %add3A_1342 : i32 to vector<16xi32>
      %add3A_1344 = arith.addi %add3A_1343, %iota3A : vector<16xi32>
      tpu.vector_store_idx %arg6[%add3A_1344, %broadcast_in_dim3A_1330], %gather3A_1341 : memref<64x128xf32, #tpu.memory_space<vmem>>[vector<16xi32>, vector<16xi32>], vector<16xf32>,
      %add3A_1345 = arith.constant 160 : i32
      %add3A_1346 = vector.broadcast %add3A_1345 : i32 to vector<16xi32>
      %add3A_1347 = arith.addi %add3A_1346, %iota3A : vector<16xi32>
      %gather3A_1348 = tpu.vector_load_idx %arg7[%add3A_1347, %broadcast_in_dim3A_1325] : memref<256x128xf32, #tpu.memory_space<vmem>>[vector<16xi32>, vector<16xi32>], vector<16xf32>,
      %add3A_1349 = arith.constant 32 : i32
      %add3A_1350 = vector.broadcast %add3A_1349 : i32 to vector<16xi32>
      %add3A_1351 = arith.addi %add3A_1350, %iota3A : vector<16xi32>
      tpu.vector_store_idx %arg6[%add3A_1351, %broadcast_in_dim3A_1330], %gather3A_1348 : memref<64x128xf32, #tpu.memory_space<vmem>>[vector<16xi32>, vector<16xi32>], vector<16xf32>,
      %add3A_1352 = arith.constant 176 : i32
      %add3A_1353 = vector.broadcast %add3A_1352 : i32 to vector<16xi32>
      %add3A_1354 = arith.addi %add3A_1353, %iota3A : vector<16xi32>
      %gather3A_1355 = tpu.vector_load_idx %arg7[%add3A_1354, %broadcast_in_dim3A_1325] : memref<256x128xf32, #tpu.memory_space<vmem>>[vector<16xi32>, vector<16xi32>], vector<16xf32>,
      %add3A_1356 = arith.constant 48 : i32
      %add3A_1357 = vector.broadcast %add3A_1356 : i32 to vector<16xi32>
      %add3A_1358 = arith.addi %add3A_1357, %iota3A : vector<16xi32>
      tpu.vector_store_idx %arg6[%add3A_1358, %broadcast_in_dim3A_1330], %gather3A_1355 : memref<64x128xf32, #tpu.memory_space<vmem>>[vector<16xi32>, vector<16xi32>], vector<16xf32>,
      %slice3A_1359 = vector.extract_strided_slice %get3A_15 {offsets = [14], sizes = [1], strides = [1]} : vector<16xi32> to vector<1xi32>
      %squeeze3A_1360 = vector.extract %slice3A_1359[0] : i32 from vector<1xi32>
      %jit3A_1361 = arith.constant 128 : i32
      %div3A_1362 = arith.divsi %squeeze3A_1360, %jit3A_1361 : i32
      %sign3A_1363 = arith.constant 0 : i32
      %sign3A_1364 = arith.cmpi sgt, %squeeze3A_1360, %sign3A_1363 : i32
      %sign3A_1365 = arith.extui %sign3A_1364 : i1 to i32
      %sign3A_1366 = arith.constant 0 : i32
      %sign3A_1367 = arith.cmpi slt, %squeeze3A_1360, %sign3A_1366 : i32
      %sign3A_1368 = arith.extui %sign3A_1367 : i1 to i32
      %sign3A_1369 = arith.subi %sign3A_1365, %sign3A_1368 : i32
      %sign3A_1370 = arith.constant 0 : i32
      %sign3A_1371 = arith.cmpi sgt, %jit3A_1361, %sign3A_1370 : i32
      %sign3A_1372 = arith.extui %sign3A_1371 : i1 to i32
      %sign3A_1373 = arith.constant 0 : i32
      %sign3A_1374 = arith.cmpi slt, %jit3A_1361, %sign3A_1373 : i32
      %sign3A_1375 = arith.extui %sign3A_1374 : i1 to i32
      %sign3A_1376 = arith.subi %sign3A_1372, %sign3A_1375 : i32
      %ne3A_1377 = arith.cmpi ne, %sign3A_1369, %sign3A_1376 : i32
      %rem3A_1378 = arith.remsi %squeeze3A_1360, %jit3A_1361 : i32
      %ne3A_1379 = arith.constant 0 : i32
      %ne3A_1380 = arith.cmpi ne, %rem3A_1378, %ne3A_1379 : i32
      %and3A_1381 = arith.andi %ne3A_1377, %ne3A_1380 : i1
      %sub3A_1382 = arith.constant 1 : i32
      %sub3A_1383 = arith.subi %div3A_1362, %sub3A_1382 : i32
      %select_n3A_1384 = arith.select %and3A_1381, %sub3A_1383, %div3A_1362 : i32
      %mul3A_1385 = arith.constant 128 : i32
      %mul3A_1386 = arith.muli %select_n3A_1384, %mul3A_1385 : i32
      %dma_start3A_1387 = arith.constant 128 : i32
      %dma_start3A_1388 = arith.constant 0 : i32
      %dma_start3A_1389 = tpu.memref_slice %arg7[%dma_start3A_1387, %dma_start3A_1388] : memref<256x128xf32, #tpu.memory_space<vmem>> -> memref<64x128xf32, #tpu.memory_space<vmem>>
      %dma_start3A_1390 = arith.constant 0 : i32
      %dma_start3A_1391 = tpu.memref_slice %arg3[%dma_start3A_1390, %mul3A_1386] : memref<64x1000000xf32, #tpu.memory_space<hbm>> -> memref<64x128xf32, #tpu.memory_space<hbm>>
      %dma_start3A_1392 = arith.constant 128 : i32
      %dma_start3A_1393 = arith.constant 0 : i32
      %dma_start3A_1394 = tpu.memref_slice %arg7[%dma_start3A_1392, %dma_start3A_1393] : memref<256x128xf32, #tpu.memory_space<vmem>> -> memref<64x128xf32, #tpu.memory_space<vmem>>
      %dma_start3A_1395 = arith.constant 0 : i32
      %dma_start3A_1396 = tpu.memref_slice %arg3[%dma_start3A_1395, %mul3A_1386] : memref<64x1000000xf32, #tpu.memory_space<hbm>> -> memref<64x128xf32, #tpu.memory_space<hbm>>
      tpu.enqueue_dma source(%dma_start3A_1396 : memref<64x128xf32, #tpu.memory_space<hbm>>) target(%dma_start3A_1394 : memref<64x128xf32, #tpu.memory_space<vmem>>) target_semaphore(%arg8 : memref<!tpu.dma_semaphore, #tpu.memory_space<semaphore_mem>>)
      %dma_wait3A_1397 = arith.constant 0 : i32
      %dma_wait3A_1398 = arith.constant 0 : i32
      %dma_wait3A_1399 = tpu.memref_slice %arg7[%dma_wait3A_1397, %dma_wait3A_1398] : memref<256x128xf32, #tpu.memory_space<vmem>> -> memref<64x128xf32, #tpu.memory_space<vmem>>
      %dma_wait3A_1400 = arith.constant 0 : i32
      %dma_wait3A_1401 = arith.constant 0 : i32
      %dma_wait3A_1402 = tpu.memref_slice %arg3[%dma_wait3A_1400, %dma_wait3A_1401] : memref<64x1000000xf32, #tpu.memory_space<hbm>> -> memref<64x128xf32, #tpu.memory_space<hbm>>
      %dma_wait3A_1403 = arith.constant 0 : i32
      %dma_wait3A_1404 = arith.constant 0 : i32
      %dma_wait3A_1405 = tpu.memref_slice %arg7[%dma_wait3A_1403, %dma_wait3A_1404] : memref<256x128xf32, #tpu.memory_space<vmem>> -> memref<64x128xf32, #tpu.memory_space<vmem>>
      %dma_wait3A_1406 = arith.constant 0 : i32
      %dma_wait3A_1407 = arith.constant 0 : i32
      %dma_wait3A_1408 = tpu.memref_slice %arg3[%dma_wait3A_1406, %dma_wait3A_1407] : memref<64x1000000xf32, #tpu.memory_space<hbm>> -> memref<64x128xf32, #tpu.memory_space<hbm>>
      tpu.wait_dma2 semaphore(%arg8 : memref<!tpu.dma_semaphore, #tpu.memory_space<semaphore_mem>>) src(%dma_wait3A_1408 : memref<64x128xf32, #tpu.memory_space<hbm>>) dst(%dma_wait3A_1405 : memref<64x128xf32, #tpu.memory_space<vmem>>)
      %slice3A_1409 = vector.extract_strided_slice %get3A_15 {offsets = [11], sizes = [1], strides = [1]} : vector<16xi32> to vector<1xi32>
      %squeeze3A_1410 = vector.extract %slice3A_1409[0] : i32 from vector<1xi32>
      %jit3A_1411 = arith.constant 128 : i32
      %div3A_1412 = arith.divsi %squeeze3A_1410, %jit3A_1411 : i32
      %sign3A_1413 = arith.constant 0 : i32
      %sign3A_1414 = arith.cmpi sgt, %squeeze3A_1410, %sign3A_1413 : i32
      %sign3A_1415 = arith.extui %sign3A_1414 : i1 to i32
      %sign3A_1416 = arith.constant 0 : i32
      %sign3A_1417 = arith.cmpi slt, %squeeze3A_1410, %sign3A_1416 : i32
      %sign3A_1418 = arith.extui %sign3A_1417 : i1 to i32
      %sign3A_1419 = arith.subi %sign3A_1415, %sign3A_1418 : i32
      %sign3A_1420 = arith.constant 0 : i32
      %sign3A_1421 = arith.cmpi sgt, %jit3A_1411, %sign3A_1420 : i32
      %sign3A_1422 = arith.extui %sign3A_1421 : i1 to i32
      %sign3A_1423 = arith.constant 0 : i32
      %sign3A_1424 = arith.cmpi slt, %jit3A_1411, %sign3A_1423 : i32
      %sign3A_1425 = arith.extui %sign3A_1424 : i1 to i32
      %sign3A_1426 = arith.subi %sign3A_1422, %sign3A_1425 : i32
      %ne3A_1427 = arith.cmpi ne, %sign3A_1419, %sign3A_1426 : i32
      %rem3A_1428 = arith.remsi %squeeze3A_1410, %jit3A_1411 : i32
      %ne3A_1429 = arith.constant 0 : i32
      %ne3A_1430 = arith.cmpi ne, %rem3A_1428, %ne3A_1429 : i32
      %and3A_1431 = arith.andi %ne3A_1427, %ne3A_1430 : i1
      %sub3A_1432 = arith.constant 1 : i32
      %sub3A_1433 = arith.subi %div3A_1412, %sub3A_1432 : i32
      %select_n3A_1434 = arith.select %and3A_1431, %sub3A_1433, %div3A_1412 : i32
      %mul3A_1435 = arith.constant 128 : i32
      %mul3A_1436 = arith.muli %select_n3A_1434, %mul3A_1435 : i32
      %sub3A_1437 = arith.subi %squeeze3A_1410, %mul3A_1436 : i32
      %broadcast_in_dim3A_1438 = vector.broadcast %sub3A_1437 : i32 to vector<16xi32>
      %mul3A_1439 = arith.constant 16 : i32
      %mul3A_1440 = arith.muli %scan3A_11, %mul3A_1439 : i32
      %add3A_1441 = arith.constant 11 : i32
      %add3A_1442 = arith.addi %mul3A_1440, %add3A_1441 : i32
      %broadcast_in_dim3A_1443 = vector.broadcast %add3A_1442 : i32 to vector<16xi32>
      %add3A_1444 = arith.constant 192 : i32
      %add3A_1445 = vector.broadcast %add3A_1444 : i32 to vector<16xi32>
      %add3A_1446 = arith.addi %add3A_1445, %iota3A : vector<16xi32>
      %gather3A_1447 = tpu.vector_load_idx %arg7[%add3A_1446, %broadcast_in_dim3A_1438] : memref<256x128xf32, #tpu.memory_space<vmem>>[vector<16xi32>, vector<16xi32>], vector<16xf32>,
      %add3A_1448 = arith.constant 0 : i32
      %add3A_1449 = vector.broadcast %add3A_1448 : i32 to vector<16xi32>
      %add3A_1450 = arith.addi %add3A_1449, %iota3A : vector<16xi32>
      tpu.vector_store_idx %arg6[%add3A_1450, %broadcast_in_dim3A_1443], %gather3A_1447 : memref<64x128xf32, #tpu.memory_space<vmem>>[vector<16xi32>, vector<16xi32>], vector<16xf32>,
      %add3A_1451 = arith.constant 208 : i32
      %add3A_1452 = vector.broadcast %add3A_1451 : i32 to vector<16xi32>
      %add3A_1453 = arith.addi %add3A_1452, %iota3A : vector<16xi32>
      %gather3A_1454 = tpu.vector_load_idx %arg7[%add3A_1453, %broadcast_in_dim3A_1438] : memref<256x128xf32, #tpu.memory_space<vmem>>[vector<16xi32>, vector<16xi32>], vector<16xf32>,
      %add3A_1455 = arith.constant 16 : i32
      %add3A_1456 = vector.broadcast %add3A_1455 : i32 to vector<16xi32>
      %add3A_1457 = arith.addi %add3A_1456, %iota3A : vector<16xi32>
      tpu.vector_store_idx %arg6[%add3A_1457, %broadcast_in_dim3A_1443], %gather3A_1454 : memref<64x128xf32, #tpu.memory_space<vmem>>[vector<16xi32>, vector<16xi32>], vector<16xf32>,
      %add3A_1458 = arith.constant 224 : i32
      %add3A_1459 = vector.broadcast %add3A_1458 : i32 to vector<16xi32>
      %add3A_1460 = arith.addi %add3A_1459, %iota3A : vector<16xi32>
      %gather3A_1461 = tpu.vector_load_idx %arg7[%add3A_1460, %broadcast_in_dim3A_1438] : memref<256x128xf32, #tpu.memory_space<vmem>>[vector<16xi32>, vector<16xi32>], vector<16xf32>,
      %add3A_1462 = arith.constant 32 : i32
      %add3A_1463 = vector.broadcast %add3A_1462 : i32 to vector<16xi32>
      %add3A_1464 = arith.addi %add3A_1463, %iota3A : vector<16xi32>
      tpu.vector_store_idx %arg6[%add3A_1464, %broadcast_in_dim3A_1443], %gather3A_1461 : memref<64x128xf32, #tpu.memory_space<vmem>>[vector<16xi32>, vector<16xi32>], vector<16xf32>,
      %add3A_1465 = arith.constant 240 : i32
      %add3A_1466 = vector.broadcast %add3A_1465 : i32 to vector<16xi32>
      %add3A_1467 = arith.addi %add3A_1466, %iota3A : vector<16xi32>
      %gather3A_1468 = tpu.vector_load_idx %arg7[%add3A_1467, %broadcast_in_dim3A_1438] : memref<256x128xf32, #tpu.memory_space<vmem>>[vector<16xi32>, vector<16xi32>], vector<16xf32>,
      %add3A_1469 = arith.constant 48 : i32
      %add3A_1470 = vector.broadcast %add3A_1469 : i32 to vector<16xi32>
      %add3A_1471 = arith.addi %add3A_1470, %iota3A : vector<16xi32>
      tpu.vector_store_idx %arg6[%add3A_1471, %broadcast_in_dim3A_1443], %gather3A_1468 : memref<64x128xf32, #tpu.memory_space<vmem>>[vector<16xi32>, vector<16xi32>], vector<16xf32>,
      %slice3A_1472 = vector.extract_strided_slice %get3A_15 {offsets = [15], sizes = [1], strides = [1]} : vector<16xi32> to vector<1xi32>
      %squeeze3A_1473 = vector.extract %slice3A_1472[0] : i32 from vector<1xi32>
      %jit3A_1474 = arith.constant 128 : i32
      %div3A_1475 = arith.divsi %squeeze3A_1473, %jit3A_1474 : i32
      %sign3A_1476 = arith.constant 0 : i32
      %sign3A_1477 = arith.cmpi sgt, %squeeze3A_1473, %sign3A_1476 : i32
      %sign3A_1478 = arith.extui %sign3A_1477 : i1 to i32
      %sign3A_1479 = arith.constant 0 : i32
      %sign3A_1480 = arith.cmpi slt, %squeeze3A_1473, %sign3A_1479 : i32
      %sign3A_1481 = arith.extui %sign3A_1480 : i1 to i32
      %sign3A_1482 = arith.subi %sign3A_1478, %sign3A_1481 : i32
      %sign3A_1483 = arith.constant 0 : i32
      %sign3A_1484 = arith.cmpi sgt, %jit3A_1474, %sign3A_1483 : i32
      %sign3A_1485 = arith.extui %sign3A_1484 : i1 to i32
      %sign3A_1486 = arith.constant 0 : i32
      %sign3A_1487 = arith.cmpi slt, %jit3A_1474, %sign3A_1486 : i32
      %sign3A_1488 = arith.extui %sign3A_1487 : i1 to i32
      %sign3A_1489 = arith.subi %sign3A_1485, %sign3A_1488 : i32
      %ne3A_1490 = arith.cmpi ne, %sign3A_1482, %sign3A_1489 : i32
      %rem3A_1491 = arith.remsi %squeeze3A_1473, %jit3A_1474 : i32
      %ne3A_1492 = arith.constant 0 : i32
      %ne3A_1493 = arith.cmpi ne, %rem3A_1491, %ne3A_1492 : i32
      %and3A_1494 = arith.andi %ne3A_1490, %ne3A_1493 : i1
      %sub3A_1495 = arith.constant 1 : i32
      %sub3A_1496 = arith.subi %div3A_1475, %sub3A_1495 : i32
      %select_n3A_1497 = arith.select %and3A_1494, %sub3A_1496, %div3A_1475 : i32
      %mul3A_1498 = arith.constant 128 : i32
      %mul3A_1499 = arith.muli %select_n3A_1497, %mul3A_1498 : i32
      %dma_start3A_1500 = arith.constant 192 : i32
      %dma_start3A_1501 = arith.constant 0 : i32
      %dma_start3A_1502 = tpu.memref_slice %arg7[%dma_start3A_1500, %dma_start3A_1501] : memref<256x128xf32, #tpu.memory_space<vmem>> -> memref<64x128xf32, #tpu.memory_space<vmem>>
      %dma_start3A_1503 = arith.constant 0 : i32
      %dma_start3A_1504 = tpu.memref_slice %arg3[%dma_start3A_1503, %mul3A_1499] : memref<64x1000000xf32, #tpu.memory_space<hbm>> -> memref<64x128xf32, #tpu.memory_space<hbm>>
      %dma_start3A_1505 = arith.constant 192 : i32
      %dma_start3A_1506 = arith.constant 0 : i32
      %dma_start3A_1507 = tpu.memref_slice %arg7[%dma_start3A_1505, %dma_start3A_1506] : memref<256x128xf32, #tpu.memory_space<vmem>> -> memref<64x128xf32, #tpu.memory_space<vmem>>
      %dma_start3A_1508 = arith.constant 0 : i32
      %dma_start3A_1509 = tpu.memref_slice %arg3[%dma_start3A_1508, %mul3A_1499] : memref<64x1000000xf32, #tpu.memory_space<hbm>> -> memref<64x128xf32, #tpu.memory_space<hbm>>
      tpu.enqueue_dma source(%dma_start3A_1509 : memref<64x128xf32, #tpu.memory_space<hbm>>) target(%dma_start3A_1507 : memref<64x128xf32, #tpu.memory_space<vmem>>) target_semaphore(%arg8 : memref<!tpu.dma_semaphore, #tpu.memory_space<semaphore_mem>>)
      %dma_wait3A_1510 = arith.constant 0 : i32
      %dma_wait3A_1511 = arith.constant 0 : i32
      %dma_wait3A_1512 = tpu.memref_slice %arg7[%dma_wait3A_1510, %dma_wait3A_1511] : memref<256x128xf32, #tpu.memory_space<vmem>> -> memref<64x128xf32, #tpu.memory_space<vmem>>
      %dma_wait3A_1513 = arith.constant 0 : i32
      %dma_wait3A_1514 = arith.constant 0 : i32
      %dma_wait3A_1515 = tpu.memref_slice %arg3[%dma_wait3A_1513, %dma_wait3A_1514] : memref<64x1000000xf32, #tpu.memory_space<hbm>> -> memref<64x128xf32, #tpu.memory_space<hbm>>
      %dma_wait3A_1516 = arith.constant 0 : i32
      %dma_wait3A_1517 = arith.constant 0 : i32
      %dma_wait3A_1518 = tpu.memref_slice %arg7[%dma_wait3A_1516, %dma_wait3A_1517] : memref<256x128xf32, #tpu.memory_space<vmem>> -> memref<64x128xf32, #tpu.memory_space<vmem>>
      %dma_wait3A_1519 = arith.constant 0 : i32
      %dma_wait3A_1520 = arith.constant 0 : i32
      %dma_wait3A_1521 = tpu.memref_slice %arg3[%dma_wait3A_1519, %dma_wait3A_1520] : memref<64x1000000xf32, #tpu.memory_space<hbm>> -> memref<64x128xf32, #tpu.memory_space<hbm>>
      tpu.wait_dma2 semaphore(%arg8 : memref<!tpu.dma_semaphore, #tpu.memory_space<semaphore_mem>>) src(%dma_wait3A_1521 : memref<64x128xf32, #tpu.memory_space<hbm>>) dst(%dma_wait3A_1518 : memref<64x128xf32, #tpu.memory_space<vmem>>)
      %slice3A_1522 = vector.extract_strided_slice %get3A_15 {offsets = [12], sizes = [1], strides = [1]} : vector<16xi32> to vector<1xi32>
      %squeeze3A_1523 = vector.extract %slice3A_1522[0] : i32 from vector<1xi32>
      %jit3A_1524 = arith.constant 128 : i32
      %div3A_1525 = arith.divsi %squeeze3A_1523, %jit3A_1524 : i32
      %sign3A_1526 = arith.constant 0 : i32
      %sign3A_1527 = arith.cmpi sgt, %squeeze3A_1523, %sign3A_1526 : i32
      %sign3A_1528 = arith.extui %sign3A_1527 : i1 to i32
      %sign3A_1529 = arith.constant 0 : i32
      %sign3A_1530 = arith.cmpi slt, %squeeze3A_1523, %sign3A_1529 : i32
      %sign3A_1531 = arith.extui %sign3A_1530 : i1 to i32
      %sign3A_1532 = arith.subi %sign3A_1528, %sign3A_1531 : i32
      %sign3A_1533 = arith.constant 0 : i32
      %sign3A_1534 = arith.cmpi sgt, %jit3A_1524, %sign3A_1533 : i32
      %sign3A_1535 = arith.extui %sign3A_1534 : i1 to i32
      %sign3A_1536 = arith.constant 0 : i32
      %sign3A_1537 = arith.cmpi slt, %jit3A_1524, %sign3A_1536 : i32
      %sign3A_1538 = arith.extui %sign3A_1537 : i1 to i32
      %sign3A_1539 = arith.subi %sign3A_1535, %sign3A_1538 : i32
      %ne3A_1540 = arith.cmpi ne, %sign3A_1532, %sign3A_1539 : i32
      %rem3A_1541 = arith.remsi %squeeze3A_1523, %jit3A_1524 : i32
      %ne3A_1542 = arith.constant 0 : i32
      %ne3A_1543 = arith.cmpi ne, %rem3A_1541, %ne3A_1542 : i32
      %and3A_1544 = arith.andi %ne3A_1540, %ne3A_1543 : i1
      %sub3A_1545 = arith.constant 1 : i32
      %sub3A_1546 = arith.subi %div3A_1525, %sub3A_1545 : i32
      %select_n3A_1547 = arith.select %and3A_1544, %sub3A_1546, %div3A_1525 : i32
      %mul3A_1548 = arith.constant 128 : i32
      %mul3A_1549 = arith.muli %select_n3A_1547, %mul3A_1548 : i32
      %sub3A_1550 = arith.subi %squeeze3A_1523, %mul3A_1549 : i32
      %broadcast_in_dim3A_1551 = vector.broadcast %sub3A_1550 : i32 to vector<16xi32>
      %mul3A_1552 = arith.constant 16 : i32
      %mul3A_1553 = arith.muli %scan3A_11, %mul3A_1552 : i32
      %add3A_1554 = arith.constant 12 : i32
      %add3A_1555 = arith.addi %mul3A_1553, %add3A_1554 : i32
      %broadcast_in_dim3A_1556 = vector.broadcast %add3A_1555 : i32 to vector<16xi32>
      %add3A_1557 = arith.constant 0 : i32
      %add3A_1558 = vector.broadcast %add3A_1557 : i32 to vector<16xi32>
      %add3A_1559 = arith.addi %add3A_1558, %iota3A : vector<16xi32>
      %gather3A_1560 = tpu.vector_load_idx %arg7[%add3A_1559, %broadcast_in_dim3A_1551] : memref<256x128xf32, #tpu.memory_space<vmem>>[vector<16xi32>, vector<16xi32>], vector<16xf32>,
      %add3A_1561 = arith.constant 0 : i32
      %add3A_1562 = vector.broadcast %add3A_1561 : i32 to vector<16xi32>
      %add3A_1563 = arith.addi %add3A_1562, %iota3A : vector<16xi32>
      tpu.vector_store_idx %arg6[%add3A_1563, %broadcast_in_dim3A_1556], %gather3A_1560 : memref<64x128xf32, #tpu.memory_space<vmem>>[vector<16xi32>, vector<16xi32>], vector<16xf32>,
      %add3A_1564 = arith.constant 16 : i32
      %add3A_1565 = vector.broadcast %add3A_1564 : i32 to vector<16xi32>
      %add3A_1566 = arith.addi %add3A_1565, %iota3A : vector<16xi32>
      %gather3A_1567 = tpu.vector_load_idx %arg7[%add3A_1566, %broadcast_in_dim3A_1551] : memref<256x128xf32, #tpu.memory_space<vmem>>[vector<16xi32>, vector<16xi32>], vector<16xf32>,
      %add3A_1568 = arith.constant 16 : i32
      %add3A_1569 = vector.broadcast %add3A_1568 : i32 to vector<16xi32>
      %add3A_1570 = arith.addi %add3A_1569, %iota3A : vector<16xi32>
      tpu.vector_store_idx %arg6[%add3A_1570, %broadcast_in_dim3A_1556], %gather3A_1567 : memref<64x128xf32, #tpu.memory_space<vmem>>[vector<16xi32>, vector<16xi32>], vector<16xf32>,
      %add3A_1571 = arith.constant 32 : i32
      %add3A_1572 = vector.broadcast %add3A_1571 : i32 to vector<16xi32>
      %add3A_1573 = arith.addi %add3A_1572, %iota3A : vector<16xi32>
      %gather3A_1574 = tpu.vector_load_idx %arg7[%add3A_1573, %broadcast_in_dim3A_1551] : memref<256x128xf32, #tpu.memory_space<vmem>>[vector<16xi32>, vector<16xi32>], vector<16xf32>,
      %add3A_1575 = arith.constant 32 : i32
      %add3A_1576 = vector.broadcast %add3A_1575 : i32 to vector<16xi32>
      %add3A_1577 = arith.addi %add3A_1576, %iota3A : vector<16xi32>
      tpu.vector_store_idx %arg6[%add3A_1577, %broadcast_in_dim3A_1556], %gather3A_1574 : memref<64x128xf32, #tpu.memory_space<vmem>>[vector<16xi32>, vector<16xi32>], vector<16xf32>,
      %add3A_1578 = arith.constant 48 : i32
      %add3A_1579 = vector.broadcast %add3A_1578 : i32 to vector<16xi32>
      %add3A_1580 = arith.addi %add3A_1579, %iota3A : vector<16xi32>
      %gather3A_1581 = tpu.vector_load_idx %arg7[%add3A_1580, %broadcast_in_dim3A_1551] : memref<256x128xf32, #tpu.memory_space<vmem>>[vector<16xi32>, vector<16xi32>], vector<16xf32>,
      %add3A_1582 = arith.constant 48 : i32
      %add3A_1583 = vector.broadcast %add3A_1582 : i32 to vector<16xi32>
      %add3A_1584 = arith.addi %add3A_1583, %iota3A : vector<16xi32>
      tpu.vector_store_idx %arg6[%add3A_1584, %broadcast_in_dim3A_1556], %gather3A_1581 : memref<64x128xf32, #tpu.memory_space<vmem>>[vector<16xi32>, vector<16xi32>], vector<16xf32>,
      %dma_wait3A_1585 = arith.constant 0 : i32
      %dma_wait3A_1586 = arith.constant 0 : i32
      %dma_wait3A_1587 = tpu.memref_slice %arg7[%dma_wait3A_1585, %dma_wait3A_1586] : memref<256x128xf32, #tpu.memory_space<vmem>> -> memref<64x128xf32, #tpu.memory_space<vmem>>
      %dma_wait3A_1588 = arith.constant 0 : i32
      %dma_wait3A_1589 = arith.constant 0 : i32
      %dma_wait3A_1590 = tpu.memref_slice %arg3[%dma_wait3A_1588, %dma_wait3A_1589] : memref<64x1000000xf32, #tpu.memory_space<hbm>> -> memref<64x128xf32, #tpu.memory_space<hbm>>
      %dma_wait3A_1591 = arith.constant 0 : i32
      %dma_wait3A_1592 = arith.constant 0 : i32
      %dma_wait3A_1593 = tpu.memref_slice %arg7[%dma_wait3A_1591, %dma_wait3A_1592] : memref<256x128xf32, #tpu.memory_space<vmem>> -> memref<64x128xf32, #tpu.memory_space<vmem>>
      %dma_wait3A_1594 = arith.constant 0 : i32
      %dma_wait3A_1595 = arith.constant 0 : i32
      %dma_wait3A_1596 = tpu.memref_slice %arg3[%dma_wait3A_1594, %dma_wait3A_1595] : memref<64x1000000xf32, #tpu.memory_space<hbm>> -> memref<64x128xf32, #tpu.memory_space<hbm>>
      tpu.wait_dma2 semaphore(%arg8 : memref<!tpu.dma_semaphore, #tpu.memory_space<semaphore_mem>>) src(%dma_wait3A_1596 : memref<64x128xf32, #tpu.memory_space<hbm>>) dst(%dma_wait3A_1593 : memref<64x128xf32, #tpu.memory_space<vmem>>)
      %slice3A_1597 = vector.extract_strided_slice %get3A_15 {offsets = [13], sizes = [1], strides = [1]} : vector<16xi32> to vector<1xi32>
      %squeeze3A_1598 = vector.extract %slice3A_1597[0] : i32 from vector<1xi32>
      %jit3A_1599 = arith.constant 128 : i32
      %div3A_1600 = arith.divsi %squeeze3A_1598, %jit3A_1599 : i32
      %sign3A_1601 = arith.constant 0 : i32
      %sign3A_1602 = arith.cmpi sgt, %squeeze3A_1598, %sign3A_1601 : i32
      %sign3A_1603 = arith.extui %sign3A_1602 : i1 to i32
      %sign3A_1604 = arith.constant 0 : i32
      %sign3A_1605 = arith.cmpi slt, %squeeze3A_1598, %sign3A_1604 : i32
      %sign3A_1606 = arith.extui %sign3A_1605 : i1 to i32
      %sign3A_1607 = arith.subi %sign3A_1603, %sign3A_1606 : i32
      %sign3A_1608 = arith.constant 0 : i32
      %sign3A_1609 = arith.cmpi sgt, %jit3A_1599, %sign3A_1608 : i32
      %sign3A_1610 = arith.extui %sign3A_1609 : i1 to i32
      %sign3A_1611 = arith.constant 0 : i32
      %sign3A_1612 = arith.cmpi slt, %jit3A_1599, %sign3A_1611 : i32
      %sign3A_1613 = arith.extui %sign3A_1612 : i1 to i32
      %sign3A_1614 = arith.subi %sign3A_1610, %sign3A_1613 : i32
      %ne3A_1615 = arith.cmpi ne, %sign3A_1607, %sign3A_1614 : i32
      %rem3A_1616 = arith.remsi %squeeze3A_1598, %jit3A_1599 : i32
      %ne3A_1617 = arith.constant 0 : i32
      %ne3A_1618 = arith.cmpi ne, %rem3A_1616, %ne3A_1617 : i32
      %and3A_1619 = arith.andi %ne3A_1615, %ne3A_1618 : i1
      %sub3A_1620 = arith.constant 1 : i32
      %sub3A_1621 = arith.subi %div3A_1600, %sub3A_1620 : i32
      %select_n3A_1622 = arith.select %and3A_1619, %sub3A_1621, %div3A_1600 : i32
      %mul3A_1623 = arith.constant 128 : i32
      %mul3A_1624 = arith.muli %select_n3A_1622, %mul3A_1623 : i32
      %sub3A_1625 = arith.subi %squeeze3A_1598, %mul3A_1624 : i32
      %broadcast_in_dim3A_1626 = vector.broadcast %sub3A_1625 : i32 to vector<16xi32>
      %mul3A_1627 = arith.constant 16 : i32
      %mul3A_1628 = arith.muli %scan3A_11, %mul3A_1627 : i32
      %add3A_1629 = arith.constant 13 : i32
      %add3A_1630 = arith.addi %mul3A_1628, %add3A_1629 : i32
      %broadcast_in_dim3A_1631 = vector.broadcast %add3A_1630 : i32 to vector<16xi32>
      %add3A_1632 = arith.constant 64 : i32
      %add3A_1633 = vector.broadcast %add3A_1632 : i32 to vector<16xi32>
      %add3A_1634 = arith.addi %add3A_1633, %iota3A : vector<16xi32>
      %gather3A_1635 = tpu.vector_load_idx %arg7[%add3A_1634, %broadcast_in_dim3A_1626] : memref<256x128xf32, #tpu.memory_space<vmem>>[vector<16xi32>, vector<16xi32>], vector<16xf32>,
      %add3A_1636 = arith.constant 0 : i32
      %add3A_1637 = vector.broadcast %add3A_1636 : i32 to vector<16xi32>
      %add3A_1638 = arith.addi %add3A_1637, %iota3A : vector<16xi32>
      tpu.vector_store_idx %arg6[%add3A_1638, %broadcast_in_dim3A_1631], %gather3A_1635 : memref<64x128xf32, #tpu.memory_space<vmem>>[vector<16xi32>, vector<16xi32>], vector<16xf32>,
      %add3A_1639 = arith.constant 80 : i32
      %add3A_1640 = vector.broadcast %add3A_1639 : i32 to vector<16xi32>
      %add3A_1641 = arith.addi %add3A_1640, %iota3A : vector<16xi32>
      %gather3A_1642 = tpu.vector_load_idx %arg7[%add3A_1641, %broadcast_in_dim3A_1626] : memref<256x128xf32, #tpu.memory_space<vmem>>[vector<16xi32>, vector<16xi32>], vector<16xf32>,
      %add3A_1643 = arith.constant 16 : i32
      %add3A_1644 = vector.broadcast %add3A_1643 : i32 to vector<16xi32>
      %add3A_1645 = arith.addi %add3A_1644, %iota3A : vector<16xi32>
      tpu.vector_store_idx %arg6[%add3A_1645, %broadcast_in_dim3A_1631], %gather3A_1642 : memref<64x128xf32, #tpu.memory_space<vmem>>[vector<16xi32>, vector<16xi32>], vector<16xf32>,
      %add3A_1646 = arith.constant 96 : i32
      %add3A_1647 = vector.broadcast %add3A_1646 : i32 to vector<16xi32>
      %add3A_1648 = arith.addi %add3A_1647, %iota3A : vector<16xi32>
      %gather3A_1649 = tpu.vector_load_idx %arg7[%add3A_1648, %broadcast_in_dim3A_1626] : memref<256x128xf32, #tpu.memory_space<vmem>>[vector<16xi32>, vector<16xi32>], vector<16xf32>,
      %add3A_1650 = arith.constant 32 : i32
      %add3A_1651 = vector.broadcast %add3A_1650 : i32 to vector<16xi32>
      %add3A_1652 = arith.addi %add3A_1651, %iota3A : vector<16xi32>
      tpu.vector_store_idx %arg6[%add3A_1652, %broadcast_in_dim3A_1631], %gather3A_1649 : memref<64x128xf32, #tpu.memory_space<vmem>>[vector<16xi32>, vector<16xi32>], vector<16xf32>,
      %add3A_1653 = arith.constant 112 : i32
      %add3A_1654 = vector.broadcast %add3A_1653 : i32 to vector<16xi32>
      %add3A_1655 = arith.addi %add3A_1654, %iota3A : vector<16xi32>
      %gather3A_1656 = tpu.vector_load_idx %arg7[%add3A_1655, %broadcast_in_dim3A_1626] : memref<256x128xf32, #tpu.memory_space<vmem>>[vector<16xi32>, vector<16xi32>], vector<16xf32>,
      %add3A_1657 = arith.constant 48 : i32
      %add3A_1658 = vector.broadcast %add3A_1657 : i32 to vector<16xi32>
      %add3A_1659 = arith.addi %add3A_1658, %iota3A : vector<16xi32>
      tpu.vector_store_idx %arg6[%add3A_1659, %broadcast_in_dim3A_1631], %gather3A_1656 : memref<64x128xf32, #tpu.memory_space<vmem>>[vector<16xi32>, vector<16xi32>], vector<16xf32>,
      %dma_wait3A_1660 = arith.constant 0 : i32
      %dma_wait3A_1661 = arith.constant 0 : i32
      %dma_wait3A_1662 = tpu.memref_slice %arg7[%dma_wait3A_1660, %dma_wait3A_1661] : memref<256x128xf32, #tpu.memory_space<vmem>> -> memref<64x128xf32, #tpu.memory_space<vmem>>
      %dma_wait3A_1663 = arith.constant 0 : i32
      %dma_wait3A_1664 = arith.constant 0 : i32
      %dma_wait3A_1665 = tpu.memref_slice %arg3[%dma_wait3A_1663, %dma_wait3A_1664] : memref<64x1000000xf32, #tpu.memory_space<hbm>> -> memref<64x128xf32, #tpu.memory_space<hbm>>
      %dma_wait3A_1666 = arith.constant 0 : i32
      %dma_wait3A_1667 = arith.constant 0 : i32
      %dma_wait3A_1668 = tpu.memref_slice %arg7[%dma_wait3A_1666, %dma_wait3A_1667] : memref<256x128xf32, #tpu.memory_space<vmem>> -> memref<64x128xf32, #tpu.memory_space<vmem>>
      %dma_wait3A_1669 = arith.constant 0 : i32
      %dma_wait3A_1670 = arith.constant 0 : i32
      %dma_wait3A_1671 = tpu.memref_slice %arg3[%dma_wait3A_1669, %dma_wait3A_1670] : memref<64x1000000xf32, #tpu.memory_space<hbm>> -> memref<64x128xf32, #tpu.memory_space<hbm>>
      tpu.wait_dma2 semaphore(%arg8 : memref<!tpu.dma_semaphore, #tpu.memory_space<semaphore_mem>>) src(%dma_wait3A_1671 : memref<64x128xf32, #tpu.memory_space<hbm>>) dst(%dma_wait3A_1668 : memref<64x128xf32, #tpu.memory_space<vmem>>)
      %slice3A_1672 = vector.extract_strided_slice %get3A_15 {offsets = [14], sizes = [1], strides = [1]} : vector<16xi32> to vector<1xi32>
      %squeeze3A_1673 = vector.extract %slice3A_1672[0] : i32 from vector<1xi32>
      %jit3A_1674 = arith.constant 128 : i32
      %div3A_1675 = arith.divsi %squeeze3A_1673, %jit3A_1674 : i32
      %sign3A_1676 = arith.constant 0 : i32
      %sign3A_1677 = arith.cmpi sgt, %squeeze3A_1673, %sign3A_1676 : i32
      %sign3A_1678 = arith.extui %sign3A_1677 : i1 to i32
      %sign3A_1679 = arith.constant 0 : i32
      %sign3A_1680 = arith.cmpi slt, %squeeze3A_1673, %sign3A_1679 : i32
      %sign3A_1681 = arith.extui %sign3A_1680 : i1 to i32
      %sign3A_1682 = arith.subi %sign3A_1678, %sign3A_1681 : i32
      %sign3A_1683 = arith.constant 0 : i32
      %sign3A_1684 = arith.cmpi sgt, %jit3A_1674, %sign3A_1683 : i32
      %sign3A_1685 = arith.extui %sign3A_1684 : i1 to i32
      %sign3A_1686 = arith.constant 0 : i32
      %sign3A_1687 = arith.cmpi slt, %jit3A_1674, %sign3A_1686 : i32
      %sign3A_1688 = arith.extui %sign3A_1687 : i1 to i32
      %sign3A_1689 = arith.subi %sign3A_1685, %sign3A_1688 : i32
      %ne3A_1690 = arith.cmpi ne, %sign3A_1682, %sign3A_1689 : i32
      %rem3A_1691 = arith.remsi %squeeze3A_1673, %jit3A_1674 : i32
      %ne3A_1692 = arith.constant 0 : i32
      %ne3A_1693 = arith.cmpi ne, %rem3A_1691, %ne3A_1692 : i32
      %and3A_1694 = arith.andi %ne3A_1690, %ne3A_1693 : i1
      %sub3A_1695 = arith.constant 1 : i32
      %sub3A_1696 = arith.subi %div3A_1675, %sub3A_1695 : i32
      %select_n3A_1697 = arith.select %and3A_1694, %sub3A_1696, %div3A_1675 : i32
      %mul3A_1698 = arith.constant 128 : i32
      %mul3A_1699 = arith.muli %select_n3A_1697, %mul3A_1698 : i32
      %sub3A_1700 = arith.subi %squeeze3A_1673, %mul3A_1699 : i32
      %broadcast_in_dim3A_1701 = vector.broadcast %sub3A_1700 : i32 to vector<16xi32>
      %mul3A_1702 = arith.constant 16 : i32
      %mul3A_1703 = arith.muli %scan3A_11, %mul3A_1702 : i32
      %add3A_1704 = arith.constant 14 : i32
      %add3A_1705 = arith.addi %mul3A_1703, %add3A_1704 : i32
      %broadcast_in_dim3A_1706 = vector.broadcast %add3A_1705 : i32 to vector<16xi32>
      %add3A_1707 = arith.constant 128 : i32
      %add3A_1708 = vector.broadcast %add3A_1707 : i32 to vector<16xi32>
      %add3A_1709 = arith.addi %add3A_1708, %iota3A : vector<16xi32>
      %gather3A_1710 = tpu.vector_load_idx %arg7[%add3A_1709, %broadcast_in_dim3A_1701] : memref<256x128xf32, #tpu.memory_space<vmem>>[vector<16xi32>, vector<16xi32>], vector<16xf32>,
      %add3A_1711 = arith.constant 0 : i32
      %add3A_1712 = vector.broadcast %add3A_1711 : i32 to vector<16xi32>
      %add3A_1713 = arith.addi %add3A_1712, %iota3A : vector<16xi32>
      tpu.vector_store_idx %arg6[%add3A_1713, %broadcast_in_dim3A_1706], %gather3A_1710 : memref<64x128xf32, #tpu.memory_space<vmem>>[vector<16xi32>, vector<16xi32>], vector<16xf32>,
      %add3A_1714 = arith.constant 144 : i32
      %add3A_1715 = vector.broadcast %add3A_1714 : i32 to vector<16xi32>
      %add3A_1716 = arith.addi %add3A_1715, %iota3A : vector<16xi32>
      %gather3A_1717 = tpu.vector_load_idx %arg7[%add3A_1716, %broadcast_in_dim3A_1701] : memref<256x128xf32, #tpu.memory_space<vmem>>[vector<16xi32>, vector<16xi32>], vector<16xf32>,
      %add3A_1718 = arith.constant 16 : i32
      %add3A_1719 = vector.broadcast %add3A_1718 : i32 to vector<16xi32>
      %add3A_1720 = arith.addi %add3A_1719, %iota3A : vector<16xi32>
      tpu.vector_store_idx %arg6[%add3A_1720, %broadcast_in_dim3A_1706], %gather3A_1717 : memref<64x128xf32, #tpu.memory_space<vmem>>[vector<16xi32>, vector<16xi32>], vector<16xf32>,
      %add3A_1721 = arith.constant 160 : i32
      %add3A_1722 = vector.broadcast %add3A_1721 : i32 to vector<16xi32>
      %add3A_1723 = arith.addi %add3A_1722, %iota3A : vector<16xi32>
      %gather3A_1724 = tpu.vector_load_idx %arg7[%add3A_1723, %broadcast_in_dim3A_1701] : memref<256x128xf32, #tpu.memory_space<vmem>>[vector<16xi32>, vector<16xi32>], vector<16xf32>,
      %add3A_1725 = arith.constant 32 : i32
      %add3A_1726 = vector.broadcast %add3A_1725 : i32 to vector<16xi32>
      %add3A_1727 = arith.addi %add3A_1726, %iota3A : vector<16xi32>
      tpu.vector_store_idx %arg6[%add3A_1727, %broadcast_in_dim3A_1706], %gather3A_1724 : memref<64x128xf32, #tpu.memory_space<vmem>>[vector<16xi32>, vector<16xi32>], vector<16xf32>,
      %add3A_1728 = arith.constant 176 : i32
      %add3A_1729 = vector.broadcast %add3A_1728 : i32 to vector<16xi32>
      %add3A_1730 = arith.addi %add3A_1729, %iota3A : vector<16xi32>
      %gather3A_1731 = tpu.vector_load_idx %arg7[%add3A_1730, %broadcast_in_dim3A_1701] : memref<256x128xf32, #tpu.memory_space<vmem>>[vector<16xi32>, vector<16xi32>], vector<16xf32>,
      %add3A_1732 = arith.constant 48 : i32
      %add3A_1733 = vector.broadcast %add3A_1732 : i32 to vector<16xi32>
      %add3A_1734 = arith.addi %add3A_1733, %iota3A : vector<16xi32>
      tpu.vector_store_idx %arg6[%add3A_1734, %broadcast_in_dim3A_1706], %gather3A_1731 : memref<64x128xf32, #tpu.memory_space<vmem>>[vector<16xi32>, vector<16xi32>], vector<16xf32>,
      %dma_wait3A_1735 = arith.constant 0 : i32
      %dma_wait3A_1736 = arith.constant 0 : i32
      %dma_wait3A_1737 = tpu.memref_slice %arg7[%dma_wait3A_1735, %dma_wait3A_1736] : memref<256x128xf32, #tpu.memory_space<vmem>> -> memref<64x128xf32, #tpu.memory_space<vmem>>
      %dma_wait3A_1738 = arith.constant 0 : i32
      %dma_wait3A_1739 = arith.constant 0 : i32
      %dma_wait3A_1740 = tpu.memref_slice %arg3[%dma_wait3A_1738, %dma_wait3A_1739] : memref<64x1000000xf32, #tpu.memory_space<hbm>> -> memref<64x128xf32, #tpu.memory_space<hbm>>
      %dma_wait3A_1741 = arith.constant 0 : i32
      %dma_wait3A_1742 = arith.constant 0 : i32
      %dma_wait3A_1743 = tpu.memref_slice %arg7[%dma_wait3A_1741, %dma_wait3A_1742] : memref<256x128xf32, #tpu.memory_space<vmem>> -> memref<64x128xf32, #tpu.memory_space<vmem>>
      %dma_wait3A_1744 = arith.constant 0 : i32
      %dma_wait3A_1745 = arith.constant 0 : i32
      %dma_wait3A_1746 = tpu.memref_slice %arg3[%dma_wait3A_1744, %dma_wait3A_1745] : memref<64x1000000xf32, #tpu.memory_space<hbm>> -> memref<64x128xf32, #tpu.memory_space<hbm>>
      tpu.wait_dma2 semaphore(%arg8 : memref<!tpu.dma_semaphore, #tpu.memory_space<semaphore_mem>>) src(%dma_wait3A_1746 : memref<64x128xf32, #tpu.memory_space<hbm>>) dst(%dma_wait3A_1743 : memref<64x128xf32, #tpu.memory_space<vmem>>)
      %slice3A_1747 = vector.extract_strided_slice %get3A_15 {offsets = [15], sizes = [1], strides = [1]} : vector<16xi32> to vector<1xi32>
      %squeeze3A_1748 = vector.extract %slice3A_1747[0] : i32 from vector<1xi32>
      %jit3A_1749 = arith.constant 128 : i32
      %div3A_1750 = arith.divsi %squeeze3A_1748, %jit3A_1749 : i32
      %sign3A_1751 = arith.constant 0 : i32
      %sign3A_1752 = arith.cmpi sgt, %squeeze3A_1748, %sign3A_1751 : i32
      %sign3A_1753 = arith.extui %sign3A_1752 : i1 to i32
      %sign3A_1754 = arith.constant 0 : i32
      %sign3A_1755 = arith.cmpi slt, %squeeze3A_1748, %sign3A_1754 : i32
      %sign3A_1756 = arith.extui %sign3A_1755 : i1 to i32
      %sign3A_1757 = arith.subi %sign3A_1753, %sign3A_1756 : i32
      %sign3A_1758 = arith.constant 0 : i32
      %sign3A_1759 = arith.cmpi sgt, %jit3A_1749, %sign3A_1758 : i32
      %sign3A_1760 = arith.extui %sign3A_1759 : i1 to i32
      %sign3A_1761 = arith.constant 0 : i32
      %sign3A_1762 = arith.cmpi slt, %jit3A_1749, %sign3A_1761 : i32
      %sign3A_1763 = arith.extui %sign3A_1762 : i1 to i32
      %sign3A_1764 = arith.subi %sign3A_1760, %sign3A_1763 : i32
      %ne3A_1765 = arith.cmpi ne, %sign3A_1757, %sign3A_1764 : i32
      %rem3A_1766 = arith.remsi %squeeze3A_1748, %jit3A_1749 : i32
      %ne3A_1767 = arith.constant 0 : i32
      %ne3A_1768 = arith.cmpi ne, %rem3A_1766, %ne3A_1767 : i32
      %and3A_1769 = arith.andi %ne3A_1765, %ne3A_1768 : i1
      %sub3A_1770 = arith.constant 1 : i32
      %sub3A_1771 = arith.subi %div3A_1750, %sub3A_1770 : i32
      %select_n3A_1772 = arith.select %and3A_1769, %sub3A_1771, %div3A_1750 : i32
      %mul3A_1773 = arith.constant 128 : i32
      %mul3A_1774 = arith.muli %select_n3A_1772, %mul3A_1773 : i32
      %sub3A_1775 = arith.subi %squeeze3A_1748, %mul3A_1774 : i32
      %broadcast_in_dim3A_1776 = vector.broadcast %sub3A_1775 : i32 to vector<16xi32>
      %mul3A_1777 = arith.constant 16 : i32
      %mul3A_1778 = arith.muli %scan3A_11, %mul3A_1777 : i32
      %add3A_1779 = arith.constant 15 : i32
      %add3A_1780 = arith.addi %mul3A_1778, %add3A_1779 : i32
      %broadcast_in_dim3A_1781 = vector.broadcast %add3A_1780 : i32 to vector<16xi32>
      %add3A_1782 = arith.constant 192 : i32
      %add3A_1783 = vector.broadcast %add3A_1782 : i32 to vector<16xi32>
      %add3A_1784 = arith.addi %add3A_1783, %iota3A : vector<16xi32>
      %gather3A_1785 = tpu.vector_load_idx %arg7[%add3A_1784, %broadcast_in_dim3A_1776] : memref<256x128xf32, #tpu.memory_space<vmem>>[vector<16xi32>, vector<16xi32>], vector<16xf32>,
      %add3A_1786 = arith.constant 0 : i32
      %add3A_1787 = vector.broadcast %add3A_1786 : i32 to vector<16xi32>
      %add3A_1788 = arith.addi %add3A_1787, %iota3A : vector<16xi32>
      tpu.vector_store_idx %arg6[%add3A_1788, %broadcast_in_dim3A_1781], %gather3A_1785 : memref<64x128xf32, #tpu.memory_space<vmem>>[vector<16xi32>, vector<16xi32>], vector<16xf32>,
      %add3A_1789 = arith.constant 208 : i32
      %add3A_1790 = vector.broadcast %add3A_1789 : i32 to vector<16xi32>
      %add3A_1791 = arith.addi %add3A_1790, %iota3A : vector<16xi32>
      %gather3A_1792 = tpu.vector_load_idx %arg7[%add3A_1791, %broadcast_in_dim3A_1776] : memref<256x128xf32, #tpu.memory_space<vmem>>[vector<16xi32>, vector<16xi32>], vector<16xf32>,
      %add3A_1793 = arith.constant 16 : i32
      %add3A_1794 = vector.broadcast %add3A_1793 : i32 to vector<16xi32>
      %add3A_1795 = arith.addi %add3A_1794, %iota3A : vector<16xi32>
      tpu.vector_store_idx %arg6[%add3A_1795, %broadcast_in_dim3A_1781], %gather3A_1792 : memref<64x128xf32, #tpu.memory_space<vmem>>[vector<16xi32>, vector<16xi32>], vector<16xf32>,
      %add3A_1796 = arith.constant 224 : i32
      %add3A_1797 = vector.broadcast %add3A_1796 : i32 to vector<16xi32>
      %add3A_1798 = arith.addi %add3A_1797, %iota3A : vector<16xi32>
      %gather3A_1799 = tpu.vector_load_idx %arg7[%add3A_1798, %broadcast_in_dim3A_1776] : memref<256x128xf32, #tpu.memory_space<vmem>>[vector<16xi32>, vector<16xi32>], vector<16xf32>,
      %add3A_1800 = arith.constant 32 : i32
      %add3A_1801 = vector.broadcast %add3A_1800 : i32 to vector<16xi32>
      %add3A_1802 = arith.addi %add3A_1801, %iota3A : vector<16xi32>
      tpu.vector_store_idx %arg6[%add3A_1802, %broadcast_in_dim3A_1781], %gather3A_1799 : memref<64x128xf32, #tpu.memory_space<vmem>>[vector<16xi32>, vector<16xi32>], vector<16xf32>,
      %add3A_1803 = arith.constant 240 : i32
      %add3A_1804 = vector.broadcast %add3A_1803 : i32 to vector<16xi32>
      %add3A_1805 = arith.addi %add3A_1804, %iota3A : vector<16xi32>
      %gather3A_1806 = tpu.vector_load_idx %arg7[%add3A_1805, %broadcast_in_dim3A_1776] : memref<256x128xf32, #tpu.memory_space<vmem>>[vector<16xi32>, vector<16xi32>], vector<16xf32>,
      %add3A_1807 = arith.constant 48 : i32
      %add3A_1808 = vector.broadcast %add3A_1807 : i32 to vector<16xi32>
      %add3A_1809 = arith.addi %add3A_1808, %iota3A : vector<16xi32>
      tpu.vector_store_idx %arg6[%add3A_1809, %broadcast_in_dim3A_1781], %gather3A_1806 : memref<64x128xf32, #tpu.memory_space<vmem>>[vector<16xi32>, vector<16xi32>], vector<16xf32>,
      %scan3A_1810 = arith.constant 0 : i32
      scf.yield %scan3A_1810 : i32
    }
    %scan3A_8 = arith.constant 8 : i32
    %mul3A_9 = arith.constant 128 : i32
    %mul3A_10 = arith.muli %add3A, %mul3A_9 : i32
    "tpu.region"() ({
      %run_scoped3A = tpu.sem_alloc : memref<!tpu.dma_semaphore, #tpu.memory_space<semaphore_mem>>
      %dma_start3A = arith.constant 0 : i32
      %dma_start3A_11 = tpu.memref_slice %arg4[%dma_start3A, %mul3A_10] : memref<64x4096xf32, #tpu.memory_space<hbm>> -> memref<64x128xf32, #tpu.memory_space<hbm>>
      %dma_start3A_12 = arith.constant 0 : i32
      %dma_start3A_13 = tpu.memref_slice %arg4[%dma_start3A_12, %mul3A_10] : memref<64x4096xf32, #tpu.memory_space<hbm>> -> memref<64x128xf32, #tpu.memory_space<hbm>>
      tpu.enqueue_dma source(%arg6 : memref<64x128xf32, #tpu.memory_space<vmem>>) target(%dma_start3A_13 : memref<64x128xf32, #tpu.memory_space<hbm>>) target_semaphore(%run_scoped3A : memref<!tpu.dma_semaphore, #tpu.memory_space<semaphore_mem>>)
      %dma_wait3A = arith.constant 0 : i32
      %dma_wait3A_14 = tpu.memref_slice %arg4[%dma_wait3A, %mul3A_10] : memref<64x4096xf32, #tpu.memory_space<hbm>> -> memref<64x128xf32, #tpu.memory_space<hbm>>
      %dma_wait3A_15 = arith.constant 0 : i32
      %dma_wait3A_16 = tpu.memref_slice %arg4[%dma_wait3A_15, %mul3A_10] : memref<64x4096xf32, #tpu.memory_space<hbm>> -> memref<64x128xf32, #tpu.memory_space<hbm>>
      tpu.wait_dma2 semaphore(%run_scoped3A : memref<!tpu.dma_semaphore, #tpu.memory_space<semaphore_mem>>) src(%arg6 : memref<64x128xf32, #tpu.memory_space<vmem>>) dst(%dma_wait3A_16 : memref<64x128xf32, #tpu.memory_space<hbm>>)
      tpu.yield
    }) : () -> ()
    return
  }
}

#map = affine_map<(d0, d1) -> (0)>
#map1 = affine_map<(d0, d1) -> (0, 0)>
module attributes {stable_mosaic.version = 14 : i64} {
  func.func @_sc_hist_body(%arg0: i32, %arg1: i32, %arg2: memref<204800xi32, #tpu.memory_space<hbm>>, %arg3: memref<2x1048576xf32, #tpu.memory_space<hbm>>, %arg4: memref<49x128xi32, #tpu.memory_space<vmem>>, %arg5: memref<128xf32, #tpu.memory_space<vmem>>, %arg6: memref<16384xf32, #tpu.memory_space<vmem>>, %arg7: memref<1048576xf32, #tpu.memory_space<vmem_shared>>, %arg8: memref<!tpu.dma_semaphore, #tpu.memory_space<semaphore_mem>>, %arg9: memref<!tpu.dma_semaphore, #tpu.memory_space<semaphore_mem>>, %arg10: memref<!tpu.dma_semaphore, #tpu.memory_space<semaphore_mem>>) attributes {dimension_semantics = [#tpu.dimension_semantics<core_parallel>, #tpu.dimension_semantics<subcore_parallel>], iteration_bounds = array<i64: 2, 16>, scalar_prefetch = 0 : i64, scratch_operands = 7 : i64, tpu.core_type = #tpu.core_type<sc_vector_subcore>, window_params = [{transform_indices = #map}, {transform_indices = #map1}]} {
    %mul3A = arith.constant 2 : i32
    %mul3A_0 = arith.muli %arg1, %mul3A : i32
    %add3A = arith.addi %mul3A_0, %arg0 : i32
    %mul3A_1 = arith.constant 6272 : i32
    %mul3A_2 = arith.muli %add3A, %mul3A_1 : i32
    %add3A_3 = arith.constant 4096 : i32
    %add3A_4 = arith.addi %add3A_3, %mul3A_2 : i32
    %add3A_5 = arith.constant 0 : i32
    %add3A_6 = arith.addi %add3A_4, %add3A_5 : i32
    %dma_start3A = arith.constant 0 : i32
    %dma_start3A_7 = arith.constant 0 : i32
    %dma_start3A_8 = tpu.memref_slice %arg4[%dma_start3A, %dma_start3A_7] : memref<49x128xi32, #tpu.memory_space<vmem>> -> memref<1x128xi32, #tpu.memory_space<vmem>>
    %dma_start3A_9 = tpu.memref_squeeze %dma_start3A_8 : memref<1x128xi32, #tpu.memory_space<vmem>> -> memref<128xi32, #tpu.memory_space<vmem>>
    %dma_start3A_10 = tpu.memref_slice %arg2[%add3A_6] : memref<204800xi32, #tpu.memory_space<hbm>> -> memref<128xi32, #tpu.memory_space<hbm>>
    %dma_start3A_11 = arith.constant 0 : i32
    %dma_start3A_12 = tpu.memref_slice %arg4[%dma_start3A, %dma_start3A_11] : memref<49x128xi32, #tpu.memory_space<vmem>> -> memref<1x128xi32, #tpu.memory_space<vmem>>
    %dma_start3A_13 = tpu.memref_squeeze %dma_start3A_12 : memref<1x128xi32, #tpu.memory_space<vmem>> -> memref<128xi32, #tpu.memory_space<vmem>>
    %dma_start3A_14 = tpu.memref_slice %arg2[%add3A_6] : memref<204800xi32, #tpu.memory_space<hbm>> -> memref<128xi32, #tpu.memory_space<hbm>>
    tpu.enqueue_dma source(%dma_start3A_14 : memref<128xi32, #tpu.memory_space<hbm>>) target(%dma_start3A_13 : memref<128xi32, #tpu.memory_space<vmem>>) target_semaphore(%arg8 : memref<!tpu.dma_semaphore, #tpu.memory_space<semaphore_mem>>)
    %add3A_15 = arith.constant 128 : i32
    %add3A_16 = arith.addi %add3A_4, %add3A_15 : i32
    %dma_start3A_17 = arith.constant 1 : i32
    %dma_start3A_18 = arith.constant 0 : i32
    %dma_start3A_19 = tpu.memref_slice %arg4[%dma_start3A_17, %dma_start3A_18] : memref<49x128xi32, #tpu.memory_space<vmem>> -> memref<1x128xi32, #tpu.memory_space<vmem>>
    %dma_start3A_20 = tpu.memref_squeeze %dma_start3A_19 : memref<1x128xi32, #tpu.memory_space<vmem>> -> memref<128xi32, #tpu.memory_space<vmem>>
    %dma_start3A_21 = tpu.memref_slice %arg2[%add3A_16] : memref<204800xi32, #tpu.memory_space<hbm>> -> memref<128xi32, #tpu.memory_space<hbm>>
    %dma_start3A_22 = arith.constant 0 : i32
    %dma_start3A_23 = tpu.memref_slice %arg4[%dma_start3A_17, %dma_start3A_22] : memref<49x128xi32, #tpu.memory_space<vmem>> -> memref<1x128xi32, #tpu.memory_space<vmem>>
    %dma_start3A_24 = tpu.memref_squeeze %dma_start3A_23 : memref<1x128xi32, #tpu.memory_space<vmem>> -> memref<128xi32, #tpu.memory_space<vmem>>
    %dma_start3A_25 = tpu.memref_slice %arg2[%add3A_16] : memref<204800xi32, #tpu.memory_space<hbm>> -> memref<128xi32, #tpu.memory_space<hbm>>
    tpu.enqueue_dma source(%dma_start3A_25 : memref<128xi32, #tpu.memory_space<hbm>>) target(%dma_start3A_24 : memref<128xi32, #tpu.memory_space<vmem>>) target_semaphore(%arg8 : memref<!tpu.dma_semaphore, #tpu.memory_space<semaphore_mem>>)
    %add3A_26 = arith.constant 256 : i32
    %add3A_27 = arith.addi %add3A_4, %add3A_26 : i32
    %dma_start3A_28 = arith.constant 2 : i32
    %dma_start3A_29 = arith.constant 0 : i32
    %dma_start3A_30 = tpu.memref_slice %arg4[%dma_start3A_28, %dma_start3A_29] : memref<49x128xi32, #tpu.memory_space<vmem>> -> memref<1x128xi32, #tpu.memory_space<vmem>>
    %dma_start3A_31 = tpu.memref_squeeze %dma_start3A_30 : memref<1x128xi32, #tpu.memory_space<vmem>> -> memref<128xi32, #tpu.memory_space<vmem>>
    %dma_start3A_32 = tpu.memref_slice %arg2[%add3A_27] : memref<204800xi32, #tpu.memory_space<hbm>> -> memref<128xi32, #tpu.memory_space<hbm>>
    %dma_start3A_33 = arith.constant 0 : i32
    %dma_start3A_34 = tpu.memref_slice %arg4[%dma_start3A_28, %dma_start3A_33] : memref<49x128xi32, #tpu.memory_space<vmem>> -> memref<1x128xi32, #tpu.memory_space<vmem>>
    %dma_start3A_35 = tpu.memref_squeeze %dma_start3A_34 : memref<1x128xi32, #tpu.memory_space<vmem>> -> memref<128xi32, #tpu.memory_space<vmem>>
    %dma_start3A_36 = tpu.memref_slice %arg2[%add3A_27] : memref<204800xi32, #tpu.memory_space<hbm>> -> memref<128xi32, #tpu.memory_space<hbm>>
    tpu.enqueue_dma source(%dma_start3A_36 : memref<128xi32, #tpu.memory_space<hbm>>) target(%dma_start3A_35 : memref<128xi32, #tpu.memory_space<vmem>>) target_semaphore(%arg8 : memref<!tpu.dma_semaphore, #tpu.memory_space<semaphore_mem>>)
    %add3A_37 = arith.constant 384 : i32
    %add3A_38 = arith.addi %add3A_4, %add3A_37 : i32
    %dma_start3A_39 = arith.constant 3 : i32
    %dma_start3A_40 = arith.constant 0 : i32
    %dma_start3A_41 = tpu.memref_slice %arg4[%dma_start3A_39, %dma_start3A_40] : memref<49x128xi32, #tpu.memory_space<vmem>> -> memref<1x128xi32, #tpu.memory_space<vmem>>
    %dma_start3A_42 = tpu.memref_squeeze %dma_start3A_41 : memref<1x128xi32, #tpu.memory_space<vmem>> -> memref<128xi32, #tpu.memory_space<vmem>>
    %dma_start3A_43 = tpu.memref_slice %arg2[%add3A_38] : memref<204800xi32, #tpu.memory_space<hbm>> -> memref<128xi32, #tpu.memory_space<hbm>>
    %dma_start3A_44 = arith.constant 0 : i32
    %dma_start3A_45 = tpu.memref_slice %arg4[%dma_start3A_39, %dma_start3A_44] : memref<49x128xi32, #tpu.memory_space<vmem>> -> memref<1x128xi32, #tpu.memory_space<vmem>>
    %dma_start3A_46 = tpu.memref_squeeze %dma_start3A_45 : memref<1x128xi32, #tpu.memory_space<vmem>> -> memref<128xi32, #tpu.memory_space<vmem>>
    %dma_start3A_47 = tpu.memref_slice %arg2[%add3A_38] : memref<204800xi32, #tpu.memory_space<hbm>> -> memref<128xi32, #tpu.memory_space<hbm>>
    tpu.enqueue_dma source(%dma_start3A_47 : memref<128xi32, #tpu.memory_space<hbm>>) target(%dma_start3A_46 : memref<128xi32, #tpu.memory_space<vmem>>) target_semaphore(%arg8 : memref<!tpu.dma_semaphore, #tpu.memory_space<semaphore_mem>>)
    %add3A_48 = arith.constant 512 : i32
    %add3A_49 = arith.addi %add3A_4, %add3A_48 : i32
    %dma_start3A_50 = arith.constant 4 : i32
    %dma_start3A_51 = arith.constant 0 : i32
    %dma_start3A_52 = tpu.memref_slice %arg4[%dma_start3A_50, %dma_start3A_51] : memref<49x128xi32, #tpu.memory_space<vmem>> -> memref<1x128xi32, #tpu.memory_space<vmem>>
    %dma_start3A_53 = tpu.memref_squeeze %dma_start3A_52 : memref<1x128xi32, #tpu.memory_space<vmem>> -> memref<128xi32, #tpu.memory_space<vmem>>
    %dma_start3A_54 = tpu.memref_slice %arg2[%add3A_49] : memref<204800xi32, #tpu.memory_space<hbm>> -> memref<128xi32, #tpu.memory_space<hbm>>
    %dma_start3A_55 = arith.constant 0 : i32
    %dma_start3A_56 = tpu.memref_slice %arg4[%dma_start3A_50, %dma_start3A_55] : memref<49x128xi32, #tpu.memory_space<vmem>> -> memref<1x128xi32, #tpu.memory_space<vmem>>
    %dma_start3A_57 = tpu.memref_squeeze %dma_start3A_56 : memref<1x128xi32, #tpu.memory_space<vmem>> -> memref<128xi32, #tpu.memory_space<vmem>>
    %dma_start3A_58 = tpu.memref_slice %arg2[%add3A_49] : memref<204800xi32, #tpu.memory_space<hbm>> -> memref<128xi32, #tpu.memory_space<hbm>>
    tpu.enqueue_dma source(%dma_start3A_58 : memref<128xi32, #tpu.memory_space<hbm>>) target(%dma_start3A_57 : memref<128xi32, #tpu.memory_space<vmem>>) target_semaphore(%arg8 : memref<!tpu.dma_semaphore, #tpu.memory_space<semaphore_mem>>)
    %add3A_59 = arith.constant 640 : i32
    %add3A_60 = arith.addi %add3A_4, %add3A_59 : i32
    %dma_start3A_61 = arith.constant 5 : i32
    %dma_start3A_62 = arith.constant 0 : i32
    %dma_start3A_63 = tpu.memref_slice %arg4[%dma_start3A_61, %dma_start3A_62] : memref<49x128xi32, #tpu.memory_space<vmem>> -> memref<1x128xi32, #tpu.memory_space<vmem>>
    %dma_start3A_64 = tpu.memref_squeeze %dma_start3A_63 : memref<1x128xi32, #tpu.memory_space<vmem>> -> memref<128xi32, #tpu.memory_space<vmem>>
    %dma_start3A_65 = tpu.memref_slice %arg2[%add3A_60] : memref<204800xi32, #tpu.memory_space<hbm>> -> memref<128xi32, #tpu.memory_space<hbm>>
    %dma_start3A_66 = arith.constant 0 : i32
    %dma_start3A_67 = tpu.memref_slice %arg4[%dma_start3A_61, %dma_start3A_66] : memref<49x128xi32, #tpu.memory_space<vmem>> -> memref<1x128xi32, #tpu.memory_space<vmem>>
    %dma_start3A_68 = tpu.memref_squeeze %dma_start3A_67 : memref<1x128xi32, #tpu.memory_space<vmem>> -> memref<128xi32, #tpu.memory_space<vmem>>
    %dma_start3A_69 = tpu.memref_slice %arg2[%add3A_60] : memref<204800xi32, #tpu.memory_space<hbm>> -> memref<128xi32, #tpu.memory_space<hbm>>
    tpu.enqueue_dma source(%dma_start3A_69 : memref<128xi32, #tpu.memory_space<hbm>>) target(%dma_start3A_68 : memref<128xi32, #tpu.memory_space<vmem>>) target_semaphore(%arg8 : memref<!tpu.dma_semaphore, #tpu.memory_space<semaphore_mem>>)
    %add3A_70 = arith.constant 768 : i32
    %add3A_71 = arith.addi %add3A_4, %add3A_70 : i32
    %dma_start3A_72 = arith.constant 6 : i32
    %dma_start3A_73 = arith.constant 0 : i32
    %dma_start3A_74 = tpu.memref_slice %arg4[%dma_start3A_72, %dma_start3A_73] : memref<49x128xi32, #tpu.memory_space<vmem>> -> memref<1x128xi32, #tpu.memory_space<vmem>>
    %dma_start3A_75 = tpu.memref_squeeze %dma_start3A_74 : memref<1x128xi32, #tpu.memory_space<vmem>> -> memref<128xi32, #tpu.memory_space<vmem>>
    %dma_start3A_76 = tpu.memref_slice %arg2[%add3A_71] : memref<204800xi32, #tpu.memory_space<hbm>> -> memref<128xi32, #tpu.memory_space<hbm>>
    %dma_start3A_77 = arith.constant 0 : i32
    %dma_start3A_78 = tpu.memref_slice %arg4[%dma_start3A_72, %dma_start3A_77] : memref<49x128xi32, #tpu.memory_space<vmem>> -> memref<1x128xi32, #tpu.memory_space<vmem>>
    %dma_start3A_79 = tpu.memref_squeeze %dma_start3A_78 : memref<1x128xi32, #tpu.memory_space<vmem>> -> memref<128xi32, #tpu.memory_space<vmem>>
    %dma_start3A_80 = tpu.memref_slice %arg2[%add3A_71] : memref<204800xi32, #tpu.memory_space<hbm>> -> memref<128xi32, #tpu.memory_space<hbm>>
    tpu.enqueue_dma source(%dma_start3A_80 : memref<128xi32, #tpu.memory_space<hbm>>) target(%dma_start3A_79 : memref<128xi32, #tpu.memory_space<vmem>>) target_semaphore(%arg8 : memref<!tpu.dma_semaphore, #tpu.memory_space<semaphore_mem>>)
    %add3A_81 = arith.constant 896 : i32
    %add3A_82 = arith.addi %add3A_4, %add3A_81 : i32
    %dma_start3A_83 = arith.constant 7 : i32
    %dma_start3A_84 = arith.constant 0 : i32
    %dma_start3A_85 = tpu.memref_slice %arg4[%dma_start3A_83, %dma_start3A_84] : memref<49x128xi32, #tpu.memory_space<vmem>> -> memref<1x128xi32, #tpu.memory_space<vmem>>
    %dma_start3A_86 = tpu.memref_squeeze %dma_start3A_85 : memref<1x128xi32, #tpu.memory_space<vmem>> -> memref<128xi32, #tpu.memory_space<vmem>>
    %dma_start3A_87 = tpu.memref_slice %arg2[%add3A_82] : memref<204800xi32, #tpu.memory_space<hbm>> -> memref<128xi32, #tpu.memory_space<hbm>>
    %dma_start3A_88 = arith.constant 0 : i32
    %dma_start3A_89 = tpu.memref_slice %arg4[%dma_start3A_83, %dma_start3A_88] : memref<49x128xi32, #tpu.memory_space<vmem>> -> memref<1x128xi32, #tpu.memory_space<vmem>>
    %dma_start3A_90 = tpu.memref_squeeze %dma_start3A_89 : memref<1x128xi32, #tpu.memory_space<vmem>> -> memref<128xi32, #tpu.memory_space<vmem>>
    %dma_start3A_91 = tpu.memref_slice %arg2[%add3A_82] : memref<204800xi32, #tpu.memory_space<hbm>> -> memref<128xi32, #tpu.memory_space<hbm>>
    tpu.enqueue_dma source(%dma_start3A_91 : memref<128xi32, #tpu.memory_space<hbm>>) target(%dma_start3A_90 : memref<128xi32, #tpu.memory_space<vmem>>) target_semaphore(%arg8 : memref<!tpu.dma_semaphore, #tpu.memory_space<semaphore_mem>>)
    %add3A_92 = arith.constant 1024 : i32
    %add3A_93 = arith.addi %add3A_4, %add3A_92 : i32
    %dma_start3A_94 = arith.constant 8 : i32
    %dma_start3A_95 = arith.constant 0 : i32
    %dma_start3A_96 = tpu.memref_slice %arg4[%dma_start3A_94, %dma_start3A_95] : memref<49x128xi32, #tpu.memory_space<vmem>> -> memref<1x128xi32, #tpu.memory_space<vmem>>
    %dma_start3A_97 = tpu.memref_squeeze %dma_start3A_96 : memref<1x128xi32, #tpu.memory_space<vmem>> -> memref<128xi32, #tpu.memory_space<vmem>>
    %dma_start3A_98 = tpu.memref_slice %arg2[%add3A_93] : memref<204800xi32, #tpu.memory_space<hbm>> -> memref<128xi32, #tpu.memory_space<hbm>>
    %dma_start3A_99 = arith.constant 0 : i32
    %dma_start3A_100 = tpu.memref_slice %arg4[%dma_start3A_94, %dma_start3A_99] : memref<49x128xi32, #tpu.memory_space<vmem>> -> memref<1x128xi32, #tpu.memory_space<vmem>>
    %dma_start3A_101 = tpu.memref_squeeze %dma_start3A_100 : memref<1x128xi32, #tpu.memory_space<vmem>> -> memref<128xi32, #tpu.memory_space<vmem>>
    %dma_start3A_102 = tpu.memref_slice %arg2[%add3A_93] : memref<204800xi32, #tpu.memory_space<hbm>> -> memref<128xi32, #tpu.memory_space<hbm>>
    tpu.enqueue_dma source(%dma_start3A_102 : memref<128xi32, #tpu.memory_space<hbm>>) target(%dma_start3A_101 : memref<128xi32, #tpu.memory_space<vmem>>) target_semaphore(%arg8 : memref<!tpu.dma_semaphore, #tpu.memory_space<semaphore_mem>>)
    %add3A_103 = arith.constant 1152 : i32
    %add3A_104 = arith.addi %add3A_4, %add3A_103 : i32
    %dma_start3A_105 = arith.constant 9 : i32
    %dma_start3A_106 = arith.constant 0 : i32
    %dma_start3A_107 = tpu.memref_slice %arg4[%dma_start3A_105, %dma_start3A_106] : memref<49x128xi32, #tpu.memory_space<vmem>> -> memref<1x128xi32, #tpu.memory_space<vmem>>
    %dma_start3A_108 = tpu.memref_squeeze %dma_start3A_107 : memref<1x128xi32, #tpu.memory_space<vmem>> -> memref<128xi32, #tpu.memory_space<vmem>>
    %dma_start3A_109 = tpu.memref_slice %arg2[%add3A_104] : memref<204800xi32, #tpu.memory_space<hbm>> -> memref<128xi32, #tpu.memory_space<hbm>>
    %dma_start3A_110 = arith.constant 0 : i32
    %dma_start3A_111 = tpu.memref_slice %arg4[%dma_start3A_105, %dma_start3A_110] : memref<49x128xi32, #tpu.memory_space<vmem>> -> memref<1x128xi32, #tpu.memory_space<vmem>>
    %dma_start3A_112 = tpu.memref_squeeze %dma_start3A_111 : memref<1x128xi32, #tpu.memory_space<vmem>> -> memref<128xi32, #tpu.memory_space<vmem>>
    %dma_start3A_113 = tpu.memref_slice %arg2[%add3A_104] : memref<204800xi32, #tpu.memory_space<hbm>> -> memref<128xi32, #tpu.memory_space<hbm>>
    tpu.enqueue_dma source(%dma_start3A_113 : memref<128xi32, #tpu.memory_space<hbm>>) target(%dma_start3A_112 : memref<128xi32, #tpu.memory_space<vmem>>) target_semaphore(%arg8 : memref<!tpu.dma_semaphore, #tpu.memory_space<semaphore_mem>>)
    %add3A_114 = arith.constant 1280 : i32
    %add3A_115 = arith.addi %add3A_4, %add3A_114 : i32
    %dma_start3A_116 = arith.constant 10 : i32
    %dma_start3A_117 = arith.constant 0 : i32
    %dma_start3A_118 = tpu.memref_slice %arg4[%dma_start3A_116, %dma_start3A_117] : memref<49x128xi32, #tpu.memory_space<vmem>> -> memref<1x128xi32, #tpu.memory_space<vmem>>
    %dma_start3A_119 = tpu.memref_squeeze %dma_start3A_118 : memref<1x128xi32, #tpu.memory_space<vmem>> -> memref<128xi32, #tpu.memory_space<vmem>>
    %dma_start3A_120 = tpu.memref_slice %arg2[%add3A_115] : memref<204800xi32, #tpu.memory_space<hbm>> -> memref<128xi32, #tpu.memory_space<hbm>>
    %dma_start3A_121 = arith.constant 0 : i32
    %dma_start3A_122 = tpu.memref_slice %arg4[%dma_start3A_116, %dma_start3A_121] : memref<49x128xi32, #tpu.memory_space<vmem>> -> memref<1x128xi32, #tpu.memory_space<vmem>>
    %dma_start3A_123 = tpu.memref_squeeze %dma_start3A_122 : memref<1x128xi32, #tpu.memory_space<vmem>> -> memref<128xi32, #tpu.memory_space<vmem>>
    %dma_start3A_124 = tpu.memref_slice %arg2[%add3A_115] : memref<204800xi32, #tpu.memory_space<hbm>> -> memref<128xi32, #tpu.memory_space<hbm>>
    tpu.enqueue_dma source(%dma_start3A_124 : memref<128xi32, #tpu.memory_space<hbm>>) target(%dma_start3A_123 : memref<128xi32, #tpu.memory_space<vmem>>) target_semaphore(%arg8 : memref<!tpu.dma_semaphore, #tpu.memory_space<semaphore_mem>>)
    %add3A_125 = arith.constant 1408 : i32
    %add3A_126 = arith.addi %add3A_4, %add3A_125 : i32
    %dma_start3A_127 = arith.constant 11 : i32
    %dma_start3A_128 = arith.constant 0 : i32
    %dma_start3A_129 = tpu.memref_slice %arg4[%dma_start3A_127, %dma_start3A_128] : memref<49x128xi32, #tpu.memory_space<vmem>> -> memref<1x128xi32, #tpu.memory_space<vmem>>
    %dma_start3A_130 = tpu.memref_squeeze %dma_start3A_129 : memref<1x128xi32, #tpu.memory_space<vmem>> -> memref<128xi32, #tpu.memory_space<vmem>>
    %dma_start3A_131 = tpu.memref_slice %arg2[%add3A_126] : memref<204800xi32, #tpu.memory_space<hbm>> -> memref<128xi32, #tpu.memory_space<hbm>>
    %dma_start3A_132 = arith.constant 0 : i32
    %dma_start3A_133 = tpu.memref_slice %arg4[%dma_start3A_127, %dma_start3A_132] : memref<49x128xi32, #tpu.memory_space<vmem>> -> memref<1x128xi32, #tpu.memory_space<vmem>>
    %dma_start3A_134 = tpu.memref_squeeze %dma_start3A_133 : memref<1x128xi32, #tpu.memory_space<vmem>> -> memref<128xi32, #tpu.memory_space<vmem>>
    %dma_start3A_135 = tpu.memref_slice %arg2[%add3A_126] : memref<204800xi32, #tpu.memory_space<hbm>> -> memref<128xi32, #tpu.memory_space<hbm>>
    tpu.enqueue_dma source(%dma_start3A_135 : memref<128xi32, #tpu.memory_space<hbm>>) target(%dma_start3A_134 : memref<128xi32, #tpu.memory_space<vmem>>) target_semaphore(%arg8 : memref<!tpu.dma_semaphore, #tpu.memory_space<semaphore_mem>>)
    %add3A_136 = arith.constant 1536 : i32
    %add3A_137 = arith.addi %add3A_4, %add3A_136 : i32
    %dma_start3A_138 = arith.constant 12 : i32
    %dma_start3A_139 = arith.constant 0 : i32
    %dma_start3A_140 = tpu.memref_slice %arg4[%dma_start3A_138, %dma_start3A_139] : memref<49x128xi32, #tpu.memory_space<vmem>> -> memref<1x128xi32, #tpu.memory_space<vmem>>
    %dma_start3A_141 = tpu.memref_squeeze %dma_start3A_140 : memref<1x128xi32, #tpu.memory_space<vmem>> -> memref<128xi32, #tpu.memory_space<vmem>>
    %dma_start3A_142 = tpu.memref_slice %arg2[%add3A_137] : memref<204800xi32, #tpu.memory_space<hbm>> -> memref<128xi32, #tpu.memory_space<hbm>>
    %dma_start3A_143 = arith.constant 0 : i32
    %dma_start3A_144 = tpu.memref_slice %arg4[%dma_start3A_138, %dma_start3A_143] : memref<49x128xi32, #tpu.memory_space<vmem>> -> memref<1x128xi32, #tpu.memory_space<vmem>>
    %dma_start3A_145 = tpu.memref_squeeze %dma_start3A_144 : memref<1x128xi32, #tpu.memory_space<vmem>> -> memref<128xi32, #tpu.memory_space<vmem>>
    %dma_start3A_146 = tpu.memref_slice %arg2[%add3A_137] : memref<204800xi32, #tpu.memory_space<hbm>> -> memref<128xi32, #tpu.memory_space<hbm>>
    tpu.enqueue_dma source(%dma_start3A_146 : memref<128xi32, #tpu.memory_space<hbm>>) target(%dma_start3A_145 : memref<128xi32, #tpu.memory_space<vmem>>) target_semaphore(%arg8 : memref<!tpu.dma_semaphore, #tpu.memory_space<semaphore_mem>>)
    %add3A_147 = arith.constant 1664 : i32
    %add3A_148 = arith.addi %add3A_4, %add3A_147 : i32
    %dma_start3A_149 = arith.constant 13 : i32
    %dma_start3A_150 = arith.constant 0 : i32
    %dma_start3A_151 = tpu.memref_slice %arg4[%dma_start3A_149, %dma_start3A_150] : memref<49x128xi32, #tpu.memory_space<vmem>> -> memref<1x128xi32, #tpu.memory_space<vmem>>
    %dma_start3A_152 = tpu.memref_squeeze %dma_start3A_151 : memref<1x128xi32, #tpu.memory_space<vmem>> -> memref<128xi32, #tpu.memory_space<vmem>>
    %dma_start3A_153 = tpu.memref_slice %arg2[%add3A_148] : memref<204800xi32, #tpu.memory_space<hbm>> -> memref<128xi32, #tpu.memory_space<hbm>>
    %dma_start3A_154 = arith.constant 0 : i32
    %dma_start3A_155 = tpu.memref_slice %arg4[%dma_start3A_149, %dma_start3A_154] : memref<49x128xi32, #tpu.memory_space<vmem>> -> memref<1x128xi32, #tpu.memory_space<vmem>>
    %dma_start3A_156 = tpu.memref_squeeze %dma_start3A_155 : memref<1x128xi32, #tpu.memory_space<vmem>> -> memref<128xi32, #tpu.memory_space<vmem>>
    %dma_start3A_157 = tpu.memref_slice %arg2[%add3A_148] : memref<204800xi32, #tpu.memory_space<hbm>> -> memref<128xi32, #tpu.memory_space<hbm>>
    tpu.enqueue_dma source(%dma_start3A_157 : memref<128xi32, #tpu.memory_space<hbm>>) target(%dma_start3A_156 : memref<128xi32, #tpu.memory_space<vmem>>) target_semaphore(%arg8 : memref<!tpu.dma_semaphore, #tpu.memory_space<semaphore_mem>>)
    %add3A_158 = arith.constant 1792 : i32
    %add3A_159 = arith.addi %add3A_4, %add3A_158 : i32
    %dma_start3A_160 = arith.constant 14 : i32
    %dma_start3A_161 = arith.constant 0 : i32
    %dma_start3A_162 = tpu.memref_slice %arg4[%dma_start3A_160, %dma_start3A_161] : memref<49x128xi32, #tpu.memory_space<vmem>> -> memref<1x128xi32, #tpu.memory_space<vmem>>
    %dma_start3A_163 = tpu.memref_squeeze %dma_start3A_162 : memref<1x128xi32, #tpu.memory_space<vmem>> -> memref<128xi32, #tpu.memory_space<vmem>>
    %dma_start3A_164 = tpu.memref_slice %arg2[%add3A_159] : memref<204800xi32, #tpu.memory_space<hbm>> -> memref<128xi32, #tpu.memory_space<hbm>>
    %dma_start3A_165 = arith.constant 0 : i32
    %dma_start3A_166 = tpu.memref_slice %arg4[%dma_start3A_160, %dma_start3A_165] : memref<49x128xi32, #tpu.memory_space<vmem>> -> memref<1x128xi32, #tpu.memory_space<vmem>>
    %dma_start3A_167 = tpu.memref_squeeze %dma_start3A_166 : memref<1x128xi32, #tpu.memory_space<vmem>> -> memref<128xi32, #tpu.memory_space<vmem>>
    %dma_start3A_168 = tpu.memref_slice %arg2[%add3A_159] : memref<204800xi32, #tpu.memory_space<hbm>> -> memref<128xi32, #tpu.memory_space<hbm>>
    tpu.enqueue_dma source(%dma_start3A_168 : memref<128xi32, #tpu.memory_space<hbm>>) target(%dma_start3A_167 : memref<128xi32, #tpu.memory_space<vmem>>) target_semaphore(%arg8 : memref<!tpu.dma_semaphore, #tpu.memory_space<semaphore_mem>>)
    %add3A_169 = arith.constant 1920 : i32
    %add3A_170 = arith.addi %add3A_4, %add3A_169 : i32
    %dma_start3A_171 = arith.constant 15 : i32
    %dma_start3A_172 = arith.constant 0 : i32
    %dma_start3A_173 = tpu.memref_slice %arg4[%dma_start3A_171, %dma_start3A_172] : memref<49x128xi32, #tpu.memory_space<vmem>> -> memref<1x128xi32, #tpu.memory_space<vmem>>
    %dma_start3A_174 = tpu.memref_squeeze %dma_start3A_173 : memref<1x128xi32, #tpu.memory_space<vmem>> -> memref<128xi32, #tpu.memory_space<vmem>>
    %dma_start3A_175 = tpu.memref_slice %arg2[%add3A_170] : memref<204800xi32, #tpu.memory_space<hbm>> -> memref<128xi32, #tpu.memory_space<hbm>>
    %dma_start3A_176 = arith.constant 0 : i32
    %dma_start3A_177 = tpu.memref_slice %arg4[%dma_start3A_171, %dma_start3A_176] : memref<49x128xi32, #tpu.memory_space<vmem>> -> memref<1x128xi32, #tpu.memory_space<vmem>>
    %dma_start3A_178 = tpu.memref_squeeze %dma_start3A_177 : memref<1x128xi32, #tpu.memory_space<vmem>> -> memref<128xi32, #tpu.memory_space<vmem>>
    %dma_start3A_179 = tpu.memref_slice %arg2[%add3A_170] : memref<204800xi32, #tpu.memory_space<hbm>> -> memref<128xi32, #tpu.memory_space<hbm>>
    tpu.enqueue_dma source(%dma_start3A_179 : memref<128xi32, #tpu.memory_space<hbm>>) target(%dma_start3A_178 : memref<128xi32, #tpu.memory_space<vmem>>) target_semaphore(%arg8 : memref<!tpu.dma_semaphore, #tpu.memory_space<semaphore_mem>>)
    %add3A_180 = arith.constant 2048 : i32
    %add3A_181 = arith.addi %add3A_4, %add3A_180 : i32
    %dma_start3A_182 = arith.constant 16 : i32
    %dma_start3A_183 = arith.constant 0 : i32
    %dma_start3A_184 = tpu.memref_slice %arg4[%dma_start3A_182, %dma_start3A_183] : memref<49x128xi32, #tpu.memory_space<vmem>> -> memref<1x128xi32, #tpu.memory_space<vmem>>
    %dma_start3A_185 = tpu.memref_squeeze %dma_start3A_184 : memref<1x128xi32, #tpu.memory_space<vmem>> -> memref<128xi32, #tpu.memory_space<vmem>>
    %dma_start3A_186 = tpu.memref_slice %arg2[%add3A_181] : memref<204800xi32, #tpu.memory_space<hbm>> -> memref<128xi32, #tpu.memory_space<hbm>>
    %dma_start3A_187 = arith.constant 0 : i32
    %dma_start3A_188 = tpu.memref_slice %arg4[%dma_start3A_182, %dma_start3A_187] : memref<49x128xi32, #tpu.memory_space<vmem>> -> memref<1x128xi32, #tpu.memory_space<vmem>>
    %dma_start3A_189 = tpu.memref_squeeze %dma_start3A_188 : memref<1x128xi32, #tpu.memory_space<vmem>> -> memref<128xi32, #tpu.memory_space<vmem>>
    %dma_start3A_190 = tpu.memref_slice %arg2[%add3A_181] : memref<204800xi32, #tpu.memory_space<hbm>> -> memref<128xi32, #tpu.memory_space<hbm>>
    tpu.enqueue_dma source(%dma_start3A_190 : memref<128xi32, #tpu.memory_space<hbm>>) target(%dma_start3A_189 : memref<128xi32, #tpu.memory_space<vmem>>) target_semaphore(%arg8 : memref<!tpu.dma_semaphore, #tpu.memory_space<semaphore_mem>>)
    %add3A_191 = arith.constant 2176 : i32
    %add3A_192 = arith.addi %add3A_4, %add3A_191 : i32
    %dma_start3A_193 = arith.constant 17 : i32
    %dma_start3A_194 = arith.constant 0 : i32
    %dma_start3A_195 = tpu.memref_slice %arg4[%dma_start3A_193, %dma_start3A_194] : memref<49x128xi32, #tpu.memory_space<vmem>> -> memref<1x128xi32, #tpu.memory_space<vmem>>
    %dma_start3A_196 = tpu.memref_squeeze %dma_start3A_195 : memref<1x128xi32, #tpu.memory_space<vmem>> -> memref<128xi32, #tpu.memory_space<vmem>>
    %dma_start3A_197 = tpu.memref_slice %arg2[%add3A_192] : memref<204800xi32, #tpu.memory_space<hbm>> -> memref<128xi32, #tpu.memory_space<hbm>>
    %dma_start3A_198 = arith.constant 0 : i32
    %dma_start3A_199 = tpu.memref_slice %arg4[%dma_start3A_193, %dma_start3A_198] : memref<49x128xi32, #tpu.memory_space<vmem>> -> memref<1x128xi32, #tpu.memory_space<vmem>>
    %dma_start3A_200 = tpu.memref_squeeze %dma_start3A_199 : memref<1x128xi32, #tpu.memory_space<vmem>> -> memref<128xi32, #tpu.memory_space<vmem>>
    %dma_start3A_201 = tpu.memref_slice %arg2[%add3A_192] : memref<204800xi32, #tpu.memory_space<hbm>> -> memref<128xi32, #tpu.memory_space<hbm>>
    tpu.enqueue_dma source(%dma_start3A_201 : memref<128xi32, #tpu.memory_space<hbm>>) target(%dma_start3A_200 : memref<128xi32, #tpu.memory_space<vmem>>) target_semaphore(%arg8 : memref<!tpu.dma_semaphore, #tpu.memory_space<semaphore_mem>>)
    %add3A_202 = arith.constant 2304 : i32
    %add3A_203 = arith.addi %add3A_4, %add3A_202 : i32
    %dma_start3A_204 = arith.constant 18 : i32
    %dma_start3A_205 = arith.constant 0 : i32
    %dma_start3A_206 = tpu.memref_slice %arg4[%dma_start3A_204, %dma_start3A_205] : memref<49x128xi32, #tpu.memory_space<vmem>> -> memref<1x128xi32, #tpu.memory_space<vmem>>
    %dma_start3A_207 = tpu.memref_squeeze %dma_start3A_206 : memref<1x128xi32, #tpu.memory_space<vmem>> -> memref<128xi32, #tpu.memory_space<vmem>>
    %dma_start3A_208 = tpu.memref_slice %arg2[%add3A_203] : memref<204800xi32, #tpu.memory_space<hbm>> -> memref<128xi32, #tpu.memory_space<hbm>>
    %dma_start3A_209 = arith.constant 0 : i32
    %dma_start3A_210 = tpu.memref_slice %arg4[%dma_start3A_204, %dma_start3A_209] : memref<49x128xi32, #tpu.memory_space<vmem>> -> memref<1x128xi32, #tpu.memory_space<vmem>>
    %dma_start3A_211 = tpu.memref_squeeze %dma_start3A_210 : memref<1x128xi32, #tpu.memory_space<vmem>> -> memref<128xi32, #tpu.memory_space<vmem>>
    %dma_start3A_212 = tpu.memref_slice %arg2[%add3A_203] : memref<204800xi32, #tpu.memory_space<hbm>> -> memref<128xi32, #tpu.memory_space<hbm>>
    tpu.enqueue_dma source(%dma_start3A_212 : memref<128xi32, #tpu.memory_space<hbm>>) target(%dma_start3A_211 : memref<128xi32, #tpu.memory_space<vmem>>) target_semaphore(%arg8 : memref<!tpu.dma_semaphore, #tpu.memory_space<semaphore_mem>>)
    %add3A_213 = arith.constant 2432 : i32
    %add3A_214 = arith.addi %add3A_4, %add3A_213 : i32
    %dma_start3A_215 = arith.constant 19 : i32
    %dma_start3A_216 = arith.constant 0 : i32
    %dma_start3A_217 = tpu.memref_slice %arg4[%dma_start3A_215, %dma_start3A_216] : memref<49x128xi32, #tpu.memory_space<vmem>> -> memref<1x128xi32, #tpu.memory_space<vmem>>
    %dma_start3A_218 = tpu.memref_squeeze %dma_start3A_217 : memref<1x128xi32, #tpu.memory_space<vmem>> -> memref<128xi32, #tpu.memory_space<vmem>>
    %dma_start3A_219 = tpu.memref_slice %arg2[%add3A_214] : memref<204800xi32, #tpu.memory_space<hbm>> -> memref<128xi32, #tpu.memory_space<hbm>>
    %dma_start3A_220 = arith.constant 0 : i32
    %dma_start3A_221 = tpu.memref_slice %arg4[%dma_start3A_215, %dma_start3A_220] : memref<49x128xi32, #tpu.memory_space<vmem>> -> memref<1x128xi32, #tpu.memory_space<vmem>>
    %dma_start3A_222 = tpu.memref_squeeze %dma_start3A_221 : memref<1x128xi32, #tpu.memory_space<vmem>> -> memref<128xi32, #tpu.memory_space<vmem>>
    %dma_start3A_223 = tpu.memref_slice %arg2[%add3A_214] : memref<204800xi32, #tpu.memory_space<hbm>> -> memref<128xi32, #tpu.memory_space<hbm>>
    tpu.enqueue_dma source(%dma_start3A_223 : memref<128xi32, #tpu.memory_space<hbm>>) target(%dma_start3A_222 : memref<128xi32, #tpu.memory_space<vmem>>) target_semaphore(%arg8 : memref<!tpu.dma_semaphore, #tpu.memory_space<semaphore_mem>>)
    %add3A_224 = arith.constant 2560 : i32
    %add3A_225 = arith.addi %add3A_4, %add3A_224 : i32
    %dma_start3A_226 = arith.constant 20 : i32
    %dma_start3A_227 = arith.constant 0 : i32
    %dma_start3A_228 = tpu.memref_slice %arg4[%dma_start3A_226, %dma_start3A_227] : memref<49x128xi32, #tpu.memory_space<vmem>> -> memref<1x128xi32, #tpu.memory_space<vmem>>
    %dma_start3A_229 = tpu.memref_squeeze %dma_start3A_228 : memref<1x128xi32, #tpu.memory_space<vmem>> -> memref<128xi32, #tpu.memory_space<vmem>>
    %dma_start3A_230 = tpu.memref_slice %arg2[%add3A_225] : memref<204800xi32, #tpu.memory_space<hbm>> -> memref<128xi32, #tpu.memory_space<hbm>>
    %dma_start3A_231 = arith.constant 0 : i32
    %dma_start3A_232 = tpu.memref_slice %arg4[%dma_start3A_226, %dma_start3A_231] : memref<49x128xi32, #tpu.memory_space<vmem>> -> memref<1x128xi32, #tpu.memory_space<vmem>>
    %dma_start3A_233 = tpu.memref_squeeze %dma_start3A_232 : memref<1x128xi32, #tpu.memory_space<vmem>> -> memref<128xi32, #tpu.memory_space<vmem>>
    %dma_start3A_234 = tpu.memref_slice %arg2[%add3A_225] : memref<204800xi32, #tpu.memory_space<hbm>> -> memref<128xi32, #tpu.memory_space<hbm>>
    tpu.enqueue_dma source(%dma_start3A_234 : memref<128xi32, #tpu.memory_space<hbm>>) target(%dma_start3A_233 : memref<128xi32, #tpu.memory_space<vmem>>) target_semaphore(%arg8 : memref<!tpu.dma_semaphore, #tpu.memory_space<semaphore_mem>>)
    %add3A_235 = arith.constant 2688 : i32
    %add3A_236 = arith.addi %add3A_4, %add3A_235 : i32
    %dma_start3A_237 = arith.constant 21 : i32
    %dma_start3A_238 = arith.constant 0 : i32
    %dma_start3A_239 = tpu.memref_slice %arg4[%dma_start3A_237, %dma_start3A_238] : memref<49x128xi32, #tpu.memory_space<vmem>> -> memref<1x128xi32, #tpu.memory_space<vmem>>
    %dma_start3A_240 = tpu.memref_squeeze %dma_start3A_239 : memref<1x128xi32, #tpu.memory_space<vmem>> -> memref<128xi32, #tpu.memory_space<vmem>>
    %dma_start3A_241 = tpu.memref_slice %arg2[%add3A_236] : memref<204800xi32, #tpu.memory_space<hbm>> -> memref<128xi32, #tpu.memory_space<hbm>>
    %dma_start3A_242 = arith.constant 0 : i32
    %dma_start3A_243 = tpu.memref_slice %arg4[%dma_start3A_237, %dma_start3A_242] : memref<49x128xi32, #tpu.memory_space<vmem>> -> memref<1x128xi32, #tpu.memory_space<vmem>>
    %dma_start3A_244 = tpu.memref_squeeze %dma_start3A_243 : memref<1x128xi32, #tpu.memory_space<vmem>> -> memref<128xi32, #tpu.memory_space<vmem>>
    %dma_start3A_245 = tpu.memref_slice %arg2[%add3A_236] : memref<204800xi32, #tpu.memory_space<hbm>> -> memref<128xi32, #tpu.memory_space<hbm>>
    tpu.enqueue_dma source(%dma_start3A_245 : memref<128xi32, #tpu.memory_space<hbm>>) target(%dma_start3A_244 : memref<128xi32, #tpu.memory_space<vmem>>) target_semaphore(%arg8 : memref<!tpu.dma_semaphore, #tpu.memory_space<semaphore_mem>>)
    %add3A_246 = arith.constant 2816 : i32
    %add3A_247 = arith.addi %add3A_4, %add3A_246 : i32
    %dma_start3A_248 = arith.constant 22 : i32
    %dma_start3A_249 = arith.constant 0 : i32
    %dma_start3A_250 = tpu.memref_slice %arg4[%dma_start3A_248, %dma_start3A_249] : memref<49x128xi32, #tpu.memory_space<vmem>> -> memref<1x128xi32, #tpu.memory_space<vmem>>
    %dma_start3A_251 = tpu.memref_squeeze %dma_start3A_250 : memref<1x128xi32, #tpu.memory_space<vmem>> -> memref<128xi32, #tpu.memory_space<vmem>>
    %dma_start3A_252 = tpu.memref_slice %arg2[%add3A_247] : memref<204800xi32, #tpu.memory_space<hbm>> -> memref<128xi32, #tpu.memory_space<hbm>>
    %dma_start3A_253 = arith.constant 0 : i32
    %dma_start3A_254 = tpu.memref_slice %arg4[%dma_start3A_248, %dma_start3A_253] : memref<49x128xi32, #tpu.memory_space<vmem>> -> memref<1x128xi32, #tpu.memory_space<vmem>>
    %dma_start3A_255 = tpu.memref_squeeze %dma_start3A_254 : memref<1x128xi32, #tpu.memory_space<vmem>> -> memref<128xi32, #tpu.memory_space<vmem>>
    %dma_start3A_256 = tpu.memref_slice %arg2[%add3A_247] : memref<204800xi32, #tpu.memory_space<hbm>> -> memref<128xi32, #tpu.memory_space<hbm>>
    tpu.enqueue_dma source(%dma_start3A_256 : memref<128xi32, #tpu.memory_space<hbm>>) target(%dma_start3A_255 : memref<128xi32, #tpu.memory_space<vmem>>) target_semaphore(%arg8 : memref<!tpu.dma_semaphore, #tpu.memory_space<semaphore_mem>>)
    %add3A_257 = arith.constant 2944 : i32
    %add3A_258 = arith.addi %add3A_4, %add3A_257 : i32
    %dma_start3A_259 = arith.constant 23 : i32
    %dma_start3A_260 = arith.constant 0 : i32
    %dma_start3A_261 = tpu.memref_slice %arg4[%dma_start3A_259, %dma_start3A_260] : memref<49x128xi32, #tpu.memory_space<vmem>> -> memref<1x128xi32, #tpu.memory_space<vmem>>
    %dma_start3A_262 = tpu.memref_squeeze %dma_start3A_261 : memref<1x128xi32, #tpu.memory_space<vmem>> -> memref<128xi32, #tpu.memory_space<vmem>>
    %dma_start3A_263 = tpu.memref_slice %arg2[%add3A_258] : memref<204800xi32, #tpu.memory_space<hbm>> -> memref<128xi32, #tpu.memory_space<hbm>>
    %dma_start3A_264 = arith.constant 0 : i32
    %dma_start3A_265 = tpu.memref_slice %arg4[%dma_start3A_259, %dma_start3A_264] : memref<49x128xi32, #tpu.memory_space<vmem>> -> memref<1x128xi32, #tpu.memory_space<vmem>>
    %dma_start3A_266 = tpu.memref_squeeze %dma_start3A_265 : memref<1x128xi32, #tpu.memory_space<vmem>> -> memref<128xi32, #tpu.memory_space<vmem>>
    %dma_start3A_267 = tpu.memref_slice %arg2[%add3A_258] : memref<204800xi32, #tpu.memory_space<hbm>> -> memref<128xi32, #tpu.memory_space<hbm>>
    tpu.enqueue_dma source(%dma_start3A_267 : memref<128xi32, #tpu.memory_space<hbm>>) target(%dma_start3A_266 : memref<128xi32, #tpu.memory_space<vmem>>) target_semaphore(%arg8 : memref<!tpu.dma_semaphore, #tpu.memory_space<semaphore_mem>>)
    %add3A_268 = arith.constant 3072 : i32
    %add3A_269 = arith.addi %add3A_4, %add3A_268 : i32
    %dma_start3A_270 = arith.constant 24 : i32
    %dma_start3A_271 = arith.constant 0 : i32
    %dma_start3A_272 = tpu.memref_slice %arg4[%dma_start3A_270, %dma_start3A_271] : memref<49x128xi32, #tpu.memory_space<vmem>> -> memref<1x128xi32, #tpu.memory_space<vmem>>
    %dma_start3A_273 = tpu.memref_squeeze %dma_start3A_272 : memref<1x128xi32, #tpu.memory_space<vmem>> -> memref<128xi32, #tpu.memory_space<vmem>>
    %dma_start3A_274 = tpu.memref_slice %arg2[%add3A_269] : memref<204800xi32, #tpu.memory_space<hbm>> -> memref<128xi32, #tpu.memory_space<hbm>>
    %dma_start3A_275 = arith.constant 0 : i32
    %dma_start3A_276 = tpu.memref_slice %arg4[%dma_start3A_270, %dma_start3A_275] : memref<49x128xi32, #tpu.memory_space<vmem>> -> memref<1x128xi32, #tpu.memory_space<vmem>>
    %dma_start3A_277 = tpu.memref_squeeze %dma_start3A_276 : memref<1x128xi32, #tpu.memory_space<vmem>> -> memref<128xi32, #tpu.memory_space<vmem>>
    %dma_start3A_278 = tpu.memref_slice %arg2[%add3A_269] : memref<204800xi32, #tpu.memory_space<hbm>> -> memref<128xi32, #tpu.memory_space<hbm>>
    tpu.enqueue_dma source(%dma_start3A_278 : memref<128xi32, #tpu.memory_space<hbm>>) target(%dma_start3A_277 : memref<128xi32, #tpu.memory_space<vmem>>) target_semaphore(%arg8 : memref<!tpu.dma_semaphore, #tpu.memory_space<semaphore_mem>>)
    %add3A_279 = arith.constant 3200 : i32
    %add3A_280 = arith.addi %add3A_4, %add3A_279 : i32
    %dma_start3A_281 = arith.constant 25 : i32
    %dma_start3A_282 = arith.constant 0 : i32
    %dma_start3A_283 = tpu.memref_slice %arg4[%dma_start3A_281, %dma_start3A_282] : memref<49x128xi32, #tpu.memory_space<vmem>> -> memref<1x128xi32, #tpu.memory_space<vmem>>
    %dma_start3A_284 = tpu.memref_squeeze %dma_start3A_283 : memref<1x128xi32, #tpu.memory_space<vmem>> -> memref<128xi32, #tpu.memory_space<vmem>>
    %dma_start3A_285 = tpu.memref_slice %arg2[%add3A_280] : memref<204800xi32, #tpu.memory_space<hbm>> -> memref<128xi32, #tpu.memory_space<hbm>>
    %dma_start3A_286 = arith.constant 0 : i32
    %dma_start3A_287 = tpu.memref_slice %arg4[%dma_start3A_281, %dma_start3A_286] : memref<49x128xi32, #tpu.memory_space<vmem>> -> memref<1x128xi32, #tpu.memory_space<vmem>>
    %dma_start3A_288 = tpu.memref_squeeze %dma_start3A_287 : memref<1x128xi32, #tpu.memory_space<vmem>> -> memref<128xi32, #tpu.memory_space<vmem>>
    %dma_start3A_289 = tpu.memref_slice %arg2[%add3A_280] : memref<204800xi32, #tpu.memory_space<hbm>> -> memref<128xi32, #tpu.memory_space<hbm>>
    tpu.enqueue_dma source(%dma_start3A_289 : memref<128xi32, #tpu.memory_space<hbm>>) target(%dma_start3A_288 : memref<128xi32, #tpu.memory_space<vmem>>) target_semaphore(%arg8 : memref<!tpu.dma_semaphore, #tpu.memory_space<semaphore_mem>>)
    %add3A_290 = arith.constant 3328 : i32
    %add3A_291 = arith.addi %add3A_4, %add3A_290 : i32
    %dma_start3A_292 = arith.constant 26 : i32
    %dma_start3A_293 = arith.constant 0 : i32
    %dma_start3A_294 = tpu.memref_slice %arg4[%dma_start3A_292, %dma_start3A_293] : memref<49x128xi32, #tpu.memory_space<vmem>> -> memref<1x128xi32, #tpu.memory_space<vmem>>
    %dma_start3A_295 = tpu.memref_squeeze %dma_start3A_294 : memref<1x128xi32, #tpu.memory_space<vmem>> -> memref<128xi32, #tpu.memory_space<vmem>>
    %dma_start3A_296 = tpu.memref_slice %arg2[%add3A_291] : memref<204800xi32, #tpu.memory_space<hbm>> -> memref<128xi32, #tpu.memory_space<hbm>>
    %dma_start3A_297 = arith.constant 0 : i32
    %dma_start3A_298 = tpu.memref_slice %arg4[%dma_start3A_292, %dma_start3A_297] : memref<49x128xi32, #tpu.memory_space<vmem>> -> memref<1x128xi32, #tpu.memory_space<vmem>>
    %dma_start3A_299 = tpu.memref_squeeze %dma_start3A_298 : memref<1x128xi32, #tpu.memory_space<vmem>> -> memref<128xi32, #tpu.memory_space<vmem>>
    %dma_start3A_300 = tpu.memref_slice %arg2[%add3A_291] : memref<204800xi32, #tpu.memory_space<hbm>> -> memref<128xi32, #tpu.memory_space<hbm>>
    tpu.enqueue_dma source(%dma_start3A_300 : memref<128xi32, #tpu.memory_space<hbm>>) target(%dma_start3A_299 : memref<128xi32, #tpu.memory_space<vmem>>) target_semaphore(%arg8 : memref<!tpu.dma_semaphore, #tpu.memory_space<semaphore_mem>>)
    %add3A_301 = arith.constant 3456 : i32
    %add3A_302 = arith.addi %add3A_4, %add3A_301 : i32
    %dma_start3A_303 = arith.constant 27 : i32
    %dma_start3A_304 = arith.constant 0 : i32
    %dma_start3A_305 = tpu.memref_slice %arg4[%dma_start3A_303, %dma_start3A_304] : memref<49x128xi32, #tpu.memory_space<vmem>> -> memref<1x128xi32, #tpu.memory_space<vmem>>
    %dma_start3A_306 = tpu.memref_squeeze %dma_start3A_305 : memref<1x128xi32, #tpu.memory_space<vmem>> -> memref<128xi32, #tpu.memory_space<vmem>>
    %dma_start3A_307 = tpu.memref_slice %arg2[%add3A_302] : memref<204800xi32, #tpu.memory_space<hbm>> -> memref<128xi32, #tpu.memory_space<hbm>>
    %dma_start3A_308 = arith.constant 0 : i32
    %dma_start3A_309 = tpu.memref_slice %arg4[%dma_start3A_303, %dma_start3A_308] : memref<49x128xi32, #tpu.memory_space<vmem>> -> memref<1x128xi32, #tpu.memory_space<vmem>>
    %dma_start3A_310 = tpu.memref_squeeze %dma_start3A_309 : memref<1x128xi32, #tpu.memory_space<vmem>> -> memref<128xi32, #tpu.memory_space<vmem>>
    %dma_start3A_311 = tpu.memref_slice %arg2[%add3A_302] : memref<204800xi32, #tpu.memory_space<hbm>> -> memref<128xi32, #tpu.memory_space<hbm>>
    tpu.enqueue_dma source(%dma_start3A_311 : memref<128xi32, #tpu.memory_space<hbm>>) target(%dma_start3A_310 : memref<128xi32, #tpu.memory_space<vmem>>) target_semaphore(%arg8 : memref<!tpu.dma_semaphore, #tpu.memory_space<semaphore_mem>>)
    %add3A_312 = arith.constant 3584 : i32
    %add3A_313 = arith.addi %add3A_4, %add3A_312 : i32
    %dma_start3A_314 = arith.constant 28 : i32
    %dma_start3A_315 = arith.constant 0 : i32
    %dma_start3A_316 = tpu.memref_slice %arg4[%dma_start3A_314, %dma_start3A_315] : memref<49x128xi32, #tpu.memory_space<vmem>> -> memref<1x128xi32, #tpu.memory_space<vmem>>
    %dma_start3A_317 = tpu.memref_squeeze %dma_start3A_316 : memref<1x128xi32, #tpu.memory_space<vmem>> -> memref<128xi32, #tpu.memory_space<vmem>>
    %dma_start3A_318 = tpu.memref_slice %arg2[%add3A_313] : memref<204800xi32, #tpu.memory_space<hbm>> -> memref<128xi32, #tpu.memory_space<hbm>>
    %dma_start3A_319 = arith.constant 0 : i32
    %dma_start3A_320 = tpu.memref_slice %arg4[%dma_start3A_314, %dma_start3A_319] : memref<49x128xi32, #tpu.memory_space<vmem>> -> memref<1x128xi32, #tpu.memory_space<vmem>>
    %dma_start3A_321 = tpu.memref_squeeze %dma_start3A_320 : memref<1x128xi32, #tpu.memory_space<vmem>> -> memref<128xi32, #tpu.memory_space<vmem>>
    %dma_start3A_322 = tpu.memref_slice %arg2[%add3A_313] : memref<204800xi32, #tpu.memory_space<hbm>> -> memref<128xi32, #tpu.memory_space<hbm>>
    tpu.enqueue_dma source(%dma_start3A_322 : memref<128xi32, #tpu.memory_space<hbm>>) target(%dma_start3A_321 : memref<128xi32, #tpu.memory_space<vmem>>) target_semaphore(%arg8 : memref<!tpu.dma_semaphore, #tpu.memory_space<semaphore_mem>>)
    %add3A_323 = arith.constant 3712 : i32
    %add3A_324 = arith.addi %add3A_4, %add3A_323 : i32
    %dma_start3A_325 = arith.constant 29 : i32
    %dma_start3A_326 = arith.constant 0 : i32
    %dma_start3A_327 = tpu.memref_slice %arg4[%dma_start3A_325, %dma_start3A_326] : memref<49x128xi32, #tpu.memory_space<vmem>> -> memref<1x128xi32, #tpu.memory_space<vmem>>
    %dma_start3A_328 = tpu.memref_squeeze %dma_start3A_327 : memref<1x128xi32, #tpu.memory_space<vmem>> -> memref<128xi32, #tpu.memory_space<vmem>>
    %dma_start3A_329 = tpu.memref_slice %arg2[%add3A_324] : memref<204800xi32, #tpu.memory_space<hbm>> -> memref<128xi32, #tpu.memory_space<hbm>>
    %dma_start3A_330 = arith.constant 0 : i32
    %dma_start3A_331 = tpu.memref_slice %arg4[%dma_start3A_325, %dma_start3A_330] : memref<49x128xi32, #tpu.memory_space<vmem>> -> memref<1x128xi32, #tpu.memory_space<vmem>>
    %dma_start3A_332 = tpu.memref_squeeze %dma_start3A_331 : memref<1x128xi32, #tpu.memory_space<vmem>> -> memref<128xi32, #tpu.memory_space<vmem>>
    %dma_start3A_333 = tpu.memref_slice %arg2[%add3A_324] : memref<204800xi32, #tpu.memory_space<hbm>> -> memref<128xi32, #tpu.memory_space<hbm>>
    tpu.enqueue_dma source(%dma_start3A_333 : memref<128xi32, #tpu.memory_space<hbm>>) target(%dma_start3A_332 : memref<128xi32, #tpu.memory_space<vmem>>) target_semaphore(%arg8 : memref<!tpu.dma_semaphore, #tpu.memory_space<semaphore_mem>>)
    %add3A_334 = arith.constant 3840 : i32
    %add3A_335 = arith.addi %add3A_4, %add3A_334 : i32
    %dma_start3A_336 = arith.constant 30 : i32
    %dma_start3A_337 = arith.constant 0 : i32
    %dma_start3A_338 = tpu.memref_slice %arg4[%dma_start3A_336, %dma_start3A_337] : memref<49x128xi32, #tpu.memory_space<vmem>> -> memref<1x128xi32, #tpu.memory_space<vmem>>
    %dma_start3A_339 = tpu.memref_squeeze %dma_start3A_338 : memref<1x128xi32, #tpu.memory_space<vmem>> -> memref<128xi32, #tpu.memory_space<vmem>>
    %dma_start3A_340 = tpu.memref_slice %arg2[%add3A_335] : memref<204800xi32, #tpu.memory_space<hbm>> -> memref<128xi32, #tpu.memory_space<hbm>>
    %dma_start3A_341 = arith.constant 0 : i32
    %dma_start3A_342 = tpu.memref_slice %arg4[%dma_start3A_336, %dma_start3A_341] : memref<49x128xi32, #tpu.memory_space<vmem>> -> memref<1x128xi32, #tpu.memory_space<vmem>>
    %dma_start3A_343 = tpu.memref_squeeze %dma_start3A_342 : memref<1x128xi32, #tpu.memory_space<vmem>> -> memref<128xi32, #tpu.memory_space<vmem>>
    %dma_start3A_344 = tpu.memref_slice %arg2[%add3A_335] : memref<204800xi32, #tpu.memory_space<hbm>> -> memref<128xi32, #tpu.memory_space<hbm>>
    tpu.enqueue_dma source(%dma_start3A_344 : memref<128xi32, #tpu.memory_space<hbm>>) target(%dma_start3A_343 : memref<128xi32, #tpu.memory_space<vmem>>) target_semaphore(%arg8 : memref<!tpu.dma_semaphore, #tpu.memory_space<semaphore_mem>>)
    %add3A_345 = arith.constant 3968 : i32
    %add3A_346 = arith.addi %add3A_4, %add3A_345 : i32
    %dma_start3A_347 = arith.constant 31 : i32
    %dma_start3A_348 = arith.constant 0 : i32
    %dma_start3A_349 = tpu.memref_slice %arg4[%dma_start3A_347, %dma_start3A_348] : memref<49x128xi32, #tpu.memory_space<vmem>> -> memref<1x128xi32, #tpu.memory_space<vmem>>
    %dma_start3A_350 = tpu.memref_squeeze %dma_start3A_349 : memref<1x128xi32, #tpu.memory_space<vmem>> -> memref<128xi32, #tpu.memory_space<vmem>>
    %dma_start3A_351 = tpu.memref_slice %arg2[%add3A_346] : memref<204800xi32, #tpu.memory_space<hbm>> -> memref<128xi32, #tpu.memory_space<hbm>>
    %dma_start3A_352 = arith.constant 0 : i32
    %dma_start3A_353 = tpu.memref_slice %arg4[%dma_start3A_347, %dma_start3A_352] : memref<49x128xi32, #tpu.memory_space<vmem>> -> memref<1x128xi32, #tpu.memory_space<vmem>>
    %dma_start3A_354 = tpu.memref_squeeze %dma_start3A_353 : memref<1x128xi32, #tpu.memory_space<vmem>> -> memref<128xi32, #tpu.memory_space<vmem>>
    %dma_start3A_355 = tpu.memref_slice %arg2[%add3A_346] : memref<204800xi32, #tpu.memory_space<hbm>> -> memref<128xi32, #tpu.memory_space<hbm>>
    tpu.enqueue_dma source(%dma_start3A_355 : memref<128xi32, #tpu.memory_space<hbm>>) target(%dma_start3A_354 : memref<128xi32, #tpu.memory_space<vmem>>) target_semaphore(%arg8 : memref<!tpu.dma_semaphore, #tpu.memory_space<semaphore_mem>>)
    %add3A_356 = arith.constant 4096 : i32
    %add3A_357 = arith.addi %add3A_4, %add3A_356 : i32
    %dma_start3A_358 = arith.constant 32 : i32
    %dma_start3A_359 = arith.constant 0 : i32
    %dma_start3A_360 = tpu.memref_slice %arg4[%dma_start3A_358, %dma_start3A_359] : memref<49x128xi32, #tpu.memory_space<vmem>> -> memref<1x128xi32, #tpu.memory_space<vmem>>
    %dma_start3A_361 = tpu.memref_squeeze %dma_start3A_360 : memref<1x128xi32, #tpu.memory_space<vmem>> -> memref<128xi32, #tpu.memory_space<vmem>>
    %dma_start3A_362 = tpu.memref_slice %arg2[%add3A_357] : memref<204800xi32, #tpu.memory_space<hbm>> -> memref<128xi32, #tpu.memory_space<hbm>>
    %dma_start3A_363 = arith.constant 0 : i32
    %dma_start3A_364 = tpu.memref_slice %arg4[%dma_start3A_358, %dma_start3A_363] : memref<49x128xi32, #tpu.memory_space<vmem>> -> memref<1x128xi32, #tpu.memory_space<vmem>>
    %dma_start3A_365 = tpu.memref_squeeze %dma_start3A_364 : memref<1x128xi32, #tpu.memory_space<vmem>> -> memref<128xi32, #tpu.memory_space<vmem>>
    %dma_start3A_366 = tpu.memref_slice %arg2[%add3A_357] : memref<204800xi32, #tpu.memory_space<hbm>> -> memref<128xi32, #tpu.memory_space<hbm>>
    tpu.enqueue_dma source(%dma_start3A_366 : memref<128xi32, #tpu.memory_space<hbm>>) target(%dma_start3A_365 : memref<128xi32, #tpu.memory_space<vmem>>) target_semaphore(%arg8 : memref<!tpu.dma_semaphore, #tpu.memory_space<semaphore_mem>>)
    %add3A_367 = arith.constant 4224 : i32
    %add3A_368 = arith.addi %add3A_4, %add3A_367 : i32
    %dma_start3A_369 = arith.constant 33 : i32
    %dma_start3A_370 = arith.constant 0 : i32
    %dma_start3A_371 = tpu.memref_slice %arg4[%dma_start3A_369, %dma_start3A_370] : memref<49x128xi32, #tpu.memory_space<vmem>> -> memref<1x128xi32, #tpu.memory_space<vmem>>
    %dma_start3A_372 = tpu.memref_squeeze %dma_start3A_371 : memref<1x128xi32, #tpu.memory_space<vmem>> -> memref<128xi32, #tpu.memory_space<vmem>>
    %dma_start3A_373 = tpu.memref_slice %arg2[%add3A_368] : memref<204800xi32, #tpu.memory_space<hbm>> -> memref<128xi32, #tpu.memory_space<hbm>>
    %dma_start3A_374 = arith.constant 0 : i32
    %dma_start3A_375 = tpu.memref_slice %arg4[%dma_start3A_369, %dma_start3A_374] : memref<49x128xi32, #tpu.memory_space<vmem>> -> memref<1x128xi32, #tpu.memory_space<vmem>>
    %dma_start3A_376 = tpu.memref_squeeze %dma_start3A_375 : memref<1x128xi32, #tpu.memory_space<vmem>> -> memref<128xi32, #tpu.memory_space<vmem>>
    %dma_start3A_377 = tpu.memref_slice %arg2[%add3A_368] : memref<204800xi32, #tpu.memory_space<hbm>> -> memref<128xi32, #tpu.memory_space<hbm>>
    tpu.enqueue_dma source(%dma_start3A_377 : memref<128xi32, #tpu.memory_space<hbm>>) target(%dma_start3A_376 : memref<128xi32, #tpu.memory_space<vmem>>) target_semaphore(%arg8 : memref<!tpu.dma_semaphore, #tpu.memory_space<semaphore_mem>>)
    %add3A_378 = arith.constant 4352 : i32
    %add3A_379 = arith.addi %add3A_4, %add3A_378 : i32
    %dma_start3A_380 = arith.constant 34 : i32
    %dma_start3A_381 = arith.constant 0 : i32
    %dma_start3A_382 = tpu.memref_slice %arg4[%dma_start3A_380, %dma_start3A_381] : memref<49x128xi32, #tpu.memory_space<vmem>> -> memref<1x128xi32, #tpu.memory_space<vmem>>
    %dma_start3A_383 = tpu.memref_squeeze %dma_start3A_382 : memref<1x128xi32, #tpu.memory_space<vmem>> -> memref<128xi32, #tpu.memory_space<vmem>>
    %dma_start3A_384 = tpu.memref_slice %arg2[%add3A_379] : memref<204800xi32, #tpu.memory_space<hbm>> -> memref<128xi32, #tpu.memory_space<hbm>>
    %dma_start3A_385 = arith.constant 0 : i32
    %dma_start3A_386 = tpu.memref_slice %arg4[%dma_start3A_380, %dma_start3A_385] : memref<49x128xi32, #tpu.memory_space<vmem>> -> memref<1x128xi32, #tpu.memory_space<vmem>>
    %dma_start3A_387 = tpu.memref_squeeze %dma_start3A_386 : memref<1x128xi32, #tpu.memory_space<vmem>> -> memref<128xi32, #tpu.memory_space<vmem>>
    %dma_start3A_388 = tpu.memref_slice %arg2[%add3A_379] : memref<204800xi32, #tpu.memory_space<hbm>> -> memref<128xi32, #tpu.memory_space<hbm>>
    tpu.enqueue_dma source(%dma_start3A_388 : memref<128xi32, #tpu.memory_space<hbm>>) target(%dma_start3A_387 : memref<128xi32, #tpu.memory_space<vmem>>) target_semaphore(%arg8 : memref<!tpu.dma_semaphore, #tpu.memory_space<semaphore_mem>>)
    %add3A_389 = arith.constant 4480 : i32
    %add3A_390 = arith.addi %add3A_4, %add3A_389 : i32
    %dma_start3A_391 = arith.constant 35 : i32
    %dma_start3A_392 = arith.constant 0 : i32
    %dma_start3A_393 = tpu.memref_slice %arg4[%dma_start3A_391, %dma_start3A_392] : memref<49x128xi32, #tpu.memory_space<vmem>> -> memref<1x128xi32, #tpu.memory_space<vmem>>
    %dma_start3A_394 = tpu.memref_squeeze %dma_start3A_393 : memref<1x128xi32, #tpu.memory_space<vmem>> -> memref<128xi32, #tpu.memory_space<vmem>>
    %dma_start3A_395 = tpu.memref_slice %arg2[%add3A_390] : memref<204800xi32, #tpu.memory_space<hbm>> -> memref<128xi32, #tpu.memory_space<hbm>>
    %dma_start3A_396 = arith.constant 0 : i32
    %dma_start3A_397 = tpu.memref_slice %arg4[%dma_start3A_391, %dma_start3A_396] : memref<49x128xi32, #tpu.memory_space<vmem>> -> memref<1x128xi32, #tpu.memory_space<vmem>>
    %dma_start3A_398 = tpu.memref_squeeze %dma_start3A_397 : memref<1x128xi32, #tpu.memory_space<vmem>> -> memref<128xi32, #tpu.memory_space<vmem>>
    %dma_start3A_399 = tpu.memref_slice %arg2[%add3A_390] : memref<204800xi32, #tpu.memory_space<hbm>> -> memref<128xi32, #tpu.memory_space<hbm>>
    tpu.enqueue_dma source(%dma_start3A_399 : memref<128xi32, #tpu.memory_space<hbm>>) target(%dma_start3A_398 : memref<128xi32, #tpu.memory_space<vmem>>) target_semaphore(%arg8 : memref<!tpu.dma_semaphore, #tpu.memory_space<semaphore_mem>>)
    %add3A_400 = arith.constant 4608 : i32
    %add3A_401 = arith.addi %add3A_4, %add3A_400 : i32
    %dma_start3A_402 = arith.constant 36 : i32
    %dma_start3A_403 = arith.constant 0 : i32
    %dma_start3A_404 = tpu.memref_slice %arg4[%dma_start3A_402, %dma_start3A_403] : memref<49x128xi32, #tpu.memory_space<vmem>> -> memref<1x128xi32, #tpu.memory_space<vmem>>
    %dma_start3A_405 = tpu.memref_squeeze %dma_start3A_404 : memref<1x128xi32, #tpu.memory_space<vmem>> -> memref<128xi32, #tpu.memory_space<vmem>>
    %dma_start3A_406 = tpu.memref_slice %arg2[%add3A_401] : memref<204800xi32, #tpu.memory_space<hbm>> -> memref<128xi32, #tpu.memory_space<hbm>>
    %dma_start3A_407 = arith.constant 0 : i32
    %dma_start3A_408 = tpu.memref_slice %arg4[%dma_start3A_402, %dma_start3A_407] : memref<49x128xi32, #tpu.memory_space<vmem>> -> memref<1x128xi32, #tpu.memory_space<vmem>>
    %dma_start3A_409 = tpu.memref_squeeze %dma_start3A_408 : memref<1x128xi32, #tpu.memory_space<vmem>> -> memref<128xi32, #tpu.memory_space<vmem>>
    %dma_start3A_410 = tpu.memref_slice %arg2[%add3A_401] : memref<204800xi32, #tpu.memory_space<hbm>> -> memref<128xi32, #tpu.memory_space<hbm>>
    tpu.enqueue_dma source(%dma_start3A_410 : memref<128xi32, #tpu.memory_space<hbm>>) target(%dma_start3A_409 : memref<128xi32, #tpu.memory_space<vmem>>) target_semaphore(%arg8 : memref<!tpu.dma_semaphore, #tpu.memory_space<semaphore_mem>>)
    %add3A_411 = arith.constant 4736 : i32
    %add3A_412 = arith.addi %add3A_4, %add3A_411 : i32
    %dma_start3A_413 = arith.constant 37 : i32
    %dma_start3A_414 = arith.constant 0 : i32
    %dma_start3A_415 = tpu.memref_slice %arg4[%dma_start3A_413, %dma_start3A_414] : memref<49x128xi32, #tpu.memory_space<vmem>> -> memref<1x128xi32, #tpu.memory_space<vmem>>
    %dma_start3A_416 = tpu.memref_squeeze %dma_start3A_415 : memref<1x128xi32, #tpu.memory_space<vmem>> -> memref<128xi32, #tpu.memory_space<vmem>>
    %dma_start3A_417 = tpu.memref_slice %arg2[%add3A_412] : memref<204800xi32, #tpu.memory_space<hbm>> -> memref<128xi32, #tpu.memory_space<hbm>>
    %dma_start3A_418 = arith.constant 0 : i32
    %dma_start3A_419 = tpu.memref_slice %arg4[%dma_start3A_413, %dma_start3A_418] : memref<49x128xi32, #tpu.memory_space<vmem>> -> memref<1x128xi32, #tpu.memory_space<vmem>>
    %dma_start3A_420 = tpu.memref_squeeze %dma_start3A_419 : memref<1x128xi32, #tpu.memory_space<vmem>> -> memref<128xi32, #tpu.memory_space<vmem>>
    %dma_start3A_421 = tpu.memref_slice %arg2[%add3A_412] : memref<204800xi32, #tpu.memory_space<hbm>> -> memref<128xi32, #tpu.memory_space<hbm>>
    tpu.enqueue_dma source(%dma_start3A_421 : memref<128xi32, #tpu.memory_space<hbm>>) target(%dma_start3A_420 : memref<128xi32, #tpu.memory_space<vmem>>) target_semaphore(%arg8 : memref<!tpu.dma_semaphore, #tpu.memory_space<semaphore_mem>>)
    %add3A_422 = arith.constant 4864 : i32
    %add3A_423 = arith.addi %add3A_4, %add3A_422 : i32
    %dma_start3A_424 = arith.constant 38 : i32
    %dma_start3A_425 = arith.constant 0 : i32
    %dma_start3A_426 = tpu.memref_slice %arg4[%dma_start3A_424, %dma_start3A_425] : memref<49x128xi32, #tpu.memory_space<vmem>> -> memref<1x128xi32, #tpu.memory_space<vmem>>
    %dma_start3A_427 = tpu.memref_squeeze %dma_start3A_426 : memref<1x128xi32, #tpu.memory_space<vmem>> -> memref<128xi32, #tpu.memory_space<vmem>>
    %dma_start3A_428 = tpu.memref_slice %arg2[%add3A_423] : memref<204800xi32, #tpu.memory_space<hbm>> -> memref<128xi32, #tpu.memory_space<hbm>>
    %dma_start3A_429 = arith.constant 0 : i32
    %dma_start3A_430 = tpu.memref_slice %arg4[%dma_start3A_424, %dma_start3A_429] : memref<49x128xi32, #tpu.memory_space<vmem>> -> memref<1x128xi32, #tpu.memory_space<vmem>>
    %dma_start3A_431 = tpu.memref_squeeze %dma_start3A_430 : memref<1x128xi32, #tpu.memory_space<vmem>> -> memref<128xi32, #tpu.memory_space<vmem>>
    %dma_start3A_432 = tpu.memref_slice %arg2[%add3A_423] : memref<204800xi32, #tpu.memory_space<hbm>> -> memref<128xi32, #tpu.memory_space<hbm>>
    tpu.enqueue_dma source(%dma_start3A_432 : memref<128xi32, #tpu.memory_space<hbm>>) target(%dma_start3A_431 : memref<128xi32, #tpu.memory_space<vmem>>) target_semaphore(%arg8 : memref<!tpu.dma_semaphore, #tpu.memory_space<semaphore_mem>>)
    %add3A_433 = arith.constant 4992 : i32
    %add3A_434 = arith.addi %add3A_4, %add3A_433 : i32
    %dma_start3A_435 = arith.constant 39 : i32
    %dma_start3A_436 = arith.constant 0 : i32
    %dma_start3A_437 = tpu.memref_slice %arg4[%dma_start3A_435, %dma_start3A_436] : memref<49x128xi32, #tpu.memory_space<vmem>> -> memref<1x128xi32, #tpu.memory_space<vmem>>
    %dma_start3A_438 = tpu.memref_squeeze %dma_start3A_437 : memref<1x128xi32, #tpu.memory_space<vmem>> -> memref<128xi32, #tpu.memory_space<vmem>>
    %dma_start3A_439 = tpu.memref_slice %arg2[%add3A_434] : memref<204800xi32, #tpu.memory_space<hbm>> -> memref<128xi32, #tpu.memory_space<hbm>>
    %dma_start3A_440 = arith.constant 0 : i32
    %dma_start3A_441 = tpu.memref_slice %arg4[%dma_start3A_435, %dma_start3A_440] : memref<49x128xi32, #tpu.memory_space<vmem>> -> memref<1x128xi32, #tpu.memory_space<vmem>>
    %dma_start3A_442 = tpu.memref_squeeze %dma_start3A_441 : memref<1x128xi32, #tpu.memory_space<vmem>> -> memref<128xi32, #tpu.memory_space<vmem>>
    %dma_start3A_443 = tpu.memref_slice %arg2[%add3A_434] : memref<204800xi32, #tpu.memory_space<hbm>> -> memref<128xi32, #tpu.memory_space<hbm>>
    tpu.enqueue_dma source(%dma_start3A_443 : memref<128xi32, #tpu.memory_space<hbm>>) target(%dma_start3A_442 : memref<128xi32, #tpu.memory_space<vmem>>) target_semaphore(%arg8 : memref<!tpu.dma_semaphore, #tpu.memory_space<semaphore_mem>>)
    %add3A_444 = arith.constant 5120 : i32
    %add3A_445 = arith.addi %add3A_4, %add3A_444 : i32
    %dma_start3A_446 = arith.constant 40 : i32
    %dma_start3A_447 = arith.constant 0 : i32
    %dma_start3A_448 = tpu.memref_slice %arg4[%dma_start3A_446, %dma_start3A_447] : memref<49x128xi32, #tpu.memory_space<vmem>> -> memref<1x128xi32, #tpu.memory_space<vmem>>
    %dma_start3A_449 = tpu.memref_squeeze %dma_start3A_448 : memref<1x128xi32, #tpu.memory_space<vmem>> -> memref<128xi32, #tpu.memory_space<vmem>>
    %dma_start3A_450 = tpu.memref_slice %arg2[%add3A_445] : memref<204800xi32, #tpu.memory_space<hbm>> -> memref<128xi32, #tpu.memory_space<hbm>>
    %dma_start3A_451 = arith.constant 0 : i32
    %dma_start3A_452 = tpu.memref_slice %arg4[%dma_start3A_446, %dma_start3A_451] : memref<49x128xi32, #tpu.memory_space<vmem>> -> memref<1x128xi32, #tpu.memory_space<vmem>>
    %dma_start3A_453 = tpu.memref_squeeze %dma_start3A_452 : memref<1x128xi32, #tpu.memory_space<vmem>> -> memref<128xi32, #tpu.memory_space<vmem>>
    %dma_start3A_454 = tpu.memref_slice %arg2[%add3A_445] : memref<204800xi32, #tpu.memory_space<hbm>> -> memref<128xi32, #tpu.memory_space<hbm>>
    tpu.enqueue_dma source(%dma_start3A_454 : memref<128xi32, #tpu.memory_space<hbm>>) target(%dma_start3A_453 : memref<128xi32, #tpu.memory_space<vmem>>) target_semaphore(%arg8 : memref<!tpu.dma_semaphore, #tpu.memory_space<semaphore_mem>>)
    %add3A_455 = arith.constant 5248 : i32
    %add3A_456 = arith.addi %add3A_4, %add3A_455 : i32
    %dma_start3A_457 = arith.constant 41 : i32
    %dma_start3A_458 = arith.constant 0 : i32
    %dma_start3A_459 = tpu.memref_slice %arg4[%dma_start3A_457, %dma_start3A_458] : memref<49x128xi32, #tpu.memory_space<vmem>> -> memref<1x128xi32, #tpu.memory_space<vmem>>
    %dma_start3A_460 = tpu.memref_squeeze %dma_start3A_459 : memref<1x128xi32, #tpu.memory_space<vmem>> -> memref<128xi32, #tpu.memory_space<vmem>>
    %dma_start3A_461 = tpu.memref_slice %arg2[%add3A_456] : memref<204800xi32, #tpu.memory_space<hbm>> -> memref<128xi32, #tpu.memory_space<hbm>>
    %dma_start3A_462 = arith.constant 0 : i32
    %dma_start3A_463 = tpu.memref_slice %arg4[%dma_start3A_457, %dma_start3A_462] : memref<49x128xi32, #tpu.memory_space<vmem>> -> memref<1x128xi32, #tpu.memory_space<vmem>>
    %dma_start3A_464 = tpu.memref_squeeze %dma_start3A_463 : memref<1x128xi32, #tpu.memory_space<vmem>> -> memref<128xi32, #tpu.memory_space<vmem>>
    %dma_start3A_465 = tpu.memref_slice %arg2[%add3A_456] : memref<204800xi32, #tpu.memory_space<hbm>> -> memref<128xi32, #tpu.memory_space<hbm>>
    tpu.enqueue_dma source(%dma_start3A_465 : memref<128xi32, #tpu.memory_space<hbm>>) target(%dma_start3A_464 : memref<128xi32, #tpu.memory_space<vmem>>) target_semaphore(%arg8 : memref<!tpu.dma_semaphore, #tpu.memory_space<semaphore_mem>>)
    %add3A_466 = arith.constant 5376 : i32
    %add3A_467 = arith.addi %add3A_4, %add3A_466 : i32
    %dma_start3A_468 = arith.constant 42 : i32
    %dma_start3A_469 = arith.constant 0 : i32
    %dma_start3A_470 = tpu.memref_slice %arg4[%dma_start3A_468, %dma_start3A_469] : memref<49x128xi32, #tpu.memory_space<vmem>> -> memref<1x128xi32, #tpu.memory_space<vmem>>
    %dma_start3A_471 = tpu.memref_squeeze %dma_start3A_470 : memref<1x128xi32, #tpu.memory_space<vmem>> -> memref<128xi32, #tpu.memory_space<vmem>>
    %dma_start3A_472 = tpu.memref_slice %arg2[%add3A_467] : memref<204800xi32, #tpu.memory_space<hbm>> -> memref<128xi32, #tpu.memory_space<hbm>>
    %dma_start3A_473 = arith.constant 0 : i32
    %dma_start3A_474 = tpu.memref_slice %arg4[%dma_start3A_468, %dma_start3A_473] : memref<49x128xi32, #tpu.memory_space<vmem>> -> memref<1x128xi32, #tpu.memory_space<vmem>>
    %dma_start3A_475 = tpu.memref_squeeze %dma_start3A_474 : memref<1x128xi32, #tpu.memory_space<vmem>> -> memref<128xi32, #tpu.memory_space<vmem>>
    %dma_start3A_476 = tpu.memref_slice %arg2[%add3A_467] : memref<204800xi32, #tpu.memory_space<hbm>> -> memref<128xi32, #tpu.memory_space<hbm>>
    tpu.enqueue_dma source(%dma_start3A_476 : memref<128xi32, #tpu.memory_space<hbm>>) target(%dma_start3A_475 : memref<128xi32, #tpu.memory_space<vmem>>) target_semaphore(%arg8 : memref<!tpu.dma_semaphore, #tpu.memory_space<semaphore_mem>>)
    %add3A_477 = arith.constant 5504 : i32
    %add3A_478 = arith.addi %add3A_4, %add3A_477 : i32
    %dma_start3A_479 = arith.constant 43 : i32
    %dma_start3A_480 = arith.constant 0 : i32
    %dma_start3A_481 = tpu.memref_slice %arg4[%dma_start3A_479, %dma_start3A_480] : memref<49x128xi32, #tpu.memory_space<vmem>> -> memref<1x128xi32, #tpu.memory_space<vmem>>
    %dma_start3A_482 = tpu.memref_squeeze %dma_start3A_481 : memref<1x128xi32, #tpu.memory_space<vmem>> -> memref<128xi32, #tpu.memory_space<vmem>>
    %dma_start3A_483 = tpu.memref_slice %arg2[%add3A_478] : memref<204800xi32, #tpu.memory_space<hbm>> -> memref<128xi32, #tpu.memory_space<hbm>>
    %dma_start3A_484 = arith.constant 0 : i32
    %dma_start3A_485 = tpu.memref_slice %arg4[%dma_start3A_479, %dma_start3A_484] : memref<49x128xi32, #tpu.memory_space<vmem>> -> memref<1x128xi32, #tpu.memory_space<vmem>>
    %dma_start3A_486 = tpu.memref_squeeze %dma_start3A_485 : memref<1x128xi32, #tpu.memory_space<vmem>> -> memref<128xi32, #tpu.memory_space<vmem>>
    %dma_start3A_487 = tpu.memref_slice %arg2[%add3A_478] : memref<204800xi32, #tpu.memory_space<hbm>> -> memref<128xi32, #tpu.memory_space<hbm>>
    tpu.enqueue_dma source(%dma_start3A_487 : memref<128xi32, #tpu.memory_space<hbm>>) target(%dma_start3A_486 : memref<128xi32, #tpu.memory_space<vmem>>) target_semaphore(%arg8 : memref<!tpu.dma_semaphore, #tpu.memory_space<semaphore_mem>>)
    %add3A_488 = arith.constant 5632 : i32
    %add3A_489 = arith.addi %add3A_4, %add3A_488 : i32
    %dma_start3A_490 = arith.constant 44 : i32
    %dma_start3A_491 = arith.constant 0 : i32
    %dma_start3A_492 = tpu.memref_slice %arg4[%dma_start3A_490, %dma_start3A_491] : memref<49x128xi32, #tpu.memory_space<vmem>> -> memref<1x128xi32, #tpu.memory_space<vmem>>
    %dma_start3A_493 = tpu.memref_squeeze %dma_start3A_492 : memref<1x128xi32, #tpu.memory_space<vmem>> -> memref<128xi32, #tpu.memory_space<vmem>>
    %dma_start3A_494 = tpu.memref_slice %arg2[%add3A_489] : memref<204800xi32, #tpu.memory_space<hbm>> -> memref<128xi32, #tpu.memory_space<hbm>>
    %dma_start3A_495 = arith.constant 0 : i32
    %dma_start3A_496 = tpu.memref_slice %arg4[%dma_start3A_490, %dma_start3A_495] : memref<49x128xi32, #tpu.memory_space<vmem>> -> memref<1x128xi32, #tpu.memory_space<vmem>>
    %dma_start3A_497 = tpu.memref_squeeze %dma_start3A_496 : memref<1x128xi32, #tpu.memory_space<vmem>> -> memref<128xi32, #tpu.memory_space<vmem>>
    %dma_start3A_498 = tpu.memref_slice %arg2[%add3A_489] : memref<204800xi32, #tpu.memory_space<hbm>> -> memref<128xi32, #tpu.memory_space<hbm>>
    tpu.enqueue_dma source(%dma_start3A_498 : memref<128xi32, #tpu.memory_space<hbm>>) target(%dma_start3A_497 : memref<128xi32, #tpu.memory_space<vmem>>) target_semaphore(%arg8 : memref<!tpu.dma_semaphore, #tpu.memory_space<semaphore_mem>>)
    %add3A_499 = arith.constant 5760 : i32
    %add3A_500 = arith.addi %add3A_4, %add3A_499 : i32
    %dma_start3A_501 = arith.constant 45 : i32
    %dma_start3A_502 = arith.constant 0 : i32
    %dma_start3A_503 = tpu.memref_slice %arg4[%dma_start3A_501, %dma_start3A_502] : memref<49x128xi32, #tpu.memory_space<vmem>> -> memref<1x128xi32, #tpu.memory_space<vmem>>
    %dma_start3A_504 = tpu.memref_squeeze %dma_start3A_503 : memref<1x128xi32, #tpu.memory_space<vmem>> -> memref<128xi32, #tpu.memory_space<vmem>>
    %dma_start3A_505 = tpu.memref_slice %arg2[%add3A_500] : memref<204800xi32, #tpu.memory_space<hbm>> -> memref<128xi32, #tpu.memory_space<hbm>>
    %dma_start3A_506 = arith.constant 0 : i32
    %dma_start3A_507 = tpu.memref_slice %arg4[%dma_start3A_501, %dma_start3A_506] : memref<49x128xi32, #tpu.memory_space<vmem>> -> memref<1x128xi32, #tpu.memory_space<vmem>>
    %dma_start3A_508 = tpu.memref_squeeze %dma_start3A_507 : memref<1x128xi32, #tpu.memory_space<vmem>> -> memref<128xi32, #tpu.memory_space<vmem>>
    %dma_start3A_509 = tpu.memref_slice %arg2[%add3A_500] : memref<204800xi32, #tpu.memory_space<hbm>> -> memref<128xi32, #tpu.memory_space<hbm>>
    tpu.enqueue_dma source(%dma_start3A_509 : memref<128xi32, #tpu.memory_space<hbm>>) target(%dma_start3A_508 : memref<128xi32, #tpu.memory_space<vmem>>) target_semaphore(%arg8 : memref<!tpu.dma_semaphore, #tpu.memory_space<semaphore_mem>>)
    %add3A_510 = arith.constant 5888 : i32
    %add3A_511 = arith.addi %add3A_4, %add3A_510 : i32
    %dma_start3A_512 = arith.constant 46 : i32
    %dma_start3A_513 = arith.constant 0 : i32
    %dma_start3A_514 = tpu.memref_slice %arg4[%dma_start3A_512, %dma_start3A_513] : memref<49x128xi32, #tpu.memory_space<vmem>> -> memref<1x128xi32, #tpu.memory_space<vmem>>
    %dma_start3A_515 = tpu.memref_squeeze %dma_start3A_514 : memref<1x128xi32, #tpu.memory_space<vmem>> -> memref<128xi32, #tpu.memory_space<vmem>>
    %dma_start3A_516 = tpu.memref_slice %arg2[%add3A_511] : memref<204800xi32, #tpu.memory_space<hbm>> -> memref<128xi32, #tpu.memory_space<hbm>>
    %dma_start3A_517 = arith.constant 0 : i32
    %dma_start3A_518 = tpu.memref_slice %arg4[%dma_start3A_512, %dma_start3A_517] : memref<49x128xi32, #tpu.memory_space<vmem>> -> memref<1x128xi32, #tpu.memory_space<vmem>>
    %dma_start3A_519 = tpu.memref_squeeze %dma_start3A_518 : memref<1x128xi32, #tpu.memory_space<vmem>> -> memref<128xi32, #tpu.memory_space<vmem>>
    %dma_start3A_520 = tpu.memref_slice %arg2[%add3A_511] : memref<204800xi32, #tpu.memory_space<hbm>> -> memref<128xi32, #tpu.memory_space<hbm>>
    tpu.enqueue_dma source(%dma_start3A_520 : memref<128xi32, #tpu.memory_space<hbm>>) target(%dma_start3A_519 : memref<128xi32, #tpu.memory_space<vmem>>) target_semaphore(%arg8 : memref<!tpu.dma_semaphore, #tpu.memory_space<semaphore_mem>>)
    %add3A_521 = arith.constant 6016 : i32
    %add3A_522 = arith.addi %add3A_4, %add3A_521 : i32
    %dma_start3A_523 = arith.constant 47 : i32
    %dma_start3A_524 = arith.constant 0 : i32
    %dma_start3A_525 = tpu.memref_slice %arg4[%dma_start3A_523, %dma_start3A_524] : memref<49x128xi32, #tpu.memory_space<vmem>> -> memref<1x128xi32, #tpu.memory_space<vmem>>
    %dma_start3A_526 = tpu.memref_squeeze %dma_start3A_525 : memref<1x128xi32, #tpu.memory_space<vmem>> -> memref<128xi32, #tpu.memory_space<vmem>>
    %dma_start3A_527 = tpu.memref_slice %arg2[%add3A_522] : memref<204800xi32, #tpu.memory_space<hbm>> -> memref<128xi32, #tpu.memory_space<hbm>>
    %dma_start3A_528 = arith.constant 0 : i32
    %dma_start3A_529 = tpu.memref_slice %arg4[%dma_start3A_523, %dma_start3A_528] : memref<49x128xi32, #tpu.memory_space<vmem>> -> memref<1x128xi32, #tpu.memory_space<vmem>>
    %dma_start3A_530 = tpu.memref_squeeze %dma_start3A_529 : memref<1x128xi32, #tpu.memory_space<vmem>> -> memref<128xi32, #tpu.memory_space<vmem>>
    %dma_start3A_531 = tpu.memref_slice %arg2[%add3A_522] : memref<204800xi32, #tpu.memory_space<hbm>> -> memref<128xi32, #tpu.memory_space<hbm>>
    tpu.enqueue_dma source(%dma_start3A_531 : memref<128xi32, #tpu.memory_space<hbm>>) target(%dma_start3A_530 : memref<128xi32, #tpu.memory_space<vmem>>) target_semaphore(%arg8 : memref<!tpu.dma_semaphore, #tpu.memory_space<semaphore_mem>>)
    %add3A_532 = arith.constant 6144 : i32
    %add3A_533 = arith.addi %add3A_4, %add3A_532 : i32
    %dma_start3A_534 = arith.constant 48 : i32
    %dma_start3A_535 = arith.constant 0 : i32
    %dma_start3A_536 = tpu.memref_slice %arg4[%dma_start3A_534, %dma_start3A_535] : memref<49x128xi32, #tpu.memory_space<vmem>> -> memref<1x128xi32, #tpu.memory_space<vmem>>
    %dma_start3A_537 = tpu.memref_squeeze %dma_start3A_536 : memref<1x128xi32, #tpu.memory_space<vmem>> -> memref<128xi32, #tpu.memory_space<vmem>>
    %dma_start3A_538 = tpu.memref_slice %arg2[%add3A_533] : memref<204800xi32, #tpu.memory_space<hbm>> -> memref<128xi32, #tpu.memory_space<hbm>>
    %dma_start3A_539 = arith.constant 0 : i32
    %dma_start3A_540 = tpu.memref_slice %arg4[%dma_start3A_534, %dma_start3A_539] : memref<49x128xi32, #tpu.memory_space<vmem>> -> memref<1x128xi32, #tpu.memory_space<vmem>>
    %dma_start3A_541 = tpu.memref_squeeze %dma_start3A_540 : memref<1x128xi32, #tpu.memory_space<vmem>> -> memref<128xi32, #tpu.memory_space<vmem>>
    %dma_start3A_542 = tpu.memref_slice %arg2[%add3A_533] : memref<204800xi32, #tpu.memory_space<hbm>> -> memref<128xi32, #tpu.memory_space<hbm>>
    tpu.enqueue_dma source(%dma_start3A_542 : memref<128xi32, #tpu.memory_space<hbm>>) target(%dma_start3A_541 : memref<128xi32, #tpu.memory_space<vmem>>) target_semaphore(%arg8 : memref<!tpu.dma_semaphore, #tpu.memory_space<semaphore_mem>>)
    %broadcast_in_dim3A = arith.constant 0.000000e+00 : f32
    %broadcast_in_dim3A_543 = vector.broadcast %broadcast_in_dim3A : f32 to vector<16xf32>
    %scan3A = arith.constant 0 : i32
    %scan3A_544 = arith.constant 0 : i32
    %scan3A_545 = arith.constant 1024 : i32
    %scan3A_546 = arith.addi %scan3A_544, %scan3A_545 : i32
    %scan3A_547 = arith.constant 1 : i32
    %scan3A_548 = scf.for %scan3A_1760 = %scan3A_544 to %scan3A_546 step %scan3A_547 iter_args(%scan3A_1761 = %scan3A) -> (i32)  : i32 {
      %mul3A_1762 = arith.constant 16 : i32
      %mul3A_1763 = arith.muli %scan3A_1760, %mul3A_1762 : i32
      %swap3A_1764 = arith.index_cast %mul3A_1763 : i32 to index
      %swap3A_1765 = tpu.vector_load %arg6[%swap3A_1764] {strides = array<i32>} : memref<16384xf32, #tpu.memory_space<vmem>>, vector<16xf32>,
      tpu.vector_store %arg6[%swap3A_1764], %broadcast_in_dim3A_543 {strides = array<i32>} : memref<16384xf32, #tpu.memory_space<vmem>>, vector<16xf32>,
      %scan3A_1766 = arith.constant 0 : i32
      scf.yield %scan3A_1766 : i32
    }
    %scan3A_549 = arith.constant 1024 : i32
    %add3A_550 = arith.constant 1.000000e+00 : f32
    %add3A_551 = vector.broadcast %add3A_550 : f32 to vector<16xf32>
    %add3A_552 = arith.addf %broadcast_in_dim3A_543, %add3A_551 : vector<16xf32>
    %swap3A = arith.constant 0 : index
    %swap3A_553 = tpu.vector_load %arg5[%swap3A] {strides = array<i32>} : memref<128xf32, #tpu.memory_space<vmem>>, vector<16xf32>,
    tpu.vector_store %arg5[%swap3A], %add3A_552 {strides = array<i32>} : memref<128xf32, #tpu.memory_space<vmem>>, vector<16xf32>,
    %add3A_554 = arith.constant 1.000000e+00 : f32
    %add3A_555 = vector.broadcast %add3A_554 : f32 to vector<16xf32>
    %add3A_556 = arith.addf %broadcast_in_dim3A_543, %add3A_555 : vector<16xf32>
    %swap3A_557 = arith.constant 16 : index
    %swap3A_558 = tpu.vector_load %arg5[%swap3A_557] {strides = array<i32>} : memref<128xf32, #tpu.memory_space<vmem>>, vector<16xf32>,
    tpu.vector_store %arg5[%swap3A_557], %add3A_556 {strides = array<i32>} : memref<128xf32, #tpu.memory_space<vmem>>, vector<16xf32>,
    %add3A_559 = arith.constant 1.000000e+00 : f32
    %add3A_560 = vector.broadcast %add3A_559 : f32 to vector<16xf32>
    %add3A_561 = arith.addf %broadcast_in_dim3A_543, %add3A_560 : vector<16xf32>
    %swap3A_562 = arith.constant 32 : index
    %swap3A_563 = tpu.vector_load %arg5[%swap3A_562] {strides = array<i32>} : memref<128xf32, #tpu.memory_space<vmem>>, vector<16xf32>,
    tpu.vector_store %arg5[%swap3A_562], %add3A_561 {strides = array<i32>} : memref<128xf32, #tpu.memory_space<vmem>>, vector<16xf32>,
    %add3A_564 = arith.constant 1.000000e+00 : f32
    %add3A_565 = vector.broadcast %add3A_564 : f32 to vector<16xf32>
    %add3A_566 = arith.addf %broadcast_in_dim3A_543, %add3A_565 : vector<16xf32>
    %swap3A_567 = arith.constant 48 : index
    %swap3A_568 = tpu.vector_load %arg5[%swap3A_567] {strides = array<i32>} : memref<128xf32, #tpu.memory_space<vmem>>, vector<16xf32>,
    tpu.vector_store %arg5[%swap3A_567], %add3A_566 {strides = array<i32>} : memref<128xf32, #tpu.memory_space<vmem>>, vector<16xf32>,
    %add3A_569 = arith.constant 1.000000e+00 : f32
    %add3A_570 = vector.broadcast %add3A_569 : f32 to vector<16xf32>
    %add3A_571 = arith.addf %broadcast_in_dim3A_543, %add3A_570 : vector<16xf32>
    %swap3A_572 = arith.constant 64 : index
    %swap3A_573 = tpu.vector_load %arg5[%swap3A_572] {strides = array<i32>} : memref<128xf32, #tpu.memory_space<vmem>>, vector<16xf32>,
    tpu.vector_store %arg5[%swap3A_572], %add3A_571 {strides = array<i32>} : memref<128xf32, #tpu.memory_space<vmem>>, vector<16xf32>,
    %add3A_574 = arith.constant 1.000000e+00 : f32
    %add3A_575 = vector.broadcast %add3A_574 : f32 to vector<16xf32>
    %add3A_576 = arith.addf %broadcast_in_dim3A_543, %add3A_575 : vector<16xf32>
    %swap3A_577 = arith.constant 80 : index
    %swap3A_578 = tpu.vector_load %arg5[%swap3A_577] {strides = array<i32>} : memref<128xf32, #tpu.memory_space<vmem>>, vector<16xf32>,
    tpu.vector_store %arg5[%swap3A_577], %add3A_576 {strides = array<i32>} : memref<128xf32, #tpu.memory_space<vmem>>, vector<16xf32>,
    %add3A_579 = arith.constant 1.000000e+00 : f32
    %add3A_580 = vector.broadcast %add3A_579 : f32 to vector<16xf32>
    %add3A_581 = arith.addf %broadcast_in_dim3A_543, %add3A_580 : vector<16xf32>
    %swap3A_582 = arith.constant 96 : index
    %swap3A_583 = tpu.vector_load %arg5[%swap3A_582] {strides = array<i32>} : memref<128xf32, #tpu.memory_space<vmem>>, vector<16xf32>,
    tpu.vector_store %arg5[%swap3A_582], %add3A_581 {strides = array<i32>} : memref<128xf32, #tpu.memory_space<vmem>>, vector<16xf32>,
    %add3A_584 = arith.constant 1.000000e+00 : f32
    %add3A_585 = vector.broadcast %add3A_584 : f32 to vector<16xf32>
    %add3A_586 = arith.addf %broadcast_in_dim3A_543, %add3A_585 : vector<16xf32>
    %swap3A_587 = arith.constant 112 : index
    %swap3A_588 = tpu.vector_load %arg5[%swap3A_587] {strides = array<i32>} : memref<128xf32, #tpu.memory_space<vmem>>, vector<16xf32>,
    tpu.vector_store %arg5[%swap3A_587], %add3A_586 {strides = array<i32>} : memref<128xf32, #tpu.memory_space<vmem>>, vector<16xf32>,
    %mul3A_589 = arith.constant 65536 : i32
    %mul3A_590 = arith.muli %arg1, %mul3A_589 : i32
    %add3A_591 = arith.constant 0 : i32
    %add3A_592 = arith.addi %mul3A_590, %add3A_591 : i32
    %dma_start3A_593 = tpu.memref_slice %arg7[%add3A_592] : memref<1048576xf32, #tpu.memory_space<vmem_shared>> -> memref<16384xf32, #tpu.memory_space<vmem_shared>>
    %dma_start3A_594 = tpu.memref_slice %arg7[%add3A_592] : memref<1048576xf32, #tpu.memory_space<vmem_shared>> -> memref<16384xf32, #tpu.memory_space<vmem_shared>>
    tpu.enqueue_dma source(%arg6 : memref<16384xf32, #tpu.memory_space<vmem>>) target(%dma_start3A_594 : memref<16384xf32, #tpu.memory_space<vmem_shared>>) target_semaphore(%arg9 : memref<!tpu.dma_semaphore, #tpu.memory_space<semaphore_mem>>)
    %mul3A_595 = arith.constant 65536 : i32
    %mul3A_596 = arith.muli %arg1, %mul3A_595 : i32
    %add3A_597 = arith.constant 16384 : i32
    %add3A_598 = arith.addi %mul3A_596, %add3A_597 : i32
    %dma_start3A_599 = tpu.memref_slice %arg7[%add3A_598] : memref<1048576xf32, #tpu.memory_space<vmem_shared>> -> memref<16384xf32, #tpu.memory_space<vmem_shared>>
    %dma_start3A_600 = tpu.memref_slice %arg7[%add3A_598] : memref<1048576xf32, #tpu.memory_space<vmem_shared>> -> memref<16384xf32, #tpu.memory_space<vmem_shared>>
    tpu.enqueue_dma source(%arg6 : memref<16384xf32, #tpu.memory_space<vmem>>) target(%dma_start3A_600 : memref<16384xf32, #tpu.memory_space<vmem_shared>>) target_semaphore(%arg9 : memref<!tpu.dma_semaphore, #tpu.memory_space<semaphore_mem>>)
    %mul3A_601 = arith.constant 65536 : i32
    %mul3A_602 = arith.muli %arg1, %mul3A_601 : i32
    %add3A_603 = arith.constant 32768 : i32
    %add3A_604 = arith.addi %mul3A_602, %add3A_603 : i32
    %dma_start3A_605 = tpu.memref_slice %arg7[%add3A_604] : memref<1048576xf32, #tpu.memory_space<vmem_shared>> -> memref<16384xf32, #tpu.memory_space<vmem_shared>>
    %dma_start3A_606 = tpu.memref_slice %arg7[%add3A_604] : memref<1048576xf32, #tpu.memory_space<vmem_shared>> -> memref<16384xf32, #tpu.memory_space<vmem_shared>>
    tpu.enqueue_dma source(%arg6 : memref<16384xf32, #tpu.memory_space<vmem>>) target(%dma_start3A_606 : memref<16384xf32, #tpu.memory_space<vmem_shared>>) target_semaphore(%arg9 : memref<!tpu.dma_semaphore, #tpu.memory_space<semaphore_mem>>)
    %mul3A_607 = arith.constant 65536 : i32
    %mul3A_608 = arith.muli %arg1, %mul3A_607 : i32
    %add3A_609 = arith.constant 49152 : i32
    %add3A_610 = arith.addi %mul3A_608, %add3A_609 : i32
    %dma_start3A_611 = tpu.memref_slice %arg7[%add3A_610] : memref<1048576xf32, #tpu.memory_space<vmem_shared>> -> memref<16384xf32, #tpu.memory_space<vmem_shared>>
    %dma_start3A_612 = tpu.memref_slice %arg7[%add3A_610] : memref<1048576xf32, #tpu.memory_space<vmem_shared>> -> memref<16384xf32, #tpu.memory_space<vmem_shared>>
    tpu.enqueue_dma source(%arg6 : memref<16384xf32, #tpu.memory_space<vmem>>) target(%dma_start3A_612 : memref<16384xf32, #tpu.memory_space<vmem_shared>>) target_semaphore(%arg9 : memref<!tpu.dma_semaphore, #tpu.memory_space<semaphore_mem>>)
    %dma_wait3A = arith.constant 0 : i32
    %dma_wait3A_613 = tpu.memref_slice %arg7[%dma_wait3A] : memref<1048576xf32, #tpu.memory_space<vmem_shared>> -> memref<16384xf32, #tpu.memory_space<vmem_shared>>
    %dma_wait3A_614 = arith.constant 0 : i32
    %dma_wait3A_615 = tpu.memref_slice %arg7[%dma_wait3A_614] : memref<1048576xf32, #tpu.memory_space<vmem_shared>> -> memref<16384xf32, #tpu.memory_space<vmem_shared>>
    tpu.wait_dma2 semaphore(%arg9 : memref<!tpu.dma_semaphore, #tpu.memory_space<semaphore_mem>>) src(%arg6 : memref<16384xf32, #tpu.memory_space<vmem>>) dst(%dma_wait3A_615 : memref<16384xf32, #tpu.memory_space<vmem_shared>>)
    %dma_wait3A_616 = arith.constant 0 : i32
    %dma_wait3A_617 = tpu.memref_slice %arg7[%dma_wait3A_616] : memref<1048576xf32, #tpu.memory_space<vmem_shared>> -> memref<16384xf32, #tpu.memory_space<vmem_shared>>
    %dma_wait3A_618 = arith.constant 0 : i32
    %dma_wait3A_619 = tpu.memref_slice %arg7[%dma_wait3A_618] : memref<1048576xf32, #tpu.memory_space<vmem_shared>> -> memref<16384xf32, #tpu.memory_space<vmem_shared>>
    tpu.wait_dma2 semaphore(%arg9 : memref<!tpu.dma_semaphore, #tpu.memory_space<semaphore_mem>>) src(%arg6 : memref<16384xf32, #tpu.memory_space<vmem>>) dst(%dma_wait3A_619 : memref<16384xf32, #tpu.memory_space<vmem_shared>>)
    %dma_wait3A_620 = arith.constant 0 : i32
    %dma_wait3A_621 = tpu.memref_slice %arg7[%dma_wait3A_620] : memref<1048576xf32, #tpu.memory_space<vmem_shared>> -> memref<16384xf32, #tpu.memory_space<vmem_shared>>
    %dma_wait3A_622 = arith.constant 0 : i32
    %dma_wait3A_623 = tpu.memref_slice %arg7[%dma_wait3A_622] : memref<1048576xf32, #tpu.memory_space<vmem_shared>> -> memref<16384xf32, #tpu.memory_space<vmem_shared>>
    tpu.wait_dma2 semaphore(%arg9 : memref<!tpu.dma_semaphore, #tpu.memory_space<semaphore_mem>>) src(%arg6 : memref<16384xf32, #tpu.memory_space<vmem>>) dst(%dma_wait3A_623 : memref<16384xf32, #tpu.memory_space<vmem_shared>>)
    %dma_wait3A_624 = arith.constant 0 : i32
    %dma_wait3A_625 = tpu.memref_slice %arg7[%dma_wait3A_624] : memref<1048576xf32, #tpu.memory_space<vmem_shared>> -> memref<16384xf32, #tpu.memory_space<vmem_shared>>
    %dma_wait3A_626 = arith.constant 0 : i32
    %dma_wait3A_627 = tpu.memref_slice %arg7[%dma_wait3A_626] : memref<1048576xf32, #tpu.memory_space<vmem_shared>> -> memref<16384xf32, #tpu.memory_space<vmem_shared>>
    tpu.wait_dma2 semaphore(%arg9 : memref<!tpu.dma_semaphore, #tpu.memory_space<semaphore_mem>>) src(%arg6 : memref<16384xf32, #tpu.memory_space<vmem>>) dst(%dma_wait3A_627 : memref<16384xf32, #tpu.memory_space<vmem_shared>>)
    %dma_wait3A_628 = arith.constant 0 : i32
    %dma_wait3A_629 = arith.constant 0 : i32
    %dma_wait3A_630 = tpu.memref_slice %arg4[%dma_wait3A_628, %dma_wait3A_629] : memref<49x128xi32, #tpu.memory_space<vmem>> -> memref<1x128xi32, #tpu.memory_space<vmem>>
    %dma_wait3A_631 = tpu.memref_squeeze %dma_wait3A_630 : memref<1x128xi32, #tpu.memory_space<vmem>> -> memref<128xi32, #tpu.memory_space<vmem>>
    %dma_wait3A_632 = arith.constant 0 : i32
    %dma_wait3A_633 = tpu.memref_slice %arg2[%dma_wait3A_632] : memref<204800xi32, #tpu.memory_space<hbm>> -> memref<128xi32, #tpu.memory_space<hbm>>
    %dma_wait3A_634 = arith.constant 0 : i32
    %dma_wait3A_635 = tpu.memref_slice %arg4[%dma_wait3A_628, %dma_wait3A_634] : memref<49x128xi32, #tpu.memory_space<vmem>> -> memref<1x128xi32, #tpu.memory_space<vmem>>
    %dma_wait3A_636 = tpu.memref_squeeze %dma_wait3A_635 : memref<1x128xi32, #tpu.memory_space<vmem>> -> memref<128xi32, #tpu.memory_space<vmem>>
    %dma_wait3A_637 = arith.constant 0 : i32
    %dma_wait3A_638 = tpu.memref_slice %arg2[%dma_wait3A_637] : memref<204800xi32, #tpu.memory_space<hbm>> -> memref<128xi32, #tpu.memory_space<hbm>>
    tpu.wait_dma2 semaphore(%arg8 : memref<!tpu.dma_semaphore, #tpu.memory_space<semaphore_mem>>) src(%dma_wait3A_638 : memref<128xi32, #tpu.memory_space<hbm>>) dst(%dma_wait3A_636 : memref<128xi32, #tpu.memory_space<vmem>>)
    %dma_wait3A_639 = arith.constant 1 : i32
    %dma_wait3A_640 = arith.constant 0 : i32
    %dma_wait3A_641 = tpu.memref_slice %arg4[%dma_wait3A_639, %dma_wait3A_640] : memref<49x128xi32, #tpu.memory_space<vmem>> -> memref<1x128xi32, #tpu.memory_space<vmem>>
    %dma_wait3A_642 = tpu.memref_squeeze %dma_wait3A_641 : memref<1x128xi32, #tpu.memory_space<vmem>> -> memref<128xi32, #tpu.memory_space<vmem>>
    %dma_wait3A_643 = arith.constant 0 : i32
    %dma_wait3A_644 = tpu.memref_slice %arg2[%dma_wait3A_643] : memref<204800xi32, #tpu.memory_space<hbm>> -> memref<128xi32, #tpu.memory_space<hbm>>
    %dma_wait3A_645 = arith.constant 0 : i32
    %dma_wait3A_646 = tpu.memref_slice %arg4[%dma_wait3A_639, %dma_wait3A_645] : memref<49x128xi32, #tpu.memory_space<vmem>> -> memref<1x128xi32, #tpu.memory_space<vmem>>
    %dma_wait3A_647 = tpu.memref_squeeze %dma_wait3A_646 : memref<1x128xi32, #tpu.memory_space<vmem>> -> memref<128xi32, #tpu.memory_space<vmem>>
    %dma_wait3A_648 = arith.constant 0 : i32
    %dma_wait3A_649 = tpu.memref_slice %arg2[%dma_wait3A_648] : memref<204800xi32, #tpu.memory_space<hbm>> -> memref<128xi32, #tpu.memory_space<hbm>>
    tpu.wait_dma2 semaphore(%arg8 : memref<!tpu.dma_semaphore, #tpu.memory_space<semaphore_mem>>) src(%dma_wait3A_649 : memref<128xi32, #tpu.memory_space<hbm>>) dst(%dma_wait3A_647 : memref<128xi32, #tpu.memory_space<vmem>>)
    %dma_wait3A_650 = arith.constant 2 : i32
    %dma_wait3A_651 = arith.constant 0 : i32
    %dma_wait3A_652 = tpu.memref_slice %arg4[%dma_wait3A_650, %dma_wait3A_651] : memref<49x128xi32, #tpu.memory_space<vmem>> -> memref<1x128xi32, #tpu.memory_space<vmem>>
    %dma_wait3A_653 = tpu.memref_squeeze %dma_wait3A_652 : memref<1x128xi32, #tpu.memory_space<vmem>> -> memref<128xi32, #tpu.memory_space<vmem>>
    %dma_wait3A_654 = arith.constant 0 : i32
    %dma_wait3A_655 = tpu.memref_slice %arg2[%dma_wait3A_654] : memref<204800xi32, #tpu.memory_space<hbm>> -> memref<128xi32, #tpu.memory_space<hbm>>
    %dma_wait3A_656 = arith.constant 0 : i32
    %dma_wait3A_657 = tpu.memref_slice %arg4[%dma_wait3A_650, %dma_wait3A_656] : memref<49x128xi32, #tpu.memory_space<vmem>> -> memref<1x128xi32, #tpu.memory_space<vmem>>
    %dma_wait3A_658 = tpu.memref_squeeze %dma_wait3A_657 : memref<1x128xi32, #tpu.memory_space<vmem>> -> memref<128xi32, #tpu.memory_space<vmem>>
    %dma_wait3A_659 = arith.constant 0 : i32
    %dma_wait3A_660 = tpu.memref_slice %arg2[%dma_wait3A_659] : memref<204800xi32, #tpu.memory_space<hbm>> -> memref<128xi32, #tpu.memory_space<hbm>>
    tpu.wait_dma2 semaphore(%arg8 : memref<!tpu.dma_semaphore, #tpu.memory_space<semaphore_mem>>) src(%dma_wait3A_660 : memref<128xi32, #tpu.memory_space<hbm>>) dst(%dma_wait3A_658 : memref<128xi32, #tpu.memory_space<vmem>>)
    %dma_wait3A_661 = arith.constant 3 : i32
    %dma_wait3A_662 = arith.constant 0 : i32
    %dma_wait3A_663 = tpu.memref_slice %arg4[%dma_wait3A_661, %dma_wait3A_662] : memref<49x128xi32, #tpu.memory_space<vmem>> -> memref<1x128xi32, #tpu.memory_space<vmem>>
    %dma_wait3A_664 = tpu.memref_squeeze %dma_wait3A_663 : memref<1x128xi32, #tpu.memory_space<vmem>> -> memref<128xi32, #tpu.memory_space<vmem>>
    %dma_wait3A_665 = arith.constant 0 : i32
    %dma_wait3A_666 = tpu.memref_slice %arg2[%dma_wait3A_665] : memref<204800xi32, #tpu.memory_space<hbm>> -> memref<128xi32, #tpu.memory_space<hbm>>
    %dma_wait3A_667 = arith.constant 0 : i32
    %dma_wait3A_668 = tpu.memref_slice %arg4[%dma_wait3A_661, %dma_wait3A_667] : memref<49x128xi32, #tpu.memory_space<vmem>> -> memref<1x128xi32, #tpu.memory_space<vmem>>
    %dma_wait3A_669 = tpu.memref_squeeze %dma_wait3A_668 : memref<1x128xi32, #tpu.memory_space<vmem>> -> memref<128xi32, #tpu.memory_space<vmem>>
    %dma_wait3A_670 = arith.constant 0 : i32
    %dma_wait3A_671 = tpu.memref_slice %arg2[%dma_wait3A_670] : memref<204800xi32, #tpu.memory_space<hbm>> -> memref<128xi32, #tpu.memory_space<hbm>>
    tpu.wait_dma2 semaphore(%arg8 : memref<!tpu.dma_semaphore, #tpu.memory_space<semaphore_mem>>) src(%dma_wait3A_671 : memref<128xi32, #tpu.memory_space<hbm>>) dst(%dma_wait3A_669 : memref<128xi32, #tpu.memory_space<vmem>>)
    %dma_wait3A_672 = arith.constant 4 : i32
    %dma_wait3A_673 = arith.constant 0 : i32
    %dma_wait3A_674 = tpu.memref_slice %arg4[%dma_wait3A_672, %dma_wait3A_673] : memref<49x128xi32, #tpu.memory_space<vmem>> -> memref<1x128xi32, #tpu.memory_space<vmem>>
    %dma_wait3A_675 = tpu.memref_squeeze %dma_wait3A_674 : memref<1x128xi32, #tpu.memory_space<vmem>> -> memref<128xi32, #tpu.memory_space<vmem>>
    %dma_wait3A_676 = arith.constant 0 : i32
    %dma_wait3A_677 = tpu.memref_slice %arg2[%dma_wait3A_676] : memref<204800xi32, #tpu.memory_space<hbm>> -> memref<128xi32, #tpu.memory_space<hbm>>
    %dma_wait3A_678 = arith.constant 0 : i32
    %dma_wait3A_679 = tpu.memref_slice %arg4[%dma_wait3A_672, %dma_wait3A_678] : memref<49x128xi32, #tpu.memory_space<vmem>> -> memref<1x128xi32, #tpu.memory_space<vmem>>
    %dma_wait3A_680 = tpu.memref_squeeze %dma_wait3A_679 : memref<1x128xi32, #tpu.memory_space<vmem>> -> memref<128xi32, #tpu.memory_space<vmem>>
    %dma_wait3A_681 = arith.constant 0 : i32
    %dma_wait3A_682 = tpu.memref_slice %arg2[%dma_wait3A_681] : memref<204800xi32, #tpu.memory_space<hbm>> -> memref<128xi32, #tpu.memory_space<hbm>>
    tpu.wait_dma2 semaphore(%arg8 : memref<!tpu.dma_semaphore, #tpu.memory_space<semaphore_mem>>) src(%dma_wait3A_682 : memref<128xi32, #tpu.memory_space<hbm>>) dst(%dma_wait3A_680 : memref<128xi32, #tpu.memory_space<vmem>>)
    %dma_wait3A_683 = arith.constant 5 : i32
    %dma_wait3A_684 = arith.constant 0 : i32
    %dma_wait3A_685 = tpu.memref_slice %arg4[%dma_wait3A_683, %dma_wait3A_684] : memref<49x128xi32, #tpu.memory_space<vmem>> -> memref<1x128xi32, #tpu.memory_space<vmem>>
    %dma_wait3A_686 = tpu.memref_squeeze %dma_wait3A_685 : memref<1x128xi32, #tpu.memory_space<vmem>> -> memref<128xi32, #tpu.memory_space<vmem>>
    %dma_wait3A_687 = arith.constant 0 : i32
    %dma_wait3A_688 = tpu.memref_slice %arg2[%dma_wait3A_687] : memref<204800xi32, #tpu.memory_space<hbm>> -> memref<128xi32, #tpu.memory_space<hbm>>
    %dma_wait3A_689 = arith.constant 0 : i32
    %dma_wait3A_690 = tpu.memref_slice %arg4[%dma_wait3A_683, %dma_wait3A_689] : memref<49x128xi32, #tpu.memory_space<vmem>> -> memref<1x128xi32, #tpu.memory_space<vmem>>
    %dma_wait3A_691 = tpu.memref_squeeze %dma_wait3A_690 : memref<1x128xi32, #tpu.memory_space<vmem>> -> memref<128xi32, #tpu.memory_space<vmem>>
    %dma_wait3A_692 = arith.constant 0 : i32
    %dma_wait3A_693 = tpu.memref_slice %arg2[%dma_wait3A_692] : memref<204800xi32, #tpu.memory_space<hbm>> -> memref<128xi32, #tpu.memory_space<hbm>>
    tpu.wait_dma2 semaphore(%arg8 : memref<!tpu.dma_semaphore, #tpu.memory_space<semaphore_mem>>) src(%dma_wait3A_693 : memref<128xi32, #tpu.memory_space<hbm>>) dst(%dma_wait3A_691 : memref<128xi32, #tpu.memory_space<vmem>>)
    %dma_wait3A_694 = arith.constant 6 : i32
    %dma_wait3A_695 = arith.constant 0 : i32
    %dma_wait3A_696 = tpu.memref_slice %arg4[%dma_wait3A_694, %dma_wait3A_695] : memref<49x128xi32, #tpu.memory_space<vmem>> -> memref<1x128xi32, #tpu.memory_space<vmem>>
    %dma_wait3A_697 = tpu.memref_squeeze %dma_wait3A_696 : memref<1x128xi32, #tpu.memory_space<vmem>> -> memref<128xi32, #tpu.memory_space<vmem>>
    %dma_wait3A_698 = arith.constant 0 : i32
    %dma_wait3A_699 = tpu.memref_slice %arg2[%dma_wait3A_698] : memref<204800xi32, #tpu.memory_space<hbm>> -> memref<128xi32, #tpu.memory_space<hbm>>
    %dma_wait3A_700 = arith.constant 0 : i32
    %dma_wait3A_701 = tpu.memref_slice %arg4[%dma_wait3A_694, %dma_wait3A_700] : memref<49x128xi32, #tpu.memory_space<vmem>> -> memref<1x128xi32, #tpu.memory_space<vmem>>
    %dma_wait3A_702 = tpu.memref_squeeze %dma_wait3A_701 : memref<1x128xi32, #tpu.memory_space<vmem>> -> memref<128xi32, #tpu.memory_space<vmem>>
    %dma_wait3A_703 = arith.constant 0 : i32
    %dma_wait3A_704 = tpu.memref_slice %arg2[%dma_wait3A_703] : memref<204800xi32, #tpu.memory_space<hbm>> -> memref<128xi32, #tpu.memory_space<hbm>>
    tpu.wait_dma2 semaphore(%arg8 : memref<!tpu.dma_semaphore, #tpu.memory_space<semaphore_mem>>) src(%dma_wait3A_704 : memref<128xi32, #tpu.memory_space<hbm>>) dst(%dma_wait3A_702 : memref<128xi32, #tpu.memory_space<vmem>>)
    %dma_wait3A_705 = arith.constant 7 : i32
    %dma_wait3A_706 = arith.constant 0 : i32
    %dma_wait3A_707 = tpu.memref_slice %arg4[%dma_wait3A_705, %dma_wait3A_706] : memref<49x128xi32, #tpu.memory_space<vmem>> -> memref<1x128xi32, #tpu.memory_space<vmem>>
    %dma_wait3A_708 = tpu.memref_squeeze %dma_wait3A_707 : memref<1x128xi32, #tpu.memory_space<vmem>> -> memref<128xi32, #tpu.memory_space<vmem>>
    %dma_wait3A_709 = arith.constant 0 : i32
    %dma_wait3A_710 = tpu.memref_slice %arg2[%dma_wait3A_709] : memref<204800xi32, #tpu.memory_space<hbm>> -> memref<128xi32, #tpu.memory_space<hbm>>
    %dma_wait3A_711 = arith.constant 0 : i32
    %dma_wait3A_712 = tpu.memref_slice %arg4[%dma_wait3A_705, %dma_wait3A_711] : memref<49x128xi32, #tpu.memory_space<vmem>> -> memref<1x128xi32, #tpu.memory_space<vmem>>
    %dma_wait3A_713 = tpu.memref_squeeze %dma_wait3A_712 : memref<1x128xi32, #tpu.memory_space<vmem>> -> memref<128xi32, #tpu.memory_space<vmem>>
    %dma_wait3A_714 = arith.constant 0 : i32
    %dma_wait3A_715 = tpu.memref_slice %arg2[%dma_wait3A_714] : memref<204800xi32, #tpu.memory_space<hbm>> -> memref<128xi32, #tpu.memory_space<hbm>>
    tpu.wait_dma2 semaphore(%arg8 : memref<!tpu.dma_semaphore, #tpu.memory_space<semaphore_mem>>) src(%dma_wait3A_715 : memref<128xi32, #tpu.memory_space<hbm>>) dst(%dma_wait3A_713 : memref<128xi32, #tpu.memory_space<vmem>>)
    %dma_wait3A_716 = arith.constant 8 : i32
    %dma_wait3A_717 = arith.constant 0 : i32
    %dma_wait3A_718 = tpu.memref_slice %arg4[%dma_wait3A_716, %dma_wait3A_717] : memref<49x128xi32, #tpu.memory_space<vmem>> -> memref<1x128xi32, #tpu.memory_space<vmem>>
    %dma_wait3A_719 = tpu.memref_squeeze %dma_wait3A_718 : memref<1x128xi32, #tpu.memory_space<vmem>> -> memref<128xi32, #tpu.memory_space<vmem>>
    %dma_wait3A_720 = arith.constant 0 : i32
    %dma_wait3A_721 = tpu.memref_slice %arg2[%dma_wait3A_720] : memref<204800xi32, #tpu.memory_space<hbm>> -> memref<128xi32, #tpu.memory_space<hbm>>
    %dma_wait3A_722 = arith.constant 0 : i32
    %dma_wait3A_723 = tpu.memref_slice %arg4[%dma_wait3A_716, %dma_wait3A_722] : memref<49x128xi32, #tpu.memory_space<vmem>> -> memref<1x128xi32, #tpu.memory_space<vmem>>
    %dma_wait3A_724 = tpu.memref_squeeze %dma_wait3A_723 : memref<1x128xi32, #tpu.memory_space<vmem>> -> memref<128xi32, #tpu.memory_space<vmem>>
    %dma_wait3A_725 = arith.constant 0 : i32
    %dma_wait3A_726 = tpu.memref_slice %arg2[%dma_wait3A_725] : memref<204800xi32, #tpu.memory_space<hbm>> -> memref<128xi32, #tpu.memory_space<hbm>>
    tpu.wait_dma2 semaphore(%arg8 : memref<!tpu.dma_semaphore, #tpu.memory_space<semaphore_mem>>) src(%dma_wait3A_726 : memref<128xi32, #tpu.memory_space<hbm>>) dst(%dma_wait3A_724 : memref<128xi32, #tpu.memory_space<vmem>>)
    %dma_wait3A_727 = arith.constant 9 : i32
    %dma_wait3A_728 = arith.constant 0 : i32
    %dma_wait3A_729 = tpu.memref_slice %arg4[%dma_wait3A_727, %dma_wait3A_728] : memref<49x128xi32, #tpu.memory_space<vmem>> -> memref<1x128xi32, #tpu.memory_space<vmem>>
    %dma_wait3A_730 = tpu.memref_squeeze %dma_wait3A_729 : memref<1x128xi32, #tpu.memory_space<vmem>> -> memref<128xi32, #tpu.memory_space<vmem>>
    %dma_wait3A_731 = arith.constant 0 : i32
    %dma_wait3A_732 = tpu.memref_slice %arg2[%dma_wait3A_731] : memref<204800xi32, #tpu.memory_space<hbm>> -> memref<128xi32, #tpu.memory_space<hbm>>
    %dma_wait3A_733 = arith.constant 0 : i32
    %dma_wait3A_734 = tpu.memref_slice %arg4[%dma_wait3A_727, %dma_wait3A_733] : memref<49x128xi32, #tpu.memory_space<vmem>> -> memref<1x128xi32, #tpu.memory_space<vmem>>
    %dma_wait3A_735 = tpu.memref_squeeze %dma_wait3A_734 : memref<1x128xi32, #tpu.memory_space<vmem>> -> memref<128xi32, #tpu.memory_space<vmem>>
    %dma_wait3A_736 = arith.constant 0 : i32
    %dma_wait3A_737 = tpu.memref_slice %arg2[%dma_wait3A_736] : memref<204800xi32, #tpu.memory_space<hbm>> -> memref<128xi32, #tpu.memory_space<hbm>>
    tpu.wait_dma2 semaphore(%arg8 : memref<!tpu.dma_semaphore, #tpu.memory_space<semaphore_mem>>) src(%dma_wait3A_737 : memref<128xi32, #tpu.memory_space<hbm>>) dst(%dma_wait3A_735 : memref<128xi32, #tpu.memory_space<vmem>>)
    %dma_wait3A_738 = arith.constant 10 : i32
    %dma_wait3A_739 = arith.constant 0 : i32
    %dma_wait3A_740 = tpu.memref_slice %arg4[%dma_wait3A_738, %dma_wait3A_739] : memref<49x128xi32, #tpu.memory_space<vmem>> -> memref<1x128xi32, #tpu.memory_space<vmem>>
    %dma_wait3A_741 = tpu.memref_squeeze %dma_wait3A_740 : memref<1x128xi32, #tpu.memory_space<vmem>> -> memref<128xi32, #tpu.memory_space<vmem>>
    %dma_wait3A_742 = arith.constant 0 : i32
    %dma_wait3A_743 = tpu.memref_slice %arg2[%dma_wait3A_742] : memref<204800xi32, #tpu.memory_space<hbm>> -> memref<128xi32, #tpu.memory_space<hbm>>
    %dma_wait3A_744 = arith.constant 0 : i32
    %dma_wait3A_745 = tpu.memref_slice %arg4[%dma_wait3A_738, %dma_wait3A_744] : memref<49x128xi32, #tpu.memory_space<vmem>> -> memref<1x128xi32, #tpu.memory_space<vmem>>
    %dma_wait3A_746 = tpu.memref_squeeze %dma_wait3A_745 : memref<1x128xi32, #tpu.memory_space<vmem>> -> memref<128xi32, #tpu.memory_space<vmem>>
    %dma_wait3A_747 = arith.constant 0 : i32
    %dma_wait3A_748 = tpu.memref_slice %arg2[%dma_wait3A_747] : memref<204800xi32, #tpu.memory_space<hbm>> -> memref<128xi32, #tpu.memory_space<hbm>>
    tpu.wait_dma2 semaphore(%arg8 : memref<!tpu.dma_semaphore, #tpu.memory_space<semaphore_mem>>) src(%dma_wait3A_748 : memref<128xi32, #tpu.memory_space<hbm>>) dst(%dma_wait3A_746 : memref<128xi32, #tpu.memory_space<vmem>>)
    %dma_wait3A_749 = arith.constant 11 : i32
    %dma_wait3A_750 = arith.constant 0 : i32
    %dma_wait3A_751 = tpu.memref_slice %arg4[%dma_wait3A_749, %dma_wait3A_750] : memref<49x128xi32, #tpu.memory_space<vmem>> -> memref<1x128xi32, #tpu.memory_space<vmem>>
    %dma_wait3A_752 = tpu.memref_squeeze %dma_wait3A_751 : memref<1x128xi32, #tpu.memory_space<vmem>> -> memref<128xi32, #tpu.memory_space<vmem>>
    %dma_wait3A_753 = arith.constant 0 : i32
    %dma_wait3A_754 = tpu.memref_slice %arg2[%dma_wait3A_753] : memref<204800xi32, #tpu.memory_space<hbm>> -> memref<128xi32, #tpu.memory_space<hbm>>
    %dma_wait3A_755 = arith.constant 0 : i32
    %dma_wait3A_756 = tpu.memref_slice %arg4[%dma_wait3A_749, %dma_wait3A_755] : memref<49x128xi32, #tpu.memory_space<vmem>> -> memref<1x128xi32, #tpu.memory_space<vmem>>
    %dma_wait3A_757 = tpu.memref_squeeze %dma_wait3A_756 : memref<1x128xi32, #tpu.memory_space<vmem>> -> memref<128xi32, #tpu.memory_space<vmem>>
    %dma_wait3A_758 = arith.constant 0 : i32
    %dma_wait3A_759 = tpu.memref_slice %arg2[%dma_wait3A_758] : memref<204800xi32, #tpu.memory_space<hbm>> -> memref<128xi32, #tpu.memory_space<hbm>>
    tpu.wait_dma2 semaphore(%arg8 : memref<!tpu.dma_semaphore, #tpu.memory_space<semaphore_mem>>) src(%dma_wait3A_759 : memref<128xi32, #tpu.memory_space<hbm>>) dst(%dma_wait3A_757 : memref<128xi32, #tpu.memory_space<vmem>>)
    %dma_wait3A_760 = arith.constant 12 : i32
    %dma_wait3A_761 = arith.constant 0 : i32
    %dma_wait3A_762 = tpu.memref_slice %arg4[%dma_wait3A_760, %dma_wait3A_761] : memref<49x128xi32, #tpu.memory_space<vmem>> -> memref<1x128xi32, #tpu.memory_space<vmem>>
    %dma_wait3A_763 = tpu.memref_squeeze %dma_wait3A_762 : memref<1x128xi32, #tpu.memory_space<vmem>> -> memref<128xi32, #tpu.memory_space<vmem>>
    %dma_wait3A_764 = arith.constant 0 : i32
    %dma_wait3A_765 = tpu.memref_slice %arg2[%dma_wait3A_764] : memref<204800xi32, #tpu.memory_space<hbm>> -> memref<128xi32, #tpu.memory_space<hbm>>
    %dma_wait3A_766 = arith.constant 0 : i32
    %dma_wait3A_767 = tpu.memref_slice %arg4[%dma_wait3A_760, %dma_wait3A_766] : memref<49x128xi32, #tpu.memory_space<vmem>> -> memref<1x128xi32, #tpu.memory_space<vmem>>
    %dma_wait3A_768 = tpu.memref_squeeze %dma_wait3A_767 : memref<1x128xi32, #tpu.memory_space<vmem>> -> memref<128xi32, #tpu.memory_space<vmem>>
    %dma_wait3A_769 = arith.constant 0 : i32
    %dma_wait3A_770 = tpu.memref_slice %arg2[%dma_wait3A_769] : memref<204800xi32, #tpu.memory_space<hbm>> -> memref<128xi32, #tpu.memory_space<hbm>>
    tpu.wait_dma2 semaphore(%arg8 : memref<!tpu.dma_semaphore, #tpu.memory_space<semaphore_mem>>) src(%dma_wait3A_770 : memref<128xi32, #tpu.memory_space<hbm>>) dst(%dma_wait3A_768 : memref<128xi32, #tpu.memory_space<vmem>>)
    %dma_wait3A_771 = arith.constant 13 : i32
    %dma_wait3A_772 = arith.constant 0 : i32
    %dma_wait3A_773 = tpu.memref_slice %arg4[%dma_wait3A_771, %dma_wait3A_772] : memref<49x128xi32, #tpu.memory_space<vmem>> -> memref<1x128xi32, #tpu.memory_space<vmem>>
    %dma_wait3A_774 = tpu.memref_squeeze %dma_wait3A_773 : memref<1x128xi32, #tpu.memory_space<vmem>> -> memref<128xi32, #tpu.memory_space<vmem>>
    %dma_wait3A_775 = arith.constant 0 : i32
    %dma_wait3A_776 = tpu.memref_slice %arg2[%dma_wait3A_775] : memref<204800xi32, #tpu.memory_space<hbm>> -> memref<128xi32, #tpu.memory_space<hbm>>
    %dma_wait3A_777 = arith.constant 0 : i32
    %dma_wait3A_778 = tpu.memref_slice %arg4[%dma_wait3A_771, %dma_wait3A_777] : memref<49x128xi32, #tpu.memory_space<vmem>> -> memref<1x128xi32, #tpu.memory_space<vmem>>
    %dma_wait3A_779 = tpu.memref_squeeze %dma_wait3A_778 : memref<1x128xi32, #tpu.memory_space<vmem>> -> memref<128xi32, #tpu.memory_space<vmem>>
    %dma_wait3A_780 = arith.constant 0 : i32
    %dma_wait3A_781 = tpu.memref_slice %arg2[%dma_wait3A_780] : memref<204800xi32, #tpu.memory_space<hbm>> -> memref<128xi32, #tpu.memory_space<hbm>>
    tpu.wait_dma2 semaphore(%arg8 : memref<!tpu.dma_semaphore, #tpu.memory_space<semaphore_mem>>) src(%dma_wait3A_781 : memref<128xi32, #tpu.memory_space<hbm>>) dst(%dma_wait3A_779 : memref<128xi32, #tpu.memory_space<vmem>>)
    %dma_wait3A_782 = arith.constant 14 : i32
    %dma_wait3A_783 = arith.constant 0 : i32
    %dma_wait3A_784 = tpu.memref_slice %arg4[%dma_wait3A_782, %dma_wait3A_783] : memref<49x128xi32, #tpu.memory_space<vmem>> -> memref<1x128xi32, #tpu.memory_space<vmem>>
    %dma_wait3A_785 = tpu.memref_squeeze %dma_wait3A_784 : memref<1x128xi32, #tpu.memory_space<vmem>> -> memref<128xi32, #tpu.memory_space<vmem>>
    %dma_wait3A_786 = arith.constant 0 : i32
    %dma_wait3A_787 = tpu.memref_slice %arg2[%dma_wait3A_786] : memref<204800xi32, #tpu.memory_space<hbm>> -> memref<128xi32, #tpu.memory_space<hbm>>
    %dma_wait3A_788 = arith.constant 0 : i32
    %dma_wait3A_789 = tpu.memref_slice %arg4[%dma_wait3A_782, %dma_wait3A_788] : memref<49x128xi32, #tpu.memory_space<vmem>> -> memref<1x128xi32, #tpu.memory_space<vmem>>
    %dma_wait3A_790 = tpu.memref_squeeze %dma_wait3A_789 : memref<1x128xi32, #tpu.memory_space<vmem>> -> memref<128xi32, #tpu.memory_space<vmem>>
    %dma_wait3A_791 = arith.constant 0 : i32
    %dma_wait3A_792 = tpu.memref_slice %arg2[%dma_wait3A_791] : memref<204800xi32, #tpu.memory_space<hbm>> -> memref<128xi32, #tpu.memory_space<hbm>>
    tpu.wait_dma2 semaphore(%arg8 : memref<!tpu.dma_semaphore, #tpu.memory_space<semaphore_mem>>) src(%dma_wait3A_792 : memref<128xi32, #tpu.memory_space<hbm>>) dst(%dma_wait3A_790 : memref<128xi32, #tpu.memory_space<vmem>>)
    %dma_wait3A_793 = arith.constant 15 : i32
    %dma_wait3A_794 = arith.constant 0 : i32
    %dma_wait3A_795 = tpu.memref_slice %arg4[%dma_wait3A_793, %dma_wait3A_794] : memref<49x128xi32, #tpu.memory_space<vmem>> -> memref<1x128xi32, #tpu.memory_space<vmem>>
    %dma_wait3A_796 = tpu.memref_squeeze %dma_wait3A_795 : memref<1x128xi32, #tpu.memory_space<vmem>> -> memref<128xi32, #tpu.memory_space<vmem>>
    %dma_wait3A_797 = arith.constant 0 : i32
    %dma_wait3A_798 = tpu.memref_slice %arg2[%dma_wait3A_797] : memref<204800xi32, #tpu.memory_space<hbm>> -> memref<128xi32, #tpu.memory_space<hbm>>
    %dma_wait3A_799 = arith.constant 0 : i32
    %dma_wait3A_800 = tpu.memref_slice %arg4[%dma_wait3A_793, %dma_wait3A_799] : memref<49x128xi32, #tpu.memory_space<vmem>> -> memref<1x128xi32, #tpu.memory_space<vmem>>
    %dma_wait3A_801 = tpu.memref_squeeze %dma_wait3A_800 : memref<1x128xi32, #tpu.memory_space<vmem>> -> memref<128xi32, #tpu.memory_space<vmem>>
    %dma_wait3A_802 = arith.constant 0 : i32
    %dma_wait3A_803 = tpu.memref_slice %arg2[%dma_wait3A_802] : memref<204800xi32, #tpu.memory_space<hbm>> -> memref<128xi32, #tpu.memory_space<hbm>>
    tpu.wait_dma2 semaphore(%arg8 : memref<!tpu.dma_semaphore, #tpu.memory_space<semaphore_mem>>) src(%dma_wait3A_803 : memref<128xi32, #tpu.memory_space<hbm>>) dst(%dma_wait3A_801 : memref<128xi32, #tpu.memory_space<vmem>>)
    %dma_wait3A_804 = arith.constant 16 : i32
    %dma_wait3A_805 = arith.constant 0 : i32
    %dma_wait3A_806 = tpu.memref_slice %arg4[%dma_wait3A_804, %dma_wait3A_805] : memref<49x128xi32, #tpu.memory_space<vmem>> -> memref<1x128xi32, #tpu.memory_space<vmem>>
    %dma_wait3A_807 = tpu.memref_squeeze %dma_wait3A_806 : memref<1x128xi32, #tpu.memory_space<vmem>> -> memref<128xi32, #tpu.memory_space<vmem>>
    %dma_wait3A_808 = arith.constant 0 : i32
    %dma_wait3A_809 = tpu.memref_slice %arg2[%dma_wait3A_808] : memref<204800xi32, #tpu.memory_space<hbm>> -> memref<128xi32, #tpu.memory_space<hbm>>
    %dma_wait3A_810 = arith.constant 0 : i32
    %dma_wait3A_811 = tpu.memref_slice %arg4[%dma_wait3A_804, %dma_wait3A_810] : memref<49x128xi32, #tpu.memory_space<vmem>> -> memref<1x128xi32, #tpu.memory_space<vmem>>
    %dma_wait3A_812 = tpu.memref_squeeze %dma_wait3A_811 : memref<1x128xi32, #tpu.memory_space<vmem>> -> memref<128xi32, #tpu.memory_space<vmem>>
    %dma_wait3A_813 = arith.constant 0 : i32
    %dma_wait3A_814 = tpu.memref_slice %arg2[%dma_wait3A_813] : memref<204800xi32, #tpu.memory_space<hbm>> -> memref<128xi32, #tpu.memory_space<hbm>>
    tpu.wait_dma2 semaphore(%arg8 : memref<!tpu.dma_semaphore, #tpu.memory_space<semaphore_mem>>) src(%dma_wait3A_814 : memref<128xi32, #tpu.memory_space<hbm>>) dst(%dma_wait3A_812 : memref<128xi32, #tpu.memory_space<vmem>>)
    %dma_wait3A_815 = arith.constant 17 : i32
    %dma_wait3A_816 = arith.constant 0 : i32
    %dma_wait3A_817 = tpu.memref_slice %arg4[%dma_wait3A_815, %dma_wait3A_816] : memref<49x128xi32, #tpu.memory_space<vmem>> -> memref<1x128xi32, #tpu.memory_space<vmem>>
    %dma_wait3A_818 = tpu.memref_squeeze %dma_wait3A_817 : memref<1x128xi32, #tpu.memory_space<vmem>> -> memref<128xi32, #tpu.memory_space<vmem>>
    %dma_wait3A_819 = arith.constant 0 : i32
    %dma_wait3A_820 = tpu.memref_slice %arg2[%dma_wait3A_819] : memref<204800xi32, #tpu.memory_space<hbm>> -> memref<128xi32, #tpu.memory_space<hbm>>
    %dma_wait3A_821 = arith.constant 0 : i32
    %dma_wait3A_822 = tpu.memref_slice %arg4[%dma_wait3A_815, %dma_wait3A_821] : memref<49x128xi32, #tpu.memory_space<vmem>> -> memref<1x128xi32, #tpu.memory_space<vmem>>
    %dma_wait3A_823 = tpu.memref_squeeze %dma_wait3A_822 : memref<1x128xi32, #tpu.memory_space<vmem>> -> memref<128xi32, #tpu.memory_space<vmem>>
    %dma_wait3A_824 = arith.constant 0 : i32
    %dma_wait3A_825 = tpu.memref_slice %arg2[%dma_wait3A_824] : memref<204800xi32, #tpu.memory_space<hbm>> -> memref<128xi32, #tpu.memory_space<hbm>>
    tpu.wait_dma2 semaphore(%arg8 : memref<!tpu.dma_semaphore, #tpu.memory_space<semaphore_mem>>) src(%dma_wait3A_825 : memref<128xi32, #tpu.memory_space<hbm>>) dst(%dma_wait3A_823 : memref<128xi32, #tpu.memory_space<vmem>>)
    %dma_wait3A_826 = arith.constant 18 : i32
    %dma_wait3A_827 = arith.constant 0 : i32
    %dma_wait3A_828 = tpu.memref_slice %arg4[%dma_wait3A_826, %dma_wait3A_827] : memref<49x128xi32, #tpu.memory_space<vmem>> -> memref<1x128xi32, #tpu.memory_space<vmem>>
    %dma_wait3A_829 = tpu.memref_squeeze %dma_wait3A_828 : memref<1x128xi32, #tpu.memory_space<vmem>> -> memref<128xi32, #tpu.memory_space<vmem>>
    %dma_wait3A_830 = arith.constant 0 : i32
    %dma_wait3A_831 = tpu.memref_slice %arg2[%dma_wait3A_830] : memref<204800xi32, #tpu.memory_space<hbm>> -> memref<128xi32, #tpu.memory_space<hbm>>
    %dma_wait3A_832 = arith.constant 0 : i32
    %dma_wait3A_833 = tpu.memref_slice %arg4[%dma_wait3A_826, %dma_wait3A_832] : memref<49x128xi32, #tpu.memory_space<vmem>> -> memref<1x128xi32, #tpu.memory_space<vmem>>
    %dma_wait3A_834 = tpu.memref_squeeze %dma_wait3A_833 : memref<1x128xi32, #tpu.memory_space<vmem>> -> memref<128xi32, #tpu.memory_space<vmem>>
    %dma_wait3A_835 = arith.constant 0 : i32
    %dma_wait3A_836 = tpu.memref_slice %arg2[%dma_wait3A_835] : memref<204800xi32, #tpu.memory_space<hbm>> -> memref<128xi32, #tpu.memory_space<hbm>>
    tpu.wait_dma2 semaphore(%arg8 : memref<!tpu.dma_semaphore, #tpu.memory_space<semaphore_mem>>) src(%dma_wait3A_836 : memref<128xi32, #tpu.memory_space<hbm>>) dst(%dma_wait3A_834 : memref<128xi32, #tpu.memory_space<vmem>>)
    %dma_wait3A_837 = arith.constant 19 : i32
    %dma_wait3A_838 = arith.constant 0 : i32
    %dma_wait3A_839 = tpu.memref_slice %arg4[%dma_wait3A_837, %dma_wait3A_838] : memref<49x128xi32, #tpu.memory_space<vmem>> -> memref<1x128xi32, #tpu.memory_space<vmem>>
    %dma_wait3A_840 = tpu.memref_squeeze %dma_wait3A_839 : memref<1x128xi32, #tpu.memory_space<vmem>> -> memref<128xi32, #tpu.memory_space<vmem>>
    %dma_wait3A_841 = arith.constant 0 : i32
    %dma_wait3A_842 = tpu.memref_slice %arg2[%dma_wait3A_841] : memref<204800xi32, #tpu.memory_space<hbm>> -> memref<128xi32, #tpu.memory_space<hbm>>
    %dma_wait3A_843 = arith.constant 0 : i32
    %dma_wait3A_844 = tpu.memref_slice %arg4[%dma_wait3A_837, %dma_wait3A_843] : memref<49x128xi32, #tpu.memory_space<vmem>> -> memref<1x128xi32, #tpu.memory_space<vmem>>
    %dma_wait3A_845 = tpu.memref_squeeze %dma_wait3A_844 : memref<1x128xi32, #tpu.memory_space<vmem>> -> memref<128xi32, #tpu.memory_space<vmem>>
    %dma_wait3A_846 = arith.constant 0 : i32
    %dma_wait3A_847 = tpu.memref_slice %arg2[%dma_wait3A_846] : memref<204800xi32, #tpu.memory_space<hbm>> -> memref<128xi32, #tpu.memory_space<hbm>>
    tpu.wait_dma2 semaphore(%arg8 : memref<!tpu.dma_semaphore, #tpu.memory_space<semaphore_mem>>) src(%dma_wait3A_847 : memref<128xi32, #tpu.memory_space<hbm>>) dst(%dma_wait3A_845 : memref<128xi32, #tpu.memory_space<vmem>>)
    %dma_wait3A_848 = arith.constant 20 : i32
    %dma_wait3A_849 = arith.constant 0 : i32
    %dma_wait3A_850 = tpu.memref_slice %arg4[%dma_wait3A_848, %dma_wait3A_849] : memref<49x128xi32, #tpu.memory_space<vmem>> -> memref<1x128xi32, #tpu.memory_space<vmem>>
    %dma_wait3A_851 = tpu.memref_squeeze %dma_wait3A_850 : memref<1x128xi32, #tpu.memory_space<vmem>> -> memref<128xi32, #tpu.memory_space<vmem>>
    %dma_wait3A_852 = arith.constant 0 : i32
    %dma_wait3A_853 = tpu.memref_slice %arg2[%dma_wait3A_852] : memref<204800xi32, #tpu.memory_space<hbm>> -> memref<128xi32, #tpu.memory_space<hbm>>
    %dma_wait3A_854 = arith.constant 0 : i32
    %dma_wait3A_855 = tpu.memref_slice %arg4[%dma_wait3A_848, %dma_wait3A_854] : memref<49x128xi32, #tpu.memory_space<vmem>> -> memref<1x128xi32, #tpu.memory_space<vmem>>
    %dma_wait3A_856 = tpu.memref_squeeze %dma_wait3A_855 : memref<1x128xi32, #tpu.memory_space<vmem>> -> memref<128xi32, #tpu.memory_space<vmem>>
    %dma_wait3A_857 = arith.constant 0 : i32
    %dma_wait3A_858 = tpu.memref_slice %arg2[%dma_wait3A_857] : memref<204800xi32, #tpu.memory_space<hbm>> -> memref<128xi32, #tpu.memory_space<hbm>>
    tpu.wait_dma2 semaphore(%arg8 : memref<!tpu.dma_semaphore, #tpu.memory_space<semaphore_mem>>) src(%dma_wait3A_858 : memref<128xi32, #tpu.memory_space<hbm>>) dst(%dma_wait3A_856 : memref<128xi32, #tpu.memory_space<vmem>>)
    %dma_wait3A_859 = arith.constant 21 : i32
    %dma_wait3A_860 = arith.constant 0 : i32
    %dma_wait3A_861 = tpu.memref_slice %arg4[%dma_wait3A_859, %dma_wait3A_860] : memref<49x128xi32, #tpu.memory_space<vmem>> -> memref<1x128xi32, #tpu.memory_space<vmem>>
    %dma_wait3A_862 = tpu.memref_squeeze %dma_wait3A_861 : memref<1x128xi32, #tpu.memory_space<vmem>> -> memref<128xi32, #tpu.memory_space<vmem>>
    %dma_wait3A_863 = arith.constant 0 : i32
    %dma_wait3A_864 = tpu.memref_slice %arg2[%dma_wait3A_863] : memref<204800xi32, #tpu.memory_space<hbm>> -> memref<128xi32, #tpu.memory_space<hbm>>
    %dma_wait3A_865 = arith.constant 0 : i32
    %dma_wait3A_866 = tpu.memref_slice %arg4[%dma_wait3A_859, %dma_wait3A_865] : memref<49x128xi32, #tpu.memory_space<vmem>> -> memref<1x128xi32, #tpu.memory_space<vmem>>
    %dma_wait3A_867 = tpu.memref_squeeze %dma_wait3A_866 : memref<1x128xi32, #tpu.memory_space<vmem>> -> memref<128xi32, #tpu.memory_space<vmem>>
    %dma_wait3A_868 = arith.constant 0 : i32
    %dma_wait3A_869 = tpu.memref_slice %arg2[%dma_wait3A_868] : memref<204800xi32, #tpu.memory_space<hbm>> -> memref<128xi32, #tpu.memory_space<hbm>>
    tpu.wait_dma2 semaphore(%arg8 : memref<!tpu.dma_semaphore, #tpu.memory_space<semaphore_mem>>) src(%dma_wait3A_869 : memref<128xi32, #tpu.memory_space<hbm>>) dst(%dma_wait3A_867 : memref<128xi32, #tpu.memory_space<vmem>>)
    %dma_wait3A_870 = arith.constant 22 : i32
    %dma_wait3A_871 = arith.constant 0 : i32
    %dma_wait3A_872 = tpu.memref_slice %arg4[%dma_wait3A_870, %dma_wait3A_871] : memref<49x128xi32, #tpu.memory_space<vmem>> -> memref<1x128xi32, #tpu.memory_space<vmem>>
    %dma_wait3A_873 = tpu.memref_squeeze %dma_wait3A_872 : memref<1x128xi32, #tpu.memory_space<vmem>> -> memref<128xi32, #tpu.memory_space<vmem>>
    %dma_wait3A_874 = arith.constant 0 : i32
    %dma_wait3A_875 = tpu.memref_slice %arg2[%dma_wait3A_874] : memref<204800xi32, #tpu.memory_space<hbm>> -> memref<128xi32, #tpu.memory_space<hbm>>
    %dma_wait3A_876 = arith.constant 0 : i32
    %dma_wait3A_877 = tpu.memref_slice %arg4[%dma_wait3A_870, %dma_wait3A_876] : memref<49x128xi32, #tpu.memory_space<vmem>> -> memref<1x128xi32, #tpu.memory_space<vmem>>
    %dma_wait3A_878 = tpu.memref_squeeze %dma_wait3A_877 : memref<1x128xi32, #tpu.memory_space<vmem>> -> memref<128xi32, #tpu.memory_space<vmem>>
    %dma_wait3A_879 = arith.constant 0 : i32
    %dma_wait3A_880 = tpu.memref_slice %arg2[%dma_wait3A_879] : memref<204800xi32, #tpu.memory_space<hbm>> -> memref<128xi32, #tpu.memory_space<hbm>>
    tpu.wait_dma2 semaphore(%arg8 : memref<!tpu.dma_semaphore, #tpu.memory_space<semaphore_mem>>) src(%dma_wait3A_880 : memref<128xi32, #tpu.memory_space<hbm>>) dst(%dma_wait3A_878 : memref<128xi32, #tpu.memory_space<vmem>>)
    %dma_wait3A_881 = arith.constant 23 : i32
    %dma_wait3A_882 = arith.constant 0 : i32
    %dma_wait3A_883 = tpu.memref_slice %arg4[%dma_wait3A_881, %dma_wait3A_882] : memref<49x128xi32, #tpu.memory_space<vmem>> -> memref<1x128xi32, #tpu.memory_space<vmem>>
    %dma_wait3A_884 = tpu.memref_squeeze %dma_wait3A_883 : memref<1x128xi32, #tpu.memory_space<vmem>> -> memref<128xi32, #tpu.memory_space<vmem>>
    %dma_wait3A_885 = arith.constant 0 : i32
    %dma_wait3A_886 = tpu.memref_slice %arg2[%dma_wait3A_885] : memref<204800xi32, #tpu.memory_space<hbm>> -> memref<128xi32, #tpu.memory_space<hbm>>
    %dma_wait3A_887 = arith.constant 0 : i32
    %dma_wait3A_888 = tpu.memref_slice %arg4[%dma_wait3A_881, %dma_wait3A_887] : memref<49x128xi32, #tpu.memory_space<vmem>> -> memref<1x128xi32, #tpu.memory_space<vmem>>
    %dma_wait3A_889 = tpu.memref_squeeze %dma_wait3A_888 : memref<1x128xi32, #tpu.memory_space<vmem>> -> memref<128xi32, #tpu.memory_space<vmem>>
    %dma_wait3A_890 = arith.constant 0 : i32
    %dma_wait3A_891 = tpu.memref_slice %arg2[%dma_wait3A_890] : memref<204800xi32, #tpu.memory_space<hbm>> -> memref<128xi32, #tpu.memory_space<hbm>>
    tpu.wait_dma2 semaphore(%arg8 : memref<!tpu.dma_semaphore, #tpu.memory_space<semaphore_mem>>) src(%dma_wait3A_891 : memref<128xi32, #tpu.memory_space<hbm>>) dst(%dma_wait3A_889 : memref<128xi32, #tpu.memory_space<vmem>>)
    %dma_wait3A_892 = arith.constant 24 : i32
    %dma_wait3A_893 = arith.constant 0 : i32
    %dma_wait3A_894 = tpu.memref_slice %arg4[%dma_wait3A_892, %dma_wait3A_893] : memref<49x128xi32, #tpu.memory_space<vmem>> -> memref<1x128xi32, #tpu.memory_space<vmem>>
    %dma_wait3A_895 = tpu.memref_squeeze %dma_wait3A_894 : memref<1x128xi32, #tpu.memory_space<vmem>> -> memref<128xi32, #tpu.memory_space<vmem>>
    %dma_wait3A_896 = arith.constant 0 : i32
    %dma_wait3A_897 = tpu.memref_slice %arg2[%dma_wait3A_896] : memref<204800xi32, #tpu.memory_space<hbm>> -> memref<128xi32, #tpu.memory_space<hbm>>
    %dma_wait3A_898 = arith.constant 0 : i32
    %dma_wait3A_899 = tpu.memref_slice %arg4[%dma_wait3A_892, %dma_wait3A_898] : memref<49x128xi32, #tpu.memory_space<vmem>> -> memref<1x128xi32, #tpu.memory_space<vmem>>
    %dma_wait3A_900 = tpu.memref_squeeze %dma_wait3A_899 : memref<1x128xi32, #tpu.memory_space<vmem>> -> memref<128xi32, #tpu.memory_space<vmem>>
    %dma_wait3A_901 = arith.constant 0 : i32
    %dma_wait3A_902 = tpu.memref_slice %arg2[%dma_wait3A_901] : memref<204800xi32, #tpu.memory_space<hbm>> -> memref<128xi32, #tpu.memory_space<hbm>>
    tpu.wait_dma2 semaphore(%arg8 : memref<!tpu.dma_semaphore, #tpu.memory_space<semaphore_mem>>) src(%dma_wait3A_902 : memref<128xi32, #tpu.memory_space<hbm>>) dst(%dma_wait3A_900 : memref<128xi32, #tpu.memory_space<vmem>>)
    %dma_wait3A_903 = arith.constant 25 : i32
    %dma_wait3A_904 = arith.constant 0 : i32
    %dma_wait3A_905 = tpu.memref_slice %arg4[%dma_wait3A_903, %dma_wait3A_904] : memref<49x128xi32, #tpu.memory_space<vmem>> -> memref<1x128xi32, #tpu.memory_space<vmem>>
    %dma_wait3A_906 = tpu.memref_squeeze %dma_wait3A_905 : memref<1x128xi32, #tpu.memory_space<vmem>> -> memref<128xi32, #tpu.memory_space<vmem>>
    %dma_wait3A_907 = arith.constant 0 : i32
    %dma_wait3A_908 = tpu.memref_slice %arg2[%dma_wait3A_907] : memref<204800xi32, #tpu.memory_space<hbm>> -> memref<128xi32, #tpu.memory_space<hbm>>
    %dma_wait3A_909 = arith.constant 0 : i32
    %dma_wait3A_910 = tpu.memref_slice %arg4[%dma_wait3A_903, %dma_wait3A_909] : memref<49x128xi32, #tpu.memory_space<vmem>> -> memref<1x128xi32, #tpu.memory_space<vmem>>
    %dma_wait3A_911 = tpu.memref_squeeze %dma_wait3A_910 : memref<1x128xi32, #tpu.memory_space<vmem>> -> memref<128xi32, #tpu.memory_space<vmem>>
    %dma_wait3A_912 = arith.constant 0 : i32
    %dma_wait3A_913 = tpu.memref_slice %arg2[%dma_wait3A_912] : memref<204800xi32, #tpu.memory_space<hbm>> -> memref<128xi32, #tpu.memory_space<hbm>>
    tpu.wait_dma2 semaphore(%arg8 : memref<!tpu.dma_semaphore, #tpu.memory_space<semaphore_mem>>) src(%dma_wait3A_913 : memref<128xi32, #tpu.memory_space<hbm>>) dst(%dma_wait3A_911 : memref<128xi32, #tpu.memory_space<vmem>>)
    %dma_wait3A_914 = arith.constant 26 : i32
    %dma_wait3A_915 = arith.constant 0 : i32
    %dma_wait3A_916 = tpu.memref_slice %arg4[%dma_wait3A_914, %dma_wait3A_915] : memref<49x128xi32, #tpu.memory_space<vmem>> -> memref<1x128xi32, #tpu.memory_space<vmem>>
    %dma_wait3A_917 = tpu.memref_squeeze %dma_wait3A_916 : memref<1x128xi32, #tpu.memory_space<vmem>> -> memref<128xi32, #tpu.memory_space<vmem>>
    %dma_wait3A_918 = arith.constant 0 : i32
    %dma_wait3A_919 = tpu.memref_slice %arg2[%dma_wait3A_918] : memref<204800xi32, #tpu.memory_space<hbm>> -> memref<128xi32, #tpu.memory_space<hbm>>
    %dma_wait3A_920 = arith.constant 0 : i32
    %dma_wait3A_921 = tpu.memref_slice %arg4[%dma_wait3A_914, %dma_wait3A_920] : memref<49x128xi32, #tpu.memory_space<vmem>> -> memref<1x128xi32, #tpu.memory_space<vmem>>
    %dma_wait3A_922 = tpu.memref_squeeze %dma_wait3A_921 : memref<1x128xi32, #tpu.memory_space<vmem>> -> memref<128xi32, #tpu.memory_space<vmem>>
    %dma_wait3A_923 = arith.constant 0 : i32
    %dma_wait3A_924 = tpu.memref_slice %arg2[%dma_wait3A_923] : memref<204800xi32, #tpu.memory_space<hbm>> -> memref<128xi32, #tpu.memory_space<hbm>>
    tpu.wait_dma2 semaphore(%arg8 : memref<!tpu.dma_semaphore, #tpu.memory_space<semaphore_mem>>) src(%dma_wait3A_924 : memref<128xi32, #tpu.memory_space<hbm>>) dst(%dma_wait3A_922 : memref<128xi32, #tpu.memory_space<vmem>>)
    %dma_wait3A_925 = arith.constant 27 : i32
    %dma_wait3A_926 = arith.constant 0 : i32
    %dma_wait3A_927 = tpu.memref_slice %arg4[%dma_wait3A_925, %dma_wait3A_926] : memref<49x128xi32, #tpu.memory_space<vmem>> -> memref<1x128xi32, #tpu.memory_space<vmem>>
    %dma_wait3A_928 = tpu.memref_squeeze %dma_wait3A_927 : memref<1x128xi32, #tpu.memory_space<vmem>> -> memref<128xi32, #tpu.memory_space<vmem>>
    %dma_wait3A_929 = arith.constant 0 : i32
    %dma_wait3A_930 = tpu.memref_slice %arg2[%dma_wait3A_929] : memref<204800xi32, #tpu.memory_space<hbm>> -> memref<128xi32, #tpu.memory_space<hbm>>
    %dma_wait3A_931 = arith.constant 0 : i32
    %dma_wait3A_932 = tpu.memref_slice %arg4[%dma_wait3A_925, %dma_wait3A_931] : memref<49x128xi32, #tpu.memory_space<vmem>> -> memref<1x128xi32, #tpu.memory_space<vmem>>
    %dma_wait3A_933 = tpu.memref_squeeze %dma_wait3A_932 : memref<1x128xi32, #tpu.memory_space<vmem>> -> memref<128xi32, #tpu.memory_space<vmem>>
    %dma_wait3A_934 = arith.constant 0 : i32
    %dma_wait3A_935 = tpu.memref_slice %arg2[%dma_wait3A_934] : memref<204800xi32, #tpu.memory_space<hbm>> -> memref<128xi32, #tpu.memory_space<hbm>>
    tpu.wait_dma2 semaphore(%arg8 : memref<!tpu.dma_semaphore, #tpu.memory_space<semaphore_mem>>) src(%dma_wait3A_935 : memref<128xi32, #tpu.memory_space<hbm>>) dst(%dma_wait3A_933 : memref<128xi32, #tpu.memory_space<vmem>>)
    %dma_wait3A_936 = arith.constant 28 : i32
    %dma_wait3A_937 = arith.constant 0 : i32
    %dma_wait3A_938 = tpu.memref_slice %arg4[%dma_wait3A_936, %dma_wait3A_937] : memref<49x128xi32, #tpu.memory_space<vmem>> -> memref<1x128xi32, #tpu.memory_space<vmem>>
    %dma_wait3A_939 = tpu.memref_squeeze %dma_wait3A_938 : memref<1x128xi32, #tpu.memory_space<vmem>> -> memref<128xi32, #tpu.memory_space<vmem>>
    %dma_wait3A_940 = arith.constant 0 : i32
    %dma_wait3A_941 = tpu.memref_slice %arg2[%dma_wait3A_940] : memref<204800xi32, #tpu.memory_space<hbm>> -> memref<128xi32, #tpu.memory_space<hbm>>
    %dma_wait3A_942 = arith.constant 0 : i32
    %dma_wait3A_943 = tpu.memref_slice %arg4[%dma_wait3A_936, %dma_wait3A_942] : memref<49x128xi32, #tpu.memory_space<vmem>> -> memref<1x128xi32, #tpu.memory_space<vmem>>
    %dma_wait3A_944 = tpu.memref_squeeze %dma_wait3A_943 : memref<1x128xi32, #tpu.memory_space<vmem>> -> memref<128xi32, #tpu.memory_space<vmem>>
    %dma_wait3A_945 = arith.constant 0 : i32
    %dma_wait3A_946 = tpu.memref_slice %arg2[%dma_wait3A_945] : memref<204800xi32, #tpu.memory_space<hbm>> -> memref<128xi32, #tpu.memory_space<hbm>>
    tpu.wait_dma2 semaphore(%arg8 : memref<!tpu.dma_semaphore, #tpu.memory_space<semaphore_mem>>) src(%dma_wait3A_946 : memref<128xi32, #tpu.memory_space<hbm>>) dst(%dma_wait3A_944 : memref<128xi32, #tpu.memory_space<vmem>>)
    %dma_wait3A_947 = arith.constant 29 : i32
    %dma_wait3A_948 = arith.constant 0 : i32
    %dma_wait3A_949 = tpu.memref_slice %arg4[%dma_wait3A_947, %dma_wait3A_948] : memref<49x128xi32, #tpu.memory_space<vmem>> -> memref<1x128xi32, #tpu.memory_space<vmem>>
    %dma_wait3A_950 = tpu.memref_squeeze %dma_wait3A_949 : memref<1x128xi32, #tpu.memory_space<vmem>> -> memref<128xi32, #tpu.memory_space<vmem>>
    %dma_wait3A_951 = arith.constant 0 : i32
    %dma_wait3A_952 = tpu.memref_slice %arg2[%dma_wait3A_951] : memref<204800xi32, #tpu.memory_space<hbm>> -> memref<128xi32, #tpu.memory_space<hbm>>
    %dma_wait3A_953 = arith.constant 0 : i32
    %dma_wait3A_954 = tpu.memref_slice %arg4[%dma_wait3A_947, %dma_wait3A_953] : memref<49x128xi32, #tpu.memory_space<vmem>> -> memref<1x128xi32, #tpu.memory_space<vmem>>
    %dma_wait3A_955 = tpu.memref_squeeze %dma_wait3A_954 : memref<1x128xi32, #tpu.memory_space<vmem>> -> memref<128xi32, #tpu.memory_space<vmem>>
    %dma_wait3A_956 = arith.constant 0 : i32
    %dma_wait3A_957 = tpu.memref_slice %arg2[%dma_wait3A_956] : memref<204800xi32, #tpu.memory_space<hbm>> -> memref<128xi32, #tpu.memory_space<hbm>>
    tpu.wait_dma2 semaphore(%arg8 : memref<!tpu.dma_semaphore, #tpu.memory_space<semaphore_mem>>) src(%dma_wait3A_957 : memref<128xi32, #tpu.memory_space<hbm>>) dst(%dma_wait3A_955 : memref<128xi32, #tpu.memory_space<vmem>>)
    %dma_wait3A_958 = arith.constant 30 : i32
    %dma_wait3A_959 = arith.constant 0 : i32
    %dma_wait3A_960 = tpu.memref_slice %arg4[%dma_wait3A_958, %dma_wait3A_959] : memref<49x128xi32, #tpu.memory_space<vmem>> -> memref<1x128xi32, #tpu.memory_space<vmem>>
    %dma_wait3A_961 = tpu.memref_squeeze %dma_wait3A_960 : memref<1x128xi32, #tpu.memory_space<vmem>> -> memref<128xi32, #tpu.memory_space<vmem>>
    %dma_wait3A_962 = arith.constant 0 : i32
    %dma_wait3A_963 = tpu.memref_slice %arg2[%dma_wait3A_962] : memref<204800xi32, #tpu.memory_space<hbm>> -> memref<128xi32, #tpu.memory_space<hbm>>
    %dma_wait3A_964 = arith.constant 0 : i32
    %dma_wait3A_965 = tpu.memref_slice %arg4[%dma_wait3A_958, %dma_wait3A_964] : memref<49x128xi32, #tpu.memory_space<vmem>> -> memref<1x128xi32, #tpu.memory_space<vmem>>
    %dma_wait3A_966 = tpu.memref_squeeze %dma_wait3A_965 : memref<1x128xi32, #tpu.memory_space<vmem>> -> memref<128xi32, #tpu.memory_space<vmem>>
    %dma_wait3A_967 = arith.constant 0 : i32
    %dma_wait3A_968 = tpu.memref_slice %arg2[%dma_wait3A_967] : memref<204800xi32, #tpu.memory_space<hbm>> -> memref<128xi32, #tpu.memory_space<hbm>>
    tpu.wait_dma2 semaphore(%arg8 : memref<!tpu.dma_semaphore, #tpu.memory_space<semaphore_mem>>) src(%dma_wait3A_968 : memref<128xi32, #tpu.memory_space<hbm>>) dst(%dma_wait3A_966 : memref<128xi32, #tpu.memory_space<vmem>>)
    %dma_wait3A_969 = arith.constant 31 : i32
    %dma_wait3A_970 = arith.constant 0 : i32
    %dma_wait3A_971 = tpu.memref_slice %arg4[%dma_wait3A_969, %dma_wait3A_970] : memref<49x128xi32, #tpu.memory_space<vmem>> -> memref<1x128xi32, #tpu.memory_space<vmem>>
    %dma_wait3A_972 = tpu.memref_squeeze %dma_wait3A_971 : memref<1x128xi32, #tpu.memory_space<vmem>> -> memref<128xi32, #tpu.memory_space<vmem>>
    %dma_wait3A_973 = arith.constant 0 : i32
    %dma_wait3A_974 = tpu.memref_slice %arg2[%dma_wait3A_973] : memref<204800xi32, #tpu.memory_space<hbm>> -> memref<128xi32, #tpu.memory_space<hbm>>
    %dma_wait3A_975 = arith.constant 0 : i32
    %dma_wait3A_976 = tpu.memref_slice %arg4[%dma_wait3A_969, %dma_wait3A_975] : memref<49x128xi32, #tpu.memory_space<vmem>> -> memref<1x128xi32, #tpu.memory_space<vmem>>
    %dma_wait3A_977 = tpu.memref_squeeze %dma_wait3A_976 : memref<1x128xi32, #tpu.memory_space<vmem>> -> memref<128xi32, #tpu.memory_space<vmem>>
    %dma_wait3A_978 = arith.constant 0 : i32
    %dma_wait3A_979 = tpu.memref_slice %arg2[%dma_wait3A_978] : memref<204800xi32, #tpu.memory_space<hbm>> -> memref<128xi32, #tpu.memory_space<hbm>>
    tpu.wait_dma2 semaphore(%arg8 : memref<!tpu.dma_semaphore, #tpu.memory_space<semaphore_mem>>) src(%dma_wait3A_979 : memref<128xi32, #tpu.memory_space<hbm>>) dst(%dma_wait3A_977 : memref<128xi32, #tpu.memory_space<vmem>>)
    %dma_wait3A_980 = arith.constant 32 : i32
    %dma_wait3A_981 = arith.constant 0 : i32
    %dma_wait3A_982 = tpu.memref_slice %arg4[%dma_wait3A_980, %dma_wait3A_981] : memref<49x128xi32, #tpu.memory_space<vmem>> -> memref<1x128xi32, #tpu.memory_space<vmem>>
    %dma_wait3A_983 = tpu.memref_squeeze %dma_wait3A_982 : memref<1x128xi32, #tpu.memory_space<vmem>> -> memref<128xi32, #tpu.memory_space<vmem>>
    %dma_wait3A_984 = arith.constant 0 : i32
    %dma_wait3A_985 = tpu.memref_slice %arg2[%dma_wait3A_984] : memref<204800xi32, #tpu.memory_space<hbm>> -> memref<128xi32, #tpu.memory_space<hbm>>
    %dma_wait3A_986 = arith.constant 0 : i32
    %dma_wait3A_987 = tpu.memref_slice %arg4[%dma_wait3A_980, %dma_wait3A_986] : memref<49x128xi32, #tpu.memory_space<vmem>> -> memref<1x128xi32, #tpu.memory_space<vmem>>
    %dma_wait3A_988 = tpu.memref_squeeze %dma_wait3A_987 : memref<1x128xi32, #tpu.memory_space<vmem>> -> memref<128xi32, #tpu.memory_space<vmem>>
    %dma_wait3A_989 = arith.constant 0 : i32
    %dma_wait3A_990 = tpu.memref_slice %arg2[%dma_wait3A_989] : memref<204800xi32, #tpu.memory_space<hbm>> -> memref<128xi32, #tpu.memory_space<hbm>>
    tpu.wait_dma2 semaphore(%arg8 : memref<!tpu.dma_semaphore, #tpu.memory_space<semaphore_mem>>) src(%dma_wait3A_990 : memref<128xi32, #tpu.memory_space<hbm>>) dst(%dma_wait3A_988 : memref<128xi32, #tpu.memory_space<vmem>>)
    %dma_wait3A_991 = arith.constant 33 : i32
    %dma_wait3A_992 = arith.constant 0 : i32
    %dma_wait3A_993 = tpu.memref_slice %arg4[%dma_wait3A_991, %dma_wait3A_992] : memref<49x128xi32, #tpu.memory_space<vmem>> -> memref<1x128xi32, #tpu.memory_space<vmem>>
    %dma_wait3A_994 = tpu.memref_squeeze %dma_wait3A_993 : memref<1x128xi32, #tpu.memory_space<vmem>> -> memref<128xi32, #tpu.memory_space<vmem>>
    %dma_wait3A_995 = arith.constant 0 : i32
    %dma_wait3A_996 = tpu.memref_slice %arg2[%dma_wait3A_995] : memref<204800xi32, #tpu.memory_space<hbm>> -> memref<128xi32, #tpu.memory_space<hbm>>
    %dma_wait3A_997 = arith.constant 0 : i32
    %dma_wait3A_998 = tpu.memref_slice %arg4[%dma_wait3A_991, %dma_wait3A_997] : memref<49x128xi32, #tpu.memory_space<vmem>> -> memref<1x128xi32, #tpu.memory_space<vmem>>
    %dma_wait3A_999 = tpu.memref_squeeze %dma_wait3A_998 : memref<1x128xi32, #tpu.memory_space<vmem>> -> memref<128xi32, #tpu.memory_space<vmem>>
    %dma_wait3A_1000 = arith.constant 0 : i32
    %dma_wait3A_1001 = tpu.memref_slice %arg2[%dma_wait3A_1000] : memref<204800xi32, #tpu.memory_space<hbm>> -> memref<128xi32, #tpu.memory_space<hbm>>
    tpu.wait_dma2 semaphore(%arg8 : memref<!tpu.dma_semaphore, #tpu.memory_space<semaphore_mem>>) src(%dma_wait3A_1001 : memref<128xi32, #tpu.memory_space<hbm>>) dst(%dma_wait3A_999 : memref<128xi32, #tpu.memory_space<vmem>>)
    %dma_wait3A_1002 = arith.constant 34 : i32
    %dma_wait3A_1003 = arith.constant 0 : i32
    %dma_wait3A_1004 = tpu.memref_slice %arg4[%dma_wait3A_1002, %dma_wait3A_1003] : memref<49x128xi32, #tpu.memory_space<vmem>> -> memref<1x128xi32, #tpu.memory_space<vmem>>
    %dma_wait3A_1005 = tpu.memref_squeeze %dma_wait3A_1004 : memref<1x128xi32, #tpu.memory_space<vmem>> -> memref<128xi32, #tpu.memory_space<vmem>>
    %dma_wait3A_1006 = arith.constant 0 : i32
    %dma_wait3A_1007 = tpu.memref_slice %arg2[%dma_wait3A_1006] : memref<204800xi32, #tpu.memory_space<hbm>> -> memref<128xi32, #tpu.memory_space<hbm>>
    %dma_wait3A_1008 = arith.constant 0 : i32
    %dma_wait3A_1009 = tpu.memref_slice %arg4[%dma_wait3A_1002, %dma_wait3A_1008] : memref<49x128xi32, #tpu.memory_space<vmem>> -> memref<1x128xi32, #tpu.memory_space<vmem>>
    %dma_wait3A_1010 = tpu.memref_squeeze %dma_wait3A_1009 : memref<1x128xi32, #tpu.memory_space<vmem>> -> memref<128xi32, #tpu.memory_space<vmem>>
    %dma_wait3A_1011 = arith.constant 0 : i32
    %dma_wait3A_1012 = tpu.memref_slice %arg2[%dma_wait3A_1011] : memref<204800xi32, #tpu.memory_space<hbm>> -> memref<128xi32, #tpu.memory_space<hbm>>
    tpu.wait_dma2 semaphore(%arg8 : memref<!tpu.dma_semaphore, #tpu.memory_space<semaphore_mem>>) src(%dma_wait3A_1012 : memref<128xi32, #tpu.memory_space<hbm>>) dst(%dma_wait3A_1010 : memref<128xi32, #tpu.memory_space<vmem>>)
    %dma_wait3A_1013 = arith.constant 35 : i32
    %dma_wait3A_1014 = arith.constant 0 : i32
    %dma_wait3A_1015 = tpu.memref_slice %arg4[%dma_wait3A_1013, %dma_wait3A_1014] : memref<49x128xi32, #tpu.memory_space<vmem>> -> memref<1x128xi32, #tpu.memory_space<vmem>>
    %dma_wait3A_1016 = tpu.memref_squeeze %dma_wait3A_1015 : memref<1x128xi32, #tpu.memory_space<vmem>> -> memref<128xi32, #tpu.memory_space<vmem>>
    %dma_wait3A_1017 = arith.constant 0 : i32
    %dma_wait3A_1018 = tpu.memref_slice %arg2[%dma_wait3A_1017] : memref<204800xi32, #tpu.memory_space<hbm>> -> memref<128xi32, #tpu.memory_space<hbm>>
    %dma_wait3A_1019 = arith.constant 0 : i32
    %dma_wait3A_1020 = tpu.memref_slice %arg4[%dma_wait3A_1013, %dma_wait3A_1019] : memref<49x128xi32, #tpu.memory_space<vmem>> -> memref<1x128xi32, #tpu.memory_space<vmem>>
    %dma_wait3A_1021 = tpu.memref_squeeze %dma_wait3A_1020 : memref<1x128xi32, #tpu.memory_space<vmem>> -> memref<128xi32, #tpu.memory_space<vmem>>
    %dma_wait3A_1022 = arith.constant 0 : i32
    %dma_wait3A_1023 = tpu.memref_slice %arg2[%dma_wait3A_1022] : memref<204800xi32, #tpu.memory_space<hbm>> -> memref<128xi32, #tpu.memory_space<hbm>>
    tpu.wait_dma2 semaphore(%arg8 : memref<!tpu.dma_semaphore, #tpu.memory_space<semaphore_mem>>) src(%dma_wait3A_1023 : memref<128xi32, #tpu.memory_space<hbm>>) dst(%dma_wait3A_1021 : memref<128xi32, #tpu.memory_space<vmem>>)
    %dma_wait3A_1024 = arith.constant 36 : i32
    %dma_wait3A_1025 = arith.constant 0 : i32
    %dma_wait3A_1026 = tpu.memref_slice %arg4[%dma_wait3A_1024, %dma_wait3A_1025] : memref<49x128xi32, #tpu.memory_space<vmem>> -> memref<1x128xi32, #tpu.memory_space<vmem>>
    %dma_wait3A_1027 = tpu.memref_squeeze %dma_wait3A_1026 : memref<1x128xi32, #tpu.memory_space<vmem>> -> memref<128xi32, #tpu.memory_space<vmem>>
    %dma_wait3A_1028 = arith.constant 0 : i32
    %dma_wait3A_1029 = tpu.memref_slice %arg2[%dma_wait3A_1028] : memref<204800xi32, #tpu.memory_space<hbm>> -> memref<128xi32, #tpu.memory_space<hbm>>
    %dma_wait3A_1030 = arith.constant 0 : i32
    %dma_wait3A_1031 = tpu.memref_slice %arg4[%dma_wait3A_1024, %dma_wait3A_1030] : memref<49x128xi32, #tpu.memory_space<vmem>> -> memref<1x128xi32, #tpu.memory_space<vmem>>
    %dma_wait3A_1032 = tpu.memref_squeeze %dma_wait3A_1031 : memref<1x128xi32, #tpu.memory_space<vmem>> -> memref<128xi32, #tpu.memory_space<vmem>>
    %dma_wait3A_1033 = arith.constant 0 : i32
    %dma_wait3A_1034 = tpu.memref_slice %arg2[%dma_wait3A_1033] : memref<204800xi32, #tpu.memory_space<hbm>> -> memref<128xi32, #tpu.memory_space<hbm>>
    tpu.wait_dma2 semaphore(%arg8 : memref<!tpu.dma_semaphore, #tpu.memory_space<semaphore_mem>>) src(%dma_wait3A_1034 : memref<128xi32, #tpu.memory_space<hbm>>) dst(%dma_wait3A_1032 : memref<128xi32, #tpu.memory_space<vmem>>)
    %dma_wait3A_1035 = arith.constant 37 : i32
    %dma_wait3A_1036 = arith.constant 0 : i32
    %dma_wait3A_1037 = tpu.memref_slice %arg4[%dma_wait3A_1035, %dma_wait3A_1036] : memref<49x128xi32, #tpu.memory_space<vmem>> -> memref<1x128xi32, #tpu.memory_space<vmem>>
    %dma_wait3A_1038 = tpu.memref_squeeze %dma_wait3A_1037 : memref<1x128xi32, #tpu.memory_space<vmem>> -> memref<128xi32, #tpu.memory_space<vmem>>
    %dma_wait3A_1039 = arith.constant 0 : i32
    %dma_wait3A_1040 = tpu.memref_slice %arg2[%dma_wait3A_1039] : memref<204800xi32, #tpu.memory_space<hbm>> -> memref<128xi32, #tpu.memory_space<hbm>>
    %dma_wait3A_1041 = arith.constant 0 : i32
    %dma_wait3A_1042 = tpu.memref_slice %arg4[%dma_wait3A_1035, %dma_wait3A_1041] : memref<49x128xi32, #tpu.memory_space<vmem>> -> memref<1x128xi32, #tpu.memory_space<vmem>>
    %dma_wait3A_1043 = tpu.memref_squeeze %dma_wait3A_1042 : memref<1x128xi32, #tpu.memory_space<vmem>> -> memref<128xi32, #tpu.memory_space<vmem>>
    %dma_wait3A_1044 = arith.constant 0 : i32
    %dma_wait3A_1045 = tpu.memref_slice %arg2[%dma_wait3A_1044] : memref<204800xi32, #tpu.memory_space<hbm>> -> memref<128xi32, #tpu.memory_space<hbm>>
    tpu.wait_dma2 semaphore(%arg8 : memref<!tpu.dma_semaphore, #tpu.memory_space<semaphore_mem>>) src(%dma_wait3A_1045 : memref<128xi32, #tpu.memory_space<hbm>>) dst(%dma_wait3A_1043 : memref<128xi32, #tpu.memory_space<vmem>>)
    %dma_wait3A_1046 = arith.constant 38 : i32
    %dma_wait3A_1047 = arith.constant 0 : i32
    %dma_wait3A_1048 = tpu.memref_slice %arg4[%dma_wait3A_1046, %dma_wait3A_1047] : memref<49x128xi32, #tpu.memory_space<vmem>> -> memref<1x128xi32, #tpu.memory_space<vmem>>
    %dma_wait3A_1049 = tpu.memref_squeeze %dma_wait3A_1048 : memref<1x128xi32, #tpu.memory_space<vmem>> -> memref<128xi32, #tpu.memory_space<vmem>>
    %dma_wait3A_1050 = arith.constant 0 : i32
    %dma_wait3A_1051 = tpu.memref_slice %arg2[%dma_wait3A_1050] : memref<204800xi32, #tpu.memory_space<hbm>> -> memref<128xi32, #tpu.memory_space<hbm>>
    %dma_wait3A_1052 = arith.constant 0 : i32
    %dma_wait3A_1053 = tpu.memref_slice %arg4[%dma_wait3A_1046, %dma_wait3A_1052] : memref<49x128xi32, #tpu.memory_space<vmem>> -> memref<1x128xi32, #tpu.memory_space<vmem>>
    %dma_wait3A_1054 = tpu.memref_squeeze %dma_wait3A_1053 : memref<1x128xi32, #tpu.memory_space<vmem>> -> memref<128xi32, #tpu.memory_space<vmem>>
    %dma_wait3A_1055 = arith.constant 0 : i32
    %dma_wait3A_1056 = tpu.memref_slice %arg2[%dma_wait3A_1055] : memref<204800xi32, #tpu.memory_space<hbm>> -> memref<128xi32, #tpu.memory_space<hbm>>
    tpu.wait_dma2 semaphore(%arg8 : memref<!tpu.dma_semaphore, #tpu.memory_space<semaphore_mem>>) src(%dma_wait3A_1056 : memref<128xi32, #tpu.memory_space<hbm>>) dst(%dma_wait3A_1054 : memref<128xi32, #tpu.memory_space<vmem>>)
    %dma_wait3A_1057 = arith.constant 39 : i32
    %dma_wait3A_1058 = arith.constant 0 : i32
    %dma_wait3A_1059 = tpu.memref_slice %arg4[%dma_wait3A_1057, %dma_wait3A_1058] : memref<49x128xi32, #tpu.memory_space<vmem>> -> memref<1x128xi32, #tpu.memory_space<vmem>>
    %dma_wait3A_1060 = tpu.memref_squeeze %dma_wait3A_1059 : memref<1x128xi32, #tpu.memory_space<vmem>> -> memref<128xi32, #tpu.memory_space<vmem>>
    %dma_wait3A_1061 = arith.constant 0 : i32
    %dma_wait3A_1062 = tpu.memref_slice %arg2[%dma_wait3A_1061] : memref<204800xi32, #tpu.memory_space<hbm>> -> memref<128xi32, #tpu.memory_space<hbm>>
    %dma_wait3A_1063 = arith.constant 0 : i32
    %dma_wait3A_1064 = tpu.memref_slice %arg4[%dma_wait3A_1057, %dma_wait3A_1063] : memref<49x128xi32, #tpu.memory_space<vmem>> -> memref<1x128xi32, #tpu.memory_space<vmem>>
    %dma_wait3A_1065 = tpu.memref_squeeze %dma_wait3A_1064 : memref<1x128xi32, #tpu.memory_space<vmem>> -> memref<128xi32, #tpu.memory_space<vmem>>
    %dma_wait3A_1066 = arith.constant 0 : i32
    %dma_wait3A_1067 = tpu.memref_slice %arg2[%dma_wait3A_1066] : memref<204800xi32, #tpu.memory_space<hbm>> -> memref<128xi32, #tpu.memory_space<hbm>>
    tpu.wait_dma2 semaphore(%arg8 : memref<!tpu.dma_semaphore, #tpu.memory_space<semaphore_mem>>) src(%dma_wait3A_1067 : memref<128xi32, #tpu.memory_space<hbm>>) dst(%dma_wait3A_1065 : memref<128xi32, #tpu.memory_space<vmem>>)
    %dma_wait3A_1068 = arith.constant 40 : i32
    %dma_wait3A_1069 = arith.constant 0 : i32
    %dma_wait3A_1070 = tpu.memref_slice %arg4[%dma_wait3A_1068, %dma_wait3A_1069] : memref<49x128xi32, #tpu.memory_space<vmem>> -> memref<1x128xi32, #tpu.memory_space<vmem>>
    %dma_wait3A_1071 = tpu.memref_squeeze %dma_wait3A_1070 : memref<1x128xi32, #tpu.memory_space<vmem>> -> memref<128xi32, #tpu.memory_space<vmem>>
    %dma_wait3A_1072 = arith.constant 0 : i32
    %dma_wait3A_1073 = tpu.memref_slice %arg2[%dma_wait3A_1072] : memref<204800xi32, #tpu.memory_space<hbm>> -> memref<128xi32, #tpu.memory_space<hbm>>
    %dma_wait3A_1074 = arith.constant 0 : i32
    %dma_wait3A_1075 = tpu.memref_slice %arg4[%dma_wait3A_1068, %dma_wait3A_1074] : memref<49x128xi32, #tpu.memory_space<vmem>> -> memref<1x128xi32, #tpu.memory_space<vmem>>
    %dma_wait3A_1076 = tpu.memref_squeeze %dma_wait3A_1075 : memref<1x128xi32, #tpu.memory_space<vmem>> -> memref<128xi32, #tpu.memory_space<vmem>>
    %dma_wait3A_1077 = arith.constant 0 : i32
    %dma_wait3A_1078 = tpu.memref_slice %arg2[%dma_wait3A_1077] : memref<204800xi32, #tpu.memory_space<hbm>> -> memref<128xi32, #tpu.memory_space<hbm>>
    tpu.wait_dma2 semaphore(%arg8 : memref<!tpu.dma_semaphore, #tpu.memory_space<semaphore_mem>>) src(%dma_wait3A_1078 : memref<128xi32, #tpu.memory_space<hbm>>) dst(%dma_wait3A_1076 : memref<128xi32, #tpu.memory_space<vmem>>)
    %dma_wait3A_1079 = arith.constant 41 : i32
    %dma_wait3A_1080 = arith.constant 0 : i32
    %dma_wait3A_1081 = tpu.memref_slice %arg4[%dma_wait3A_1079, %dma_wait3A_1080] : memref<49x128xi32, #tpu.memory_space<vmem>> -> memref<1x128xi32, #tpu.memory_space<vmem>>
    %dma_wait3A_1082 = tpu.memref_squeeze %dma_wait3A_1081 : memref<1x128xi32, #tpu.memory_space<vmem>> -> memref<128xi32, #tpu.memory_space<vmem>>
    %dma_wait3A_1083 = arith.constant 0 : i32
    %dma_wait3A_1084 = tpu.memref_slice %arg2[%dma_wait3A_1083] : memref<204800xi32, #tpu.memory_space<hbm>> -> memref<128xi32, #tpu.memory_space<hbm>>
    %dma_wait3A_1085 = arith.constant 0 : i32
    %dma_wait3A_1086 = tpu.memref_slice %arg4[%dma_wait3A_1079, %dma_wait3A_1085] : memref<49x128xi32, #tpu.memory_space<vmem>> -> memref<1x128xi32, #tpu.memory_space<vmem>>
    %dma_wait3A_1087 = tpu.memref_squeeze %dma_wait3A_1086 : memref<1x128xi32, #tpu.memory_space<vmem>> -> memref<128xi32, #tpu.memory_space<vmem>>
    %dma_wait3A_1088 = arith.constant 0 : i32
    %dma_wait3A_1089 = tpu.memref_slice %arg2[%dma_wait3A_1088] : memref<204800xi32, #tpu.memory_space<hbm>> -> memref<128xi32, #tpu.memory_space<hbm>>
    tpu.wait_dma2 semaphore(%arg8 : memref<!tpu.dma_semaphore, #tpu.memory_space<semaphore_mem>>) src(%dma_wait3A_1089 : memref<128xi32, #tpu.memory_space<hbm>>) dst(%dma_wait3A_1087 : memref<128xi32, #tpu.memory_space<vmem>>)
    %dma_wait3A_1090 = arith.constant 42 : i32
    %dma_wait3A_1091 = arith.constant 0 : i32
    %dma_wait3A_1092 = tpu.memref_slice %arg4[%dma_wait3A_1090, %dma_wait3A_1091] : memref<49x128xi32, #tpu.memory_space<vmem>> -> memref<1x128xi32, #tpu.memory_space<vmem>>
    %dma_wait3A_1093 = tpu.memref_squeeze %dma_wait3A_1092 : memref<1x128xi32, #tpu.memory_space<vmem>> -> memref<128xi32, #tpu.memory_space<vmem>>
    %dma_wait3A_1094 = arith.constant 0 : i32
    %dma_wait3A_1095 = tpu.memref_slice %arg2[%dma_wait3A_1094] : memref<204800xi32, #tpu.memory_space<hbm>> -> memref<128xi32, #tpu.memory_space<hbm>>
    %dma_wait3A_1096 = arith.constant 0 : i32
    %dma_wait3A_1097 = tpu.memref_slice %arg4[%dma_wait3A_1090, %dma_wait3A_1096] : memref<49x128xi32, #tpu.memory_space<vmem>> -> memref<1x128xi32, #tpu.memory_space<vmem>>
    %dma_wait3A_1098 = tpu.memref_squeeze %dma_wait3A_1097 : memref<1x128xi32, #tpu.memory_space<vmem>> -> memref<128xi32, #tpu.memory_space<vmem>>
    %dma_wait3A_1099 = arith.constant 0 : i32
    %dma_wait3A_1100 = tpu.memref_slice %arg2[%dma_wait3A_1099] : memref<204800xi32, #tpu.memory_space<hbm>> -> memref<128xi32, #tpu.memory_space<hbm>>
    tpu.wait_dma2 semaphore(%arg8 : memref<!tpu.dma_semaphore, #tpu.memory_space<semaphore_mem>>) src(%dma_wait3A_1100 : memref<128xi32, #tpu.memory_space<hbm>>) dst(%dma_wait3A_1098 : memref<128xi32, #tpu.memory_space<vmem>>)
    %dma_wait3A_1101 = arith.constant 43 : i32
    %dma_wait3A_1102 = arith.constant 0 : i32
    %dma_wait3A_1103 = tpu.memref_slice %arg4[%dma_wait3A_1101, %dma_wait3A_1102] : memref<49x128xi32, #tpu.memory_space<vmem>> -> memref<1x128xi32, #tpu.memory_space<vmem>>
    %dma_wait3A_1104 = tpu.memref_squeeze %dma_wait3A_1103 : memref<1x128xi32, #tpu.memory_space<vmem>> -> memref<128xi32, #tpu.memory_space<vmem>>
    %dma_wait3A_1105 = arith.constant 0 : i32
    %dma_wait3A_1106 = tpu.memref_slice %arg2[%dma_wait3A_1105] : memref<204800xi32, #tpu.memory_space<hbm>> -> memref<128xi32, #tpu.memory_space<hbm>>
    %dma_wait3A_1107 = arith.constant 0 : i32
    %dma_wait3A_1108 = tpu.memref_slice %arg4[%dma_wait3A_1101, %dma_wait3A_1107] : memref<49x128xi32, #tpu.memory_space<vmem>> -> memref<1x128xi32, #tpu.memory_space<vmem>>
    %dma_wait3A_1109 = tpu.memref_squeeze %dma_wait3A_1108 : memref<1x128xi32, #tpu.memory_space<vmem>> -> memref<128xi32, #tpu.memory_space<vmem>>
    %dma_wait3A_1110 = arith.constant 0 : i32
    %dma_wait3A_1111 = tpu.memref_slice %arg2[%dma_wait3A_1110] : memref<204800xi32, #tpu.memory_space<hbm>> -> memref<128xi32, #tpu.memory_space<hbm>>
    tpu.wait_dma2 semaphore(%arg8 : memref<!tpu.dma_semaphore, #tpu.memory_space<semaphore_mem>>) src(%dma_wait3A_1111 : memref<128xi32, #tpu.memory_space<hbm>>) dst(%dma_wait3A_1109 : memref<128xi32, #tpu.memory_space<vmem>>)
    %dma_wait3A_1112 = arith.constant 44 : i32
    %dma_wait3A_1113 = arith.constant 0 : i32
    %dma_wait3A_1114 = tpu.memref_slice %arg4[%dma_wait3A_1112, %dma_wait3A_1113] : memref<49x128xi32, #tpu.memory_space<vmem>> -> memref<1x128xi32, #tpu.memory_space<vmem>>
    %dma_wait3A_1115 = tpu.memref_squeeze %dma_wait3A_1114 : memref<1x128xi32, #tpu.memory_space<vmem>> -> memref<128xi32, #tpu.memory_space<vmem>>
    %dma_wait3A_1116 = arith.constant 0 : i32
    %dma_wait3A_1117 = tpu.memref_slice %arg2[%dma_wait3A_1116] : memref<204800xi32, #tpu.memory_space<hbm>> -> memref<128xi32, #tpu.memory_space<hbm>>
    %dma_wait3A_1118 = arith.constant 0 : i32
    %dma_wait3A_1119 = tpu.memref_slice %arg4[%dma_wait3A_1112, %dma_wait3A_1118] : memref<49x128xi32, #tpu.memory_space<vmem>> -> memref<1x128xi32, #tpu.memory_space<vmem>>
    %dma_wait3A_1120 = tpu.memref_squeeze %dma_wait3A_1119 : memref<1x128xi32, #tpu.memory_space<vmem>> -> memref<128xi32, #tpu.memory_space<vmem>>
    %dma_wait3A_1121 = arith.constant 0 : i32
    %dma_wait3A_1122 = tpu.memref_slice %arg2[%dma_wait3A_1121] : memref<204800xi32, #tpu.memory_space<hbm>> -> memref<128xi32, #tpu.memory_space<hbm>>
    tpu.wait_dma2 semaphore(%arg8 : memref<!tpu.dma_semaphore, #tpu.memory_space<semaphore_mem>>) src(%dma_wait3A_1122 : memref<128xi32, #tpu.memory_space<hbm>>) dst(%dma_wait3A_1120 : memref<128xi32, #tpu.memory_space<vmem>>)
    %dma_wait3A_1123 = arith.constant 45 : i32
    %dma_wait3A_1124 = arith.constant 0 : i32
    %dma_wait3A_1125 = tpu.memref_slice %arg4[%dma_wait3A_1123, %dma_wait3A_1124] : memref<49x128xi32, #tpu.memory_space<vmem>> -> memref<1x128xi32, #tpu.memory_space<vmem>>
    %dma_wait3A_1126 = tpu.memref_squeeze %dma_wait3A_1125 : memref<1x128xi32, #tpu.memory_space<vmem>> -> memref<128xi32, #tpu.memory_space<vmem>>
    %dma_wait3A_1127 = arith.constant 0 : i32
    %dma_wait3A_1128 = tpu.memref_slice %arg2[%dma_wait3A_1127] : memref<204800xi32, #tpu.memory_space<hbm>> -> memref<128xi32, #tpu.memory_space<hbm>>
    %dma_wait3A_1129 = arith.constant 0 : i32
    %dma_wait3A_1130 = tpu.memref_slice %arg4[%dma_wait3A_1123, %dma_wait3A_1129] : memref<49x128xi32, #tpu.memory_space<vmem>> -> memref<1x128xi32, #tpu.memory_space<vmem>>
    %dma_wait3A_1131 = tpu.memref_squeeze %dma_wait3A_1130 : memref<1x128xi32, #tpu.memory_space<vmem>> -> memref<128xi32, #tpu.memory_space<vmem>>
    %dma_wait3A_1132 = arith.constant 0 : i32
    %dma_wait3A_1133 = tpu.memref_slice %arg2[%dma_wait3A_1132] : memref<204800xi32, #tpu.memory_space<hbm>> -> memref<128xi32, #tpu.memory_space<hbm>>
    tpu.wait_dma2 semaphore(%arg8 : memref<!tpu.dma_semaphore, #tpu.memory_space<semaphore_mem>>) src(%dma_wait3A_1133 : memref<128xi32, #tpu.memory_space<hbm>>) dst(%dma_wait3A_1131 : memref<128xi32, #tpu.memory_space<vmem>>)
    %dma_wait3A_1134 = arith.constant 46 : i32
    %dma_wait3A_1135 = arith.constant 0 : i32
    %dma_wait3A_1136 = tpu.memref_slice %arg4[%dma_wait3A_1134, %dma_wait3A_1135] : memref<49x128xi32, #tpu.memory_space<vmem>> -> memref<1x128xi32, #tpu.memory_space<vmem>>
    %dma_wait3A_1137 = tpu.memref_squeeze %dma_wait3A_1136 : memref<1x128xi32, #tpu.memory_space<vmem>> -> memref<128xi32, #tpu.memory_space<vmem>>
    %dma_wait3A_1138 = arith.constant 0 : i32
    %dma_wait3A_1139 = tpu.memref_slice %arg2[%dma_wait3A_1138] : memref<204800xi32, #tpu.memory_space<hbm>> -> memref<128xi32, #tpu.memory_space<hbm>>
    %dma_wait3A_1140 = arith.constant 0 : i32
    %dma_wait3A_1141 = tpu.memref_slice %arg4[%dma_wait3A_1134, %dma_wait3A_1140] : memref<49x128xi32, #tpu.memory_space<vmem>> -> memref<1x128xi32, #tpu.memory_space<vmem>>
    %dma_wait3A_1142 = tpu.memref_squeeze %dma_wait3A_1141 : memref<1x128xi32, #tpu.memory_space<vmem>> -> memref<128xi32, #tpu.memory_space<vmem>>
    %dma_wait3A_1143 = arith.constant 0 : i32
    %dma_wait3A_1144 = tpu.memref_slice %arg2[%dma_wait3A_1143] : memref<204800xi32, #tpu.memory_space<hbm>> -> memref<128xi32, #tpu.memory_space<hbm>>
    tpu.wait_dma2 semaphore(%arg8 : memref<!tpu.dma_semaphore, #tpu.memory_space<semaphore_mem>>) src(%dma_wait3A_1144 : memref<128xi32, #tpu.memory_space<hbm>>) dst(%dma_wait3A_1142 : memref<128xi32, #tpu.memory_space<vmem>>)
    %dma_wait3A_1145 = arith.constant 47 : i32
    %dma_wait3A_1146 = arith.constant 0 : i32
    %dma_wait3A_1147 = tpu.memref_slice %arg4[%dma_wait3A_1145, %dma_wait3A_1146] : memref<49x128xi32, #tpu.memory_space<vmem>> -> memref<1x128xi32, #tpu.memory_space<vmem>>
    %dma_wait3A_1148 = tpu.memref_squeeze %dma_wait3A_1147 : memref<1x128xi32, #tpu.memory_space<vmem>> -> memref<128xi32, #tpu.memory_space<vmem>>
    %dma_wait3A_1149 = arith.constant 0 : i32
    %dma_wait3A_1150 = tpu.memref_slice %arg2[%dma_wait3A_1149] : memref<204800xi32, #tpu.memory_space<hbm>> -> memref<128xi32, #tpu.memory_space<hbm>>
    %dma_wait3A_1151 = arith.constant 0 : i32
    %dma_wait3A_1152 = tpu.memref_slice %arg4[%dma_wait3A_1145, %dma_wait3A_1151] : memref<49x128xi32, #tpu.memory_space<vmem>> -> memref<1x128xi32, #tpu.memory_space<vmem>>
    %dma_wait3A_1153 = tpu.memref_squeeze %dma_wait3A_1152 : memref<1x128xi32, #tpu.memory_space<vmem>> -> memref<128xi32, #tpu.memory_space<vmem>>
    %dma_wait3A_1154 = arith.constant 0 : i32
    %dma_wait3A_1155 = tpu.memref_slice %arg2[%dma_wait3A_1154] : memref<204800xi32, #tpu.memory_space<hbm>> -> memref<128xi32, #tpu.memory_space<hbm>>
    tpu.wait_dma2 semaphore(%arg8 : memref<!tpu.dma_semaphore, #tpu.memory_space<semaphore_mem>>) src(%dma_wait3A_1155 : memref<128xi32, #tpu.memory_space<hbm>>) dst(%dma_wait3A_1153 : memref<128xi32, #tpu.memory_space<vmem>>)
    %dma_wait3A_1156 = arith.constant 48 : i32
    %dma_wait3A_1157 = arith.constant 0 : i32
    %dma_wait3A_1158 = tpu.memref_slice %arg4[%dma_wait3A_1156, %dma_wait3A_1157] : memref<49x128xi32, #tpu.memory_space<vmem>> -> memref<1x128xi32, #tpu.memory_space<vmem>>
    %dma_wait3A_1159 = tpu.memref_squeeze %dma_wait3A_1158 : memref<1x128xi32, #tpu.memory_space<vmem>> -> memref<128xi32, #tpu.memory_space<vmem>>
    %dma_wait3A_1160 = arith.constant 0 : i32
    %dma_wait3A_1161 = tpu.memref_slice %arg2[%dma_wait3A_1160] : memref<204800xi32, #tpu.memory_space<hbm>> -> memref<128xi32, #tpu.memory_space<hbm>>
    %dma_wait3A_1162 = arith.constant 0 : i32
    %dma_wait3A_1163 = tpu.memref_slice %arg4[%dma_wait3A_1156, %dma_wait3A_1162] : memref<49x128xi32, #tpu.memory_space<vmem>> -> memref<1x128xi32, #tpu.memory_space<vmem>>
    %dma_wait3A_1164 = tpu.memref_squeeze %dma_wait3A_1163 : memref<1x128xi32, #tpu.memory_space<vmem>> -> memref<128xi32, #tpu.memory_space<vmem>>
    %dma_wait3A_1165 = arith.constant 0 : i32
    %dma_wait3A_1166 = tpu.memref_slice %arg2[%dma_wait3A_1165] : memref<204800xi32, #tpu.memory_space<hbm>> -> memref<128xi32, #tpu.memory_space<hbm>>
    tpu.wait_dma2 semaphore(%arg8 : memref<!tpu.dma_semaphore, #tpu.memory_space<semaphore_mem>>) src(%dma_wait3A_1166 : memref<128xi32, #tpu.memory_space<hbm>>) dst(%dma_wait3A_1164 : memref<128xi32, #tpu.memory_space<vmem>>)
    %barrier3A = arith.constant 0 : index
    tpu.barrier barrier_id(%barrier3A)
    %dma_start3A_1167 = arith.constant 0 : i32
    %dma_start3A_1168 = arith.constant 0 : i32
    %dma_start3A_1169 = tpu.memref_slice %arg4[%dma_start3A_1167, %dma_start3A_1168] : memref<49x128xi32, #tpu.memory_space<vmem>> -> memref<1x128xi32, #tpu.memory_space<vmem>>
    %dma_start3A_1170 = tpu.memref_squeeze %dma_start3A_1169 : memref<1x128xi32, #tpu.memory_space<vmem>> -> memref<128xi32, #tpu.memory_space<vmem>>
    %dma_start3A_1171 = arith.constant 0 : i32
    %dma_start3A_1172 = tpu.memref_slice %arg7[%dma_start3A_1171] : memref<1048576xf32, #tpu.memory_space<vmem_shared>> -> memref<1048576xf32, #tpu.memory_space<vmem_shared>>
    tpu.enqueue_indirect_dma source(%arg5 : memref<128xf32, #tpu.memory_space<vmem>>) target(%dma_start3A_1172 : memref<1048576xf32, #tpu.memory_space<vmem_shared>>) offsets(%dma_start3A_1170 : memref<128xi32, #tpu.memory_space<vmem>>) semaphore(%arg10 : memref<!tpu.dma_semaphore, #tpu.memory_space<semaphore_mem>>) {add = true}
    %dma_start3A_1173 = arith.constant 1 : i32
    %dma_start3A_1174 = arith.constant 0 : i32
    %dma_start3A_1175 = tpu.memref_slice %arg4[%dma_start3A_1173, %dma_start3A_1174] : memref<49x128xi32, #tpu.memory_space<vmem>> -> memref<1x128xi32, #tpu.memory_space<vmem>>
    %dma_start3A_1176 = tpu.memref_squeeze %dma_start3A_1175 : memref<1x128xi32, #tpu.memory_space<vmem>> -> memref<128xi32, #tpu.memory_space<vmem>>
    %dma_start3A_1177 = arith.constant 0 : i32
    %dma_start3A_1178 = tpu.memref_slice %arg7[%dma_start3A_1177] : memref<1048576xf32, #tpu.memory_space<vmem_shared>> -> memref<1048576xf32, #tpu.memory_space<vmem_shared>>
    tpu.enqueue_indirect_dma source(%arg5 : memref<128xf32, #tpu.memory_space<vmem>>) target(%dma_start3A_1178 : memref<1048576xf32, #tpu.memory_space<vmem_shared>>) offsets(%dma_start3A_1176 : memref<128xi32, #tpu.memory_space<vmem>>) semaphore(%arg10 : memref<!tpu.dma_semaphore, #tpu.memory_space<semaphore_mem>>) {add = true}
    %dma_start3A_1179 = arith.constant 2 : i32
    %dma_start3A_1180 = arith.constant 0 : i32
    %dma_start3A_1181 = tpu.memref_slice %arg4[%dma_start3A_1179, %dma_start3A_1180] : memref<49x128xi32, #tpu.memory_space<vmem>> -> memref<1x128xi32, #tpu.memory_space<vmem>>
    %dma_start3A_1182 = tpu.memref_squeeze %dma_start3A_1181 : memref<1x128xi32, #tpu.memory_space<vmem>> -> memref<128xi32, #tpu.memory_space<vmem>>
    %dma_start3A_1183 = arith.constant 0 : i32
    %dma_start3A_1184 = tpu.memref_slice %arg7[%dma_start3A_1183] : memref<1048576xf32, #tpu.memory_space<vmem_shared>> -> memref<1048576xf32, #tpu.memory_space<vmem_shared>>
    tpu.enqueue_indirect_dma source(%arg5 : memref<128xf32, #tpu.memory_space<vmem>>) target(%dma_start3A_1184 : memref<1048576xf32, #tpu.memory_space<vmem_shared>>) offsets(%dma_start3A_1182 : memref<128xi32, #tpu.memory_space<vmem>>) semaphore(%arg10 : memref<!tpu.dma_semaphore, #tpu.memory_space<semaphore_mem>>) {add = true}
    %dma_start3A_1185 = arith.constant 3 : i32
    %dma_start3A_1186 = arith.constant 0 : i32
    %dma_start3A_1187 = tpu.memref_slice %arg4[%dma_start3A_1185, %dma_start3A_1186] : memref<49x128xi32, #tpu.memory_space<vmem>> -> memref<1x128xi32, #tpu.memory_space<vmem>>
    %dma_start3A_1188 = tpu.memref_squeeze %dma_start3A_1187 : memref<1x128xi32, #tpu.memory_space<vmem>> -> memref<128xi32, #tpu.memory_space<vmem>>
    %dma_start3A_1189 = arith.constant 0 : i32
    %dma_start3A_1190 = tpu.memref_slice %arg7[%dma_start3A_1189] : memref<1048576xf32, #tpu.memory_space<vmem_shared>> -> memref<1048576xf32, #tpu.memory_space<vmem_shared>>
    tpu.enqueue_indirect_dma source(%arg5 : memref<128xf32, #tpu.memory_space<vmem>>) target(%dma_start3A_1190 : memref<1048576xf32, #tpu.memory_space<vmem_shared>>) offsets(%dma_start3A_1188 : memref<128xi32, #tpu.memory_space<vmem>>) semaphore(%arg10 : memref<!tpu.dma_semaphore, #tpu.memory_space<semaphore_mem>>) {add = true}
    %dma_start3A_1191 = arith.constant 4 : i32
    %dma_start3A_1192 = arith.constant 0 : i32
    %dma_start3A_1193 = tpu.memref_slice %arg4[%dma_start3A_1191, %dma_start3A_1192] : memref<49x128xi32, #tpu.memory_space<vmem>> -> memref<1x128xi32, #tpu.memory_space<vmem>>
    %dma_start3A_1194 = tpu.memref_squeeze %dma_start3A_1193 : memref<1x128xi32, #tpu.memory_space<vmem>> -> memref<128xi32, #tpu.memory_space<vmem>>
    %dma_start3A_1195 = arith.constant 0 : i32
    %dma_start3A_1196 = tpu.memref_slice %arg7[%dma_start3A_1195] : memref<1048576xf32, #tpu.memory_space<vmem_shared>> -> memref<1048576xf32, #tpu.memory_space<vmem_shared>>
    tpu.enqueue_indirect_dma source(%arg5 : memref<128xf32, #tpu.memory_space<vmem>>) target(%dma_start3A_1196 : memref<1048576xf32, #tpu.memory_space<vmem_shared>>) offsets(%dma_start3A_1194 : memref<128xi32, #tpu.memory_space<vmem>>) semaphore(%arg10 : memref<!tpu.dma_semaphore, #tpu.memory_space<semaphore_mem>>) {add = true}
    %dma_start3A_1197 = arith.constant 5 : i32
    %dma_start3A_1198 = arith.constant 0 : i32
    %dma_start3A_1199 = tpu.memref_slice %arg4[%dma_start3A_1197, %dma_start3A_1198] : memref<49x128xi32, #tpu.memory_space<vmem>> -> memref<1x128xi32, #tpu.memory_space<vmem>>
    %dma_start3A_1200 = tpu.memref_squeeze %dma_start3A_1199 : memref<1x128xi32, #tpu.memory_space<vmem>> -> memref<128xi32, #tpu.memory_space<vmem>>
    %dma_start3A_1201 = arith.constant 0 : i32
    %dma_start3A_1202 = tpu.memref_slice %arg7[%dma_start3A_1201] : memref<1048576xf32, #tpu.memory_space<vmem_shared>> -> memref<1048576xf32, #tpu.memory_space<vmem_shared>>
    tpu.enqueue_indirect_dma source(%arg5 : memref<128xf32, #tpu.memory_space<vmem>>) target(%dma_start3A_1202 : memref<1048576xf32, #tpu.memory_space<vmem_shared>>) offsets(%dma_start3A_1200 : memref<128xi32, #tpu.memory_space<vmem>>) semaphore(%arg10 : memref<!tpu.dma_semaphore, #tpu.memory_space<semaphore_mem>>) {add = true}
    %dma_start3A_1203 = arith.constant 6 : i32
    %dma_start3A_1204 = arith.constant 0 : i32
    %dma_start3A_1205 = tpu.memref_slice %arg4[%dma_start3A_1203, %dma_start3A_1204] : memref<49x128xi32, #tpu.memory_space<vmem>> -> memref<1x128xi32, #tpu.memory_space<vmem>>
    %dma_start3A_1206 = tpu.memref_squeeze %dma_start3A_1205 : memref<1x128xi32, #tpu.memory_space<vmem>> -> memref<128xi32, #tpu.memory_space<vmem>>
    %dma_start3A_1207 = arith.constant 0 : i32
    %dma_start3A_1208 = tpu.memref_slice %arg7[%dma_start3A_1207] : memref<1048576xf32, #tpu.memory_space<vmem_shared>> -> memref<1048576xf32, #tpu.memory_space<vmem_shared>>
    tpu.enqueue_indirect_dma source(%arg5 : memref<128xf32, #tpu.memory_space<vmem>>) target(%dma_start3A_1208 : memref<1048576xf32, #tpu.memory_space<vmem_shared>>) offsets(%dma_start3A_1206 : memref<128xi32, #tpu.memory_space<vmem>>) semaphore(%arg10 : memref<!tpu.dma_semaphore, #tpu.memory_space<semaphore_mem>>) {add = true}
    %dma_start3A_1209 = arith.constant 7 : i32
    %dma_start3A_1210 = arith.constant 0 : i32
    %dma_start3A_1211 = tpu.memref_slice %arg4[%dma_start3A_1209, %dma_start3A_1210] : memref<49x128xi32, #tpu.memory_space<vmem>> -> memref<1x128xi32, #tpu.memory_space<vmem>>
    %dma_start3A_1212 = tpu.memref_squeeze %dma_start3A_1211 : memref<1x128xi32, #tpu.memory_space<vmem>> -> memref<128xi32, #tpu.memory_space<vmem>>
    %dma_start3A_1213 = arith.constant 0 : i32
    %dma_start3A_1214 = tpu.memref_slice %arg7[%dma_start3A_1213] : memref<1048576xf32, #tpu.memory_space<vmem_shared>> -> memref<1048576xf32, #tpu.memory_space<vmem_shared>>
    tpu.enqueue_indirect_dma source(%arg5 : memref<128xf32, #tpu.memory_space<vmem>>) target(%dma_start3A_1214 : memref<1048576xf32, #tpu.memory_space<vmem_shared>>) offsets(%dma_start3A_1212 : memref<128xi32, #tpu.memory_space<vmem>>) semaphore(%arg10 : memref<!tpu.dma_semaphore, #tpu.memory_space<semaphore_mem>>) {add = true}
    %dma_start3A_1215 = arith.constant 8 : i32
    %dma_start3A_1216 = arith.constant 0 : i32
    %dma_start3A_1217 = tpu.memref_slice %arg4[%dma_start3A_1215, %dma_start3A_1216] : memref<49x128xi32, #tpu.memory_space<vmem>> -> memref<1x128xi32, #tpu.memory_space<vmem>>
    %dma_start3A_1218 = tpu.memref_squeeze %dma_start3A_1217 : memref<1x128xi32, #tpu.memory_space<vmem>> -> memref<128xi32, #tpu.memory_space<vmem>>
    %dma_start3A_1219 = arith.constant 0 : i32
    %dma_start3A_1220 = tpu.memref_slice %arg7[%dma_start3A_1219] : memref<1048576xf32, #tpu.memory_space<vmem_shared>> -> memref<1048576xf32, #tpu.memory_space<vmem_shared>>
    tpu.enqueue_indirect_dma source(%arg5 : memref<128xf32, #tpu.memory_space<vmem>>) target(%dma_start3A_1220 : memref<1048576xf32, #tpu.memory_space<vmem_shared>>) offsets(%dma_start3A_1218 : memref<128xi32, #tpu.memory_space<vmem>>) semaphore(%arg10 : memref<!tpu.dma_semaphore, #tpu.memory_space<semaphore_mem>>) {add = true}
    %dma_start3A_1221 = arith.constant 9 : i32
    %dma_start3A_1222 = arith.constant 0 : i32
    %dma_start3A_1223 = tpu.memref_slice %arg4[%dma_start3A_1221, %dma_start3A_1222] : memref<49x128xi32, #tpu.memory_space<vmem>> -> memref<1x128xi32, #tpu.memory_space<vmem>>
    %dma_start3A_1224 = tpu.memref_squeeze %dma_start3A_1223 : memref<1x128xi32, #tpu.memory_space<vmem>> -> memref<128xi32, #tpu.memory_space<vmem>>
    %dma_start3A_1225 = arith.constant 0 : i32
    %dma_start3A_1226 = tpu.memref_slice %arg7[%dma_start3A_1225] : memref<1048576xf32, #tpu.memory_space<vmem_shared>> -> memref<1048576xf32, #tpu.memory_space<vmem_shared>>
    tpu.enqueue_indirect_dma source(%arg5 : memref<128xf32, #tpu.memory_space<vmem>>) target(%dma_start3A_1226 : memref<1048576xf32, #tpu.memory_space<vmem_shared>>) offsets(%dma_start3A_1224 : memref<128xi32, #tpu.memory_space<vmem>>) semaphore(%arg10 : memref<!tpu.dma_semaphore, #tpu.memory_space<semaphore_mem>>) {add = true}
    %dma_start3A_1227 = arith.constant 10 : i32
    %dma_start3A_1228 = arith.constant 0 : i32
    %dma_start3A_1229 = tpu.memref_slice %arg4[%dma_start3A_1227, %dma_start3A_1228] : memref<49x128xi32, #tpu.memory_space<vmem>> -> memref<1x128xi32, #tpu.memory_space<vmem>>
    %dma_start3A_1230 = tpu.memref_squeeze %dma_start3A_1229 : memref<1x128xi32, #tpu.memory_space<vmem>> -> memref<128xi32, #tpu.memory_space<vmem>>
    %dma_start3A_1231 = arith.constant 0 : i32
    %dma_start3A_1232 = tpu.memref_slice %arg7[%dma_start3A_1231] : memref<1048576xf32, #tpu.memory_space<vmem_shared>> -> memref<1048576xf32, #tpu.memory_space<vmem_shared>>
    tpu.enqueue_indirect_dma source(%arg5 : memref<128xf32, #tpu.memory_space<vmem>>) target(%dma_start3A_1232 : memref<1048576xf32, #tpu.memory_space<vmem_shared>>) offsets(%dma_start3A_1230 : memref<128xi32, #tpu.memory_space<vmem>>) semaphore(%arg10 : memref<!tpu.dma_semaphore, #tpu.memory_space<semaphore_mem>>) {add = true}
    %dma_start3A_1233 = arith.constant 11 : i32
    %dma_start3A_1234 = arith.constant 0 : i32
    %dma_start3A_1235 = tpu.memref_slice %arg4[%dma_start3A_1233, %dma_start3A_1234] : memref<49x128xi32, #tpu.memory_space<vmem>> -> memref<1x128xi32, #tpu.memory_space<vmem>>
    %dma_start3A_1236 = tpu.memref_squeeze %dma_start3A_1235 : memref<1x128xi32, #tpu.memory_space<vmem>> -> memref<128xi32, #tpu.memory_space<vmem>>
    %dma_start3A_1237 = arith.constant 0 : i32
    %dma_start3A_1238 = tpu.memref_slice %arg7[%dma_start3A_1237] : memref<1048576xf32, #tpu.memory_space<vmem_shared>> -> memref<1048576xf32, #tpu.memory_space<vmem_shared>>
    tpu.enqueue_indirect_dma source(%arg5 : memref<128xf32, #tpu.memory_space<vmem>>) target(%dma_start3A_1238 : memref<1048576xf32, #tpu.memory_space<vmem_shared>>) offsets(%dma_start3A_1236 : memref<128xi32, #tpu.memory_space<vmem>>) semaphore(%arg10 : memref<!tpu.dma_semaphore, #tpu.memory_space<semaphore_mem>>) {add = true}
    %dma_start3A_1239 = arith.constant 12 : i32
    %dma_start3A_1240 = arith.constant 0 : i32
    %dma_start3A_1241 = tpu.memref_slice %arg4[%dma_start3A_1239, %dma_start3A_1240] : memref<49x128xi32, #tpu.memory_space<vmem>> -> memref<1x128xi32, #tpu.memory_space<vmem>>
    %dma_start3A_1242 = tpu.memref_squeeze %dma_start3A_1241 : memref<1x128xi32, #tpu.memory_space<vmem>> -> memref<128xi32, #tpu.memory_space<vmem>>
    %dma_start3A_1243 = arith.constant 0 : i32
    %dma_start3A_1244 = tpu.memref_slice %arg7[%dma_start3A_1243] : memref<1048576xf32, #tpu.memory_space<vmem_shared>> -> memref<1048576xf32, #tpu.memory_space<vmem_shared>>
    tpu.enqueue_indirect_dma source(%arg5 : memref<128xf32, #tpu.memory_space<vmem>>) target(%dma_start3A_1244 : memref<1048576xf32, #tpu.memory_space<vmem_shared>>) offsets(%dma_start3A_1242 : memref<128xi32, #tpu.memory_space<vmem>>) semaphore(%arg10 : memref<!tpu.dma_semaphore, #tpu.memory_space<semaphore_mem>>) {add = true}
    %dma_start3A_1245 = arith.constant 13 : i32
    %dma_start3A_1246 = arith.constant 0 : i32
    %dma_start3A_1247 = tpu.memref_slice %arg4[%dma_start3A_1245, %dma_start3A_1246] : memref<49x128xi32, #tpu.memory_space<vmem>> -> memref<1x128xi32, #tpu.memory_space<vmem>>
    %dma_start3A_1248 = tpu.memref_squeeze %dma_start3A_1247 : memref<1x128xi32, #tpu.memory_space<vmem>> -> memref<128xi32, #tpu.memory_space<vmem>>
    %dma_start3A_1249 = arith.constant 0 : i32
    %dma_start3A_1250 = tpu.memref_slice %arg7[%dma_start3A_1249] : memref<1048576xf32, #tpu.memory_space<vmem_shared>> -> memref<1048576xf32, #tpu.memory_space<vmem_shared>>
    tpu.enqueue_indirect_dma source(%arg5 : memref<128xf32, #tpu.memory_space<vmem>>) target(%dma_start3A_1250 : memref<1048576xf32, #tpu.memory_space<vmem_shared>>) offsets(%dma_start3A_1248 : memref<128xi32, #tpu.memory_space<vmem>>) semaphore(%arg10 : memref<!tpu.dma_semaphore, #tpu.memory_space<semaphore_mem>>) {add = true}
    %dma_start3A_1251 = arith.constant 14 : i32
    %dma_start3A_1252 = arith.constant 0 : i32
    %dma_start3A_1253 = tpu.memref_slice %arg4[%dma_start3A_1251, %dma_start3A_1252] : memref<49x128xi32, #tpu.memory_space<vmem>> -> memref<1x128xi32, #tpu.memory_space<vmem>>
    %dma_start3A_1254 = tpu.memref_squeeze %dma_start3A_1253 : memref<1x128xi32, #tpu.memory_space<vmem>> -> memref<128xi32, #tpu.memory_space<vmem>>
    %dma_start3A_1255 = arith.constant 0 : i32
    %dma_start3A_1256 = tpu.memref_slice %arg7[%dma_start3A_1255] : memref<1048576xf32, #tpu.memory_space<vmem_shared>> -> memref<1048576xf32, #tpu.memory_space<vmem_shared>>
    tpu.enqueue_indirect_dma source(%arg5 : memref<128xf32, #tpu.memory_space<vmem>>) target(%dma_start3A_1256 : memref<1048576xf32, #tpu.memory_space<vmem_shared>>) offsets(%dma_start3A_1254 : memref<128xi32, #tpu.memory_space<vmem>>) semaphore(%arg10 : memref<!tpu.dma_semaphore, #tpu.memory_space<semaphore_mem>>) {add = true}
    %dma_start3A_1257 = arith.constant 15 : i32
    %dma_start3A_1258 = arith.constant 0 : i32
    %dma_start3A_1259 = tpu.memref_slice %arg4[%dma_start3A_1257, %dma_start3A_1258] : memref<49x128xi32, #tpu.memory_space<vmem>> -> memref<1x128xi32, #tpu.memory_space<vmem>>
    %dma_start3A_1260 = tpu.memref_squeeze %dma_start3A_1259 : memref<1x128xi32, #tpu.memory_space<vmem>> -> memref<128xi32, #tpu.memory_space<vmem>>
    %dma_start3A_1261 = arith.constant 0 : i32
    %dma_start3A_1262 = tpu.memref_slice %arg7[%dma_start3A_1261] : memref<1048576xf32, #tpu.memory_space<vmem_shared>> -> memref<1048576xf32, #tpu.memory_space<vmem_shared>>
    tpu.enqueue_indirect_dma source(%arg5 : memref<128xf32, #tpu.memory_space<vmem>>) target(%dma_start3A_1262 : memref<1048576xf32, #tpu.memory_space<vmem_shared>>) offsets(%dma_start3A_1260 : memref<128xi32, #tpu.memory_space<vmem>>) semaphore(%arg10 : memref<!tpu.dma_semaphore, #tpu.memory_space<semaphore_mem>>) {add = true}
    %dma_start3A_1263 = arith.constant 16 : i32
    %dma_start3A_1264 = arith.constant 0 : i32
    %dma_start3A_1265 = tpu.memref_slice %arg4[%dma_start3A_1263, %dma_start3A_1264] : memref<49x128xi32, #tpu.memory_space<vmem>> -> memref<1x128xi32, #tpu.memory_space<vmem>>
    %dma_start3A_1266 = tpu.memref_squeeze %dma_start3A_1265 : memref<1x128xi32, #tpu.memory_space<vmem>> -> memref<128xi32, #tpu.memory_space<vmem>>
    %dma_start3A_1267 = arith.constant 0 : i32
    %dma_start3A_1268 = tpu.memref_slice %arg7[%dma_start3A_1267] : memref<1048576xf32, #tpu.memory_space<vmem_shared>> -> memref<1048576xf32, #tpu.memory_space<vmem_shared>>
    tpu.enqueue_indirect_dma source(%arg5 : memref<128xf32, #tpu.memory_space<vmem>>) target(%dma_start3A_1268 : memref<1048576xf32, #tpu.memory_space<vmem_shared>>) offsets(%dma_start3A_1266 : memref<128xi32, #tpu.memory_space<vmem>>) semaphore(%arg10 : memref<!tpu.dma_semaphore, #tpu.memory_space<semaphore_mem>>) {add = true}
    %dma_start3A_1269 = arith.constant 17 : i32
    %dma_start3A_1270 = arith.constant 0 : i32
    %dma_start3A_1271 = tpu.memref_slice %arg4[%dma_start3A_1269, %dma_start3A_1270] : memref<49x128xi32, #tpu.memory_space<vmem>> -> memref<1x128xi32, #tpu.memory_space<vmem>>
    %dma_start3A_1272 = tpu.memref_squeeze %dma_start3A_1271 : memref<1x128xi32, #tpu.memory_space<vmem>> -> memref<128xi32, #tpu.memory_space<vmem>>
    %dma_start3A_1273 = arith.constant 0 : i32
    %dma_start3A_1274 = tpu.memref_slice %arg7[%dma_start3A_1273] : memref<1048576xf32, #tpu.memory_space<vmem_shared>> -> memref<1048576xf32, #tpu.memory_space<vmem_shared>>
    tpu.enqueue_indirect_dma source(%arg5 : memref<128xf32, #tpu.memory_space<vmem>>) target(%dma_start3A_1274 : memref<1048576xf32, #tpu.memory_space<vmem_shared>>) offsets(%dma_start3A_1272 : memref<128xi32, #tpu.memory_space<vmem>>) semaphore(%arg10 : memref<!tpu.dma_semaphore, #tpu.memory_space<semaphore_mem>>) {add = true}
    %dma_start3A_1275 = arith.constant 18 : i32
    %dma_start3A_1276 = arith.constant 0 : i32
    %dma_start3A_1277 = tpu.memref_slice %arg4[%dma_start3A_1275, %dma_start3A_1276] : memref<49x128xi32, #tpu.memory_space<vmem>> -> memref<1x128xi32, #tpu.memory_space<vmem>>
    %dma_start3A_1278 = tpu.memref_squeeze %dma_start3A_1277 : memref<1x128xi32, #tpu.memory_space<vmem>> -> memref<128xi32, #tpu.memory_space<vmem>>
    %dma_start3A_1279 = arith.constant 0 : i32
    %dma_start3A_1280 = tpu.memref_slice %arg7[%dma_start3A_1279] : memref<1048576xf32, #tpu.memory_space<vmem_shared>> -> memref<1048576xf32, #tpu.memory_space<vmem_shared>>
    tpu.enqueue_indirect_dma source(%arg5 : memref<128xf32, #tpu.memory_space<vmem>>) target(%dma_start3A_1280 : memref<1048576xf32, #tpu.memory_space<vmem_shared>>) offsets(%dma_start3A_1278 : memref<128xi32, #tpu.memory_space<vmem>>) semaphore(%arg10 : memref<!tpu.dma_semaphore, #tpu.memory_space<semaphore_mem>>) {add = true}
    %dma_start3A_1281 = arith.constant 19 : i32
    %dma_start3A_1282 = arith.constant 0 : i32
    %dma_start3A_1283 = tpu.memref_slice %arg4[%dma_start3A_1281, %dma_start3A_1282] : memref<49x128xi32, #tpu.memory_space<vmem>> -> memref<1x128xi32, #tpu.memory_space<vmem>>
    %dma_start3A_1284 = tpu.memref_squeeze %dma_start3A_1283 : memref<1x128xi32, #tpu.memory_space<vmem>> -> memref<128xi32, #tpu.memory_space<vmem>>
    %dma_start3A_1285 = arith.constant 0 : i32
    %dma_start3A_1286 = tpu.memref_slice %arg7[%dma_start3A_1285] : memref<1048576xf32, #tpu.memory_space<vmem_shared>> -> memref<1048576xf32, #tpu.memory_space<vmem_shared>>
    tpu.enqueue_indirect_dma source(%arg5 : memref<128xf32, #tpu.memory_space<vmem>>) target(%dma_start3A_1286 : memref<1048576xf32, #tpu.memory_space<vmem_shared>>) offsets(%dma_start3A_1284 : memref<128xi32, #tpu.memory_space<vmem>>) semaphore(%arg10 : memref<!tpu.dma_semaphore, #tpu.memory_space<semaphore_mem>>) {add = true}
    %dma_start3A_1287 = arith.constant 20 : i32
    %dma_start3A_1288 = arith.constant 0 : i32
    %dma_start3A_1289 = tpu.memref_slice %arg4[%dma_start3A_1287, %dma_start3A_1288] : memref<49x128xi32, #tpu.memory_space<vmem>> -> memref<1x128xi32, #tpu.memory_space<vmem>>
    %dma_start3A_1290 = tpu.memref_squeeze %dma_start3A_1289 : memref<1x128xi32, #tpu.memory_space<vmem>> -> memref<128xi32, #tpu.memory_space<vmem>>
    %dma_start3A_1291 = arith.constant 0 : i32
    %dma_start3A_1292 = tpu.memref_slice %arg7[%dma_start3A_1291] : memref<1048576xf32, #tpu.memory_space<vmem_shared>> -> memref<1048576xf32, #tpu.memory_space<vmem_shared>>
    tpu.enqueue_indirect_dma source(%arg5 : memref<128xf32, #tpu.memory_space<vmem>>) target(%dma_start3A_1292 : memref<1048576xf32, #tpu.memory_space<vmem_shared>>) offsets(%dma_start3A_1290 : memref<128xi32, #tpu.memory_space<vmem>>) semaphore(%arg10 : memref<!tpu.dma_semaphore, #tpu.memory_space<semaphore_mem>>) {add = true}
    %dma_start3A_1293 = arith.constant 21 : i32
    %dma_start3A_1294 = arith.constant 0 : i32
    %dma_start3A_1295 = tpu.memref_slice %arg4[%dma_start3A_1293, %dma_start3A_1294] : memref<49x128xi32, #tpu.memory_space<vmem>> -> memref<1x128xi32, #tpu.memory_space<vmem>>
    %dma_start3A_1296 = tpu.memref_squeeze %dma_start3A_1295 : memref<1x128xi32, #tpu.memory_space<vmem>> -> memref<128xi32, #tpu.memory_space<vmem>>
    %dma_start3A_1297 = arith.constant 0 : i32
    %dma_start3A_1298 = tpu.memref_slice %arg7[%dma_start3A_1297] : memref<1048576xf32, #tpu.memory_space<vmem_shared>> -> memref<1048576xf32, #tpu.memory_space<vmem_shared>>
    tpu.enqueue_indirect_dma source(%arg5 : memref<128xf32, #tpu.memory_space<vmem>>) target(%dma_start3A_1298 : memref<1048576xf32, #tpu.memory_space<vmem_shared>>) offsets(%dma_start3A_1296 : memref<128xi32, #tpu.memory_space<vmem>>) semaphore(%arg10 : memref<!tpu.dma_semaphore, #tpu.memory_space<semaphore_mem>>) {add = true}
    %dma_start3A_1299 = arith.constant 22 : i32
    %dma_start3A_1300 = arith.constant 0 : i32
    %dma_start3A_1301 = tpu.memref_slice %arg4[%dma_start3A_1299, %dma_start3A_1300] : memref<49x128xi32, #tpu.memory_space<vmem>> -> memref<1x128xi32, #tpu.memory_space<vmem>>
    %dma_start3A_1302 = tpu.memref_squeeze %dma_start3A_1301 : memref<1x128xi32, #tpu.memory_space<vmem>> -> memref<128xi32, #tpu.memory_space<vmem>>
    %dma_start3A_1303 = arith.constant 0 : i32
    %dma_start3A_1304 = tpu.memref_slice %arg7[%dma_start3A_1303] : memref<1048576xf32, #tpu.memory_space<vmem_shared>> -> memref<1048576xf32, #tpu.memory_space<vmem_shared>>
    tpu.enqueue_indirect_dma source(%arg5 : memref<128xf32, #tpu.memory_space<vmem>>) target(%dma_start3A_1304 : memref<1048576xf32, #tpu.memory_space<vmem_shared>>) offsets(%dma_start3A_1302 : memref<128xi32, #tpu.memory_space<vmem>>) semaphore(%arg10 : memref<!tpu.dma_semaphore, #tpu.memory_space<semaphore_mem>>) {add = true}
    %dma_start3A_1305 = arith.constant 23 : i32
    %dma_start3A_1306 = arith.constant 0 : i32
    %dma_start3A_1307 = tpu.memref_slice %arg4[%dma_start3A_1305, %dma_start3A_1306] : memref<49x128xi32, #tpu.memory_space<vmem>> -> memref<1x128xi32, #tpu.memory_space<vmem>>
    %dma_start3A_1308 = tpu.memref_squeeze %dma_start3A_1307 : memref<1x128xi32, #tpu.memory_space<vmem>> -> memref<128xi32, #tpu.memory_space<vmem>>
    %dma_start3A_1309 = arith.constant 0 : i32
    %dma_start3A_1310 = tpu.memref_slice %arg7[%dma_start3A_1309] : memref<1048576xf32, #tpu.memory_space<vmem_shared>> -> memref<1048576xf32, #tpu.memory_space<vmem_shared>>
    tpu.enqueue_indirect_dma source(%arg5 : memref<128xf32, #tpu.memory_space<vmem>>) target(%dma_start3A_1310 : memref<1048576xf32, #tpu.memory_space<vmem_shared>>) offsets(%dma_start3A_1308 : memref<128xi32, #tpu.memory_space<vmem>>) semaphore(%arg10 : memref<!tpu.dma_semaphore, #tpu.memory_space<semaphore_mem>>) {add = true}
    %dma_start3A_1311 = arith.constant 24 : i32
    %dma_start3A_1312 = arith.constant 0 : i32
    %dma_start3A_1313 = tpu.memref_slice %arg4[%dma_start3A_1311, %dma_start3A_1312] : memref<49x128xi32, #tpu.memory_space<vmem>> -> memref<1x128xi32, #tpu.memory_space<vmem>>
    %dma_start3A_1314 = tpu.memref_squeeze %dma_start3A_1313 : memref<1x128xi32, #tpu.memory_space<vmem>> -> memref<128xi32, #tpu.memory_space<vmem>>
    %dma_start3A_1315 = arith.constant 0 : i32
    %dma_start3A_1316 = tpu.memref_slice %arg7[%dma_start3A_1315] : memref<1048576xf32, #tpu.memory_space<vmem_shared>> -> memref<1048576xf32, #tpu.memory_space<vmem_shared>>
    tpu.enqueue_indirect_dma source(%arg5 : memref<128xf32, #tpu.memory_space<vmem>>) target(%dma_start3A_1316 : memref<1048576xf32, #tpu.memory_space<vmem_shared>>) offsets(%dma_start3A_1314 : memref<128xi32, #tpu.memory_space<vmem>>) semaphore(%arg10 : memref<!tpu.dma_semaphore, #tpu.memory_space<semaphore_mem>>) {add = true}
    %dma_start3A_1317 = arith.constant 25 : i32
    %dma_start3A_1318 = arith.constant 0 : i32
    %dma_start3A_1319 = tpu.memref_slice %arg4[%dma_start3A_1317, %dma_start3A_1318] : memref<49x128xi32, #tpu.memory_space<vmem>> -> memref<1x128xi32, #tpu.memory_space<vmem>>
    %dma_start3A_1320 = tpu.memref_squeeze %dma_start3A_1319 : memref<1x128xi32, #tpu.memory_space<vmem>> -> memref<128xi32, #tpu.memory_space<vmem>>
    %dma_start3A_1321 = arith.constant 0 : i32
    %dma_start3A_1322 = tpu.memref_slice %arg7[%dma_start3A_1321] : memref<1048576xf32, #tpu.memory_space<vmem_shared>> -> memref<1048576xf32, #tpu.memory_space<vmem_shared>>
    tpu.enqueue_indirect_dma source(%arg5 : memref<128xf32, #tpu.memory_space<vmem>>) target(%dma_start3A_1322 : memref<1048576xf32, #tpu.memory_space<vmem_shared>>) offsets(%dma_start3A_1320 : memref<128xi32, #tpu.memory_space<vmem>>) semaphore(%arg10 : memref<!tpu.dma_semaphore, #tpu.memory_space<semaphore_mem>>) {add = true}
    %dma_start3A_1323 = arith.constant 26 : i32
    %dma_start3A_1324 = arith.constant 0 : i32
    %dma_start3A_1325 = tpu.memref_slice %arg4[%dma_start3A_1323, %dma_start3A_1324] : memref<49x128xi32, #tpu.memory_space<vmem>> -> memref<1x128xi32, #tpu.memory_space<vmem>>
    %dma_start3A_1326 = tpu.memref_squeeze %dma_start3A_1325 : memref<1x128xi32, #tpu.memory_space<vmem>> -> memref<128xi32, #tpu.memory_space<vmem>>
    %dma_start3A_1327 = arith.constant 0 : i32
    %dma_start3A_1328 = tpu.memref_slice %arg7[%dma_start3A_1327] : memref<1048576xf32, #tpu.memory_space<vmem_shared>> -> memref<1048576xf32, #tpu.memory_space<vmem_shared>>
    tpu.enqueue_indirect_dma source(%arg5 : memref<128xf32, #tpu.memory_space<vmem>>) target(%dma_start3A_1328 : memref<1048576xf32, #tpu.memory_space<vmem_shared>>) offsets(%dma_start3A_1326 : memref<128xi32, #tpu.memory_space<vmem>>) semaphore(%arg10 : memref<!tpu.dma_semaphore, #tpu.memory_space<semaphore_mem>>) {add = true}
    %dma_start3A_1329 = arith.constant 27 : i32
    %dma_start3A_1330 = arith.constant 0 : i32
    %dma_start3A_1331 = tpu.memref_slice %arg4[%dma_start3A_1329, %dma_start3A_1330] : memref<49x128xi32, #tpu.memory_space<vmem>> -> memref<1x128xi32, #tpu.memory_space<vmem>>
    %dma_start3A_1332 = tpu.memref_squeeze %dma_start3A_1331 : memref<1x128xi32, #tpu.memory_space<vmem>> -> memref<128xi32, #tpu.memory_space<vmem>>
    %dma_start3A_1333 = arith.constant 0 : i32
    %dma_start3A_1334 = tpu.memref_slice %arg7[%dma_start3A_1333] : memref<1048576xf32, #tpu.memory_space<vmem_shared>> -> memref<1048576xf32, #tpu.memory_space<vmem_shared>>
    tpu.enqueue_indirect_dma source(%arg5 : memref<128xf32, #tpu.memory_space<vmem>>) target(%dma_start3A_1334 : memref<1048576xf32, #tpu.memory_space<vmem_shared>>) offsets(%dma_start3A_1332 : memref<128xi32, #tpu.memory_space<vmem>>) semaphore(%arg10 : memref<!tpu.dma_semaphore, #tpu.memory_space<semaphore_mem>>) {add = true}
    %dma_start3A_1335 = arith.constant 28 : i32
    %dma_start3A_1336 = arith.constant 0 : i32
    %dma_start3A_1337 = tpu.memref_slice %arg4[%dma_start3A_1335, %dma_start3A_1336] : memref<49x128xi32, #tpu.memory_space<vmem>> -> memref<1x128xi32, #tpu.memory_space<vmem>>
    %dma_start3A_1338 = tpu.memref_squeeze %dma_start3A_1337 : memref<1x128xi32, #tpu.memory_space<vmem>> -> memref<128xi32, #tpu.memory_space<vmem>>
    %dma_start3A_1339 = arith.constant 0 : i32
    %dma_start3A_1340 = tpu.memref_slice %arg7[%dma_start3A_1339] : memref<1048576xf32, #tpu.memory_space<vmem_shared>> -> memref<1048576xf32, #tpu.memory_space<vmem_shared>>
    tpu.enqueue_indirect_dma source(%arg5 : memref<128xf32, #tpu.memory_space<vmem>>) target(%dma_start3A_1340 : memref<1048576xf32, #tpu.memory_space<vmem_shared>>) offsets(%dma_start3A_1338 : memref<128xi32, #tpu.memory_space<vmem>>) semaphore(%arg10 : memref<!tpu.dma_semaphore, #tpu.memory_space<semaphore_mem>>) {add = true}
    %dma_start3A_1341 = arith.constant 29 : i32
    %dma_start3A_1342 = arith.constant 0 : i32
    %dma_start3A_1343 = tpu.memref_slice %arg4[%dma_start3A_1341, %dma_start3A_1342] : memref<49x128xi32, #tpu.memory_space<vmem>> -> memref<1x128xi32, #tpu.memory_space<vmem>>
    %dma_start3A_1344 = tpu.memref_squeeze %dma_start3A_1343 : memref<1x128xi32, #tpu.memory_space<vmem>> -> memref<128xi32, #tpu.memory_space<vmem>>
    %dma_start3A_1345 = arith.constant 0 : i32
    %dma_start3A_1346 = tpu.memref_slice %arg7[%dma_start3A_1345] : memref<1048576xf32, #tpu.memory_space<vmem_shared>> -> memref<1048576xf32, #tpu.memory_space<vmem_shared>>
    tpu.enqueue_indirect_dma source(%arg5 : memref<128xf32, #tpu.memory_space<vmem>>) target(%dma_start3A_1346 : memref<1048576xf32, #tpu.memory_space<vmem_shared>>) offsets(%dma_start3A_1344 : memref<128xi32, #tpu.memory_space<vmem>>) semaphore(%arg10 : memref<!tpu.dma_semaphore, #tpu.memory_space<semaphore_mem>>) {add = true}
    %dma_start3A_1347 = arith.constant 30 : i32
    %dma_start3A_1348 = arith.constant 0 : i32
    %dma_start3A_1349 = tpu.memref_slice %arg4[%dma_start3A_1347, %dma_start3A_1348] : memref<49x128xi32, #tpu.memory_space<vmem>> -> memref<1x128xi32, #tpu.memory_space<vmem>>
    %dma_start3A_1350 = tpu.memref_squeeze %dma_start3A_1349 : memref<1x128xi32, #tpu.memory_space<vmem>> -> memref<128xi32, #tpu.memory_space<vmem>>
    %dma_start3A_1351 = arith.constant 0 : i32
    %dma_start3A_1352 = tpu.memref_slice %arg7[%dma_start3A_1351] : memref<1048576xf32, #tpu.memory_space<vmem_shared>> -> memref<1048576xf32, #tpu.memory_space<vmem_shared>>
    tpu.enqueue_indirect_dma source(%arg5 : memref<128xf32, #tpu.memory_space<vmem>>) target(%dma_start3A_1352 : memref<1048576xf32, #tpu.memory_space<vmem_shared>>) offsets(%dma_start3A_1350 : memref<128xi32, #tpu.memory_space<vmem>>) semaphore(%arg10 : memref<!tpu.dma_semaphore, #tpu.memory_space<semaphore_mem>>) {add = true}
    %dma_start3A_1353 = arith.constant 31 : i32
    %dma_start3A_1354 = arith.constant 0 : i32
    %dma_start3A_1355 = tpu.memref_slice %arg4[%dma_start3A_1353, %dma_start3A_1354] : memref<49x128xi32, #tpu.memory_space<vmem>> -> memref<1x128xi32, #tpu.memory_space<vmem>>
    %dma_start3A_1356 = tpu.memref_squeeze %dma_start3A_1355 : memref<1x128xi32, #tpu.memory_space<vmem>> -> memref<128xi32, #tpu.memory_space<vmem>>
    %dma_start3A_1357 = arith.constant 0 : i32
    %dma_start3A_1358 = tpu.memref_slice %arg7[%dma_start3A_1357] : memref<1048576xf32, #tpu.memory_space<vmem_shared>> -> memref<1048576xf32, #tpu.memory_space<vmem_shared>>
    tpu.enqueue_indirect_dma source(%arg5 : memref<128xf32, #tpu.memory_space<vmem>>) target(%dma_start3A_1358 : memref<1048576xf32, #tpu.memory_space<vmem_shared>>) offsets(%dma_start3A_1356 : memref<128xi32, #tpu.memory_space<vmem>>) semaphore(%arg10 : memref<!tpu.dma_semaphore, #tpu.memory_space<semaphore_mem>>) {add = true}
    %dma_start3A_1359 = arith.constant 32 : i32
    %dma_start3A_1360 = arith.constant 0 : i32
    %dma_start3A_1361 = tpu.memref_slice %arg4[%dma_start3A_1359, %dma_start3A_1360] : memref<49x128xi32, #tpu.memory_space<vmem>> -> memref<1x128xi32, #tpu.memory_space<vmem>>
    %dma_start3A_1362 = tpu.memref_squeeze %dma_start3A_1361 : memref<1x128xi32, #tpu.memory_space<vmem>> -> memref<128xi32, #tpu.memory_space<vmem>>
    %dma_start3A_1363 = arith.constant 0 : i32
    %dma_start3A_1364 = tpu.memref_slice %arg7[%dma_start3A_1363] : memref<1048576xf32, #tpu.memory_space<vmem_shared>> -> memref<1048576xf32, #tpu.memory_space<vmem_shared>>
    tpu.enqueue_indirect_dma source(%arg5 : memref<128xf32, #tpu.memory_space<vmem>>) target(%dma_start3A_1364 : memref<1048576xf32, #tpu.memory_space<vmem_shared>>) offsets(%dma_start3A_1362 : memref<128xi32, #tpu.memory_space<vmem>>) semaphore(%arg10 : memref<!tpu.dma_semaphore, #tpu.memory_space<semaphore_mem>>) {add = true}
    %dma_start3A_1365 = arith.constant 33 : i32
    %dma_start3A_1366 = arith.constant 0 : i32
    %dma_start3A_1367 = tpu.memref_slice %arg4[%dma_start3A_1365, %dma_start3A_1366] : memref<49x128xi32, #tpu.memory_space<vmem>> -> memref<1x128xi32, #tpu.memory_space<vmem>>
    %dma_start3A_1368 = tpu.memref_squeeze %dma_start3A_1367 : memref<1x128xi32, #tpu.memory_space<vmem>> -> memref<128xi32, #tpu.memory_space<vmem>>
    %dma_start3A_1369 = arith.constant 0 : i32
    %dma_start3A_1370 = tpu.memref_slice %arg7[%dma_start3A_1369] : memref<1048576xf32, #tpu.memory_space<vmem_shared>> -> memref<1048576xf32, #tpu.memory_space<vmem_shared>>
    tpu.enqueue_indirect_dma source(%arg5 : memref<128xf32, #tpu.memory_space<vmem>>) target(%dma_start3A_1370 : memref<1048576xf32, #tpu.memory_space<vmem_shared>>) offsets(%dma_start3A_1368 : memref<128xi32, #tpu.memory_space<vmem>>) semaphore(%arg10 : memref<!tpu.dma_semaphore, #tpu.memory_space<semaphore_mem>>) {add = true}
    %dma_start3A_1371 = arith.constant 34 : i32
    %dma_start3A_1372 = arith.constant 0 : i32
    %dma_start3A_1373 = tpu.memref_slice %arg4[%dma_start3A_1371, %dma_start3A_1372] : memref<49x128xi32, #tpu.memory_space<vmem>> -> memref<1x128xi32, #tpu.memory_space<vmem>>
    %dma_start3A_1374 = tpu.memref_squeeze %dma_start3A_1373 : memref<1x128xi32, #tpu.memory_space<vmem>> -> memref<128xi32, #tpu.memory_space<vmem>>
    %dma_start3A_1375 = arith.constant 0 : i32
    %dma_start3A_1376 = tpu.memref_slice %arg7[%dma_start3A_1375] : memref<1048576xf32, #tpu.memory_space<vmem_shared>> -> memref<1048576xf32, #tpu.memory_space<vmem_shared>>
    tpu.enqueue_indirect_dma source(%arg5 : memref<128xf32, #tpu.memory_space<vmem>>) target(%dma_start3A_1376 : memref<1048576xf32, #tpu.memory_space<vmem_shared>>) offsets(%dma_start3A_1374 : memref<128xi32, #tpu.memory_space<vmem>>) semaphore(%arg10 : memref<!tpu.dma_semaphore, #tpu.memory_space<semaphore_mem>>) {add = true}
    %dma_start3A_1377 = arith.constant 35 : i32
    %dma_start3A_1378 = arith.constant 0 : i32
    %dma_start3A_1379 = tpu.memref_slice %arg4[%dma_start3A_1377, %dma_start3A_1378] : memref<49x128xi32, #tpu.memory_space<vmem>> -> memref<1x128xi32, #tpu.memory_space<vmem>>
    %dma_start3A_1380 = tpu.memref_squeeze %dma_start3A_1379 : memref<1x128xi32, #tpu.memory_space<vmem>> -> memref<128xi32, #tpu.memory_space<vmem>>
    %dma_start3A_1381 = arith.constant 0 : i32
    %dma_start3A_1382 = tpu.memref_slice %arg7[%dma_start3A_1381] : memref<1048576xf32, #tpu.memory_space<vmem_shared>> -> memref<1048576xf32, #tpu.memory_space<vmem_shared>>
    tpu.enqueue_indirect_dma source(%arg5 : memref<128xf32, #tpu.memory_space<vmem>>) target(%dma_start3A_1382 : memref<1048576xf32, #tpu.memory_space<vmem_shared>>) offsets(%dma_start3A_1380 : memref<128xi32, #tpu.memory_space<vmem>>) semaphore(%arg10 : memref<!tpu.dma_semaphore, #tpu.memory_space<semaphore_mem>>) {add = true}
    %dma_start3A_1383 = arith.constant 36 : i32
    %dma_start3A_1384 = arith.constant 0 : i32
    %dma_start3A_1385 = tpu.memref_slice %arg4[%dma_start3A_1383, %dma_start3A_1384] : memref<49x128xi32, #tpu.memory_space<vmem>> -> memref<1x128xi32, #tpu.memory_space<vmem>>
    %dma_start3A_1386 = tpu.memref_squeeze %dma_start3A_1385 : memref<1x128xi32, #tpu.memory_space<vmem>> -> memref<128xi32, #tpu.memory_space<vmem>>
    %dma_start3A_1387 = arith.constant 0 : i32
    %dma_start3A_1388 = tpu.memref_slice %arg7[%dma_start3A_1387] : memref<1048576xf32, #tpu.memory_space<vmem_shared>> -> memref<1048576xf32, #tpu.memory_space<vmem_shared>>
    tpu.enqueue_indirect_dma source(%arg5 : memref<128xf32, #tpu.memory_space<vmem>>) target(%dma_start3A_1388 : memref<1048576xf32, #tpu.memory_space<vmem_shared>>) offsets(%dma_start3A_1386 : memref<128xi32, #tpu.memory_space<vmem>>) semaphore(%arg10 : memref<!tpu.dma_semaphore, #tpu.memory_space<semaphore_mem>>) {add = true}
    %dma_start3A_1389 = arith.constant 37 : i32
    %dma_start3A_1390 = arith.constant 0 : i32
    %dma_start3A_1391 = tpu.memref_slice %arg4[%dma_start3A_1389, %dma_start3A_1390] : memref<49x128xi32, #tpu.memory_space<vmem>> -> memref<1x128xi32, #tpu.memory_space<vmem>>
    %dma_start3A_1392 = tpu.memref_squeeze %dma_start3A_1391 : memref<1x128xi32, #tpu.memory_space<vmem>> -> memref<128xi32, #tpu.memory_space<vmem>>
    %dma_start3A_1393 = arith.constant 0 : i32
    %dma_start3A_1394 = tpu.memref_slice %arg7[%dma_start3A_1393] : memref<1048576xf32, #tpu.memory_space<vmem_shared>> -> memref<1048576xf32, #tpu.memory_space<vmem_shared>>
    tpu.enqueue_indirect_dma source(%arg5 : memref<128xf32, #tpu.memory_space<vmem>>) target(%dma_start3A_1394 : memref<1048576xf32, #tpu.memory_space<vmem_shared>>) offsets(%dma_start3A_1392 : memref<128xi32, #tpu.memory_space<vmem>>) semaphore(%arg10 : memref<!tpu.dma_semaphore, #tpu.memory_space<semaphore_mem>>) {add = true}
    %dma_start3A_1395 = arith.constant 38 : i32
    %dma_start3A_1396 = arith.constant 0 : i32
    %dma_start3A_1397 = tpu.memref_slice %arg4[%dma_start3A_1395, %dma_start3A_1396] : memref<49x128xi32, #tpu.memory_space<vmem>> -> memref<1x128xi32, #tpu.memory_space<vmem>>
    %dma_start3A_1398 = tpu.memref_squeeze %dma_start3A_1397 : memref<1x128xi32, #tpu.memory_space<vmem>> -> memref<128xi32, #tpu.memory_space<vmem>>
    %dma_start3A_1399 = arith.constant 0 : i32
    %dma_start3A_1400 = tpu.memref_slice %arg7[%dma_start3A_1399] : memref<1048576xf32, #tpu.memory_space<vmem_shared>> -> memref<1048576xf32, #tpu.memory_space<vmem_shared>>
    tpu.enqueue_indirect_dma source(%arg5 : memref<128xf32, #tpu.memory_space<vmem>>) target(%dma_start3A_1400 : memref<1048576xf32, #tpu.memory_space<vmem_shared>>) offsets(%dma_start3A_1398 : memref<128xi32, #tpu.memory_space<vmem>>) semaphore(%arg10 : memref<!tpu.dma_semaphore, #tpu.memory_space<semaphore_mem>>) {add = true}
    %dma_start3A_1401 = arith.constant 39 : i32
    %dma_start3A_1402 = arith.constant 0 : i32
    %dma_start3A_1403 = tpu.memref_slice %arg4[%dma_start3A_1401, %dma_start3A_1402] : memref<49x128xi32, #tpu.memory_space<vmem>> -> memref<1x128xi32, #tpu.memory_space<vmem>>
    %dma_start3A_1404 = tpu.memref_squeeze %dma_start3A_1403 : memref<1x128xi32, #tpu.memory_space<vmem>> -> memref<128xi32, #tpu.memory_space<vmem>>
    %dma_start3A_1405 = arith.constant 0 : i32
    %dma_start3A_1406 = tpu.memref_slice %arg7[%dma_start3A_1405] : memref<1048576xf32, #tpu.memory_space<vmem_shared>> -> memref<1048576xf32, #tpu.memory_space<vmem_shared>>
    tpu.enqueue_indirect_dma source(%arg5 : memref<128xf32, #tpu.memory_space<vmem>>) target(%dma_start3A_1406 : memref<1048576xf32, #tpu.memory_space<vmem_shared>>) offsets(%dma_start3A_1404 : memref<128xi32, #tpu.memory_space<vmem>>) semaphore(%arg10 : memref<!tpu.dma_semaphore, #tpu.memory_space<semaphore_mem>>) {add = true}
    %dma_start3A_1407 = arith.constant 40 : i32
    %dma_start3A_1408 = arith.constant 0 : i32
    %dma_start3A_1409 = tpu.memref_slice %arg4[%dma_start3A_1407, %dma_start3A_1408] : memref<49x128xi32, #tpu.memory_space<vmem>> -> memref<1x128xi32, #tpu.memory_space<vmem>>
    %dma_start3A_1410 = tpu.memref_squeeze %dma_start3A_1409 : memref<1x128xi32, #tpu.memory_space<vmem>> -> memref<128xi32, #tpu.memory_space<vmem>>
    %dma_start3A_1411 = arith.constant 0 : i32
    %dma_start3A_1412 = tpu.memref_slice %arg7[%dma_start3A_1411] : memref<1048576xf32, #tpu.memory_space<vmem_shared>> -> memref<1048576xf32, #tpu.memory_space<vmem_shared>>
    tpu.enqueue_indirect_dma source(%arg5 : memref<128xf32, #tpu.memory_space<vmem>>) target(%dma_start3A_1412 : memref<1048576xf32, #tpu.memory_space<vmem_shared>>) offsets(%dma_start3A_1410 : memref<128xi32, #tpu.memory_space<vmem>>) semaphore(%arg10 : memref<!tpu.dma_semaphore, #tpu.memory_space<semaphore_mem>>) {add = true}
    %dma_start3A_1413 = arith.constant 41 : i32
    %dma_start3A_1414 = arith.constant 0 : i32
    %dma_start3A_1415 = tpu.memref_slice %arg4[%dma_start3A_1413, %dma_start3A_1414] : memref<49x128xi32, #tpu.memory_space<vmem>> -> memref<1x128xi32, #tpu.memory_space<vmem>>
    %dma_start3A_1416 = tpu.memref_squeeze %dma_start3A_1415 : memref<1x128xi32, #tpu.memory_space<vmem>> -> memref<128xi32, #tpu.memory_space<vmem>>
    %dma_start3A_1417 = arith.constant 0 : i32
    %dma_start3A_1418 = tpu.memref_slice %arg7[%dma_start3A_1417] : memref<1048576xf32, #tpu.memory_space<vmem_shared>> -> memref<1048576xf32, #tpu.memory_space<vmem_shared>>
    tpu.enqueue_indirect_dma source(%arg5 : memref<128xf32, #tpu.memory_space<vmem>>) target(%dma_start3A_1418 : memref<1048576xf32, #tpu.memory_space<vmem_shared>>) offsets(%dma_start3A_1416 : memref<128xi32, #tpu.memory_space<vmem>>) semaphore(%arg10 : memref<!tpu.dma_semaphore, #tpu.memory_space<semaphore_mem>>) {add = true}
    %dma_start3A_1419 = arith.constant 42 : i32
    %dma_start3A_1420 = arith.constant 0 : i32
    %dma_start3A_1421 = tpu.memref_slice %arg4[%dma_start3A_1419, %dma_start3A_1420] : memref<49x128xi32, #tpu.memory_space<vmem>> -> memref<1x128xi32, #tpu.memory_space<vmem>>
    %dma_start3A_1422 = tpu.memref_squeeze %dma_start3A_1421 : memref<1x128xi32, #tpu.memory_space<vmem>> -> memref<128xi32, #tpu.memory_space<vmem>>
    %dma_start3A_1423 = arith.constant 0 : i32
    %dma_start3A_1424 = tpu.memref_slice %arg7[%dma_start3A_1423] : memref<1048576xf32, #tpu.memory_space<vmem_shared>> -> memref<1048576xf32, #tpu.memory_space<vmem_shared>>
    tpu.enqueue_indirect_dma source(%arg5 : memref<128xf32, #tpu.memory_space<vmem>>) target(%dma_start3A_1424 : memref<1048576xf32, #tpu.memory_space<vmem_shared>>) offsets(%dma_start3A_1422 : memref<128xi32, #tpu.memory_space<vmem>>) semaphore(%arg10 : memref<!tpu.dma_semaphore, #tpu.memory_space<semaphore_mem>>) {add = true}
    %dma_start3A_1425 = arith.constant 43 : i32
    %dma_start3A_1426 = arith.constant 0 : i32
    %dma_start3A_1427 = tpu.memref_slice %arg4[%dma_start3A_1425, %dma_start3A_1426] : memref<49x128xi32, #tpu.memory_space<vmem>> -> memref<1x128xi32, #tpu.memory_space<vmem>>
    %dma_start3A_1428 = tpu.memref_squeeze %dma_start3A_1427 : memref<1x128xi32, #tpu.memory_space<vmem>> -> memref<128xi32, #tpu.memory_space<vmem>>
    %dma_start3A_1429 = arith.constant 0 : i32
    %dma_start3A_1430 = tpu.memref_slice %arg7[%dma_start3A_1429] : memref<1048576xf32, #tpu.memory_space<vmem_shared>> -> memref<1048576xf32, #tpu.memory_space<vmem_shared>>
    tpu.enqueue_indirect_dma source(%arg5 : memref<128xf32, #tpu.memory_space<vmem>>) target(%dma_start3A_1430 : memref<1048576xf32, #tpu.memory_space<vmem_shared>>) offsets(%dma_start3A_1428 : memref<128xi32, #tpu.memory_space<vmem>>) semaphore(%arg10 : memref<!tpu.dma_semaphore, #tpu.memory_space<semaphore_mem>>) {add = true}
    %dma_start3A_1431 = arith.constant 44 : i32
    %dma_start3A_1432 = arith.constant 0 : i32
    %dma_start3A_1433 = tpu.memref_slice %arg4[%dma_start3A_1431, %dma_start3A_1432] : memref<49x128xi32, #tpu.memory_space<vmem>> -> memref<1x128xi32, #tpu.memory_space<vmem>>
    %dma_start3A_1434 = tpu.memref_squeeze %dma_start3A_1433 : memref<1x128xi32, #tpu.memory_space<vmem>> -> memref<128xi32, #tpu.memory_space<vmem>>
    %dma_start3A_1435 = arith.constant 0 : i32
    %dma_start3A_1436 = tpu.memref_slice %arg7[%dma_start3A_1435] : memref<1048576xf32, #tpu.memory_space<vmem_shared>> -> memref<1048576xf32, #tpu.memory_space<vmem_shared>>
    tpu.enqueue_indirect_dma source(%arg5 : memref<128xf32, #tpu.memory_space<vmem>>) target(%dma_start3A_1436 : memref<1048576xf32, #tpu.memory_space<vmem_shared>>) offsets(%dma_start3A_1434 : memref<128xi32, #tpu.memory_space<vmem>>) semaphore(%arg10 : memref<!tpu.dma_semaphore, #tpu.memory_space<semaphore_mem>>) {add = true}
    %dma_start3A_1437 = arith.constant 45 : i32
    %dma_start3A_1438 = arith.constant 0 : i32
    %dma_start3A_1439 = tpu.memref_slice %arg4[%dma_start3A_1437, %dma_start3A_1438] : memref<49x128xi32, #tpu.memory_space<vmem>> -> memref<1x128xi32, #tpu.memory_space<vmem>>
    %dma_start3A_1440 = tpu.memref_squeeze %dma_start3A_1439 : memref<1x128xi32, #tpu.memory_space<vmem>> -> memref<128xi32, #tpu.memory_space<vmem>>
    %dma_start3A_1441 = arith.constant 0 : i32
    %dma_start3A_1442 = tpu.memref_slice %arg7[%dma_start3A_1441] : memref<1048576xf32, #tpu.memory_space<vmem_shared>> -> memref<1048576xf32, #tpu.memory_space<vmem_shared>>
    tpu.enqueue_indirect_dma source(%arg5 : memref<128xf32, #tpu.memory_space<vmem>>) target(%dma_start3A_1442 : memref<1048576xf32, #tpu.memory_space<vmem_shared>>) offsets(%dma_start3A_1440 : memref<128xi32, #tpu.memory_space<vmem>>) semaphore(%arg10 : memref<!tpu.dma_semaphore, #tpu.memory_space<semaphore_mem>>) {add = true}
    %dma_start3A_1443 = arith.constant 46 : i32
    %dma_start3A_1444 = arith.constant 0 : i32
    %dma_start3A_1445 = tpu.memref_slice %arg4[%dma_start3A_1443, %dma_start3A_1444] : memref<49x128xi32, #tpu.memory_space<vmem>> -> memref<1x128xi32, #tpu.memory_space<vmem>>
    %dma_start3A_1446 = tpu.memref_squeeze %dma_start3A_1445 : memref<1x128xi32, #tpu.memory_space<vmem>> -> memref<128xi32, #tpu.memory_space<vmem>>
    %dma_start3A_1447 = arith.constant 0 : i32
    %dma_start3A_1448 = tpu.memref_slice %arg7[%dma_start3A_1447] : memref<1048576xf32, #tpu.memory_space<vmem_shared>> -> memref<1048576xf32, #tpu.memory_space<vmem_shared>>
    tpu.enqueue_indirect_dma source(%arg5 : memref<128xf32, #tpu.memory_space<vmem>>) target(%dma_start3A_1448 : memref<1048576xf32, #tpu.memory_space<vmem_shared>>) offsets(%dma_start3A_1446 : memref<128xi32, #tpu.memory_space<vmem>>) semaphore(%arg10 : memref<!tpu.dma_semaphore, #tpu.memory_space<semaphore_mem>>) {add = true}
    %dma_start3A_1449 = arith.constant 47 : i32
    %dma_start3A_1450 = arith.constant 0 : i32
    %dma_start3A_1451 = tpu.memref_slice %arg4[%dma_start3A_1449, %dma_start3A_1450] : memref<49x128xi32, #tpu.memory_space<vmem>> -> memref<1x128xi32, #tpu.memory_space<vmem>>
    %dma_start3A_1452 = tpu.memref_squeeze %dma_start3A_1451 : memref<1x128xi32, #tpu.memory_space<vmem>> -> memref<128xi32, #tpu.memory_space<vmem>>
    %dma_start3A_1453 = arith.constant 0 : i32
    %dma_start3A_1454 = tpu.memref_slice %arg7[%dma_start3A_1453] : memref<1048576xf32, #tpu.memory_space<vmem_shared>> -> memref<1048576xf32, #tpu.memory_space<vmem_shared>>
    tpu.enqueue_indirect_dma source(%arg5 : memref<128xf32, #tpu.memory_space<vmem>>) target(%dma_start3A_1454 : memref<1048576xf32, #tpu.memory_space<vmem_shared>>) offsets(%dma_start3A_1452 : memref<128xi32, #tpu.memory_space<vmem>>) semaphore(%arg10 : memref<!tpu.dma_semaphore, #tpu.memory_space<semaphore_mem>>) {add = true}
    %dma_start3A_1455 = arith.constant 48 : i32
    %dma_start3A_1456 = arith.constant 0 : i32
    %dma_start3A_1457 = tpu.memref_slice %arg4[%dma_start3A_1455, %dma_start3A_1456] : memref<49x128xi32, #tpu.memory_space<vmem>> -> memref<1x128xi32, #tpu.memory_space<vmem>>
    %dma_start3A_1458 = tpu.memref_squeeze %dma_start3A_1457 : memref<1x128xi32, #tpu.memory_space<vmem>> -> memref<128xi32, #tpu.memory_space<vmem>>
    %dma_start3A_1459 = arith.constant 0 : i32
    %dma_start3A_1460 = tpu.memref_slice %arg7[%dma_start3A_1459] : memref<1048576xf32, #tpu.memory_space<vmem_shared>> -> memref<1048576xf32, #tpu.memory_space<vmem_shared>>
    tpu.enqueue_indirect_dma source(%arg5 : memref<128xf32, #tpu.memory_space<vmem>>) target(%dma_start3A_1460 : memref<1048576xf32, #tpu.memory_space<vmem_shared>>) offsets(%dma_start3A_1458 : memref<128xi32, #tpu.memory_space<vmem>>) semaphore(%arg10 : memref<!tpu.dma_semaphore, #tpu.memory_space<semaphore_mem>>) {add = true}
    %dma_wait3A_1461 = arith.constant 0 : i32
    %dma_wait3A_1462 = arith.constant 0 : i32
    %dma_wait3A_1463 = tpu.memref_slice %arg4[%dma_wait3A_1461, %dma_wait3A_1462] : memref<49x128xi32, #tpu.memory_space<vmem>> -> memref<1x128xi32, #tpu.memory_space<vmem>>
    %dma_wait3A_1464 = tpu.memref_squeeze %dma_wait3A_1463 : memref<1x128xi32, #tpu.memory_space<vmem>> -> memref<128xi32, #tpu.memory_space<vmem>>
    %dma_wait3A_1465 = arith.constant 0 : i32
    %dma_wait3A_1466 = tpu.memref_slice %arg7[%dma_wait3A_1465] : memref<1048576xf32, #tpu.memory_space<vmem_shared>> -> memref<1048576xf32, #tpu.memory_space<vmem_shared>>
    tpu.wait_indirect_dma semaphore(%arg10 : memref<!tpu.dma_semaphore, #tpu.memory_space<semaphore_mem>>) src(%arg5 : memref<128xf32, #tpu.memory_space<vmem>>) dst(%dma_wait3A_1466 : memref<1048576xf32, #tpu.memory_space<vmem_shared>>)
    %dma_wait3A_1467 = arith.constant 0 : i32
    %dma_wait3A_1468 = arith.constant 0 : i32
    %dma_wait3A_1469 = tpu.memref_slice %arg4[%dma_wait3A_1467, %dma_wait3A_1468] : memref<49x128xi32, #tpu.memory_space<vmem>> -> memref<1x128xi32, #tpu.memory_space<vmem>>
    %dma_wait3A_1470 = tpu.memref_squeeze %dma_wait3A_1469 : memref<1x128xi32, #tpu.memory_space<vmem>> -> memref<128xi32, #tpu.memory_space<vmem>>
    %dma_wait3A_1471 = arith.constant 0 : i32
    %dma_wait3A_1472 = tpu.memref_slice %arg7[%dma_wait3A_1471] : memref<1048576xf32, #tpu.memory_space<vmem_shared>> -> memref<1048576xf32, #tpu.memory_space<vmem_shared>>
    tpu.wait_indirect_dma semaphore(%arg10 : memref<!tpu.dma_semaphore, #tpu.memory_space<semaphore_mem>>) src(%arg5 : memref<128xf32, #tpu.memory_space<vmem>>) dst(%dma_wait3A_1472 : memref<1048576xf32, #tpu.memory_space<vmem_shared>>)
    %dma_wait3A_1473 = arith.constant 0 : i32
    %dma_wait3A_1474 = arith.constant 0 : i32
    %dma_wait3A_1475 = tpu.memref_slice %arg4[%dma_wait3A_1473, %dma_wait3A_1474] : memref<49x128xi32, #tpu.memory_space<vmem>> -> memref<1x128xi32, #tpu.memory_space<vmem>>
    %dma_wait3A_1476 = tpu.memref_squeeze %dma_wait3A_1475 : memref<1x128xi32, #tpu.memory_space<vmem>> -> memref<128xi32, #tpu.memory_space<vmem>>
    %dma_wait3A_1477 = arith.constant 0 : i32
    %dma_wait3A_1478 = tpu.memref_slice %arg7[%dma_wait3A_1477] : memref<1048576xf32, #tpu.memory_space<vmem_shared>> -> memref<1048576xf32, #tpu.memory_space<vmem_shared>>
    tpu.wait_indirect_dma semaphore(%arg10 : memref<!tpu.dma_semaphore, #tpu.memory_space<semaphore_mem>>) src(%arg5 : memref<128xf32, #tpu.memory_space<vmem>>) dst(%dma_wait3A_1478 : memref<1048576xf32, #tpu.memory_space<vmem_shared>>)
    %dma_wait3A_1479 = arith.constant 0 : i32
    %dma_wait3A_1480 = arith.constant 0 : i32
    %dma_wait3A_1481 = tpu.memref_slice %arg4[%dma_wait3A_1479, %dma_wait3A_1480] : memref<49x128xi32, #tpu.memory_space<vmem>> -> memref<1x128xi32, #tpu.memory_space<vmem>>
    %dma_wait3A_1482 = tpu.memref_squeeze %dma_wait3A_1481 : memref<1x128xi32, #tpu.memory_space<vmem>> -> memref<128xi32, #tpu.memory_space<vmem>>
    %dma_wait3A_1483 = arith.constant 0 : i32
    %dma_wait3A_1484 = tpu.memref_slice %arg7[%dma_wait3A_1483] : memref<1048576xf32, #tpu.memory_space<vmem_shared>> -> memref<1048576xf32, #tpu.memory_space<vmem_shared>>
    tpu.wait_indirect_dma semaphore(%arg10 : memref<!tpu.dma_semaphore, #tpu.memory_space<semaphore_mem>>) src(%arg5 : memref<128xf32, #tpu.memory_space<vmem>>) dst(%dma_wait3A_1484 : memref<1048576xf32, #tpu.memory_space<vmem_shared>>)
    %dma_wait3A_1485 = arith.constant 0 : i32
    %dma_wait3A_1486 = arith.constant 0 : i32
    %dma_wait3A_1487 = tpu.memref_slice %arg4[%dma_wait3A_1485, %dma_wait3A_1486] : memref<49x128xi32, #tpu.memory_space<vmem>> -> memref<1x128xi32, #tpu.memory_space<vmem>>
    %dma_wait3A_1488 = tpu.memref_squeeze %dma_wait3A_1487 : memref<1x128xi32, #tpu.memory_space<vmem>> -> memref<128xi32, #tpu.memory_space<vmem>>
    %dma_wait3A_1489 = arith.constant 0 : i32
    %dma_wait3A_1490 = tpu.memref_slice %arg7[%dma_wait3A_1489] : memref<1048576xf32, #tpu.memory_space<vmem_shared>> -> memref<1048576xf32, #tpu.memory_space<vmem_shared>>
    tpu.wait_indirect_dma semaphore(%arg10 : memref<!tpu.dma_semaphore, #tpu.memory_space<semaphore_mem>>) src(%arg5 : memref<128xf32, #tpu.memory_space<vmem>>) dst(%dma_wait3A_1490 : memref<1048576xf32, #tpu.memory_space<vmem_shared>>)
    %dma_wait3A_1491 = arith.constant 0 : i32
    %dma_wait3A_1492 = arith.constant 0 : i32
    %dma_wait3A_1493 = tpu.memref_slice %arg4[%dma_wait3A_1491, %dma_wait3A_1492] : memref<49x128xi32, #tpu.memory_space<vmem>> -> memref<1x128xi32, #tpu.memory_space<vmem>>
    %dma_wait3A_1494 = tpu.memref_squeeze %dma_wait3A_1493 : memref<1x128xi32, #tpu.memory_space<vmem>> -> memref<128xi32, #tpu.memory_space<vmem>>
    %dma_wait3A_1495 = arith.constant 0 : i32
    %dma_wait3A_1496 = tpu.memref_slice %arg7[%dma_wait3A_1495] : memref<1048576xf32, #tpu.memory_space<vmem_shared>> -> memref<1048576xf32, #tpu.memory_space<vmem_shared>>
    tpu.wait_indirect_dma semaphore(%arg10 : memref<!tpu.dma_semaphore, #tpu.memory_space<semaphore_mem>>) src(%arg5 : memref<128xf32, #tpu.memory_space<vmem>>) dst(%dma_wait3A_1496 : memref<1048576xf32, #tpu.memory_space<vmem_shared>>)
    %dma_wait3A_1497 = arith.constant 0 : i32
    %dma_wait3A_1498 = arith.constant 0 : i32
    %dma_wait3A_1499 = tpu.memref_slice %arg4[%dma_wait3A_1497, %dma_wait3A_1498] : memref<49x128xi32, #tpu.memory_space<vmem>> -> memref<1x128xi32, #tpu.memory_space<vmem>>
    %dma_wait3A_1500 = tpu.memref_squeeze %dma_wait3A_1499 : memref<1x128xi32, #tpu.memory_space<vmem>> -> memref<128xi32, #tpu.memory_space<vmem>>
    %dma_wait3A_1501 = arith.constant 0 : i32
    %dma_wait3A_1502 = tpu.memref_slice %arg7[%dma_wait3A_1501] : memref<1048576xf32, #tpu.memory_space<vmem_shared>> -> memref<1048576xf32, #tpu.memory_space<vmem_shared>>
    tpu.wait_indirect_dma semaphore(%arg10 : memref<!tpu.dma_semaphore, #tpu.memory_space<semaphore_mem>>) src(%arg5 : memref<128xf32, #tpu.memory_space<vmem>>) dst(%dma_wait3A_1502 : memref<1048576xf32, #tpu.memory_space<vmem_shared>>)
    %dma_wait3A_1503 = arith.constant 0 : i32
    %dma_wait3A_1504 = arith.constant 0 : i32
    %dma_wait3A_1505 = tpu.memref_slice %arg4[%dma_wait3A_1503, %dma_wait3A_1504] : memref<49x128xi32, #tpu.memory_space<vmem>> -> memref<1x128xi32, #tpu.memory_space<vmem>>
    %dma_wait3A_1506 = tpu.memref_squeeze %dma_wait3A_1505 : memref<1x128xi32, #tpu.memory_space<vmem>> -> memref<128xi32, #tpu.memory_space<vmem>>
    %dma_wait3A_1507 = arith.constant 0 : i32
    %dma_wait3A_1508 = tpu.memref_slice %arg7[%dma_wait3A_1507] : memref<1048576xf32, #tpu.memory_space<vmem_shared>> -> memref<1048576xf32, #tpu.memory_space<vmem_shared>>
    tpu.wait_indirect_dma semaphore(%arg10 : memref<!tpu.dma_semaphore, #tpu.memory_space<semaphore_mem>>) src(%arg5 : memref<128xf32, #tpu.memory_space<vmem>>) dst(%dma_wait3A_1508 : memref<1048576xf32, #tpu.memory_space<vmem_shared>>)
    %dma_wait3A_1509 = arith.constant 0 : i32
    %dma_wait3A_1510 = arith.constant 0 : i32
    %dma_wait3A_1511 = tpu.memref_slice %arg4[%dma_wait3A_1509, %dma_wait3A_1510] : memref<49x128xi32, #tpu.memory_space<vmem>> -> memref<1x128xi32, #tpu.memory_space<vmem>>
    %dma_wait3A_1512 = tpu.memref_squeeze %dma_wait3A_1511 : memref<1x128xi32, #tpu.memory_space<vmem>> -> memref<128xi32, #tpu.memory_space<vmem>>
    %dma_wait3A_1513 = arith.constant 0 : i32
    %dma_wait3A_1514 = tpu.memref_slice %arg7[%dma_wait3A_1513] : memref<1048576xf32, #tpu.memory_space<vmem_shared>> -> memref<1048576xf32, #tpu.memory_space<vmem_shared>>
    tpu.wait_indirect_dma semaphore(%arg10 : memref<!tpu.dma_semaphore, #tpu.memory_space<semaphore_mem>>) src(%arg5 : memref<128xf32, #tpu.memory_space<vmem>>) dst(%dma_wait3A_1514 : memref<1048576xf32, #tpu.memory_space<vmem_shared>>)
    %dma_wait3A_1515 = arith.constant 0 : i32
    %dma_wait3A_1516 = arith.constant 0 : i32
    %dma_wait3A_1517 = tpu.memref_slice %arg4[%dma_wait3A_1515, %dma_wait3A_1516] : memref<49x128xi32, #tpu.memory_space<vmem>> -> memref<1x128xi32, #tpu.memory_space<vmem>>
    %dma_wait3A_1518 = tpu.memref_squeeze %dma_wait3A_1517 : memref<1x128xi32, #tpu.memory_space<vmem>> -> memref<128xi32, #tpu.memory_space<vmem>>
    %dma_wait3A_1519 = arith.constant 0 : i32
    %dma_wait3A_1520 = tpu.memref_slice %arg7[%dma_wait3A_1519] : memref<1048576xf32, #tpu.memory_space<vmem_shared>> -> memref<1048576xf32, #tpu.memory_space<vmem_shared>>
    tpu.wait_indirect_dma semaphore(%arg10 : memref<!tpu.dma_semaphore, #tpu.memory_space<semaphore_mem>>) src(%arg5 : memref<128xf32, #tpu.memory_space<vmem>>) dst(%dma_wait3A_1520 : memref<1048576xf32, #tpu.memory_space<vmem_shared>>)
    %dma_wait3A_1521 = arith.constant 0 : i32
    %dma_wait3A_1522 = arith.constant 0 : i32
    %dma_wait3A_1523 = tpu.memref_slice %arg4[%dma_wait3A_1521, %dma_wait3A_1522] : memref<49x128xi32, #tpu.memory_space<vmem>> -> memref<1x128xi32, #tpu.memory_space<vmem>>
    %dma_wait3A_1524 = tpu.memref_squeeze %dma_wait3A_1523 : memref<1x128xi32, #tpu.memory_space<vmem>> -> memref<128xi32, #tpu.memory_space<vmem>>
    %dma_wait3A_1525 = arith.constant 0 : i32
    %dma_wait3A_1526 = tpu.memref_slice %arg7[%dma_wait3A_1525] : memref<1048576xf32, #tpu.memory_space<vmem_shared>> -> memref<1048576xf32, #tpu.memory_space<vmem_shared>>
    tpu.wait_indirect_dma semaphore(%arg10 : memref<!tpu.dma_semaphore, #tpu.memory_space<semaphore_mem>>) src(%arg5 : memref<128xf32, #tpu.memory_space<vmem>>) dst(%dma_wait3A_1526 : memref<1048576xf32, #tpu.memory_space<vmem_shared>>)
    %dma_wait3A_1527 = arith.constant 0 : i32
    %dma_wait3A_1528 = arith.constant 0 : i32
    %dma_wait3A_1529 = tpu.memref_slice %arg4[%dma_wait3A_1527, %dma_wait3A_1528] : memref<49x128xi32, #tpu.memory_space<vmem>> -> memref<1x128xi32, #tpu.memory_space<vmem>>
    %dma_wait3A_1530 = tpu.memref_squeeze %dma_wait3A_1529 : memref<1x128xi32, #tpu.memory_space<vmem>> -> memref<128xi32, #tpu.memory_space<vmem>>
    %dma_wait3A_1531 = arith.constant 0 : i32
    %dma_wait3A_1532 = tpu.memref_slice %arg7[%dma_wait3A_1531] : memref<1048576xf32, #tpu.memory_space<vmem_shared>> -> memref<1048576xf32, #tpu.memory_space<vmem_shared>>
    tpu.wait_indirect_dma semaphore(%arg10 : memref<!tpu.dma_semaphore, #tpu.memory_space<semaphore_mem>>) src(%arg5 : memref<128xf32, #tpu.memory_space<vmem>>) dst(%dma_wait3A_1532 : memref<1048576xf32, #tpu.memory_space<vmem_shared>>)
    %dma_wait3A_1533 = arith.constant 0 : i32
    %dma_wait3A_1534 = arith.constant 0 : i32
    %dma_wait3A_1535 = tpu.memref_slice %arg4[%dma_wait3A_1533, %dma_wait3A_1534] : memref<49x128xi32, #tpu.memory_space<vmem>> -> memref<1x128xi32, #tpu.memory_space<vmem>>
    %dma_wait3A_1536 = tpu.memref_squeeze %dma_wait3A_1535 : memref<1x128xi32, #tpu.memory_space<vmem>> -> memref<128xi32, #tpu.memory_space<vmem>>
    %dma_wait3A_1537 = arith.constant 0 : i32
    %dma_wait3A_1538 = tpu.memref_slice %arg7[%dma_wait3A_1537] : memref<1048576xf32, #tpu.memory_space<vmem_shared>> -> memref<1048576xf32, #tpu.memory_space<vmem_shared>>
    tpu.wait_indirect_dma semaphore(%arg10 : memref<!tpu.dma_semaphore, #tpu.memory_space<semaphore_mem>>) src(%arg5 : memref<128xf32, #tpu.memory_space<vmem>>) dst(%dma_wait3A_1538 : memref<1048576xf32, #tpu.memory_space<vmem_shared>>)
    %dma_wait3A_1539 = arith.constant 0 : i32
    %dma_wait3A_1540 = arith.constant 0 : i32
    %dma_wait3A_1541 = tpu.memref_slice %arg4[%dma_wait3A_1539, %dma_wait3A_1540] : memref<49x128xi32, #tpu.memory_space<vmem>> -> memref<1x128xi32, #tpu.memory_space<vmem>>
    %dma_wait3A_1542 = tpu.memref_squeeze %dma_wait3A_1541 : memref<1x128xi32, #tpu.memory_space<vmem>> -> memref<128xi32, #tpu.memory_space<vmem>>
    %dma_wait3A_1543 = arith.constant 0 : i32
    %dma_wait3A_1544 = tpu.memref_slice %arg7[%dma_wait3A_1543] : memref<1048576xf32, #tpu.memory_space<vmem_shared>> -> memref<1048576xf32, #tpu.memory_space<vmem_shared>>
    tpu.wait_indirect_dma semaphore(%arg10 : memref<!tpu.dma_semaphore, #tpu.memory_space<semaphore_mem>>) src(%arg5 : memref<128xf32, #tpu.memory_space<vmem>>) dst(%dma_wait3A_1544 : memref<1048576xf32, #tpu.memory_space<vmem_shared>>)
    %dma_wait3A_1545 = arith.constant 0 : i32
    %dma_wait3A_1546 = arith.constant 0 : i32
    %dma_wait3A_1547 = tpu.memref_slice %arg4[%dma_wait3A_1545, %dma_wait3A_1546] : memref<49x128xi32, #tpu.memory_space<vmem>> -> memref<1x128xi32, #tpu.memory_space<vmem>>
    %dma_wait3A_1548 = tpu.memref_squeeze %dma_wait3A_1547 : memref<1x128xi32, #tpu.memory_space<vmem>> -> memref<128xi32, #tpu.memory_space<vmem>>
    %dma_wait3A_1549 = arith.constant 0 : i32
    %dma_wait3A_1550 = tpu.memref_slice %arg7[%dma_wait3A_1549] : memref<1048576xf32, #tpu.memory_space<vmem_shared>> -> memref<1048576xf32, #tpu.memory_space<vmem_shared>>
    tpu.wait_indirect_dma semaphore(%arg10 : memref<!tpu.dma_semaphore, #tpu.memory_space<semaphore_mem>>) src(%arg5 : memref<128xf32, #tpu.memory_space<vmem>>) dst(%dma_wait3A_1550 : memref<1048576xf32, #tpu.memory_space<vmem_shared>>)
    %dma_wait3A_1551 = arith.constant 0 : i32
    %dma_wait3A_1552 = arith.constant 0 : i32
    %dma_wait3A_1553 = tpu.memref_slice %arg4[%dma_wait3A_1551, %dma_wait3A_1552] : memref<49x128xi32, #tpu.memory_space<vmem>> -> memref<1x128xi32, #tpu.memory_space<vmem>>
    %dma_wait3A_1554 = tpu.memref_squeeze %dma_wait3A_1553 : memref<1x128xi32, #tpu.memory_space<vmem>> -> memref<128xi32, #tpu.memory_space<vmem>>
    %dma_wait3A_1555 = arith.constant 0 : i32
    %dma_wait3A_1556 = tpu.memref_slice %arg7[%dma_wait3A_1555] : memref<1048576xf32, #tpu.memory_space<vmem_shared>> -> memref<1048576xf32, #tpu.memory_space<vmem_shared>>
    tpu.wait_indirect_dma semaphore(%arg10 : memref<!tpu.dma_semaphore, #tpu.memory_space<semaphore_mem>>) src(%arg5 : memref<128xf32, #tpu.memory_space<vmem>>) dst(%dma_wait3A_1556 : memref<1048576xf32, #tpu.memory_space<vmem_shared>>)
    %dma_wait3A_1557 = arith.constant 0 : i32
    %dma_wait3A_1558 = arith.constant 0 : i32
    %dma_wait3A_1559 = tpu.memref_slice %arg4[%dma_wait3A_1557, %dma_wait3A_1558] : memref<49x128xi32, #tpu.memory_space<vmem>> -> memref<1x128xi32, #tpu.memory_space<vmem>>
    %dma_wait3A_1560 = tpu.memref_squeeze %dma_wait3A_1559 : memref<1x128xi32, #tpu.memory_space<vmem>> -> memref<128xi32, #tpu.memory_space<vmem>>
    %dma_wait3A_1561 = arith.constant 0 : i32
    %dma_wait3A_1562 = tpu.memref_slice %arg7[%dma_wait3A_1561] : memref<1048576xf32, #tpu.memory_space<vmem_shared>> -> memref<1048576xf32, #tpu.memory_space<vmem_shared>>
    tpu.wait_indirect_dma semaphore(%arg10 : memref<!tpu.dma_semaphore, #tpu.memory_space<semaphore_mem>>) src(%arg5 : memref<128xf32, #tpu.memory_space<vmem>>) dst(%dma_wait3A_1562 : memref<1048576xf32, #tpu.memory_space<vmem_shared>>)
    %dma_wait3A_1563 = arith.constant 0 : i32
    %dma_wait3A_1564 = arith.constant 0 : i32
    %dma_wait3A_1565 = tpu.memref_slice %arg4[%dma_wait3A_1563, %dma_wait3A_1564] : memref<49x128xi32, #tpu.memory_space<vmem>> -> memref<1x128xi32, #tpu.memory_space<vmem>>
    %dma_wait3A_1566 = tpu.memref_squeeze %dma_wait3A_1565 : memref<1x128xi32, #tpu.memory_space<vmem>> -> memref<128xi32, #tpu.memory_space<vmem>>
    %dma_wait3A_1567 = arith.constant 0 : i32
    %dma_wait3A_1568 = tpu.memref_slice %arg7[%dma_wait3A_1567] : memref<1048576xf32, #tpu.memory_space<vmem_shared>> -> memref<1048576xf32, #tpu.memory_space<vmem_shared>>
    tpu.wait_indirect_dma semaphore(%arg10 : memref<!tpu.dma_semaphore, #tpu.memory_space<semaphore_mem>>) src(%arg5 : memref<128xf32, #tpu.memory_space<vmem>>) dst(%dma_wait3A_1568 : memref<1048576xf32, #tpu.memory_space<vmem_shared>>)
    %dma_wait3A_1569 = arith.constant 0 : i32
    %dma_wait3A_1570 = arith.constant 0 : i32
    %dma_wait3A_1571 = tpu.memref_slice %arg4[%dma_wait3A_1569, %dma_wait3A_1570] : memref<49x128xi32, #tpu.memory_space<vmem>> -> memref<1x128xi32, #tpu.memory_space<vmem>>
    %dma_wait3A_1572 = tpu.memref_squeeze %dma_wait3A_1571 : memref<1x128xi32, #tpu.memory_space<vmem>> -> memref<128xi32, #tpu.memory_space<vmem>>
    %dma_wait3A_1573 = arith.constant 0 : i32
    %dma_wait3A_1574 = tpu.memref_slice %arg7[%dma_wait3A_1573] : memref<1048576xf32, #tpu.memory_space<vmem_shared>> -> memref<1048576xf32, #tpu.memory_space<vmem_shared>>
    tpu.wait_indirect_dma semaphore(%arg10 : memref<!tpu.dma_semaphore, #tpu.memory_space<semaphore_mem>>) src(%arg5 : memref<128xf32, #tpu.memory_space<vmem>>) dst(%dma_wait3A_1574 : memref<1048576xf32, #tpu.memory_space<vmem_shared>>)
    %dma_wait3A_1575 = arith.constant 0 : i32
    %dma_wait3A_1576 = arith.constant 0 : i32
    %dma_wait3A_1577 = tpu.memref_slice %arg4[%dma_wait3A_1575, %dma_wait3A_1576] : memref<49x128xi32, #tpu.memory_space<vmem>> -> memref<1x128xi32, #tpu.memory_space<vmem>>
    %dma_wait3A_1578 = tpu.memref_squeeze %dma_wait3A_1577 : memref<1x128xi32, #tpu.memory_space<vmem>> -> memref<128xi32, #tpu.memory_space<vmem>>
    %dma_wait3A_1579 = arith.constant 0 : i32
    %dma_wait3A_1580 = tpu.memref_slice %arg7[%dma_wait3A_1579] : memref<1048576xf32, #tpu.memory_space<vmem_shared>> -> memref<1048576xf32, #tpu.memory_space<vmem_shared>>
    tpu.wait_indirect_dma semaphore(%arg10 : memref<!tpu.dma_semaphore, #tpu.memory_space<semaphore_mem>>) src(%arg5 : memref<128xf32, #tpu.memory_space<vmem>>) dst(%dma_wait3A_1580 : memref<1048576xf32, #tpu.memory_space<vmem_shared>>)
    %dma_wait3A_1581 = arith.constant 0 : i32
    %dma_wait3A_1582 = arith.constant 0 : i32
    %dma_wait3A_1583 = tpu.memref_slice %arg4[%dma_wait3A_1581, %dma_wait3A_1582] : memref<49x128xi32, #tpu.memory_space<vmem>> -> memref<1x128xi32, #tpu.memory_space<vmem>>
    %dma_wait3A_1584 = tpu.memref_squeeze %dma_wait3A_1583 : memref<1x128xi32, #tpu.memory_space<vmem>> -> memref<128xi32, #tpu.memory_space<vmem>>
    %dma_wait3A_1585 = arith.constant 0 : i32
    %dma_wait3A_1586 = tpu.memref_slice %arg7[%dma_wait3A_1585] : memref<1048576xf32, #tpu.memory_space<vmem_shared>> -> memref<1048576xf32, #tpu.memory_space<vmem_shared>>
    tpu.wait_indirect_dma semaphore(%arg10 : memref<!tpu.dma_semaphore, #tpu.memory_space<semaphore_mem>>) src(%arg5 : memref<128xf32, #tpu.memory_space<vmem>>) dst(%dma_wait3A_1586 : memref<1048576xf32, #tpu.memory_space<vmem_shared>>)
    %dma_wait3A_1587 = arith.constant 0 : i32
    %dma_wait3A_1588 = arith.constant 0 : i32
    %dma_wait3A_1589 = tpu.memref_slice %arg4[%dma_wait3A_1587, %dma_wait3A_1588] : memref<49x128xi32, #tpu.memory_space<vmem>> -> memref<1x128xi32, #tpu.memory_space<vmem>>
    %dma_wait3A_1590 = tpu.memref_squeeze %dma_wait3A_1589 : memref<1x128xi32, #tpu.memory_space<vmem>> -> memref<128xi32, #tpu.memory_space<vmem>>
    %dma_wait3A_1591 = arith.constant 0 : i32
    %dma_wait3A_1592 = tpu.memref_slice %arg7[%dma_wait3A_1591] : memref<1048576xf32, #tpu.memory_space<vmem_shared>> -> memref<1048576xf32, #tpu.memory_space<vmem_shared>>
    tpu.wait_indirect_dma semaphore(%arg10 : memref<!tpu.dma_semaphore, #tpu.memory_space<semaphore_mem>>) src(%arg5 : memref<128xf32, #tpu.memory_space<vmem>>) dst(%dma_wait3A_1592 : memref<1048576xf32, #tpu.memory_space<vmem_shared>>)
    %dma_wait3A_1593 = arith.constant 0 : i32
    %dma_wait3A_1594 = arith.constant 0 : i32
    %dma_wait3A_1595 = tpu.memref_slice %arg4[%dma_wait3A_1593, %dma_wait3A_1594] : memref<49x128xi32, #tpu.memory_space<vmem>> -> memref<1x128xi32, #tpu.memory_space<vmem>>
    %dma_wait3A_1596 = tpu.memref_squeeze %dma_wait3A_1595 : memref<1x128xi32, #tpu.memory_space<vmem>> -> memref<128xi32, #tpu.memory_space<vmem>>
    %dma_wait3A_1597 = arith.constant 0 : i32
    %dma_wait3A_1598 = tpu.memref_slice %arg7[%dma_wait3A_1597] : memref<1048576xf32, #tpu.memory_space<vmem_shared>> -> memref<1048576xf32, #tpu.memory_space<vmem_shared>>
    tpu.wait_indirect_dma semaphore(%arg10 : memref<!tpu.dma_semaphore, #tpu.memory_space<semaphore_mem>>) src(%arg5 : memref<128xf32, #tpu.memory_space<vmem>>) dst(%dma_wait3A_1598 : memref<1048576xf32, #tpu.memory_space<vmem_shared>>)
    %dma_wait3A_1599 = arith.constant 0 : i32
    %dma_wait3A_1600 = arith.constant 0 : i32
    %dma_wait3A_1601 = tpu.memref_slice %arg4[%dma_wait3A_1599, %dma_wait3A_1600] : memref<49x128xi32, #tpu.memory_space<vmem>> -> memref<1x128xi32, #tpu.memory_space<vmem>>
    %dma_wait3A_1602 = tpu.memref_squeeze %dma_wait3A_1601 : memref<1x128xi32, #tpu.memory_space<vmem>> -> memref<128xi32, #tpu.memory_space<vmem>>
    %dma_wait3A_1603 = arith.constant 0 : i32
    %dma_wait3A_1604 = tpu.memref_slice %arg7[%dma_wait3A_1603] : memref<1048576xf32, #tpu.memory_space<vmem_shared>> -> memref<1048576xf32, #tpu.memory_space<vmem_shared>>
    tpu.wait_indirect_dma semaphore(%arg10 : memref<!tpu.dma_semaphore, #tpu.memory_space<semaphore_mem>>) src(%arg5 : memref<128xf32, #tpu.memory_space<vmem>>) dst(%dma_wait3A_1604 : memref<1048576xf32, #tpu.memory_space<vmem_shared>>)
    %dma_wait3A_1605 = arith.constant 0 : i32
    %dma_wait3A_1606 = arith.constant 0 : i32
    %dma_wait3A_1607 = tpu.memref_slice %arg4[%dma_wait3A_1605, %dma_wait3A_1606] : memref<49x128xi32, #tpu.memory_space<vmem>> -> memref<1x128xi32, #tpu.memory_space<vmem>>
    %dma_wait3A_1608 = tpu.memref_squeeze %dma_wait3A_1607 : memref<1x128xi32, #tpu.memory_space<vmem>> -> memref<128xi32, #tpu.memory_space<vmem>>
    %dma_wait3A_1609 = arith.constant 0 : i32
    %dma_wait3A_1610 = tpu.memref_slice %arg7[%dma_wait3A_1609] : memref<1048576xf32, #tpu.memory_space<vmem_shared>> -> memref<1048576xf32, #tpu.memory_space<vmem_shared>>
    tpu.wait_indirect_dma semaphore(%arg10 : memref<!tpu.dma_semaphore, #tpu.memory_space<semaphore_mem>>) src(%arg5 : memref<128xf32, #tpu.memory_space<vmem>>) dst(%dma_wait3A_1610 : memref<1048576xf32, #tpu.memory_space<vmem_shared>>)
    %dma_wait3A_1611 = arith.constant 0 : i32
    %dma_wait3A_1612 = arith.constant 0 : i32
    %dma_wait3A_1613 = tpu.memref_slice %arg4[%dma_wait3A_1611, %dma_wait3A_1612] : memref<49x128xi32, #tpu.memory_space<vmem>> -> memref<1x128xi32, #tpu.memory_space<vmem>>
    %dma_wait3A_1614 = tpu.memref_squeeze %dma_wait3A_1613 : memref<1x128xi32, #tpu.memory_space<vmem>> -> memref<128xi32, #tpu.memory_space<vmem>>
    %dma_wait3A_1615 = arith.constant 0 : i32
    %dma_wait3A_1616 = tpu.memref_slice %arg7[%dma_wait3A_1615] : memref<1048576xf32, #tpu.memory_space<vmem_shared>> -> memref<1048576xf32, #tpu.memory_space<vmem_shared>>
    tpu.wait_indirect_dma semaphore(%arg10 : memref<!tpu.dma_semaphore, #tpu.memory_space<semaphore_mem>>) src(%arg5 : memref<128xf32, #tpu.memory_space<vmem>>) dst(%dma_wait3A_1616 : memref<1048576xf32, #tpu.memory_space<vmem_shared>>)
    %dma_wait3A_1617 = arith.constant 0 : i32
    %dma_wait3A_1618 = arith.constant 0 : i32
    %dma_wait3A_1619 = tpu.memref_slice %arg4[%dma_wait3A_1617, %dma_wait3A_1618] : memref<49x128xi32, #tpu.memory_space<vmem>> -> memref<1x128xi32, #tpu.memory_space<vmem>>
    %dma_wait3A_1620 = tpu.memref_squeeze %dma_wait3A_1619 : memref<1x128xi32, #tpu.memory_space<vmem>> -> memref<128xi32, #tpu.memory_space<vmem>>
    %dma_wait3A_1621 = arith.constant 0 : i32
    %dma_wait3A_1622 = tpu.memref_slice %arg7[%dma_wait3A_1621] : memref<1048576xf32, #tpu.memory_space<vmem_shared>> -> memref<1048576xf32, #tpu.memory_space<vmem_shared>>
    tpu.wait_indirect_dma semaphore(%arg10 : memref<!tpu.dma_semaphore, #tpu.memory_space<semaphore_mem>>) src(%arg5 : memref<128xf32, #tpu.memory_space<vmem>>) dst(%dma_wait3A_1622 : memref<1048576xf32, #tpu.memory_space<vmem_shared>>)
    %dma_wait3A_1623 = arith.constant 0 : i32
    %dma_wait3A_1624 = arith.constant 0 : i32
    %dma_wait3A_1625 = tpu.memref_slice %arg4[%dma_wait3A_1623, %dma_wait3A_1624] : memref<49x128xi32, #tpu.memory_space<vmem>> -> memref<1x128xi32, #tpu.memory_space<vmem>>
    %dma_wait3A_1626 = tpu.memref_squeeze %dma_wait3A_1625 : memref<1x128xi32, #tpu.memory_space<vmem>> -> memref<128xi32, #tpu.memory_space<vmem>>
    %dma_wait3A_1627 = arith.constant 0 : i32
    %dma_wait3A_1628 = tpu.memref_slice %arg7[%dma_wait3A_1627] : memref<1048576xf32, #tpu.memory_space<vmem_shared>> -> memref<1048576xf32, #tpu.memory_space<vmem_shared>>
    tpu.wait_indirect_dma semaphore(%arg10 : memref<!tpu.dma_semaphore, #tpu.memory_space<semaphore_mem>>) src(%arg5 : memref<128xf32, #tpu.memory_space<vmem>>) dst(%dma_wait3A_1628 : memref<1048576xf32, #tpu.memory_space<vmem_shared>>)
    %dma_wait3A_1629 = arith.constant 0 : i32
    %dma_wait3A_1630 = arith.constant 0 : i32
    %dma_wait3A_1631 = tpu.memref_slice %arg4[%dma_wait3A_1629, %dma_wait3A_1630] : memref<49x128xi32, #tpu.memory_space<vmem>> -> memref<1x128xi32, #tpu.memory_space<vmem>>
    %dma_wait3A_1632 = tpu.memref_squeeze %dma_wait3A_1631 : memref<1x128xi32, #tpu.memory_space<vmem>> -> memref<128xi32, #tpu.memory_space<vmem>>
    %dma_wait3A_1633 = arith.constant 0 : i32
    %dma_wait3A_1634 = tpu.memref_slice %arg7[%dma_wait3A_1633] : memref<1048576xf32, #tpu.memory_space<vmem_shared>> -> memref<1048576xf32, #tpu.memory_space<vmem_shared>>
    tpu.wait_indirect_dma semaphore(%arg10 : memref<!tpu.dma_semaphore, #tpu.memory_space<semaphore_mem>>) src(%arg5 : memref<128xf32, #tpu.memory_space<vmem>>) dst(%dma_wait3A_1634 : memref<1048576xf32, #tpu.memory_space<vmem_shared>>)
    %dma_wait3A_1635 = arith.constant 0 : i32
    %dma_wait3A_1636 = arith.constant 0 : i32
    %dma_wait3A_1637 = tpu.memref_slice %arg4[%dma_wait3A_1635, %dma_wait3A_1636] : memref<49x128xi32, #tpu.memory_space<vmem>> -> memref<1x128xi32, #tpu.memory_space<vmem>>
    %dma_wait3A_1638 = tpu.memref_squeeze %dma_wait3A_1637 : memref<1x128xi32, #tpu.memory_space<vmem>> -> memref<128xi32, #tpu.memory_space<vmem>>
    %dma_wait3A_1639 = arith.constant 0 : i32
    %dma_wait3A_1640 = tpu.memref_slice %arg7[%dma_wait3A_1639] : memref<1048576xf32, #tpu.memory_space<vmem_shared>> -> memref<1048576xf32, #tpu.memory_space<vmem_shared>>
    tpu.wait_indirect_dma semaphore(%arg10 : memref<!tpu.dma_semaphore, #tpu.memory_space<semaphore_mem>>) src(%arg5 : memref<128xf32, #tpu.memory_space<vmem>>) dst(%dma_wait3A_1640 : memref<1048576xf32, #tpu.memory_space<vmem_shared>>)
    %dma_wait3A_1641 = arith.constant 0 : i32
    %dma_wait3A_1642 = arith.constant 0 : i32
    %dma_wait3A_1643 = tpu.memref_slice %arg4[%dma_wait3A_1641, %dma_wait3A_1642] : memref<49x128xi32, #tpu.memory_space<vmem>> -> memref<1x128xi32, #tpu.memory_space<vmem>>
    %dma_wait3A_1644 = tpu.memref_squeeze %dma_wait3A_1643 : memref<1x128xi32, #tpu.memory_space<vmem>> -> memref<128xi32, #tpu.memory_space<vmem>>
    %dma_wait3A_1645 = arith.constant 0 : i32
    %dma_wait3A_1646 = tpu.memref_slice %arg7[%dma_wait3A_1645] : memref<1048576xf32, #tpu.memory_space<vmem_shared>> -> memref<1048576xf32, #tpu.memory_space<vmem_shared>>
    tpu.wait_indirect_dma semaphore(%arg10 : memref<!tpu.dma_semaphore, #tpu.memory_space<semaphore_mem>>) src(%arg5 : memref<128xf32, #tpu.memory_space<vmem>>) dst(%dma_wait3A_1646 : memref<1048576xf32, #tpu.memory_space<vmem_shared>>)
    %dma_wait3A_1647 = arith.constant 0 : i32
    %dma_wait3A_1648 = arith.constant 0 : i32
    %dma_wait3A_1649 = tpu.memref_slice %arg4[%dma_wait3A_1647, %dma_wait3A_1648] : memref<49x128xi32, #tpu.memory_space<vmem>> -> memref<1x128xi32, #tpu.memory_space<vmem>>
    %dma_wait3A_1650 = tpu.memref_squeeze %dma_wait3A_1649 : memref<1x128xi32, #tpu.memory_space<vmem>> -> memref<128xi32, #tpu.memory_space<vmem>>
    %dma_wait3A_1651 = arith.constant 0 : i32
    %dma_wait3A_1652 = tpu.memref_slice %arg7[%dma_wait3A_1651] : memref<1048576xf32, #tpu.memory_space<vmem_shared>> -> memref<1048576xf32, #tpu.memory_space<vmem_shared>>
    tpu.wait_indirect_dma semaphore(%arg10 : memref<!tpu.dma_semaphore, #tpu.memory_space<semaphore_mem>>) src(%arg5 : memref<128xf32, #tpu.memory_space<vmem>>) dst(%dma_wait3A_1652 : memref<1048576xf32, #tpu.memory_space<vmem_shared>>)
    %dma_wait3A_1653 = arith.constant 0 : i32
    %dma_wait3A_1654 = arith.constant 0 : i32
    %dma_wait3A_1655 = tpu.memref_slice %arg4[%dma_wait3A_1653, %dma_wait3A_1654] : memref<49x128xi32, #tpu.memory_space<vmem>> -> memref<1x128xi32, #tpu.memory_space<vmem>>
    %dma_wait3A_1656 = tpu.memref_squeeze %dma_wait3A_1655 : memref<1x128xi32, #tpu.memory_space<vmem>> -> memref<128xi32, #tpu.memory_space<vmem>>
    %dma_wait3A_1657 = arith.constant 0 : i32
    %dma_wait3A_1658 = tpu.memref_slice %arg7[%dma_wait3A_1657] : memref<1048576xf32, #tpu.memory_space<vmem_shared>> -> memref<1048576xf32, #tpu.memory_space<vmem_shared>>
    tpu.wait_indirect_dma semaphore(%arg10 : memref<!tpu.dma_semaphore, #tpu.memory_space<semaphore_mem>>) src(%arg5 : memref<128xf32, #tpu.memory_space<vmem>>) dst(%dma_wait3A_1658 : memref<1048576xf32, #tpu.memory_space<vmem_shared>>)
    %dma_wait3A_1659 = arith.constant 0 : i32
    %dma_wait3A_1660 = arith.constant 0 : i32
    %dma_wait3A_1661 = tpu.memref_slice %arg4[%dma_wait3A_1659, %dma_wait3A_1660] : memref<49x128xi32, #tpu.memory_space<vmem>> -> memref<1x128xi32, #tpu.memory_space<vmem>>
    %dma_wait3A_1662 = tpu.memref_squeeze %dma_wait3A_1661 : memref<1x128xi32, #tpu.memory_space<vmem>> -> memref<128xi32, #tpu.memory_space<vmem>>
    %dma_wait3A_1663 = arith.constant 0 : i32
    %dma_wait3A_1664 = tpu.memref_slice %arg7[%dma_wait3A_1663] : memref<1048576xf32, #tpu.memory_space<vmem_shared>> -> memref<1048576xf32, #tpu.memory_space<vmem_shared>>
    tpu.wait_indirect_dma semaphore(%arg10 : memref<!tpu.dma_semaphore, #tpu.memory_space<semaphore_mem>>) src(%arg5 : memref<128xf32, #tpu.memory_space<vmem>>) dst(%dma_wait3A_1664 : memref<1048576xf32, #tpu.memory_space<vmem_shared>>)
    %dma_wait3A_1665 = arith.constant 0 : i32
    %dma_wait3A_1666 = arith.constant 0 : i32
    %dma_wait3A_1667 = tpu.memref_slice %arg4[%dma_wait3A_1665, %dma_wait3A_1666] : memref<49x128xi32, #tpu.memory_space<vmem>> -> memref<1x128xi32, #tpu.memory_space<vmem>>
    %dma_wait3A_1668 = tpu.memref_squeeze %dma_wait3A_1667 : memref<1x128xi32, #tpu.memory_space<vmem>> -> memref<128xi32, #tpu.memory_space<vmem>>
    %dma_wait3A_1669 = arith.constant 0 : i32
    %dma_wait3A_1670 = tpu.memref_slice %arg7[%dma_wait3A_1669] : memref<1048576xf32, #tpu.memory_space<vmem_shared>> -> memref<1048576xf32, #tpu.memory_space<vmem_shared>>
    tpu.wait_indirect_dma semaphore(%arg10 : memref<!tpu.dma_semaphore, #tpu.memory_space<semaphore_mem>>) src(%arg5 : memref<128xf32, #tpu.memory_space<vmem>>) dst(%dma_wait3A_1670 : memref<1048576xf32, #tpu.memory_space<vmem_shared>>)
    %dma_wait3A_1671 = arith.constant 0 : i32
    %dma_wait3A_1672 = arith.constant 0 : i32
    %dma_wait3A_1673 = tpu.memref_slice %arg4[%dma_wait3A_1671, %dma_wait3A_1672] : memref<49x128xi32, #tpu.memory_space<vmem>> -> memref<1x128xi32, #tpu.memory_space<vmem>>
    %dma_wait3A_1674 = tpu.memref_squeeze %dma_wait3A_1673 : memref<1x128xi32, #tpu.memory_space<vmem>> -> memref<128xi32, #tpu.memory_space<vmem>>
    %dma_wait3A_1675 = arith.constant 0 : i32
    %dma_wait3A_1676 = tpu.memref_slice %arg7[%dma_wait3A_1675] : memref<1048576xf32, #tpu.memory_space<vmem_shared>> -> memref<1048576xf32, #tpu.memory_space<vmem_shared>>
    tpu.wait_indirect_dma semaphore(%arg10 : memref<!tpu.dma_semaphore, #tpu.memory_space<semaphore_mem>>) src(%arg5 : memref<128xf32, #tpu.memory_space<vmem>>) dst(%dma_wait3A_1676 : memref<1048576xf32, #tpu.memory_space<vmem_shared>>)
    %dma_wait3A_1677 = arith.constant 0 : i32
    %dma_wait3A_1678 = arith.constant 0 : i32
    %dma_wait3A_1679 = tpu.memref_slice %arg4[%dma_wait3A_1677, %dma_wait3A_1678] : memref<49x128xi32, #tpu.memory_space<vmem>> -> memref<1x128xi32, #tpu.memory_space<vmem>>
    %dma_wait3A_1680 = tpu.memref_squeeze %dma_wait3A_1679 : memref<1x128xi32, #tpu.memory_space<vmem>> -> memref<128xi32, #tpu.memory_space<vmem>>
    %dma_wait3A_1681 = arith.constant 0 : i32
    %dma_wait3A_1682 = tpu.memref_slice %arg7[%dma_wait3A_1681] : memref<1048576xf32, #tpu.memory_space<vmem_shared>> -> memref<1048576xf32, #tpu.memory_space<vmem_shared>>
    tpu.wait_indirect_dma semaphore(%arg10 : memref<!tpu.dma_semaphore, #tpu.memory_space<semaphore_mem>>) src(%arg5 : memref<128xf32, #tpu.memory_space<vmem>>) dst(%dma_wait3A_1682 : memref<1048576xf32, #tpu.memory_space<vmem_shared>>)
    %dma_wait3A_1683 = arith.constant 0 : i32
    %dma_wait3A_1684 = arith.constant 0 : i32
    %dma_wait3A_1685 = tpu.memref_slice %arg4[%dma_wait3A_1683, %dma_wait3A_1684] : memref<49x128xi32, #tpu.memory_space<vmem>> -> memref<1x128xi32, #tpu.memory_space<vmem>>
    %dma_wait3A_1686 = tpu.memref_squeeze %dma_wait3A_1685 : memref<1x128xi32, #tpu.memory_space<vmem>> -> memref<128xi32, #tpu.memory_space<vmem>>
    %dma_wait3A_1687 = arith.constant 0 : i32
    %dma_wait3A_1688 = tpu.memref_slice %arg7[%dma_wait3A_1687] : memref<1048576xf32, #tpu.memory_space<vmem_shared>> -> memref<1048576xf32, #tpu.memory_space<vmem_shared>>
    tpu.wait_indirect_dma semaphore(%arg10 : memref<!tpu.dma_semaphore, #tpu.memory_space<semaphore_mem>>) src(%arg5 : memref<128xf32, #tpu.memory_space<vmem>>) dst(%dma_wait3A_1688 : memref<1048576xf32, #tpu.memory_space<vmem_shared>>)
    %dma_wait3A_1689 = arith.constant 0 : i32
    %dma_wait3A_1690 = arith.constant 0 : i32
    %dma_wait3A_1691 = tpu.memref_slice %arg4[%dma_wait3A_1689, %dma_wait3A_1690] : memref<49x128xi32, #tpu.memory_space<vmem>> -> memref<1x128xi32, #tpu.memory_space<vmem>>
    %dma_wait3A_1692 = tpu.memref_squeeze %dma_wait3A_1691 : memref<1x128xi32, #tpu.memory_space<vmem>> -> memref<128xi32, #tpu.memory_space<vmem>>
    %dma_wait3A_1693 = arith.constant 0 : i32
    %dma_wait3A_1694 = tpu.memref_slice %arg7[%dma_wait3A_1693] : memref<1048576xf32, #tpu.memory_space<vmem_shared>> -> memref<1048576xf32, #tpu.memory_space<vmem_shared>>
    tpu.wait_indirect_dma semaphore(%arg10 : memref<!tpu.dma_semaphore, #tpu.memory_space<semaphore_mem>>) src(%arg5 : memref<128xf32, #tpu.memory_space<vmem>>) dst(%dma_wait3A_1694 : memref<1048576xf32, #tpu.memory_space<vmem_shared>>)
    %dma_wait3A_1695 = arith.constant 0 : i32
    %dma_wait3A_1696 = arith.constant 0 : i32
    %dma_wait3A_1697 = tpu.memref_slice %arg4[%dma_wait3A_1695, %dma_wait3A_1696] : memref<49x128xi32, #tpu.memory_space<vmem>> -> memref<1x128xi32, #tpu.memory_space<vmem>>
    %dma_wait3A_1698 = tpu.memref_squeeze %dma_wait3A_1697 : memref<1x128xi32, #tpu.memory_space<vmem>> -> memref<128xi32, #tpu.memory_space<vmem>>
    %dma_wait3A_1699 = arith.constant 0 : i32
    %dma_wait3A_1700 = tpu.memref_slice %arg7[%dma_wait3A_1699] : memref<1048576xf32, #tpu.memory_space<vmem_shared>> -> memref<1048576xf32, #tpu.memory_space<vmem_shared>>
    tpu.wait_indirect_dma semaphore(%arg10 : memref<!tpu.dma_semaphore, #tpu.memory_space<semaphore_mem>>) src(%arg5 : memref<128xf32, #tpu.memory_space<vmem>>) dst(%dma_wait3A_1700 : memref<1048576xf32, #tpu.memory_space<vmem_shared>>)
    %dma_wait3A_1701 = arith.constant 0 : i32
    %dma_wait3A_1702 = arith.constant 0 : i32
    %dma_wait3A_1703 = tpu.memref_slice %arg4[%dma_wait3A_1701, %dma_wait3A_1702] : memref<49x128xi32, #tpu.memory_space<vmem>> -> memref<1x128xi32, #tpu.memory_space<vmem>>
    %dma_wait3A_1704 = tpu.memref_squeeze %dma_wait3A_1703 : memref<1x128xi32, #tpu.memory_space<vmem>> -> memref<128xi32, #tpu.memory_space<vmem>>
    %dma_wait3A_1705 = arith.constant 0 : i32
    %dma_wait3A_1706 = tpu.memref_slice %arg7[%dma_wait3A_1705] : memref<1048576xf32, #tpu.memory_space<vmem_shared>> -> memref<1048576xf32, #tpu.memory_space<vmem_shared>>
    tpu.wait_indirect_dma semaphore(%arg10 : memref<!tpu.dma_semaphore, #tpu.memory_space<semaphore_mem>>) src(%arg5 : memref<128xf32, #tpu.memory_space<vmem>>) dst(%dma_wait3A_1706 : memref<1048576xf32, #tpu.memory_space<vmem_shared>>)
    %dma_wait3A_1707 = arith.constant 0 : i32
    %dma_wait3A_1708 = arith.constant 0 : i32
    %dma_wait3A_1709 = tpu.memref_slice %arg4[%dma_wait3A_1707, %dma_wait3A_1708] : memref<49x128xi32, #tpu.memory_space<vmem>> -> memref<1x128xi32, #tpu.memory_space<vmem>>
    %dma_wait3A_1710 = tpu.memref_squeeze %dma_wait3A_1709 : memref<1x128xi32, #tpu.memory_space<vmem>> -> memref<128xi32, #tpu.memory_space<vmem>>
    %dma_wait3A_1711 = arith.constant 0 : i32
    %dma_wait3A_1712 = tpu.memref_slice %arg7[%dma_wait3A_1711] : memref<1048576xf32, #tpu.memory_space<vmem_shared>> -> memref<1048576xf32, #tpu.memory_space<vmem_shared>>
    tpu.wait_indirect_dma semaphore(%arg10 : memref<!tpu.dma_semaphore, #tpu.memory_space<semaphore_mem>>) src(%arg5 : memref<128xf32, #tpu.memory_space<vmem>>) dst(%dma_wait3A_1712 : memref<1048576xf32, #tpu.memory_space<vmem_shared>>)
    %dma_wait3A_1713 = arith.constant 0 : i32
    %dma_wait3A_1714 = arith.constant 0 : i32
    %dma_wait3A_1715 = tpu.memref_slice %arg4[%dma_wait3A_1713, %dma_wait3A_1714] : memref<49x128xi32, #tpu.memory_space<vmem>> -> memref<1x128xi32, #tpu.memory_space<vmem>>
    %dma_wait3A_1716 = tpu.memref_squeeze %dma_wait3A_1715 : memref<1x128xi32, #tpu.memory_space<vmem>> -> memref<128xi32, #tpu.memory_space<vmem>>
    %dma_wait3A_1717 = arith.constant 0 : i32
    %dma_wait3A_1718 = tpu.memref_slice %arg7[%dma_wait3A_1717] : memref<1048576xf32, #tpu.memory_space<vmem_shared>> -> memref<1048576xf32, #tpu.memory_space<vmem_shared>>
    tpu.wait_indirect_dma semaphore(%arg10 : memref<!tpu.dma_semaphore, #tpu.memory_space<semaphore_mem>>) src(%arg5 : memref<128xf32, #tpu.memory_space<vmem>>) dst(%dma_wait3A_1718 : memref<1048576xf32, #tpu.memory_space<vmem_shared>>)
    %dma_wait3A_1719 = arith.constant 0 : i32
    %dma_wait3A_1720 = arith.constant 0 : i32
    %dma_wait3A_1721 = tpu.memref_slice %arg4[%dma_wait3A_1719, %dma_wait3A_1720] : memref<49x128xi32, #tpu.memory_space<vmem>> -> memref<1x128xi32, #tpu.memory_space<vmem>>
    %dma_wait3A_1722 = tpu.memref_squeeze %dma_wait3A_1721 : memref<1x128xi32, #tpu.memory_space<vmem>> -> memref<128xi32, #tpu.memory_space<vmem>>
    %dma_wait3A_1723 = arith.constant 0 : i32
    %dma_wait3A_1724 = tpu.memref_slice %arg7[%dma_wait3A_1723] : memref<1048576xf32, #tpu.memory_space<vmem_shared>> -> memref<1048576xf32, #tpu.memory_space<vmem_shared>>
    tpu.wait_indirect_dma semaphore(%arg10 : memref<!tpu.dma_semaphore, #tpu.memory_space<semaphore_mem>>) src(%arg5 : memref<128xf32, #tpu.memory_space<vmem>>) dst(%dma_wait3A_1724 : memref<1048576xf32, #tpu.memory_space<vmem_shared>>)
    %dma_wait3A_1725 = arith.constant 0 : i32
    %dma_wait3A_1726 = arith.constant 0 : i32
    %dma_wait3A_1727 = tpu.memref_slice %arg4[%dma_wait3A_1725, %dma_wait3A_1726] : memref<49x128xi32, #tpu.memory_space<vmem>> -> memref<1x128xi32, #tpu.memory_space<vmem>>
    %dma_wait3A_1728 = tpu.memref_squeeze %dma_wait3A_1727 : memref<1x128xi32, #tpu.memory_space<vmem>> -> memref<128xi32, #tpu.memory_space<vmem>>
    %dma_wait3A_1729 = arith.constant 0 : i32
    %dma_wait3A_1730 = tpu.memref_slice %arg7[%dma_wait3A_1729] : memref<1048576xf32, #tpu.memory_space<vmem_shared>> -> memref<1048576xf32, #tpu.memory_space<vmem_shared>>
    tpu.wait_indirect_dma semaphore(%arg10 : memref<!tpu.dma_semaphore, #tpu.memory_space<semaphore_mem>>) src(%arg5 : memref<128xf32, #tpu.memory_space<vmem>>) dst(%dma_wait3A_1730 : memref<1048576xf32, #tpu.memory_space<vmem_shared>>)
    %dma_wait3A_1731 = arith.constant 0 : i32
    %dma_wait3A_1732 = arith.constant 0 : i32
    %dma_wait3A_1733 = tpu.memref_slice %arg4[%dma_wait3A_1731, %dma_wait3A_1732] : memref<49x128xi32, #tpu.memory_space<vmem>> -> memref<1x128xi32, #tpu.memory_space<vmem>>
    %dma_wait3A_1734 = tpu.memref_squeeze %dma_wait3A_1733 : memref<1x128xi32, #tpu.memory_space<vmem>> -> memref<128xi32, #tpu.memory_space<vmem>>
    %dma_wait3A_1735 = arith.constant 0 : i32
    %dma_wait3A_1736 = tpu.memref_slice %arg7[%dma_wait3A_1735] : memref<1048576xf32, #tpu.memory_space<vmem_shared>> -> memref<1048576xf32, #tpu.memory_space<vmem_shared>>
    tpu.wait_indirect_dma semaphore(%arg10 : memref<!tpu.dma_semaphore, #tpu.memory_space<semaphore_mem>>) src(%arg5 : memref<128xf32, #tpu.memory_space<vmem>>) dst(%dma_wait3A_1736 : memref<1048576xf32, #tpu.memory_space<vmem_shared>>)
    %dma_wait3A_1737 = arith.constant 0 : i32
    %dma_wait3A_1738 = arith.constant 0 : i32
    %dma_wait3A_1739 = tpu.memref_slice %arg4[%dma_wait3A_1737, %dma_wait3A_1738] : memref<49x128xi32, #tpu.memory_space<vmem>> -> memref<1x128xi32, #tpu.memory_space<vmem>>
    %dma_wait3A_1740 = tpu.memref_squeeze %dma_wait3A_1739 : memref<1x128xi32, #tpu.memory_space<vmem>> -> memref<128xi32, #tpu.memory_space<vmem>>
    %dma_wait3A_1741 = arith.constant 0 : i32
    %dma_wait3A_1742 = tpu.memref_slice %arg7[%dma_wait3A_1741] : memref<1048576xf32, #tpu.memory_space<vmem_shared>> -> memref<1048576xf32, #tpu.memory_space<vmem_shared>>
    tpu.wait_indirect_dma semaphore(%arg10 : memref<!tpu.dma_semaphore, #tpu.memory_space<semaphore_mem>>) src(%arg5 : memref<128xf32, #tpu.memory_space<vmem>>) dst(%dma_wait3A_1742 : memref<1048576xf32, #tpu.memory_space<vmem_shared>>)
    %dma_wait3A_1743 = arith.constant 0 : i32
    %dma_wait3A_1744 = arith.constant 0 : i32
    %dma_wait3A_1745 = tpu.memref_slice %arg4[%dma_wait3A_1743, %dma_wait3A_1744] : memref<49x128xi32, #tpu.memory_space<vmem>> -> memref<1x128xi32, #tpu.memory_space<vmem>>
    %dma_wait3A_1746 = tpu.memref_squeeze %dma_wait3A_1745 : memref<1x128xi32, #tpu.memory_space<vmem>> -> memref<128xi32, #tpu.memory_space<vmem>>
    %dma_wait3A_1747 = arith.constant 0 : i32
    %dma_wait3A_1748 = tpu.memref_slice %arg7[%dma_wait3A_1747] : memref<1048576xf32, #tpu.memory_space<vmem_shared>> -> memref<1048576xf32, #tpu.memory_space<vmem_shared>>
    tpu.wait_indirect_dma semaphore(%arg10 : memref<!tpu.dma_semaphore, #tpu.memory_space<semaphore_mem>>) src(%arg5 : memref<128xf32, #tpu.memory_space<vmem>>) dst(%dma_wait3A_1748 : memref<1048576xf32, #tpu.memory_space<vmem_shared>>)
    %dma_wait3A_1749 = arith.constant 0 : i32
    %dma_wait3A_1750 = arith.constant 0 : i32
    %dma_wait3A_1751 = tpu.memref_slice %arg4[%dma_wait3A_1749, %dma_wait3A_1750] : memref<49x128xi32, #tpu.memory_space<vmem>> -> memref<1x128xi32, #tpu.memory_space<vmem>>
    %dma_wait3A_1752 = tpu.memref_squeeze %dma_wait3A_1751 : memref<1x128xi32, #tpu.memory_space<vmem>> -> memref<128xi32, #tpu.memory_space<vmem>>
    %dma_wait3A_1753 = arith.constant 0 : i32
    %dma_wait3A_1754 = tpu.memref_slice %arg7[%dma_wait3A_1753] : memref<1048576xf32, #tpu.memory_space<vmem_shared>> -> memref<1048576xf32, #tpu.memory_space<vmem_shared>>
    tpu.wait_indirect_dma semaphore(%arg10 : memref<!tpu.dma_semaphore, #tpu.memory_space<semaphore_mem>>) src(%arg5 : memref<128xf32, #tpu.memory_space<vmem>>) dst(%dma_wait3A_1754 : memref<1048576xf32, #tpu.memory_space<vmem_shared>>)
    %barrier3A_1755 = arith.constant 0 : index
    tpu.barrier barrier_id(%barrier3A_1755)
    %mul3A_1756 = arith.constant 65536 : i32
    %mul3A_1757 = arith.muli %arg1, %mul3A_1756 : i32
    %mul3A_1758 = arith.constant 65536 : i32
    %mul3A_1759 = arith.muli %arg1, %mul3A_1758 : i32
    "tpu.region"() ({
      %run_scoped3A = tpu.sem_alloc : memref<!tpu.dma_semaphore, #tpu.memory_space<semaphore_mem>>
      %dma_start3A_1760 = tpu.memref_slice %arg3[%arg0, %mul3A_1759] : memref<2x1048576xf32, #tpu.memory_space<hbm>> -> memref<1x65536xf32, #tpu.memory_space<hbm>>
      %dma_start3A_1761 = tpu.memref_squeeze %dma_start3A_1760 : memref<1x65536xf32, #tpu.memory_space<hbm>> -> memref<65536xf32, #tpu.memory_space<hbm>>
      %dma_start3A_1762 = tpu.memref_slice %arg7[%mul3A_1757] : memref<1048576xf32, #tpu.memory_space<vmem_shared>> -> memref<65536xf32, #tpu.memory_space<vmem_shared>>
      tpu.enqueue_dma source(%dma_start3A_1762 : memref<65536xf32, #tpu.memory_space<vmem_shared>>) target(%dma_start3A_1761 : memref<65536xf32, #tpu.memory_space<hbm>>) target_semaphore(%run_scoped3A : memref<!tpu.dma_semaphore, #tpu.memory_space<semaphore_mem>>)
      %dma_wait3A_1763 = tpu.memref_slice %arg3[%arg0, %mul3A_1759] : memref<2x1048576xf32, #tpu.memory_space<hbm>> -> memref<1x65536xf32, #tpu.memory_space<hbm>>
      %dma_wait3A_1764 = tpu.memref_squeeze %dma_wait3A_1763 : memref<1x65536xf32, #tpu.memory_space<hbm>> -> memref<65536xf32, #tpu.memory_space<hbm>>
      %dma_wait3A_1765 = tpu.memref_slice %arg7[%mul3A_1757] : memref<1048576xf32, #tpu.memory_space<vmem_shared>> -> memref<65536xf32, #tpu.memory_space<vmem_shared>>
      tpu.wait_dma2 semaphore(%run_scoped3A : memref<!tpu.dma_semaphore, #tpu.memory_space<semaphore_mem>>) src(%dma_wait3A_1765 : memref<65536xf32, #tpu.memory_space<vmem_shared>>) dst(%dma_wait3A_1764 : memref<65536xf32, #tpu.memory_space<hbm>>)
      tpu.yield
    }) : () -> ()
    return
  }
}

module attributes {stable_mosaic.version = 14 : i64} {
  func.func @_head_body(%arg0: i32, %arg1: memref<64x512xf32, #tpu.memory_space<vmem>>, %arg2: memref<64x1xf32, #tpu.memory_space<vmem>>, %arg3: memref<512x3xf32, #tpu.memory_space<vmem>>, %arg4: memref<100x67xf32, #tpu.memory_space<vmem>>, %arg5: memref<1x100xf32, #tpu.memory_space<vmem>>, %arg6: memref<512x100xf32, #tpu.memory_space<vmem>>) attributes {dimension_semantics = [#tpu.dimension_semantics<arbitrary>], iteration_bounds = array<i64: 8>, scalar_prefetch = 0 : i64, scratch_operands = 0 : i64, tpu.core_type = #tpu.core_type<tc>, window_params = [{transform_indices = @transform_0, window_bounds = array<i64: 64, 512>}, {pipeline_mode = #tpu.pipeline_mode<synchronous>, transform_indices = @transform_1, window_bounds = array<i64: 64, 1>}, {transform_indices = @transform_2, window_bounds = array<i64: 512, 3>}, {pipeline_mode = #tpu.pipeline_mode<synchronous>, transform_indices = @transform_3, window_bounds = array<i64: 100, 67>}, {pipeline_mode = #tpu.pipeline_mode<synchronous>, transform_indices = @transform_4, window_bounds = array<i64: 1, 100>}, {transform_indices = @transform_5, window_bounds = array<i64: 512, 100>}]} {
    %get3A = arith.constant 0 : index
    %get3A_0 = arith.constant 0 : index
    %get3A_1 = vector.load %arg1[%get3A, %get3A_0] : memref<64x512xf32, #tpu.memory_space<vmem>>, vector<64x512xf32>
    %get3A_2 = arith.constant 0 : index
    %get3A_3 = arith.constant 0 : index
    %get3A_4 = vector.load %arg2[%get3A_2, %get3A_3] : memref<64x1xf32, #tpu.memory_space<vmem>>, vector<64x1xf32>
    %slice3A = vector.extract_strided_slice %get3A_1 {offsets = [0, 511], sizes = [64, 1], strides = [1, 1]} : vector<64x512xf32> to vector<64x1xf32>
    %add3A = arith.addf %get3A_4, %slice3A : vector<64x1xf32>
    %mul3A = arith.constant 4.98243708E-6 : f32
    %mul3A_5 = vector.broadcast %mul3A : f32 to vector<64x1xf32>
    %mul3A_6 = arith.mulf %add3A, %mul3A_5 : vector<64x1xf32>
    %iota3A = tpu.iota {dimensions = array<i32: 1>} : vector<1x512xi32>
    %eq3A = arith.constant 511 : i32
    %eq3A_7 = vector.broadcast %eq3A : i32 to vector<1x512xi32>
    %eq3A_8 = arith.cmpi eq, %iota3A, %eq3A_7 : vector<1x512xi32>
    %eq3A_9 = arith.constant 7 : i32
    %eq3A_10 = arith.cmpi eq, %arg0, %eq3A_9 : i32
    %and3A = vector.broadcast %eq3A_10 : i1 to vector<1x512xi1>
    %and3A_11 = arith.andi %eq3A_8, %and3A : vector<1x512xi1>
    %broadcast_in_dim3A = vector.shape_cast %and3A_11 : vector<1x512xi1> to vector<1x512xi1>
    %broadcast_in_dim3A_12 = vector.broadcast %broadcast_in_dim3A : vector<1x512xi1> to vector<64x512xi1>
    %broadcast_in_dim3A_13 = vector.shape_cast %mul3A_6 : vector<64x1xf32> to vector<64x1xf32>
    %broadcast_in_dim3A_14 = vector.broadcast %broadcast_in_dim3A_13 : vector<64x1xf32> to vector<64x512xf32>
    %select_n3A = arith.select %broadcast_in_dim3A_12, %broadcast_in_dim3A_14, %get3A_1 : vector<64x512xi1>, vector<64x512xf32>
    %get3A_15 = arith.constant 0 : index
    %get3A_16 = arith.constant 0 : index
    %get3A_17 = vector.load %arg4[%get3A_15, %get3A_16] : memref<100x67xf32, #tpu.memory_space<vmem>>, vector<100x67xf32>
    %slice3A_18 = vector.extract_strided_slice %get3A_17 {offsets = [0, 0], sizes = [100, 64], strides = [1, 1]} : vector<100x67xf32> to vector<100x64xf32>
    %dot_general3A = arith.constant dense<0.000000e+00> : vector<512x100xf32>
    %dot_general3A_19 = tpu.matmul %select_n3A, %slice3A_18, %dot_general3A {dimension_numbers = #tpu.dot_dimension_numbers<[0], [1], [1], [0], [0, 1, 1, 0], [], []>, transpose_lhs_hint = false} : vector<64x512xf32>, vector<100x64xf32>, vector<512x100xf32> -> vector<512x100xf32>
    %get3A_20 = arith.constant 0 : index
    %get3A_21 = arith.constant 0 : index
    %get3A_22 = vector.load %arg3[%get3A_20, %get3A_21] : memref<512x3xf32, #tpu.memory_space<vmem>>, vector<512x3xf32>
    %slice3A_23 = vector.extract_strided_slice %get3A_17 {offsets = [0, 64], sizes = [100, 3], strides = [1, 1]} : vector<100x67xf32> to vector<100x3xf32>
    %dot_general3A_24 = arith.constant dense<0.000000e+00> : vector<512x100xf32>
    %dot_general3A_25 = tpu.matmul %get3A_22, %slice3A_23, %dot_general3A_24 {dimension_numbers = #tpu.dot_dimension_numbers<[1], [1], [0], [0], [0, 0, 1, 0], [], []>, transpose_lhs_hint = false} : vector<512x3xf32>, vector<100x3xf32>, vector<512x100xf32> -> vector<512x100xf32>
    %add3A_26 = arith.addf %dot_general3A_19, %dot_general3A_25 : vector<512x100xf32>
    %get3A_27 = arith.constant 0 : index
    %get3A_28 = arith.constant 0 : index
    %get3A_29 = vector.load %arg5[%get3A_27, %get3A_28] : memref<1x100xf32, #tpu.memory_space<vmem>>, vector<1x100xf32>
    %add3A_30 = vector.broadcast %get3A_29 : vector<1x100xf32> to vector<512x100xf32>
    %add3A_31 = arith.addf %add3A_26, %add3A_30 : vector<512x100xf32>
    %swap3A = arith.constant 0 : index
    %swap3A_32 = arith.constant 0 : index
    %swap3A_33 = vector.load %arg6[%swap3A, %swap3A_32] : memref<512x100xf32, #tpu.memory_space<vmem>>, vector<512x100xf32>
    tpu.vector_store %arg6[%swap3A, %swap3A_32], %add3A_31 {strides = array<i32>} : memref<512x100xf32, #tpu.memory_space<vmem>>, vector<512x100xf32>,
    return
  }
  func.func @transform_0(%arg0: i32) -> (i32, i32) {
    %c0_i32 = arith.constant 0 : i32
    %c0_i32_0 = arith.constant 0 : i32
    return %c0_i32, %arg0 : i32, i32
  }
  func.func @transform_1(%arg0: i32) -> (i32, i32) {
    %c0_i32 = arith.constant 0 : i32
    %c0_i32_0 = arith.constant 0 : i32
    %c0_i32_1 = arith.constant 0 : i32
    return %c0_i32, %c0_i32_0 : i32, i32
  }
  func.func @transform_2(%arg0: i32) -> (i32, i32) {
    %c0_i32 = arith.constant 0 : i32
    %c0_i32_0 = arith.constant 0 : i32
    return %arg0, %c0_i32 : i32, i32
  }
  func.func @transform_3(%arg0: i32) -> (i32, i32) {
    %c0_i32 = arith.constant 0 : i32
    %c0_i32_0 = arith.constant 0 : i32
    %c0_i32_1 = arith.constant 0 : i32
    return %c0_i32, %c0_i32_0 : i32, i32
  }
  func.func @transform_4(%arg0: i32) -> (i32, i32) {
    %c0_i32 = arith.constant 0 : i32
    %c0_i32_0 = arith.constant 0 : i32
    %c0_i32_1 = arith.constant 0 : i32
    return %c0_i32, %c0_i32_0 : i32, i32
  }
  func.func @transform_5(%arg0: i32) -> (i32, i32) {
    %c0_i32 = arith.constant 0 : i32
    %c0_i32_0 = arith.constant 0 : i32
    return %arg0, %c0_i32 : i32, i32
  }
}

module attributes {stable_mosaic.version = 14 : i64} {
  func.func @_matvec_body(%arg0: i32, %arg1: memref<64x32768xf32, #tpu.memory_space<vmem>>, %arg2: memref<2x32768xf32, #tpu.memory_space<vmem>>, %arg3: memref<64x1xf32, #tpu.memory_space<vmem>>) attributes {dimension_semantics = [#tpu.dimension_semantics<arbitrary>], iteration_bounds = array<i64: 31>, scalar_prefetch = 0 : i64, scratch_operands = 0 : i64, tpu.core_type = #tpu.core_type<tc>, window_params = [{transform_indices = @transform_0, window_bounds = array<i64: 64, 32768>}, {transform_indices = @transform_1, window_bounds = array<i64: 2, 32768>}, {pipeline_mode = #tpu.pipeline_mode<synchronous>, transform_indices = @transform_2, window_bounds = array<i64: 64, 1>}]} {
    %eq3A = arith.constant 0 : i32
    %eq3A_0 = arith.cmpi eq, %arg0, %eq3A : i32
    %convert_element_type3A = arith.extui %eq3A_0 : i1 to i32
    %cond3A = arith.constant 0 : i32
    %cond3A_1 = arith.cmpi ne, %convert_element_type3A, %cond3A : i32
    scf.if %cond3A_1 {
      %broadcast_in_dim3A_25 = arith.constant 0.000000e+00 : f32
      %broadcast_in_dim3A_26 = vector.broadcast %broadcast_in_dim3A_25 : f32 to vector<64x1xf32>
      %swap3A_27 = arith.constant 0 : index
      %swap3A_28 = arith.constant 0 : index
      %swap3A_29 = vector.load %arg3[%swap3A_27, %swap3A_28] : memref<64x1xf32, #tpu.memory_space<vmem>>, vector<64x1xf32>
      tpu.vector_store %arg3[%swap3A_27, %swap3A_28], %broadcast_in_dim3A_26 {strides = array<i32>} : memref<64x1xf32, #tpu.memory_space<vmem>>, vector<64x1xf32>,
    } else {
    }
    %iota3A = tpu.iota {dimensions = array<i32: 1>} : vector<1x32768xi32>
    %mul3A = arith.constant 32768 : i32
    %mul3A_2 = arith.muli %arg0, %mul3A : i32
    %sub3A = arith.constant 1000000 : i32
    %sub3A_3 = arith.subi %sub3A, %mul3A_2 : i32
    %lt3A = vector.broadcast %sub3A_3 : i32 to vector<1x32768xi32>
    %lt3A_4 = arith.cmpi slt, %iota3A, %lt3A : vector<1x32768xi32>
    %get3A = arith.constant 0 : index
    %get3A_5 = arith.constant 0 : index
    %get3A_6 = vector.load %arg1[%get3A, %get3A_5] : memref<64x32768xf32, #tpu.memory_space<vmem>>, vector<64x32768xf32>
    %jit3A = arith.constant 0.000000e+00 : f32
    %broadcast_in_dim3A = vector.shape_cast %lt3A_4 : vector<1x32768xi1> to vector<1x32768xi1>
    %broadcast_in_dim3A_7 = vector.broadcast %broadcast_in_dim3A : vector<1x32768xi1> to vector<64x32768xi1>
    %broadcast_in_dim3A_8 = vector.broadcast %jit3A : f32 to vector<64x32768xf32>
    %select_n3A = arith.select %broadcast_in_dim3A_7, %get3A_6, %broadcast_in_dim3A_8 : vector<64x32768xi1>, vector<64x32768xf32>
    %get3A_9 = arith.constant 0 : index
    %get3A_10 = arith.constant 0 : index
    %get3A_11 = vector.load %arg2[%get3A_9, %get3A_10] : memref<2x32768xf32, #tpu.memory_space<vmem>>, vector<1x32768xf32>
    %get3A_12 = arith.constant 1 : index
    %get3A_13 = arith.constant 0 : index
    %get3A_14 = vector.load %arg2[%get3A_12, %get3A_13] : memref<2x32768xf32, #tpu.memory_space<vmem>>, vector<1x32768xf32>
    %add3A = arith.addf %get3A_11, %get3A_14 : vector<1x32768xf32>
    %get3A_15 = arith.constant 0 : index
    %get3A_16 = arith.constant 0 : index
    %get3A_17 = vector.load %arg3[%get3A_15, %get3A_16] : memref<64x1xf32, #tpu.memory_space<vmem>>, vector<64x1xf32>
    %mul3A_18 = vector.broadcast %add3A : vector<1x32768xf32> to vector<64x32768xf32>
    %mul3A_19 = arith.mulf %select_n3A, %mul3A_18 : vector<64x32768xf32>
    %reduce_sum3A = arith.constant dense<0.000000e+00> : vector<64xf32>
    %reduce_sum3A_20 = vector.multi_reduction <add>, %mul3A_19, %reduce_sum3A [1] : vector<64x32768xf32> to vector<64xf32>
    %broadcast_in_dim3A_21 = vector.shape_cast %reduce_sum3A_20 : vector<64xf32> to vector<64x1xf32>
    %add3A_22 = arith.addf %get3A_17, %broadcast_in_dim3A_21 : vector<64x1xf32>
    %swap3A = arith.constant 0 : index
    %swap3A_23 = arith.constant 0 : index
    %swap3A_24 = vector.load %arg3[%swap3A, %swap3A_23] : memref<64x1xf32, #tpu.memory_space<vmem>>, vector<64x1xf32>
    tpu.vector_store %arg3[%swap3A, %swap3A_23], %add3A_22 {strides = array<i32>} : memref<64x1xf32, #tpu.memory_space<vmem>>, vector<64x1xf32>,
    return
  }
  func.func @transform_0(%arg0: i32) -> (i32, i32) {
    %c0_i32 = arith.constant 0 : i32
    %c0_i32_0 = arith.constant 0 : i32
    return %c0_i32, %arg0 : i32, i32
  }
  func.func @transform_1(%arg0: i32) -> (i32, i32) {
    %c0_i32 = arith.constant 0 : i32
    %c0_i32_0 = arith.constant 0 : i32
    return %c0_i32, %arg0 : i32, i32
  }
  func.func @transform_2(%arg0: i32) -> (i32, i32) {
    %c0_i32 = arith.constant 0 : i32
    %c0_i32_0 = arith.constant 0 : i32
    %c0_i32_1 = arith.constant 0 : i32
    return %c0_i32, %c0_i32_0 : i32, i32
  }
}

</mosaic_0001>

<sc_bundles>
// kernel: kernel.6.cloned.1.call-start
scs
__scs_entry_jumppad:
0x0: {  	(pc) =	sbr.rel $0x88, $3  }
0x1: {  	(tag) =	ssettag $0x0;
	lr =	simm.s32 $0x1  }
0x2: {  	[smem:$0x3F9C] =	sst lr;
	_ =	strace $0xD0000000  }
0x3: {  	_ = 	snop  }
0x4: {  	_ = 	snop  }
0x5: {  	_ = 	snop  }
0x6: {  	_ = 	snop  }
0x7: {  	_ = 	snop  }
__scs_overlays_trampoline_lowered:
0x8: {  	[smem:$0x3FAB] =	sst s0  }
0x9: {  	[smem:$0x3FAC] =	sst s1  }
0xa: {  	[smem:$0x3FAD] =	sst s2  }
0xb: {  	[smem:$0x3FAE] =	sst s3  }
0xc: {  	[smem:$0x3FAF] =	sst s4  }
0xd: {  	[smem:$0x3FB0] =	sst s5  }
0xe: {  	[smem:$0x3FB1] =	sst s6  }
0xf: {  	[smem:$0x3FB2] =	sst s7  }
0x10: {  	[smem:$0x3FB3] =	sst s8  }
0x11: {  	[smem:$0x3FB4] =	sst s9;
	s0 =	simm.s32 @!p0 $0x0  }
0x12: {  	s1 =	sld [smem:$0x3F9A];
	s0 =	simm.s32 @p0 $0x1  }
0x13: {  	[smem:$0x3FB5] =	sst s0;
	s0 =	simm.s32 @!p1 $0x0  }
0x14: {  	s2 =	sld [smem:$0x3F99];
	s0 =	simm.s32 @p1 $0x1  }
0x15: {  	[smem:$0x3FB6] =	sst s0;
	s0 =	simm.s32 @!p2 $0x0  }
0x16: {  	s3 =	sld [smem:$0x3FDB];
	s0 =	simm.s32 @p2 $0x1  }
0x17: {  	s4 =	simm.s32 $0x1BF5;
	[smem:$0x3FB8] =	sst s0  }
0x18: {  	s0 =	sld [smem:$0x3F9B];
	_ =	swait.ge [sflag:s4], $0x0  }
0x19: {  	s7 =	sld [smem:$0x3F9C]  }
0x1a: {  	s8 =	sadd.s32 $0xFFFFE003, lr  }
0x1b: {  	s9 =	sadd.s32 $0xFFFFFEF7, lr;
	s5 =	simm.s32 $0xFFFFFFFF;
	p2 =	slt.u32 s8, $0xFFFFF086  }
0x1c: {  	p1 =	slt.u32 s9, $0xF7A;
	s5 =	simm.s32 @!p2 $0x0  }
0x1d: {  	s5 =	simm.s32 @p1 $0x1;
	p0 =	seq.s32 s7, s2  }
0x1e: {  	s7 =	smul.u32 @!p0 $0xF7A, s2;
	p2 =	seq.s32 @!p0 s5, $0x0  }
0x1f: {  	s9 =	smul.u32 $0xF7A, s1;
	s8 =	simm.s32 @!p0 $0x1BF5;
	p2 =	por !p2, p0  }
0x20: {  	[sflag:s8] =	ssyncset.s32 @!p0 $0xFFFFF086;
	s6 =	sadd.s32 @!p0 s3, s7;
	s7 =	simm.s32 @!p0 $0x108  }
0x21: {  	s3 =	sadd.s32 s3, s9;
	s6 =	sadd.s32 @!p0 $0x88, s6;
	s7 =	simm.s32 @p2 $0x1082  }
0x22: {  	[simem:s7], [sflag:s8] =	dma.local @!p0 [hbm:s6], $0xF7A  }
0x23: {  	s9 =	sor.u32 $0xD0000000, s2;
	s6 =	simm.s32 $0x108;
	_ =	swait.ge @!p0 [sflag:s8], $0x0  }
0x24: {  	s3 =	sadd.s32 $0x88, s3;
	s6 =	simm.s32 @!p1 $0x1082;
	[sflag:s4] =	ssyncset.s32 $0xFFFFF086  }
0x25: {  	[simem:s6], [sflag:s4] =	dma.local [hbm:s3], $0xF7A  }
0x26: {  	[smem:$0x3F9C] =	sst s1;
	(tag) =	ssettag s2;
	_ =	strace s9  }
0x27: {  	s1 =	sld [smem:$0x3FAC]  }
0x28: {  	s2 =	sld [smem:$0x3FAD]  }
0x29: {  	s4 =	sld [smem:$0x3FAF]  }
0x2a: {  	p0 =	seq.s32 s5, $0x0;
	s5 =	sld [smem:$0x3FB0]  }
0x2b: {  	s6 =	sld [smem:$0x3FB1]  }
0x2c: {  	s7 =	sld [smem:$0x3FB2]  }
0x2d: {  	s3 =	simm.s32 $0x108;
	s8 =	sld [smem:$0x3FB3]  }
0x2e: {  	s3 =	simm.s32 @!p0 $0x1082;
	s9 =	sld [smem:$0x3FB4]  }
0x2f: {  	lr =	sadd.s32 s0, s3;
	s0 =	sld [smem:$0x3FAB]  }
0x30: {  	s3 =	sld [smem:$0x3FAE]  }
0x31: {  	[smem:$0x3FB7] =	sst s10  }
0x32: {  	s10 =	sld [smem:$0x3FB5];
	_ =	sdelay $0x3  }
0x33: {  	p0 =	seq.s32 s10, $0x1;
	s10 =	sld [smem:$0x3FB7];
	_ =	sdelay $0x3  }
0x34: {  	[smem:$0x3FB7] =	sst s10  }
0x35: {  	s10 =	sld [smem:$0x3FB6];
	_ =	sdelay $0x3  }
0x36: {  	p1 =	seq.s32 s10, $0x1;
	s10 =	sld [smem:$0x3FB7];
	_ =	sdelay $0x3  }
0x37: {  	[smem:$0x3FB7] =	sst s10  }
0x38: {  	s10 =	sld [smem:$0x3FB8]  }
0x39: {  	_ = 	snop;
	(pc) =	sbr.ind lr, $3  }
0x3a: {  	_ = 	snop  }
0x3b: {  	_ = 	snop  }
0x3c: {  	p2 =	seq.s32 s10, $0x1;
	s10 =	sld [smem:$0x3FB7]  }
0x3d: {  	_ =	shalt  }
0x3e: {  	_ =	shalt  }
0x3f: {  	_ =	shalt  }
0x40: {  	_ =	shalt  }
0x41: {  	_ =	shalt  }
0x42: {  	_ =	shalt  }
0x43: {  	_ =	shalt  }
0x44: {  	_ =	shalt  }
0x45: {  	_ =	shalt  }
0x46: {  	_ =	shalt  }
0x47: {  	_ =	shalt  }
0x48: {  	_ =	shalt  }
0x49: {  	_ =	shalt  }
0x4a: {  	_ =	shalt  }
0x4b: {  	_ =	shalt  }
0x4c: {  	_ =	shalt  }
0x4d: {  	_ =	shalt  }
0x4e: {  	_ =	shalt  }
0x4f: {  	_ =	shalt  }
0x50: {  	_ =	shalt  }
0x51: {  	_ =	shalt  }
0x52: {  	_ =	shalt  }
0x53: {  	_ =	shalt  }
0x54: {  	_ =	shalt  }
0x55: {  	_ =	shalt  }
0x56: {  	_ =	shalt  }
0x57: {  	_ =	shalt  }
0x58: {  	_ =	shalt  }
0x59: {  	_ =	shalt  }
0x5a: {  	_ =	shalt  }
0x5b: {  	_ =	shalt  }
0x5c: {  	_ =	shalt  }
0x5d: {  	_ =	shalt  }
0x5e: {  	_ =	shalt  }
0x5f: {  	_ =	shalt  }
0x60: {  	_ =	shalt  }
0x61: {  	_ =	shalt  }
0x62: {  	_ =	shalt  }
0x63: {  	_ =	shalt  }
0x64: {  	_ =	shalt  }
0x65: {  	_ =	shalt  }
0x66: {  	_ =	shalt  }
0x67: {  	_ =	shalt  }
0x68: {  	_ =	shalt  }
0x69: {  	_ =	shalt  }
0x6a: {  	_ =	shalt  }
0x6b: {  	_ =	shalt  }
0x6c: {  	_ =	shalt  }
0x6d: {  	_ =	shalt  }
0x6e: {  	_ =	shalt  }
0x6f: {  	_ =	shalt  }
0x70: {  	_ =	shalt  }
0x71: {  	_ =	shalt  }
0x72: {  	_ =	shalt  }
0x73: {  	_ =	shalt  }
0x74: {  	_ =	shalt  }
0x75: {  	_ =	shalt  }
0x76: {  	_ =	shalt  }
0x77: {  	_ =	shalt  }
0x78: {  	_ =	shalt  }
0x79: {  	_ =	shalt  }
0x7a: {  	_ =	shalt  }
0x7b: {  	_ =	shalt  }
0x7c: {  	_ =	shalt  }
0x7d: {  	_ =	shalt  }
0x7e: {  	_ =	shalt  }
0x7f: {  	_ =	shalt  }
0x80: {  	_ =	shalt  }
0x81: {  	_ =	shalt  }
0x82: {  	_ =	shalt  }
0x83: {  	_ =	shalt  }
0x84: {  	_ =	shalt  }
0x85: {  	_ =	shalt  }
0x86: {  	_ =	shalt  }
0x87: {  	_ =	shalt  }
.Lfunc_end0:
.L_simem_size_0:
called_computation_lowered:
.L_overlay_start_0:
0x88: {  	s2 =	sld [smem:$0x3FD9]  }
0x89: {  	s3 =	sld [smem:$0x3FFE];
	_ =	sdelay $0x1  }
0x8a: {  	s1 =	srdreg.scid  }
0x8b: {  	s0 =	sand.u32 $0x1, s1  }
0x8c: {  	s17 =	sshll.u32 s0, $0xA;
	s2 =	sadd.s32 s3, s2  }
0x8d: {  	s2 =	sadd.s32 s2, s17  }
0x8e: {  	[smem:$0x3FC3] =	sst s2  }
0x8f: {  	_ = 	snop  }
0x90: {  	s2 =	sld [smem:$0x3FC9];
	(tm) =	ssettm $0x1  }
0x91: {  	s18 =	sld [smem:$0x3FFB];
	_ =	sdelay $0x3  }
0x92: {  	_ =	strace s18  }
0x93: {  	s3 =	sld [smem:$0x3FFC];
	_ =	sdelay $0x3  }
0x94: {  	_ =	strace s3  }
0x95: {  	s3 =	sld [smem:$0x3FFD];
	_ =	sdelay $0x3  }
0x96: {  	_ =	strace s3  }
0x97: {  	_ =	strace $0x8FFFFFFF  }
0x98: {  	s19 =	sld [smem:$0x3FDB];
	_ =	sdelay $0x1  }
0x99: {  	s4 =	simm.s32 $_scs_section_size  }
0x9a: {  	s5 =	simm.s32 $_size__tile_overlayer_lowered;
	s6 =	simm.s32 $_tile_overlayer_lowered  }
0x9b: {  	s22 =	simm.s32 $0x1BFF;
	s21 =	sshll.u32 s6, $0x1;
	s3 =	sadd.s32 s4, s19  }
0x9c: {  	s7 =	simm.s32 $0x0;
	s20 =	sshll.u32 s5, $0x1;
	s5 =	sadd.s32 s21, s3  }
0x9d: {  	[timem:s7], [sflag:s22] =	dma.local [hbm:s5], s20  }
0x9e: {  	_ =	swait.ge [sflag:s22], s20  }
0x9f: {  	s4 =	ssub.s32 $0x0, s20;
	[sflag:s22] =	ssyncset.done $0x0  }
0xa0: {  	[sflag:s22] =	ssyncadd.s32 s4;
	_ =	sdelay $0x1  }
0xa1: {  	s23 =	simm.s32 $0x1B8B  }
0xa2: {  	_ =	swait.ge [sflag:s23], $0x1  }
0xa3: {  	[sflag:s23] =	ssyncset.done $0x0  }
0xa4: {  	s25 =	simm.s32 $0x1B8E;
	s24 =	sld [smem:$0x3FFE];
	[sflag:s23] =	ssyncadd.s32 $0xFFFFFFFF  }
0xa5: {  	s26 =	simm.s32 $execute0_lowered;
	[smem:$0x3FD2] =	sst s25  }
0xa6: {  	s5 =	sshll.u32 s26, $0x1;
	_ =	strace $0x80000046;
	[dreg:$0x1] =	wrdreg $0xFFFFFFFF  }
0xa7: {  	s28 =	simm.s32 $_size_execute0_lowered;
	s3 =	sadd.s32 s3, s5;
	[dreg:$0x0] =	wrdreg $0x0  }
0xa8: {  	s5 =	sshll.u32 s28, $0x1;
	[dreg:$0x2] =	wrdreg s3  }
0xa9: {  	[dreg:$0x3] =	wrdreg s5  }
0xaa: {  	[dreg:$0x4] =	wrdreg $0xC0  }
0xab: {  	_ =	task [dreg:s7], $0x5FFFF  }
0xac: {  	[dreg:$0x1] =	wrdreg $0xFFFFFFFF  }
0xad: {  	[dreg:$0x0] =	wrdreg $0x60  }
0xae: {  	[dreg:$0x2] =	wrdreg s2  }
0xaf: {  	[dreg:$0x3] =	wrdreg s24  }
0xb0: {  	[dreg:$0x4] =	wrdreg $0x5C800  }
0xb1: {  	[dreg:$0x5] =	wrdreg $0x9  }
0xb2: {  	_ =	task.clear_ibuf [dreg:s7], $0x6FFFF;
	_ =	strace $0x90000046  }
0xb3: {  	s29 =	simm.s32 $0x9;
	_ =	strace $0x80000048  }
0xb4: {  	_ =	swait.ge [sflag:s29], $0x1  }
0xb5: {  	[sflag:s29] =	ssyncadd.s32 $0xFFFFFFFF  }
0xb6: {  	_ =	strace $0x90000048  }
0xb7: {  	_ =	sfence  }
0xb8: {  	s30 =	sld [smem:$0x0];
	_ =	sdelay $0x2  }
0xb9: {  	s31 =	sshll.u32 s1, $0xD;
	s1 =	sshrl.u32 s1, $0x2  }
0xba: {  	s3 =	sand.u32 $0x4000, s31;
	s1 =	sadd.s32 s1, s30  }
0xbb: {  	s0 =	sor.u32 s3, s0;
	s1 =	sshll.u32 s1, $0x11  }
0xbc: {  	s0 =	sor.u32 s1, s0  }
0xbd: {  	s0 =	sadd.s32 $0x8F2B, s0  }
0xbe: {  	[sflag:s0] =	ssyncadd.remote.s32 $0x1  }
0xbf: {  	_ =	sfence.sel $0xFFFF  }
0xc0: {  	[dreg:$0x0] =	wrdreg $0xFFFFFFFF;
	(pc) =	sbr.abs _section_cstart, $3  }
0xc1: {  	[dreg:$0x1] =	wrdreg $0xFFFFFFFF  }
0xc2: {  	_ =	task.clear_ibuf [dreg:s7], $0x2FFFF;
	_ =	strace $0x9FFFFFFF  }
0xc3: {  	(tm) =	ssettm $0x7FFFFFFF  }
tec
execute0_lowered:
.L_overlay_start_1:
0x0: {  	(tag) =	ssettag $0x1  }
0x1: {  	s1 =	srdreg.scid;
	s8 =	stileid.u32  }
0x2: {  	s1 =	sand.u32 $0x1, s1;
	s3 =	sshll.u32 s8, $0x1  }
0x3: {  	s5 =	sor.u32 s1, s3  }
0x4: {  	s5 =	smul.u32 $0x1880, s5  }
0x5: {  	s0 =	rddreg [dreg:$0x0]  }
0x6: {  	s4 =	rddreg [dreg:$0x1];
	s5 =	sshrl.u32 s5, $0x3  }
0x7: {  	s2 =	rddreg [dreg:$0x2];
	s3 =	simm.s32 $0x0;
	s0 =	sadd.s32 s0, s5  }
0x8: {  	[smem:$0x7FF] =	sst s3;
	s5 =	sadd.s32 $0x200, s0  }
0x9: {  	_ =	strace $0x80000047;
	s12 =	sadd.s32 $0x210, s0;
	[dreg:$0x4] =	wrdreg s5  }
0xa: {  	s13 =	sadd.s32 $0x220, s0;
	[dreg:$0x5] =	wrdreg s12  }
0xb: {  	s14 =	sadd.s32 $0x230, s0;
	[dreg:$0x6] =	wrdreg s13  }
0xc: {  	s15 =	sadd.s32 $0x240, s0;
	[dreg:$0x7] =	wrdreg s14  }
0xd: {  	s16 =	sadd.s32 $0x250, s0;
	[dreg:$0x8] =	wrdreg s15  }
0xe: {  	s17 =	sadd.s32 $0x260, s0;
	[dreg:$0x9] =	wrdreg s16  }
0xf: {  	s18 =	sadd.s32 $0x270, s0;
	[dreg:$0xa] =	wrdreg s17  }
0x10: {  	s19 =	sadd.s32 $0x280, s0;
	[dreg:$0xb] =	wrdreg s18  }
0x11: {  	s20 =	sadd.s32 $0x290, s0;
	[dreg:$0xc] =	wrdreg s19  }
0x12: {  	s21 =	sadd.s32 $0x2A0, s0;
	[dreg:$0xd] =	wrdreg s20  }
0x13: {  	s22 =	sadd.s32 $0x2B0, s0;
	[dreg:$0xe] =	wrdreg s21  }
0x14: {  	s6 =	ssub.s32 $0x2, s1;
	s23 =	sadd.s32 $0x2C0, s0;
	[dreg:$0xf] =	wrdreg s22  }
0x15: {  	s1 =	sshll.u32 s1, $0x4;
	s24 =	sadd.s32 $0x2D0, s0;
	[dreg:$0x10] =	wrdreg s23  }
0x16: {  	s7 =	sshrl.u32 s6, $0x1;
	s25 =	sadd.s32 $0x2E0, s0;
	[dreg:$0x11] =	wrdreg s24  }
0x17: {  	s1 =	sadd.s32 s1, s4;
	s26 =	sadd.s32 $0x2F0, s0;
	[dreg:$0x12] =	wrdreg s25  }
0x18: {  	s4 =	ssub.s32 s6, s7;
	s6 =	sadd.s32 $0x300, s0;
	[dreg:$0x13] =	wrdreg s26  }
0x19: {  	s7 =	sadd.s32 $0x310, s0;
	[dreg:$0x14] =	wrdreg s6  }
0x1a: {  	s10 =	sadd.s32 $0x320, s0;
	[dreg:$0x15] =	wrdreg s7  }
0x1b: {  	s9 =	sshll.u32 s8, $0xE;
	s11 =	sadd.s32 $0x330, s0;
	[dreg:$0x16] =	wrdreg s10  }
0x1c: {  	s1 =	sadd.s32 s9, s1;
	s9 =	sadd.s32 $0x450, s0;
	[dreg:$0x17] =	wrdreg s11  }
0x1d: {  	s12 =	sadd.s32 $0x340, s0;
	[smem:$0x7EC] =	sst s9  }
0x1e: {  	s13 =	sadd.s32 $0x350, s0;
	[dreg:$0x18] =	wrdreg s12  }
0x1f: {  	s14 =	sadd.s32 $0x360, s0;
	[dreg:$0x19] =	wrdreg s13  }
0x20: {  	s15 =	sadd.s32 $0x370, s0;
	[dreg:$0x1a] =	wrdreg s14  }
0x21: {  	s16 =	sadd.s32 $0x380, s0;
	[dreg:$0x1b] =	wrdreg s15  }
0x22: {  	s17 =	sadd.s32 $0x390, s0;
	[dreg:$0x1c] =	wrdreg s16  }
0x23: {  	s18 =	sadd.s32 $0x3A0, s0;
	[dreg:$0x1d] =	wrdreg s17  }
0x24: {  	s19 =	sadd.s32 $0x3B0, s0;
	[dreg:$0x1e] =	wrdreg s18  }
0x25: {  	s20 =	sadd.s32 $0x3C0, s0;
	[dreg:$0x1f] =	wrdreg s19  }
0x26: {  	s21 =	sadd.s32 $0x3D0, s0;
	[smem:$0x7E3] =	sst s20  }
0x27: {  	s22 =	sadd.s32 $0x3E0, s0;
	[smem:$0x7E4] =	sst s21  }
0x28: {  	s23 =	sadd.s32 $0x3F0, s0;
	[smem:$0x7E5] =	sst s22  }
0x29: {  	s24 =	sadd.s32 $0x400, s0;
	[smem:$0x7E6] =	sst s23  }
0x2a: {  	s25 =	sadd.s32 $0x410, s0;
	[smem:$0x7E7] =	sst s24  }
0x2b: {  	s26 =	sadd.s32 $0x420, s0;
	[smem:$0x7E8] =	sst s25  }
0x2c: {  	s6 =	sadd.s32 $0x430, s0;
	[smem:$0x7E9] =	sst s26  }
0x2d: {  	s31 =	simm.s32 $0x80;
	s7 =	sadd.s32 $0x440, s0;
	[smem:$0x7EA] =	sst s6  }
0x2e: {  	s28 =	simm.s32 $0x100;
	s10 =	sadd.s32 $0x460, s0;
	[smem:$0x7EB] =	sst s7  }
0x2f: {  	s30 =	simm.s32 $0xE80;
	s11 =	sadd.s32 $0x470, s0;
	[smem:$0x7ED] =	sst s10  }
0x30: {  	s29 =	simm.s32 $0x0;
	[smem:$0x7EE] =	sst s11;
	s12 =	sadd.s32 $0x480, s0  }
0x31: {  	s9 =	simm.s32 $0xF00;
	s13 =	sadd.s32 $0x490, s0;
	[smem:$0x7EF] =	sst s12  }
0x32: {  	s5 =	simm.s32 $0x1780;
	s14 =	sadd.s32 $0x4A0, s0;
	[smem:$0x7F0] =	sst s13  }
0x33: {  	s15 =	sadd.s32 $0x4B0, s0;
	s16 =	sadd.s32 $0x4C0, s0;
	[smem:$0x7F1] =	sst s14  }
0x34: {  	s17 =	sadd.s32 $0x4D0, s0;
	s18 =	sadd.s32 $0x4E0, s0;
	[smem:$0x7F2] =	sst s15  }
0x35: {  	s19 =	sadd.s32 $0x4F0, s0;
	s0 =	sadd.s32 $0x500, s0;
	[smem:$0x7F3] =	sst s16  }
0x36: {  	s20 =	sshll.u32 s8, $0x10;
	s22 =	sadd.s32 $0x1200, s1;
	[smem:$0x7F4] =	sst s17  }
0x37: {  	s23 =	smax.u32 s4, $0x1;
	s8 =	simm.s32 $0x200;
	[smem:$0x7F5] =	sst s18  }
0x38: {  	s10 =	simm.s32 $0xF80;
	s11 =	simm.s32 $0x1000;
	[smem:$0x7F6] =	sst s19  }
0x39: {  	s7 =	simm.s32 $0x1800;
	s1 =	simm.s32 $0x1;
	[smem:$0x7F7] =	sst s0  }
0x3a: {  	s4 =	simm.s32 $0x3;
	s21 =	sadd.s32 s20, s2;
	[smem:$0x7F8] =	sst s22  }
0x3b: {  	[smem:$0x7F9] =	sst s23;
	s12 =	simm.s32 $0x1080;
	s13 =	simm.s32 $0x1100  }
0x3c: {  	s14 =	simm.s32 $0x1180;
	s15 =	simm.s32 $0x1200;
	s16 =	simm.s32 $0x1280  }
0x3d: {  	s17 =	simm.s32 $0x1300;
	s18 =	simm.s32 $0x1380;
	s19 =	simm.s32 $0x1400  }
0x3e: {  	s20 =	simm.s32 $0x1480;
	s24 =	sadd.s32 $0x4000, s21;
	[smem:$0x7FC] =	sst s21  }
0x3f: {  	s22 =	simm.s32 $0x1680;
	s25 =	sadd.s32 $0x8000, s21;
	[smem:$0x7FA] =	sst s24  }
0x40: {  	s23 =	simm.s32 $0x1700;
	s26 =	sadd.s32 $0xC000, s21;
	[smem:$0x7FB] =	sst s25  }
0x41: {  	s0 =	simm.s32 $0x1C00;
	s21 =	simm.s32 $0x1500;
	[smem:$0x7FD] =	sst s26  }
0x42: {  	v0 =	vimm.f32 $0.0e+00;
	v1 =	vimm.f32 $1.000000000e+00;
	s26 =	simm.s32 $0x180;
	s25 =	simm.s32 $0x1580;
	s24 =	simm.s32 $0x1600  }
.LBB2_1:
0x43: {  	[smem:$0x7E2] =	sst s29  }
0x44: {  	s6 =	rddreg [dreg:$0x4]  }
0x45: {  	[tilespmem:s3], [sflag:$0x1] =	stream.linear.gather [hbm4b:s6+s3], $0x80, $0x38;
	[tilespmem:$0x15C80] =	vst v63  }
0x46: {  	s29 =	rddreg [dreg:$0x5]  }
0x47: {  	[tilespmem:s31], [sflag:$0x1] =	stream.linear.gather [hbm4b:s29+s3], $0x80, $0x38;
	[tilespmem:$0x15C80] =	vst v63  }
0x48: {  	s29 =	rddreg [dreg:$0x6]  }
0x49: {  	[tilespmem:s28], [sflag:$0x1] =	stream.linear.gather [hbm4b:s29+s3], $0x80, $0x38;
	[tilespmem:$0x15C80] =	vst v63  }
0x4a: {  	s29 =	rddreg [dreg:$0x7]  }
0x4b: {  	[tilespmem:s26], [sflag:$0x1] =	stream.linear.gather [hbm4b:s29+s3], $0x80, $0x38;
	[tilespmem:$0x15C80] =	vst v63  }
0x4c: {  	s29 =	rddreg [dreg:$0x8]  }
0x4d: {  	s26 =	rddreg [dreg:$0x9]  }
0x4e: {  	[tilespmem:s8], [sflag:$0x1] =	stream.linear.gather [hbm4b:s29+s3], $0x80, $0x38;
	[tilespmem:$0x15C80] =	vst v63  }
0x4f: {  	s29 =	simm.s32 $0x280;
	s8 =	sld [smem:$0x7E3]  }
0x50: {  	[tilespmem:s29], [sflag:$0x1] =	stream.linear.gather [hbm4b:s26+s3], $0x80, $0x38;
	[tilespmem:$0x15C80] =	vst v63  }
0x51: {  	s26 =	rddreg [dreg:$0xa];
	s29 =	simm.s32 $0x300  }
0x52: {  	[tilespmem:s29], [sflag:$0x1] =	stream.linear.gather [hbm4b:s26+s3], $0x80, $0x38;
	[tilespmem:$0x15C80] =	vst v63  }
0x53: {  	s26 =	rddreg [dreg:$0xb];
	s29 =	simm.s32 $0x380  }
0x54: {  	[tilespmem:s29], [sflag:$0x1] =	stream.linear.gather [hbm4b:s26+s3], $0x80, $0x38;
	[tilespmem:$0x15C80] =	vst v63  }
0x55: {  	s26 =	rddreg [dreg:$0xc];
	s29 =	simm.s32 $0x400  }
0x56: {  	[tilespmem:s29], [sflag:$0x1] =	stream.linear.gather [hbm4b:s26+s3], $0x80, $0x38;
	[tilespmem:$0x15C80] =	vst v63  }
0x57: {  	s26 =	rddreg [dreg:$0xd];
	s29 =	simm.s32 $0x480  }
0x58: {  	[tilespmem:s29], [sflag:$0x1] =	stream.linear.gather [hbm4b:s26+s3], $0x80, $0x38;
	[tilespmem:$0x15C80] =	vst v63  }
0x59: {  	s26 =	rddreg [dreg:$0xe];
	s29 =	simm.s32 $0x500  }
0x5a: {  	[tilespmem:s29], [sflag:$0x1] =	stream.linear.gather [hbm4b:s26+s3], $0x80, $0x38;
	[tilespmem:$0x15C80] =	vst v63  }
0x5b: {  	s26 =	rddreg [dreg:$0xf];
	s29 =	simm.s32 $0x580  }
0x5c: {  	[tilespmem:s29], [sflag:$0x1] =	stream.linear.gather [hbm4b:s26+s3], $0x80, $0x38;
	[tilespmem:$0x15C80] =	vst v63  }
0x5d: {  	s26 =	rddreg [dreg:$0x10];
	s29 =	simm.s32 $0x600  }
0x5e: {  	[tilespmem:s29], [sflag:$0x1] =	stream.linear.gather [hbm4b:s26+s3], $0x80, $0x38;
	[tilespmem:$0x15C80] =	vst v63  }
0x5f: {  	s26 =	rddreg [dreg:$0x11];
	s29 =	simm.s32 $0x680  }
0x60: {  	[tilespmem:s29], [sflag:$0x1] =	stream.linear.gather [hbm4b:s26+s3], $0x80, $0x38;
	[tilespmem:$0x15C80] =	vst v63  }
0x61: {  	s26 =	rddreg [dreg:$0x12];
	s29 =	simm.s32 $0x700  }
0x62: {  	[tilespmem:s29], [sflag:$0x1] =	stream.linear.gather [hbm4b:s26+s3], $0x80, $0x38;
	[tilespmem:$0x15C80] =	vst v63  }
0x63: {  	s26 =	rddreg [dreg:$0x13];
	s29 =	simm.s32 $0x780  }
0x64: {  	[tilespmem:s29], [sflag:$0x1] =	stream.linear.gather [hbm4b:s26+s3], $0x80, $0x38;
	[tilespmem:$0x15C80] =	vst v63  }
0x65: {  	s26 =	rddreg [dreg:$0x14];
	s29 =	simm.s32 $0x800  }
0x66: {  	[tilespmem:s29], [sflag:$0x1] =	stream.linear.gather [hbm4b:s26+s3], $0x80, $0x38;
	[tilespmem:$0x15C80] =	vst v63  }
0x67: {  	s26 =	rddreg [dreg:$0x15];
	s29 =	simm.s32 $0x880  }
0x68: {  	[tilespmem:s29], [sflag:$0x1] =	stream.linear.gather [hbm4b:s26+s3], $0x80, $0x38;
	[tilespmem:$0x15C80] =	vst v63  }
0x69: {  	s26 =	rddreg [dreg:$0x16];
	s29 =	simm.s32 $0x900  }
0x6a: {  	[tilespmem:s29], [sflag:$0x1] =	stream.linear.gather [hbm4b:s26+s3], $0x80, $0x38;
	[tilespmem:$0x15C80] =	vst v63  }
0x6b: {  	s26 =	rddreg [dreg:$0x17];
	s29 =	simm.s32 $0x980  }
0x6c: {  	[tilespmem:s29], [sflag:$0x1] =	stream.linear.gather [hbm4b:s26+s3], $0x80, $0x38;
	[tilespmem:$0x15C80] =	vst v63  }
0x6d: {  	s26 =	rddreg [dreg:$0x18];
	s29 =	simm.s32 $0xA00  }
0x6e: {  	[tilespmem:s29], [sflag:$0x1] =	stream.linear.gather [hbm4b:s26+s3], $0x80, $0x38;
	[tilespmem:$0x15C80] =	vst v63  }
0x6f: {  	s26 =	rddreg [dreg:$0x19];
	s29 =	simm.s32 $0xA80  }
0x70: {  	[tilespmem:s29], [sflag:$0x1] =	stream.linear.gather [hbm4b:s26+s3], $0x80, $0x38;
	[tilespmem:$0x15C80] =	vst v63  }
0x71: {  	s26 =	rddreg [dreg:$0x1a];
	s29 =	simm.s32 $0xB00  }
0x72: {  	[tilespmem:s29], [sflag:$0x1] =	stream.linear.gather [hbm4b:s26+s3], $0x80, $0x38;
	[tilespmem:$0x15C80] =	vst v63  }
0x73: {  	s26 =	rddreg [dreg:$0x1b];
	s29 =	simm.s32 $0xB80  }
0x74: {  	[tilespmem:s29], [sflag:$0x1] =	stream.linear.gather [hbm4b:s26+s3], $0x80, $0x38;
	[tilespmem:$0x15C80] =	vst v63  }
0x75: {  	s26 =	rddreg [dreg:$0x1c];
	s29 =	simm.s32 $0xC00  }
0x76: {  	[tilespmem:s29], [sflag:$0x1] =	stream.linear.gather [hbm4b:s26+s3], $0x80, $0x38;
	[tilespmem:$0x15C80] =	vst v63  }
0x77: {  	s26 =	rddreg [dreg:$0x1d];
	s29 =	simm.s32 $0xC80  }
0x78: {  	[tilespmem:s29], [sflag:$0x1] =	stream.linear.gather [hbm4b:s26+s3], $0x80, $0x38;
	[tilespmem:$0x15C80] =	vst v63  }
0x79: {  	s26 =	rddreg [dreg:$0x1e];
	s29 =	simm.s32 $0xD00  }
0x7a: {  	[tilespmem:s29], [sflag:$0x1] =	stream.linear.gather [hbm4b:s26+s3], $0x80, $0x38;
	[tilespmem:$0x15C80] =	vst v63  }
0x7b: {  	s26 =	rddreg [dreg:$0x1f];
	s29 =	simm.s32 $0xD80  }
0x7c: {  	[tilespmem:s29], [sflag:$0x1] =	stream.linear.gather [hbm4b:s26+s3], $0x80, $0x38;
	[tilespmem:$0x15C80] =	vst v63  }
0x7d: {  	s26 =	simm.s32 $0xE00;
	s29 =	sld [smem:$0x7E4]  }
0x7e: {  	[tilespmem:s26], [sflag:$0x1] =	stream.linear.gather [hbm4b:s8+s3], $0x80, $0x38;
	[tilespmem:$0x15C80] =	vst v63  }
0x7f: {  	_ = 	snop  }
0x80: {  	[tilespmem:s30], [sflag:$0x1] =	stream.linear.gather [hbm4b:s29+s3], $0x80, $0x38;
	[tilespmem:$0x15C80] =	vst v63  }
0x81: {  	s30 =	sld [smem:$0x7E5];
	_ =	sdelay $0x1  }
0x82: {  	s8 =	sld [smem:$0x7E6]  }
0x83: {  	[tilespmem:s9], [sflag:$0x1] =	stream.linear.gather [hbm4b:s30+s3], $0x80, $0x38;
	[tilespmem:$0x15C80] =	vst v63  }
0x84: {  	s9 =	sld [smem:$0x7E7]  }
0x85: {  	[tilespmem:s10], [sflag:$0x1] =	stream.linear.gather [hbm4b:s8+s3], $0x80, $0x38;
	[tilespmem:$0x15C80] =	vst v63  }
0x86: {  	s10 =	sld [smem:$0x7E8]  }
0x87: {  	[tilespmem:s11], [sflag:$0x1] =	stream.linear.gather [hbm4b:s9+s3], $0x80, $0x38;
	[tilespmem:$0x15C80] =	vst v63  }
0x88: {  	s11 =	sld [smem:$0x7E9]  }
0x89: {  	[tilespmem:s12], [sflag:$0x1] =	stream.linear.gather [hbm4b:s10+s3], $0x80, $0x38;
	[tilespmem:$0x15C80] =	vst v63  }
0x8a: {  	s12 =	sld [smem:$0x7EA]  }
0x8b: {  	[tilespmem:s13], [sflag:$0x1] =	stream.linear.gather [hbm4b:s11+s3], $0x80, $0x38;
	[tilespmem:$0x15C80] =	vst v63  }
0x8c: {  	s13 =	sld [smem:$0x7EB]  }
0x8d: {  	[tilespmem:s14], [sflag:$0x1] =	stream.linear.gather [hbm4b:s12+s3], $0x80, $0x38;
	[tilespmem:$0x15C80] =	vst v63  }
0x8e: {  	s14 =	sld [smem:$0x7EC]  }
0x8f: {  	[tilespmem:s15], [sflag:$0x1] =	stream.linear.gather [hbm4b:s13+s3], $0x80, $0x38;
	[tilespmem:$0x15C80] =	vst v63  }
0x90: {  	s15 =	sld [smem:$0x7ED]  }
0x91: {  	[tilespmem:s16], [sflag:$0x1] =	stream.linear.gather [hbm4b:s14+s3], $0x80, $0x38;
	[tilespmem:$0x15C80] =	vst v63  }
0x92: {  	s16 =	sld [smem:$0x7EE]  }
0x93: {  	[tilespmem:s17], [sflag:$0x1] =	stream.linear.gather [hbm4b:s15+s3], $0x80, $0x38;
	[tilespmem:$0x15C80] =	vst v63  }
0x94: {  	s17 =	sld [smem:$0x7EF]  }
0x95: {  	[tilespmem:s18], [sflag:$0x1] =	stream.linear.gather [hbm4b:s16+s3], $0x80, $0x38;
	[tilespmem:$0x15C80] =	vst v63  }
0x96: {  	s18 =	sld [smem:$0x7F0]  }
0x97: {  	[tilespmem:s19], [sflag:$0x1] =	stream.linear.gather [hbm4b:s17+s3], $0x80, $0x38;
	[tilespmem:$0x15C80] =	vst v63  }
0x98: {  	s19 =	sld [smem:$0x7F1]  }
0x99: {  	[tilespmem:s20], [sflag:$0x1] =	stream.linear.gather [hbm4b:s18+s3], $0x80, $0x38;
	[tilespmem:$0x15C80] =	vst v63  }
0x9a: {  	s20 =	sld [smem:$0x7F2]  }
0x9b: {  	[tilespmem:s21], [sflag:$0x1] =	stream.linear.gather [hbm4b:s19+s3], $0x80, $0x38;
	[tilespmem:$0x15C80] =	vst v63  }
0x9c: {  	s21 =	sld [smem:$0x7F3]  }
0x9d: {  	[tilespmem:s25], [sflag:$0x1] =	stream.linear.gather [hbm4b:s20+s3], $0x80, $0x38;
	[tilespmem:$0x15C80] =	vst v63  }
0x9e: {  	s25 =	sld [smem:$0x7F4]  }
0x9f: {  	[tilespmem:s24], [sflag:$0x1] =	stream.linear.gather [hbm4b:s21+s3], $0x80, $0x38;
	[tilespmem:$0x15C80] =	vst v63  }
0xa0: {  	s26 =	sld [smem:$0x7F5]  }
0xa1: {  	[tilespmem:s22], [sflag:$0x1] =	stream.linear.gather [hbm4b:s25+s3], $0x80, $0x38;
	[tilespmem:$0x15C80] =	vst v63  }
0xa2: {  	s29 =	sld [smem:$0x7F6]  }
0xa3: {  	[tilespmem:s23], [sflag:$0x1] =	stream.linear.gather [hbm4b:s26+s3], $0x80, $0x38;
	[tilespmem:$0x15C80] =	vst v63  }
0xa4: {  	s30 =	sld [smem:$0x7F7]  }
0xa5: {  	[tilespmem:s5], [sflag:$0x1] =	stream.linear.gather [hbm4b:s29+s3], $0x80, $0x38;
	[tilespmem:$0x15C80] =	vst v63  }
0xa6: {  	s6 =	simm.s32 $0x0;
	s26 =	simm.s32 $0x40  }
0xa7: {  	[tilespmem:s7], [sflag:$0x1] =	stream.linear.gather [hbm4b:s30+s3], $0x80, $0x38;
	[tilespmem:$0x15C80] =	vst v63  }
.LBB2_2:
0xa8: {  	p0 =	sne.s32 s26, $0xFFC0;
	[tilespmem:s6+$0x1C80] =	vst v0;
	s6 =	smov.u32 s26;
	s26 =	sadd.s32 $0x40, s26  }
.Ltmp0:
0xa9: {  	(pc) =	sbr.rel @p0 .LBB2_2-.Ltmp0, $2  }
0xaa: {  	_ =	sdelay $0x2  }
0xab: {  	s6 =	sshra.s32 s6, $0x2  }
0xac: {  	[tilespmem:s6+$0x1C80] =	vst v0  }
0xad: {  	[tilespmem:$0x1C00] =	vst v1  }
0xae: {  	[tilespmem:$0x1C10] =	vst v1  }
0xaf: {  	[tilespmem:$0x1C20] =	vst v1  }
0xb0: {  	[tilespmem:$0x1C30] =	vst v1  }
0xb1: {  	[tilespmem:$0x1C40] =	vst v1  }
0xb2: {  	s26 =	sld [smem:$0x7FC];
	[tilespmem:$0x1C50] =	vst v1  }
0xb3: {  	[tilespmem:$0x1C60] =	vst v1  }
0xb4: {  	s5 =	simm.s32 $0x1C80;
	s18 =	sld [smem:$0x7FA];
	[tilespmem:$0x1C70] =	vst v1  }
0xb5: {  	[spmem:s26] =	stream.linear.scatter [tilespmem:s5], [sflag:$0x2], $0x4000, $0x38;
	[tilespmem:$0x15C80] =	vst v63  }
0xb6: {  	s19 =	sld [smem:$0x7FB]  }
0xb7: {  	[spmem:s18] =	stream.linear.scatter [tilespmem:s5], [sflag:$0x2], $0x4000, $0x38;
	[tilespmem:$0x15C80] =	vst v63  }
0xb8: {  	s20 =	sld [smem:$0x7FD]  }
0xb9: {  	[spmem:s19] =	stream.linear.scatter [tilespmem:s5], [sflag:$0x2], $0x4000, $0x38;
	[tilespmem:$0x15C80] =	vst v63  }
0xba: {  	s21 =	simm.s32 $0x2  }
0xbb: {  	[spmem:s20] =	stream.linear.scatter [tilespmem:s5], [sflag:$0x2], $0x4000, $0x38;
	[tilespmem:$0x15C80] =	vst v63  }
0xbc: {  	_ =	swait.ge [sflag:s21], $0x4000  }
0xbd: {  	[sflag:s21] =	ssyncset.done $0x0  }
0xbe: {  	[sflag:s21] =	ssyncadd.s32 $0xFFFFC000  }
0xbf: {  	_ =	swait.ge [sflag:s21], $0x4000  }
0xc0: {  	[sflag:s21] =	ssyncset.done $0x0  }
0xc1: {  	[sflag:s21] =	ssyncadd.s32 $0xFFFFC000  }
0xc2: {  	_ =	swait.ge [sflag:s21], $0x4000  }
0xc3: {  	[sflag:s21] =	ssyncset.done $0x0  }
0xc4: {  	[sflag:s21] =	ssyncadd.s32 $0xFFFFC000  }
0xc5: {  	_ =	swait.ge [sflag:s21], $0x4000  }
0xc6: {  	[sflag:s21] =	ssyncset.done $0x0  }
0xc7: {  	[sflag:s21] =	ssyncadd.s32 $0xFFFFC000  }
0xc8: {  	_ =	swait.ge [sflag:s1], $0x80  }
0xc9: {  	[sflag:s1] =	ssyncset.done $0x0  }
0xca: {  	[sflag:s1] =	ssyncadd.s32 $0xFFFFFF80  }
0xcb: {  	_ =	swait.ge [sflag:s1], $0x80  }
0xcc: {  	[sflag:s1] =	ssyncset.done $0x0  }
0xcd: {  	[sflag:s1] =	ssyncadd.s32 $0xFFFFFF80  }
0xce: {  	_ =	swait.ge [sflag:s1], $0x80  }
0xcf: {  	[sflag:s1] =	ssyncset.done $0x0  }
0xd0: {  	[sflag:s1] =	ssyncadd.s32 $0xFFFFFF80  }
0xd1: {  	_ =	swait.ge [sflag:s1], $0x80  }
0xd2: {  	[sflag:s1] =	ssyncset.done $0x0  }
0xd3: {  	[sflag:s1] =	ssyncadd.s32 $0xFFFFFF80  }
0xd4: {  	_ =	swait.ge [sflag:s1], $0x80  }
0xd5: {  	[sflag:s1] =	ssyncset.done $0x0  }
0xd6: {  	[sflag:s1] =	ssyncadd.s32 $0xFFFFFF80  }
0xd7: {  	_ =	swait.ge [sflag:s1], $0x80  }
0xd8: {  	[sflag:s1] =	ssyncset.done $0x0  }
0xd9: {  	[sflag:s1] =	ssyncadd.s32 $0xFFFFFF80  }
0xda: {  	_ =	swait.ge [sflag:s1], $0x80  }
0xdb: {  	[sflag:s1] =	ssyncset.done $0x0  }
0xdc: {  	[sflag:s1] =	ssyncadd.s32 $0xFFFFFF80  }
0xdd: {  	_ =	swait.ge [sflag:s1], $0x80  }
0xde: {  	[sflag:s1] =	ssyncset.done $0x0  }
0xdf: {  	[sflag:s1] =	ssyncadd.s32 $0xFFFFFF80  }
0xe0: {  	_ =	swait.ge [sflag:s1], $0x80  }
0xe1: {  	[sflag:s1] =	ssyncset.done $0x0  }
0xe2: {  	[sflag:s1] =	ssyncadd.s32 $0xFFFFFF80  }
0xe3: {  	_ =	swait.ge [sflag:s1], $0x80  }
0xe4: {  	[sflag:s1] =	ssyncset.done $0x0  }
0xe5: {  	[sflag:s1] =	ssyncadd.s32 $0xFFFFFF80  }
0xe6: {  	_ =	swait.ge [sflag:s1], $0x80  }
0xe7: {  	[sflag:s1] =	ssyncset.done $0x0  }
0xe8: {  	[sflag:s1] =	ssyncadd.s32 $0xFFFFFF80  }
0xe9: {  	_ =	swait.ge [sflag:s1], $0x80  }
0xea: {  	[sflag:s1] =	ssyncset.done $0x0  }
0xeb: {  	[sflag:s1] =	ssyncadd.s32 $0xFFFFFF80  }
0xec: {  	_ =	swait.ge [sflag:s1], $0x80  }
0xed: {  	[sflag:s1] =	ssyncset.done $0x0  }
0xee: {  	[sflag:s1] =	ssyncadd.s32 $0xFFFFFF80  }
0xef: {  	_ =	swait.ge [sflag:s1], $0x80  }
0xf0: {  	[sflag:s1] =	ssyncset.done $0x0  }
0xf1: {  	[sflag:s1] =	ssyncadd.s32 $0xFFFFFF80  }
0xf2: {  	_ =	swait.ge [sflag:s1], $0x80  }
0xf3: {  	[sflag:s1] =	ssyncset.done $0x0  }
0xf4: {  	[sflag:s1] =	ssyncadd.s32 $0xFFFFFF80  }
0xf5: {  	_ =	swait.ge [sflag:s1], $0x80  }
0xf6: {  	[sflag:s1] =	ssyncset.done $0x0  }
0xf7: {  	[sflag:s1] =	ssyncadd.s32 $0xFFFFFF80  }
0xf8: {  	_ =	swait.ge [sflag:s1], $0x80  }
0xf9: {  	[sflag:s1] =	ssyncset.done $0x0  }
0xfa: {  	[sflag:s1] =	ssyncadd.s32 $0xFFFFFF80  }
0xfb: {  	_ =	swait.ge [sflag:s1], $0x80  }
0xfc: {  	[sflag:s1] =	ssyncset.done $0x0  }
0xfd: {  	[sflag:s1] =	ssyncadd.s32 $0xFFFFFF80  }
0xfe: {  	_ =	swait.ge [sflag:s1], $0x80  }
0xff: {  	[sflag:s1] =	ssyncset.done $0x0  }
0x100: {  	[sflag:s1] =	ssyncadd.s32 $0xFFFFFF80  }
0x101: {  	_ =	swait.ge [sflag:s1], $0x80  }
0x102: {  	[sflag:s1] =	ssyncset.done $0x0  }
0x103: {  	[sflag:s1] =	ssyncadd.s32 $0xFFFFFF80  }
0x104: {  	_ =	swait.ge [sflag:s1], $0x80  }
0x105: {  	[sflag:s1] =	ssyncset.done $0x0  }
0x106: {  	[sflag:s1] =	ssyncadd.s32 $0xFFFFFF80  }
0x107: {  	_ =	swait.ge [sflag:s1], $0x80  }
0x108: {  	[sflag:s1] =	ssyncset.done $0x0  }
0x109: {  	[sflag:s1] =	ssyncadd.s32 $0xFFFFFF80  }
0x10a: {  	_ =	swait.ge [sflag:s1], $0x80  }
0x10b: {  	[sflag:s1] =	ssyncset.done $0x0  }
0x10c: {  	[sflag:s1] =	ssyncadd.s32 $0xFFFFFF80  }
0x10d: {  	_ =	swait.ge [sflag:s1], $0x80  }
0x10e: {  	[sflag:s1] =	ssyncset.done $0x0  }
0x10f: {  	[sflag:s1] =	ssyncadd.s32 $0xFFFFFF80  }
0x110: {  	_ =	swait.ge [sflag:s1], $0x80  }
0x111: {  	[sflag:s1] =	ssyncset.done $0x0  }
0x112: {  	[sflag:s1] =	ssyncadd.s32 $0xFFFFFF80  }
0x113: {  	_ =	swait.ge [sflag:s1], $0x80  }
0x114: {  	[sflag:s1] =	ssyncset.done $0x0  }
0x115: {  	[sflag:s1] =	ssyncadd.s32 $0xFFFFFF80  }
0x116: {  	_ =	swait.ge [sflag:s1], $0x80  }
0x117: {  	[sflag:s1] =	ssyncset.done $0x0  }
0x118: {  	[sflag:s1] =	ssyncadd.s32 $0xFFFFFF80  }
0x119: {  	_ =	swait.ge [sflag:s1], $0x80  }
0x11a: {  	[sflag:s1] =	ssyncset.done $0x0  }
0x11b: {  	[sflag:s1] =	ssyncadd.s32 $0xFFFFFF80  }
0x11c: {  	_ =	swait.ge [sflag:s1], $0x80  }
0x11d: {  	[sflag:s1] =	ssyncset.done $0x0  }
0x11e: {  	[sflag:s1] =	ssyncadd.s32 $0xFFFFFF80  }
0x11f: {  	_ =	swait.ge [sflag:s1], $0x80  }
0x120: {  	[sflag:s1] =	ssyncset.done $0x0  }
0x121: {  	[sflag:s1] =	ssyncadd.s32 $0xFFFFFF80  }
0x122: {  	_ =	swait.ge [sflag:s1], $0x80  }
0x123: {  	[sflag:s1] =	ssyncset.done $0x0  }
0x124: {  	[sflag:s1] =	ssyncadd.s32 $0xFFFFFF80  }
0x125: {  	_ =	swait.ge [sflag:s1], $0x80  }
0x126: {  	[sflag:s1] =	ssyncset.done $0x0  }
0x127: {  	[sflag:s1] =	ssyncadd.s32 $0xFFFFFF80  }
0x128: {  	_ =	swait.ge [sflag:s1], $0x80  }
0x129: {  	[sflag:s1] =	ssyncset.done $0x0  }
0x12a: {  	[sflag:s1] =	ssyncadd.s32 $0xFFFFFF80  }
0x12b: {  	_ =	swait.ge [sflag:s1], $0x80  }
0x12c: {  	[sflag:s1] =	ssyncset.done $0x0  }
0x12d: {  	[sflag:s1] =	ssyncadd.s32 $0xFFFFFF80  }
0x12e: {  	_ =	swait.ge [sflag:s1], $0x80  }
0x12f: {  	[sflag:s1] =	ssyncset.done $0x0  }
0x130: {  	[sflag:s1] =	ssyncadd.s32 $0xFFFFFF80  }
0x131: {  	_ =	swait.ge [sflag:s1], $0x80  }
0x132: {  	[sflag:s1] =	ssyncset.done $0x0  }
0x133: {  	[sflag:s1] =	ssyncadd.s32 $0xFFFFFF80  }
0x134: {  	_ =	swait.ge [sflag:s1], $0x80  }
0x135: {  	[sflag:s1] =	ssyncset.done $0x0  }
0x136: {  	[sflag:s1] =	ssyncadd.s32 $0xFFFFFF80  }
0x137: {  	_ =	swait.ge [sflag:s1], $0x80  }
0x138: {  	[sflag:s1] =	ssyncset.done $0x0  }
0x139: {  	[sflag:s1] =	ssyncadd.s32 $0xFFFFFF80  }
0x13a: {  	_ =	swait.ge [sflag:s1], $0x80  }
0x13b: {  	[sflag:s1] =	ssyncset.done $0x0  }
0x13c: {  	[sflag:s1] =	ssyncadd.s32 $0xFFFFFF80  }
0x13d: {  	_ =	swait.ge [sflag:s1], $0x80  }
0x13e: {  	[sflag:s1] =	ssyncset.done $0x0  }
0x13f: {  	[sflag:s1] =	ssyncadd.s32 $0xFFFFFF80  }
0x140: {  	_ =	swait.ge [sflag:s1], $0x80  }
0x141: {  	[sflag:s1] =	ssyncset.done $0x0  }
0x142: {  	[sflag:s1] =	ssyncadd.s32 $0xFFFFFF80  }
0x143: {  	_ =	swait.ge [sflag:s1], $0x80  }
0x144: {  	[sflag:s1] =	ssyncset.done $0x0  }
0x145: {  	[sflag:s1] =	ssyncadd.s32 $0xFFFFFF80  }
0x146: {  	_ =	swait.ge [sflag:s1], $0x80  }
0x147: {  	[sflag:s1] =	ssyncset.done $0x0  }
0x148: {  	[sflag:s1] =	ssyncadd.s32 $0xFFFFFF80  }
0x149: {  	_ =	swait.ge [sflag:s1], $0x80  }
0x14a: {  	[sflag:s1] =	ssyncset.done $0x0  }
0x14b: {  	[sflag:s1] =	ssyncadd.s32 $0xFFFFFF80  }
0x14c: {  	_ =	swait.ge [sflag:s1], $0x80  }
0x14d: {  	[sflag:s1] =	ssyncset.done $0x0  }
0x14e: {  	[sflag:s1] =	ssyncadd.s32 $0xFFFFFF80  }
0x14f: {  	_ =	swait.ge [sflag:s1], $0x80  }
0x150: {  	[sflag:s1] =	ssyncset.done $0x0  }
0x151: {  	[sflag:s1] =	ssyncadd.s32 $0xFFFFFF80  }
0x152: {  	_ =	swait.ge [sflag:s1], $0x80  }
0x153: {  	[sflag:s1] =	ssyncset.done $0x0  }
0x154: {  	[sflag:s1] =	ssyncadd.s32 $0xFFFFFF80  }
0x155: {  	_ =	swait.ge [sflag:s1], $0x80  }
0x156: {  	[sflag:s1] =	ssyncset.done $0x0  }
0x157: {  	[sflag:s1] =	ssyncadd.s32 $0xFFFFFF80  }
0x158: {  	_ =	swait.ge [sflag:s1], $0x80  }
0x159: {  	[sflag:s1] =	ssyncset.done $0x0  }
0x15a: {  	[sflag:s1] =	ssyncadd.s32 $0xFFFFFF80  }
0x15b: {  	[bflag:$0x0] =	sbarrier.arrive $0xFFFF  }
0x15c: {  	[spmem:s2] =	stream.indirect.scatter.add.f32 [tilespmem:s0], [sflag:$0x3], $0x1, s3, s31, $0xb8;
	[tilespmem:$0x15C80] =	vst v63  }
0x15d: {  	_ = 	snop  }
0x15e: {  	[spmem:s2] =	stream.indirect.scatter.add.f32 [tilespmem:s0], [sflag:$0x3], $0x1, s31, s31, $0xb8;
	[tilespmem:$0x15C80] =	vst v63  }
0x15f: {  	_ = 	snop  }
0x160: {  	[spmem:s2] =	stream.indirect.scatter.add.f32 [tilespmem:s0], [sflag:$0x3], $0x1, s28, s31, $0xb8;
	[tilespmem:$0x15C80] =	vst v63  }
0x161: {  	s22 =	simm.s32 $0x180  }
0x162: {  	[spmem:s2] =	stream.indirect.scatter.add.f32 [tilespmem:s0], [sflag:$0x3], $0x1, s22, s31, $0xb8;
	[tilespmem:$0x15C80] =	vst v63  }
0x163: {  	s23 =	simm.s32 $0x200  }
0x164: {  	[spmem:s2] =	stream.indirect.scatter.add.f32 [tilespmem:s0], [sflag:$0x3], $0x1, s23, s31, $0xb8;
	[tilespmem:$0x15C80] =	vst v63  }
0x165: {  	s24 =	simm.s32 $0x280  }
0x166: {  	[spmem:s2] =	stream.indirect.scatter.add.f32 [tilespmem:s0], [sflag:$0x3], $0x1, s24, s31, $0xb8;
	[tilespmem:$0x15C80] =	vst v63  }
0x167: {  	s25 =	simm.s32 $0x300  }
0x168: {  	[spmem:s2] =	stream.indirect.scatter.add.f32 [tilespmem:s0], [sflag:$0x3], $0x1, s25, s31, $0xb8;
	[tilespmem:$0x15C80] =	vst v63  }
0x169: {  	s6 =	simm.s32 $0x380  }
0x16a: {  	[spmem:s2] =	stream.indirect.scatter.add.f32 [tilespmem:s0], [sflag:$0x3], $0x1, s6, s31, $0xb8;
	[tilespmem:$0x15C80] =	vst v63  }
0x16b: {  	s7 =	simm.s32 $0x400  }
0x16c: {  	[spmem:s2] =	stream.indirect.scatter.add.f32 [tilespmem:s0], [sflag:$0x3], $0x1, s7, s31, $0xb8;
	[tilespmem:$0x15C80] =	vst v63  }
0x16d: {  	s8 =	simm.s32 $0x480  }
0x16e: {  	[spmem:s2] =	stream.indirect.scatter.add.f32 [tilespmem:s0], [sflag:$0x3], $0x1, s8, s31, $0xb8;
	[tilespmem:$0x15C80] =	vst v63  }
0x16f: {  	s9 =	simm.s32 $0x500  }
0x170: {  	[spmem:s2] =	stream.indirect.scatter.add.f32 [tilespmem:s0], [sflag:$0x3], $0x1, s9, s31, $0xb8;
	[tilespmem:$0x15C80] =	vst v63  }
0x171: {  	s10 =	simm.s32 $0x580  }
0x172: {  	[spmem:s2] =	stream.indirect.scatter.add.f32 [tilespmem:s0], [sflag:$0x3], $0x1, s10, s31, $0xb8;
	[tilespmem:$0x15C80] =	vst v63  }
0x173: {  	s11 =	simm.s32 $0x600  }
0x174: {  	[spmem:s2] =	stream.indirect.scatter.add.f32 [tilespmem:s0], [sflag:$0x3], $0x1, s11, s31, $0xb8;
	[tilespmem:$0x15C80] =	vst v63  }
0x175: {  	s12 =	simm.s32 $0x680  }
0x176: {  	[spmem:s2] =	stream.indirect.scatter.add.f32 [tilespmem:s0], [sflag:$0x3], $0x1, s12, s31, $0xb8;
	[tilespmem:$0x15C80] =	vst v63  }
0x177: {  	s13 =	simm.s32 $0x700  }
0x178: {  	[spmem:s2] =	stream.indirect.scatter.add.f32 [tilespmem:s0], [sflag:$0x3], $0x1, s13, s31, $0xb8;
	[tilespmem:$0x15C80] =	vst v63  }
0x179: {  	s14 =	simm.s32 $0x780  }
0x17a: {  	[spmem:s2] =	stream.indirect.scatter.add.f32 [tilespmem:s0], [sflag:$0x3], $0x1, s14, s31, $0xb8;
	[tilespmem:$0x15C80] =	vst v63  }
0x17b: {  	s15 =	simm.s32 $0x800  }
0x17c: {  	[spmem:s2] =	stream.indirect.scatter.add.f32 [tilespmem:s0], [sflag:$0x3], $0x1, s15, s31, $0xb8;
	[tilespmem:$0x15C80] =	vst v63  }
0x17d: {  	s16 =	simm.s32 $0x880  }
0x17e: {  	[spmem:s2] =	stream.indirect.scatter.add.f32 [tilespmem:s0], [sflag:$0x3], $0x1, s16, s31, $0xb8;
	[tilespmem:$0x15C80] =	vst v63  }
0x17f: {  	s17 =	simm.s32 $0x900  }
0x180: {  	[spmem:s2] =	stream.indirect.scatter.add.f32 [tilespmem:s0], [sflag:$0x3], $0x1, s17, s31, $0xb8;
	[tilespmem:$0x15C80] =	vst v63  }
0x181: {  	s18 =	simm.s32 $0x980  }
0x182: {  	[spmem:s2] =	stream.indirect.scatter.add.f32 [tilespmem:s0], [sflag:$0x3], $0x1, s18, s31, $0xb8;
	[tilespmem:$0x15C80] =	vst v63  }
0x183: {  	s19 =	simm.s32 $0xA00  }
0x184: {  	[spmem:s2] =	stream.indirect.scatter.add.f32 [tilespmem:s0], [sflag:$0x3], $0x1, s19, s31, $0xb8;
	[tilespmem:$0x15C80] =	vst v63  }
0x185: {  	s20 =	simm.s32 $0xA80  }
0x186: {  	[spmem:s2] =	stream.indirect.scatter.add.f32 [tilespmem:s0], [sflag:$0x3], $0x1, s20, s31, $0xb8;
	[tilespmem:$0x15C80] =	vst v63  }
0x187: {  	s21 =	simm.s32 $0xB00  }
0x188: {  	[spmem:s2] =	stream.indirect.scatter.add.f32 [tilespmem:s0], [sflag:$0x3], $0x1, s21, s31, $0xb8;
	[tilespmem:$0x15C80] =	vst v63  }
0x189: {  	s22 =	simm.s32 $0xB80  }
0x18a: {  	[spmem:s2] =	stream.indirect.scatter.add.f32 [tilespmem:s0], [sflag:$0x3], $0x1, s22, s31, $0xb8;
	[tilespmem:$0x15C80] =	vst v63  }
0x18b: {  	s23 =	simm.s32 $0xC00  }
0x18c: {  	[spmem:s2] =	stream.indirect.scatter.add.f32 [tilespmem:s0], [sflag:$0x3], $0x1, s23, s31, $0xb8;
	[tilespmem:$0x15C80] =	vst v63  }
0x18d: {  	s24 =	simm.s32 $0xC80  }
0x18e: {  	[spmem:s2] =	stream.indirect.scatter.add.f32 [tilespmem:s0], [sflag:$0x3], $0x1, s24, s31, $0xb8;
	[tilespmem:$0x15C80] =	vst v63  }
0x18f: {  	s25 =	simm.s32 $0xD00  }
0x190: {  	[spmem:s2] =	stream.indirect.scatter.add.f32 [tilespmem:s0], [sflag:$0x3], $0x1, s25, s31, $0xb8;
	[tilespmem:$0x15C80] =	vst v63  }
0x191: {  	s6 =	simm.s32 $0xD80  }
0x192: {  	[spmem:s2] =	stream.indirect.scatter.add.f32 [tilespmem:s0], [sflag:$0x3], $0x1, s6, s31, $0xb8;
	[tilespmem:$0x15C80] =	vst v63  }
0x193: {  	s7 =	simm.s32 $0xE00  }
0x194: {  	[spmem:s2] =	stream.indirect.scatter.add.f32 [tilespmem:s0], [sflag:$0x3], $0x1, s7, s31, $0xb8;
	[tilespmem:$0x15C80] =	vst v63  }
0x195: {  	s30 =	simm.s32 $0xE80  }
0x196: {  	[spmem:s2] =	stream.indirect.scatter.add.f32 [tilespmem:s0], [sflag:$0x3], $0x1, s30, s31, $0xb8;
	[tilespmem:$0x15C80] =	vst v63  }
0x197: {  	s9 =	simm.s32 $0xF00  }
0x198: {  	[spmem:s2] =	stream.indirect.scatter.add.f32 [tilespmem:s0], [sflag:$0x3], $0x1, s9, s31, $0xb8;
	[tilespmem:$0x15C80] =	vst v63  }
0x199: {  	s10 =	simm.s32 $0xF80  }
0x19a: {  	[spmem:s2] =	stream.indirect.scatter.add.f32 [tilespmem:s0], [sflag:$0x3], $0x1, s10, s31, $0xb8;
	[tilespmem:$0x15C80] =	vst v63  }
0x19b: {  	s11 =	simm.s32 $0x1000  }
0x19c: {  	[spmem:s2] =	stream.indirect.scatter.add.f32 [tilespmem:s0], [sflag:$0x3], $0x1, s11, s31, $0xb8;
	[tilespmem:$0x15C80] =	vst v63  }
0x19d: {  	s12 =	simm.s32 $0x1080  }
0x19e: {  	[spmem:s2] =	stream.indirect.scatter.add.f32 [tilespmem:s0], [sflag:$0x3], $0x1, s12, s31, $0xb8;
	[tilespmem:$0x15C80] =	vst v63  }
0x19f: {  	s13 =	simm.s32 $0x1100  }
0x1a0: {  	[spmem:s2] =	stream.indirect.scatter.add.f32 [tilespmem:s0], [sflag:$0x3], $0x1, s13, s31, $0xb8;
	[tilespmem:$0x15C80] =	vst v63  }
0x1a1: {  	s14 =	simm.s32 $0x1180  }
0x1a2: {  	[spmem:s2] =	stream.indirect.scatter.add.f32 [tilespmem:s0], [sflag:$0x3], $0x1, s14, s31, $0xb8;
	[tilespmem:$0x15C80] =	vst v63  }
0x1a3: {  	s15 =	simm.s32 $0x1200  }
0x1a4: {  	[spmem:s2] =	stream.indirect.scatter.add.f32 [tilespmem:s0], [sflag:$0x3], $0x1, s15, s31, $0xb8;
	[tilespmem:$0x15C80] =	vst v63  }
0x1a5: {  	s16 =	simm.s32 $0x1280  }
0x1a6: {  	[spmem:s2] =	stream.indirect.scatter.add.f32 [tilespmem:s0], [sflag:$0x3], $0x1, s16, s31, $0xb8;
	[tilespmem:$0x15C80] =	vst v63  }
0x1a7: {  	s17 =	simm.s32 $0x1300  }
0x1a8: {  	[spmem:s2] =	stream.indirect.scatter.add.f32 [tilespmem:s0], [sflag:$0x3], $0x1, s17, s31, $0xb8;
	[tilespmem:$0x15C80] =	vst v63  }
0x1a9: {  	s18 =	simm.s32 $0x1380  }
0x1aa: {  	[spmem:s2] =	stream.indirect.scatter.add.f32 [tilespmem:s0], [sflag:$0x3], $0x1, s18, s31, $0xb8;
	[tilespmem:$0x15C80] =	vst v63  }
0x1ab: {  	s19 =	simm.s32 $0x1400  }
0x1ac: {  	[spmem:s2] =	stream.indirect.scatter.add.f32 [tilespmem:s0], [sflag:$0x3], $0x1, s19, s31, $0xb8;
	[tilespmem:$0x15C80] =	vst v63  }
0x1ad: {  	s20 =	simm.s32 $0x1480  }
0x1ae: {  	[spmem:s2] =	stream.indirect.scatter.add.f32 [tilespmem:s0], [sflag:$0x3], $0x1, s20, s31, $0xb8;
	[tilespmem:$0x15C80] =	vst v63  }
0x1af: {  	s21 =	simm.s32 $0x1500  }
0x1b0: {  	[spmem:s2] =	stream.indirect.scatter.add.f32 [tilespmem:s0], [sflag:$0x3], $0x1, s21, s31, $0xb8;
	[tilespmem:$0x15C80] =	vst v63  }
0x1b1: {  	s25 =	simm.s32 $0x1580  }
0x1b2: {  	[spmem:s2] =	stream.indirect.scatter.add.f32 [tilespmem:s0], [sflag:$0x3], $0x1, s25, s31, $0xb8;
	[tilespmem:$0x15C80] =	vst v63  }
0x1b3: {  	s24 =	simm.s32 $0x1600  }
0x1b4: {  	[spmem:s2] =	stream.indirect.scatter.add.f32 [tilespmem:s0], [sflag:$0x3], $0x1, s24, s31, $0xb8;
	[tilespmem:$0x15C80] =	vst v63  }
0x1b5: {  	s22 =	simm.s32 $0x1680  }
0x1b6: {  	[spmem:s2] =	stream.indirect.scatter.add.f32 [tilespmem:s0], [sflag:$0x3], $0x1, s22, s31, $0xb8;
	[tilespmem:$0x15C80] =	vst v63  }
0x1b7: {  	s23 =	simm.s32 $0x1700  }
0x1b8: {  	[spmem:s2] =	stream.indirect.scatter.add.f32 [tilespmem:s0], [sflag:$0x3], $0x1, s23, s31, $0xb8;
	[tilespmem:$0x15C80] =	vst v63  }
0x1b9: {  	s5 =	simm.s32 $0x1780  }
0x1ba: {  	[spmem:s2] =	stream.indirect.scatter.add.f32 [tilespmem:s0], [sflag:$0x3], $0x1, s5, s31, $0xb8;
	[tilespmem:$0x15C80] =	vst v63  }
0x1bb: {  	s7 =	simm.s32 $0x1800  }
0x1bc: {  	[spmem:s2] =	stream.indirect.scatter.add.f32 [tilespmem:s0], [sflag:$0x3], $0x1, s7, s31, $0xb8;
	[tilespmem:$0x15C80] =	vst v63  }
0x1bd: {  	_ =	swait.ge [sflag:s4], $0x80  }
0x1be: {  	[sflag:s4] =	ssyncset.done $0x0  }
0x1bf: {  	[sflag:s4] =	ssyncadd.s32 $0xFFFFFF80  }
0x1c0: {  	_ =	swait.ge [sflag:s4], $0x80  }
0x1c1: {  	[sflag:s4] =	ssyncset.done $0x0  }
0x1c2: {  	[sflag:s4] =	ssyncadd.s32 $0xFFFFFF80  }
0x1c3: {  	_ =	swait.ge [sflag:s4], $0x80  }
0x1c4: {  	[sflag:s4] =	ssyncset.done $0x0  }
0x1c5: {  	[sflag:s4] =	ssyncadd.s32 $0xFFFFFF80  }
0x1c6: {  	_ =	swait.ge [sflag:s4], $0x80  }
0x1c7: {  	[sflag:s4] =	ssyncset.done $0x0  }
0x1c8: {  	[sflag:s4] =	ssyncadd.s32 $0xFFFFFF80  }
0x1c9: {  	_ =	swait.ge [sflag:s4], $0x80  }
0x1ca: {  	[sflag:s4] =	ssyncset.done $0x0  }
0x1cb: {  	[sflag:s4] =	ssyncadd.s32 $0xFFFFFF80  }
0x1cc: {  	_ =	swait.ge [sflag:s4], $0x80  }
0x1cd: {  	[sflag:s4] =	ssyncset.done $0x0  }
0x1ce: {  	[sflag:s4] =	ssyncadd.s32 $0xFFFFFF80  }
0x1cf: {  	_ =	swait.ge [sflag:s4], $0x80  }
0x1d0: {  	[sflag:s4] =	ssyncset.done $0x0  }
0x1d1: {  	[sflag:s4] =	ssyncadd.s32 $0xFFFFFF80  }
0x1d2: {  	_ =	swait.ge [sflag:s4], $0x80  }
0x1d3: {  	[sflag:s4] =	ssyncset.done $0x0  }
0x1d4: {  	[sflag:s4] =	ssyncadd.s32 $0xFFFFFF80  }
0x1d5: {  	_ =	swait.ge [sflag:s4], $0x80  }
0x1d6: {  	[sflag:s4] =	ssyncset.done $0x0  }
0x1d7: {  	[sflag:s4] =	ssyncadd.s32 $0xFFFFFF80  }
0x1d8: {  	_ =	swait.ge [sflag:s4], $0x80  }
0x1d9: {  	[sflag:s4] =	ssyncset.done $0x0  }
0x1da: {  	[sflag:s4] =	ssyncadd.s32 $0xFFFFFF80  }
0x1db: {  	_ =	swait.ge [sflag:s4], $0x80  }
0x1dc: {  	[sflag:s4] =	ssyncset.done $0x0  }
0x1dd: {  	[sflag:s4] =	ssyncadd.s32 $0xFFFFFF80  }
0x1de: {  	_ =	swait.ge [sflag:s4], $0x80  }
0x1df: {  	[sflag:s4] =	ssyncset.done $0x0  }
0x1e0: {  	[sflag:s4] =	ssyncadd.s32 $0xFFFFFF80  }
0x1e1: {  	_ =	swait.ge [sflag:s4], $0x80  }
0x1e2: {  	[sflag:s4] =	ssyncset.done $0x0  }
0x1e3: {  	[sflag:s4] =	ssyncadd.s32 $0xFFFFFF80  }
0x1e4: {  	_ =	swait.ge [sflag:s4], $0x80  }
0x1e5: {  	[sflag:s4] =	ssyncset.done $0x0  }
0x1e6: {  	[sflag:s4] =	ssyncadd.s32 $0xFFFFFF80  }
0x1e7: {  	_ =	swait.ge [sflag:s4], $0x80  }
0x1e8: {  	[sflag:s4] =	ssyncset.done $0x0  }
0x1e9: {  	[sflag:s4] =	ssyncadd.s32 $0xFFFFFF80  }
0x1ea: {  	_ =	swait.ge [sflag:s4], $0x80  }
0x1eb: {  	[sflag:s4] =	ssyncset.done $0x0  }
0x1ec: {  	[sflag:s4] =	ssyncadd.s32 $0xFFFFFF80  }
0x1ed: {  	_ =	swait.ge [sflag:s4], $0x80  }
0x1ee: {  	[sflag:s4] =	ssyncset.done $0x0  }
0x1ef: {  	[sflag:s4] =	ssyncadd.s32 $0xFFFFFF80  }
0x1f0: {  	_ =	swait.ge [sflag:s4], $0x80  }
0x1f1: {  	[sflag:s4] =	ssyncset.done $0x0  }
0x1f2: {  	[sflag:s4] =	ssyncadd.s32 $0xFFFFFF80  }
0x1f3: {  	_ =	swait.ge [sflag:s4], $0x80  }
0x1f4: {  	[sflag:s4] =	ssyncset.done $0x0  }
0x1f5: {  	[sflag:s4] =	ssyncadd.s32 $0xFFFFFF80  }
0x1f6: {  	_ =	swait.ge [sflag:s4], $0x80  }
0x1f7: {  	[sflag:s4] =	ssyncset.done $0x0  }
0x1f8: {  	[sflag:s4] =	ssyncadd.s32 $0xFFFFFF80  }
0x1f9: {  	_ =	swait.ge [sflag:s4], $0x80  }
0x1fa: {  	[sflag:s4] =	ssyncset.done $0x0  }
0x1fb: {  	[sflag:s4] =	ssyncadd.s32 $0xFFFFFF80  }
0x1fc: {  	_ =	swait.ge [sflag:s4], $0x80  }
0x1fd: {  	[sflag:s4] =	ssyncset.done $0x0  }
0x1fe: {  	[sflag:s4] =	ssyncadd.s32 $0xFFFFFF80  }
0x1ff: {  	_ =	swait.ge [sflag:s4], $0x80  }
0x200: {  	[sflag:s4] =	ssyncset.done $0x0  }
0x201: {  	[sflag:s4] =	ssyncadd.s32 $0xFFFFFF80  }
0x202: {  	_ =	swait.ge [sflag:s4], $0x80  }
0x203: {  	[sflag:s4] =	ssyncset.done $0x0  }
0x204: {  	[sflag:s4] =	ssyncadd.s32 $0xFFFFFF80  }
0x205: {  	_ =	swait.ge [sflag:s4], $0x80  }
0x206: {  	[sflag:s4] =	ssyncset.done $0x0  }
0x207: {  	[sflag:s4] =	ssyncadd.s32 $0xFFFFFF80  }
0x208: {  	_ =	swait.ge [sflag:s4], $0x80  }
0x209: {  	[sflag:s4] =	ssyncset.done $0x0  }
0x20a: {  	[sflag:s4] =	ssyncadd.s32 $0xFFFFFF80  }
0x20b: {  	_ =	swait.ge [sflag:s4], $0x80  }
0x20c: {  	[sflag:s4] =	ssyncset.done $0x0  }
0x20d: {  	[sflag:s4] =	ssyncadd.s32 $0xFFFFFF80  }
0x20e: {  	_ =	swait.ge [sflag:s4], $0x80  }
0x20f: {  	[sflag:s4] =	ssyncset.done $0x0  }
0x210: {  	[sflag:s4] =	ssyncadd.s32 $0xFFFFFF80  }
0x211: {  	_ =	swait.ge [sflag:s4], $0x80  }
0x212: {  	[sflag:s4] =	ssyncset.done $0x0  }
0x213: {  	[sflag:s4] =	ssyncadd.s32 $0xFFFFFF80  }
0x214: {  	_ =	swait.ge [sflag:s4], $0x80  }
0x215: {  	[sflag:s4] =	ssyncset.done $0x0  }
0x216: {  	[sflag:s4] =	ssyncadd.s32 $0xFFFFFF80  }
0x217: {  	_ =	swait.ge [sflag:s4], $0x80  }
0x218: {  	[sflag:s4] =	ssyncset.done $0x0  }
0x219: {  	[sflag:s4] =	ssyncadd.s32 $0xFFFFFF80  }
0x21a: {  	_ =	swait.ge [sflag:s4], $0x80  }
0x21b: {  	[sflag:s4] =	ssyncset.done $0x0  }
0x21c: {  	[sflag:s4] =	ssyncadd.s32 $0xFFFFFF80  }
0x21d: {  	_ =	swait.ge [sflag:s4], $0x80  }
0x21e: {  	[sflag:s4] =	ssyncset.done $0x0  }
0x21f: {  	[sflag:s4] =	ssyncadd.s32 $0xFFFFFF80  }
0x220: {  	_ =	swait.ge [sflag:s4], $0x80  }
0x221: {  	[sflag:s4] =	ssyncset.done $0x0  }
0x222: {  	[sflag:s4] =	ssyncadd.s32 $0xFFFFFF80  }
0x223: {  	_ =	swait.ge [sflag:s4], $0x80  }
0x224: {  	[sflag:s4] =	ssyncset.done $0x0  }
0x225: {  	[sflag:s4] =	ssyncadd.s32 $0xFFFFFF80  }
0x226: {  	_ =	swait.ge [sflag:s4], $0x80  }
0x227: {  	[sflag:s4] =	ssyncset.done $0x0  }
0x228: {  	[sflag:s4] =	ssyncadd.s32 $0xFFFFFF80  }
0x229: {  	_ =	swait.ge [sflag:s4], $0x80  }
0x22a: {  	[sflag:s4] =	ssyncset.done $0x0  }
0x22b: {  	[sflag:s4] =	ssyncadd.s32 $0xFFFFFF80  }
0x22c: {  	_ =	swait.ge [sflag:s4], $0x80  }
0x22d: {  	[sflag:s4] =	ssyncset.done $0x0  }
0x22e: {  	[sflag:s4] =	ssyncadd.s32 $0xFFFFFF80  }
0x22f: {  	_ =	swait.ge [sflag:s4], $0x80  }
0x230: {  	[sflag:s4] =	ssyncset.done $0x0  }
0x231: {  	[sflag:s4] =	ssyncadd.s32 $0xFFFFFF80  }
0x232: {  	_ =	swait.ge [sflag:s4], $0x80  }
0x233: {  	[sflag:s4] =	ssyncset.done $0x0  }
0x234: {  	[sflag:s4] =	ssyncadd.s32 $0xFFFFFF80  }
0x235: {  	_ =	swait.ge [sflag:s4], $0x80  }
0x236: {  	[sflag:s4] =	ssyncset.done $0x0  }
0x237: {  	[sflag:s4] =	ssyncadd.s32 $0xFFFFFF80  }
0x238: {  	_ =	swait.ge [sflag:s4], $0x80  }
0x239: {  	[sflag:s4] =	ssyncset.done $0x0  }
0x23a: {  	[sflag:s4] =	ssyncadd.s32 $0xFFFFFF80  }
0x23b: {  	_ =	swait.ge [sflag:s4], $0x80  }
0x23c: {  	[sflag:s4] =	ssyncset.done $0x0  }
0x23d: {  	[sflag:s4] =	ssyncadd.s32 $0xFFFFFF80  }
0x23e: {  	_ =	swait.ge [sflag:s4], $0x80  }
0x23f: {  	[sflag:s4] =	ssyncset.done $0x0  }
0x240: {  	[sflag:s4] =	ssyncadd.s32 $0xFFFFFF80  }
0x241: {  	_ =	swait.ge [sflag:s4], $0x80  }
0x242: {  	[sflag:s4] =	ssyncset.done $0x0  }
0x243: {  	[sflag:s4] =	ssyncadd.s32 $0xFFFFFF80  }
0x244: {  	_ =	swait.ge [sflag:s4], $0x80  }
0x245: {  	[sflag:s4] =	ssyncset.done $0x0  }
0x246: {  	[sflag:s4] =	ssyncadd.s32 $0xFFFFFF80  }
0x247: {  	_ =	swait.ge [sflag:s4], $0x80  }
0x248: {  	[sflag:s4] =	ssyncset.done $0x0  }
0x249: {  	[sflag:s4] =	ssyncadd.s32 $0xFFFFFF80  }
0x24a: {  	_ =	swait.ge [sflag:s4], $0x80  }
0x24b: {  	[sflag:s4] =	ssyncset.done $0x0  }
0x24c: {  	[sflag:s4] =	ssyncadd.s32 $0xFFFFFF80  }
0x24d: {  	_ =	swait.ge [sflag:s4], $0x80  }
0x24e: {  	[sflag:s4] =	ssyncset.done $0x0  }
0x24f: {  	[sflag:s4] =	ssyncadd.s32 $0xFFFFFF80  }
0x250: {  	[bflag:$0x0] =	sbarrier.arrive $0xFFFF  }
0x251: {  	s8 =	stileid.u32;
	s28 =	sld [smem:$0x7F8]  }
0x252: {  	s29 =	simm.s32 $0x20;
	s6 =	sshll.u32 s8, $0x6  }
0x253: {  	s26 =	sshrl.u32 s26, $0x3;
	s8 =	simm.s32 $0x10;
	s6 =	sor.u32 $0x1C04, s6  }
0x254: {  	[hbm:s28@s29], [sflag:s6] =	dma.strided [spmem:s26@s8], $0x2000, s1, $0x10   }
0x255: {  	s8 =	simm.s32 $0x4  }
0x256: {  	_ =	swait.ge [sflag:s8], $0x2000  }
0x257: {  	s29 =	sld [smem:$0x7E2]  }
0x258: {  	s6 =	sld [smem:$0x7F9];
	_ =	sdelay $0x1  }
0x259: {  	s29 =	sadd.s32 $0x1, s29  }
0x25a: {  	p0 =	sne.s32 s29, s6  }
.Ltmp1:
0x25b: {  	_ = 	snop;
	(pc) =	sbr.rel @p0 .LBB2_1-.Ltmp1, $3  }
0x25c: {  	_ =	sdelay $0x1  }
0x25d: {  	s26 =	simm.s32 $0x180;
	[sflag:s8] =	ssyncset.done $0x0  }
0x25e: {  	s28 =	simm.s32 $0x100;
	[sflag:s8] =	ssyncadd.s32 $0xFFFFE000;
	s8 =	simm.s32 $0x200  }
0x25f: {  	_ =	sfence.sel $0x180000  }
0x260: {  	[bflag:$0x0] =	sbarrier.arrive $0xFFFF  }
0x261: {  	_ =	strace $0x90000047  }
0x262: {  	s0 =	stileid.u32;
	[bflag:$0x2] =	sbarrier.arrive $0xFFFF  }
0x263: {  	p0 =	sne.s32 s0, $0x0;
	s0 =	rddreg [dreg:$0x3]  }
0x264: {  	s0 =	sadd.s32 @!p0 $0x100000, s0  }
0x265: {  	[sflag:s0] =	ssyncadd.tile.s32 @!p0 $0x1;
	_ =	shalt  }
.Lfunc_end2:
_tile_overlayer_lowered:
.L_overlay_start_2:
0x266: {  	(tag) =	ssettag $0x2  }
0x267: {  	s0 =	rddreg [dreg:$0x0];
	s2 =	stileid.u32  }
0x268: {  	s1 =	rddreg [dreg:$0x1];
	p0 =	sne.s32 s2, $0x0  }
0x269: {  	s3 =	rddreg [dreg:$0x2];
	[bflag:$0x3] =	sbarrier.arrive $0xFFFF;
	s2 =	simm.s32 @!p0 $0x1C04  }
0x26a: {  	[timem:s3], [sflag:s2] =	dma.local @!p0 [hbm:s0], s1  }
0x26b: {  	s0 =	simm.s32 @!p0 $0x4  }
0x26c: {  	_ =	swait.ge @!p0 [sflag:s0], s1  }
0x26d: {  	s1 =	ssub.s32 @!p0 $0x0, s1;
	[sflag:s0] =	ssyncset.done @!p0 $0x0  }
0x26e: {  	[sflag:s0] =	ssyncadd.s32 @!p0 s1  }
0x26f: {  	[bflag:$0x3] =	sbarrier.arrive $0xFFFF  }
0x270: {  	_ =	shalt  }

// kernel: kernel.9.cloned.1.call-start
scs
__scs_entry_jumppad:
0x0: {  	(pc) =	sbr.rel $0x88, $3  }
0x1: {  	(tag) =	ssettag $0x0;
	lr =	simm.s32 $0x1  }
0x2: {  	[smem:$0x3F9C] =	sst lr;
	_ =	strace $0xD0000000  }
0x3: {  	_ = 	snop  }
0x4: {  	_ = 	snop  }
0x5: {  	_ = 	snop  }
0x6: {  	_ = 	snop  }
0x7: {  	_ = 	snop  }
__scs_overlays_trampoline_lowered:
0x8: {  	[smem:$0x3FAB] =	sst s0  }
0x9: {  	[smem:$0x3FAC] =	sst s1  }
0xa: {  	[smem:$0x3FAD] =	sst s2  }
0xb: {  	[smem:$0x3FAE] =	sst s3  }
0xc: {  	[smem:$0x3FAF] =	sst s4  }
0xd: {  	[smem:$0x3FB0] =	sst s5  }
0xe: {  	[smem:$0x3FB1] =	sst s6  }
0xf: {  	[smem:$0x3FB2] =	sst s7  }
0x10: {  	[smem:$0x3FB3] =	sst s8  }
0x11: {  	[smem:$0x3FB4] =	sst s9;
	s0 =	simm.s32 @!p0 $0x0  }
0x12: {  	s1 =	sld [smem:$0x3F9A];
	s0 =	simm.s32 @p0 $0x1  }
0x13: {  	[smem:$0x3FB5] =	sst s0;
	s0 =	simm.s32 @!p1 $0x0  }
0x14: {  	s2 =	sld [smem:$0x3F99];
	s0 =	simm.s32 @p1 $0x1  }
0x15: {  	[smem:$0x3FB6] =	sst s0;
	s0 =	simm.s32 @!p2 $0x0  }
0x16: {  	s3 =	sld [smem:$0x3FDB];
	s0 =	simm.s32 @p2 $0x1  }
0x17: {  	s4 =	simm.s32 $0x1BF5;
	[smem:$0x3FB8] =	sst s0  }
0x18: {  	s0 =	sld [smem:$0x3F9B];
	_ =	swait.ge [sflag:s4], $0x0  }
0x19: {  	s7 =	sld [smem:$0x3F9C]  }
0x1a: {  	s8 =	sadd.s32 $0xFFFFE003, lr  }
0x1b: {  	s9 =	sadd.s32 $0xFFFFFEF7, lr;
	s5 =	simm.s32 $0xFFFFFFFF;
	p2 =	slt.u32 s8, $0xFFFFF086  }
0x1c: {  	p1 =	slt.u32 s9, $0xF7A;
	s5 =	simm.s32 @!p2 $0x0  }
0x1d: {  	s5 =	simm.s32 @p1 $0x1;
	p0 =	seq.s32 s7, s2  }
0x1e: {  	s7 =	smul.u32 @!p0 $0xF7A, s2;
	p2 =	seq.s32 @!p0 s5, $0x0  }
0x1f: {  	s9 =	smul.u32 $0xF7A, s1;
	s8 =	simm.s32 @!p0 $0x1BF5;
	p2 =	por !p2, p0  }
0x20: {  	[sflag:s8] =	ssyncset.s32 @!p0 $0xFFFFF086;
	s6 =	sadd.s32 @!p0 s3, s7;
	s7 =	simm.s32 @!p0 $0x108  }
0x21: {  	s3 =	sadd.s32 s3, s9;
	s6 =	sadd.s32 @!p0 $0x88, s6;
	s7 =	simm.s32 @p2 $0x1082  }
0x22: {  	[simem:s7], [sflag:s8] =	dma.local @!p0 [hbm:s6], $0xF7A  }
0x23: {  	s9 =	sor.u32 $0xD0000000, s2;
	s6 =	simm.s32 $0x108;
	_ =	swait.ge @!p0 [sflag:s8], $0x0  }
0x24: {  	s3 =	sadd.s32 $0x88, s3;
	s6 =	simm.s32 @!p1 $0x1082;
	[sflag:s4] =	ssyncset.s32 $0xFFFFF086  }
0x25: {  	[simem:s6], [sflag:s4] =	dma.local [hbm:s3], $0xF7A  }
0x26: {  	[smem:$0x3F9C] =	sst s1;
	(tag) =	ssettag s2;
	_ =	strace s9  }
0x27: {  	s1 =	sld [smem:$0x3FAC]  }
0x28: {  	s2 =	sld [smem:$0x3FAD]  }
0x29: {  	s4 =	sld [smem:$0x3FAF]  }
0x2a: {  	p0 =	seq.s32 s5, $0x0;
	s5 =	sld [smem:$0x3FB0]  }
0x2b: {  	s6 =	sld [smem:$0x3FB1]  }
0x2c: {  	s7 =	sld [smem:$0x3FB2]  }
0x2d: {  	s3 =	simm.s32 $0x108;
	s8 =	sld [smem:$0x3FB3]  }
0x2e: {  	s3 =	simm.s32 @!p0 $0x1082;
	s9 =	sld [smem:$0x3FB4]  }
0x2f: {  	lr =	sadd.s32 s0, s3;
	s0 =	sld [smem:$0x3FAB]  }
0x30: {  	s3 =	sld [smem:$0x3FAE]  }
0x31: {  	[smem:$0x3FB7] =	sst s10  }
0x32: {  	s10 =	sld [smem:$0x3FB5];
	_ =	sdelay $0x3  }
0x33: {  	p0 =	seq.s32 s10, $0x1;
	s10 =	sld [smem:$0x3FB7];
	_ =	sdelay $0x3  }
0x34: {  	[smem:$0x3FB7] =	sst s10  }
0x35: {  	s10 =	sld [smem:$0x3FB6];
	_ =	sdelay $0x3  }
0x36: {  	p1 =	seq.s32 s10, $0x1;
	s10 =	sld [smem:$0x3FB7];
	_ =	sdelay $0x3  }
0x37: {  	[smem:$0x3FB7] =	sst s10  }
0x38: {  	s10 =	sld [smem:$0x3FB8]  }
0x39: {  	_ = 	snop;
	(pc) =	sbr.ind lr, $3  }
0x3a: {  	_ = 	snop  }
0x3b: {  	_ = 	snop  }
0x3c: {  	p2 =	seq.s32 s10, $0x1;
	s10 =	sld [smem:$0x3FB7]  }
0x3d: {  	_ =	shalt  }
0x3e: {  	_ =	shalt  }
0x3f: {  	_ =	shalt  }
0x40: {  	_ =	shalt  }
0x41: {  	_ =	shalt  }
0x42: {  	_ =	shalt  }
0x43: {  	_ =	shalt  }
0x44: {  	_ =	shalt  }
0x45: {  	_ =	shalt  }
0x46: {  	_ =	shalt  }
0x47: {  	_ =	shalt  }
0x48: {  	_ =	shalt  }
0x49: {  	_ =	shalt  }
0x4a: {  	_ =	shalt  }
0x4b: {  	_ =	shalt  }
0x4c: {  	_ =	shalt  }
0x4d: {  	_ =	shalt  }
0x4e: {  	_ =	shalt  }
0x4f: {  	_ =	shalt  }
0x50: {  	_ =	shalt  }
0x51: {  	_ =	shalt  }
0x52: {  	_ =	shalt  }
0x53: {  	_ =	shalt  }
0x54: {  	_ =	shalt  }
0x55: {  	_ =	shalt  }
0x56: {  	_ =	shalt  }
0x57: {  	_ =	shalt  }
0x58: {  	_ =	shalt  }
0x59: {  	_ =	shalt  }
0x5a: {  	_ =	shalt  }
0x5b: {  	_ =	shalt  }
0x5c: {  	_ =	shalt  }
0x5d: {  	_ =	shalt  }
0x5e: {  	_ =	shalt  }
0x5f: {  	_ =	shalt  }
0x60: {  	_ =	shalt  }
0x61: {  	_ =	shalt  }
0x62: {  	_ =	shalt  }
0x63: {  	_ =	shalt  }
0x64: {  	_ =	shalt  }
0x65: {  	_ =	shalt  }
0x66: {  	_ =	shalt  }
0x67: {  	_ =	shalt  }
0x68: {  	_ =	shalt  }
0x69: {  	_ =	shalt  }
0x6a: {  	_ =	shalt  }
0x6b: {  	_ =	shalt  }
0x6c: {  	_ =	shalt  }
0x6d: {  	_ =	shalt  }
0x6e: {  	_ =	shalt  }
0x6f: {  	_ =	shalt  }
0x70: {  	_ =	shalt  }
0x71: {  	_ =	shalt  }
0x72: {  	_ =	shalt  }
0x73: {  	_ =	shalt  }
0x74: {  	_ =	shalt  }
0x75: {  	_ =	shalt  }
0x76: {  	_ =	shalt  }
0x77: {  	_ =	shalt  }
0x78: {  	_ =	shalt  }
0x79: {  	_ =	shalt  }
0x7a: {  	_ =	shalt  }
0x7b: {  	_ =	shalt  }
0x7c: {  	_ =	shalt  }
0x7d: {  	_ =	shalt  }
0x7e: {  	_ =	shalt  }
0x7f: {  	_ =	shalt  }
0x80: {  	_ =	shalt  }
0x81: {  	_ =	shalt  }
0x82: {  	_ =	shalt  }
0x83: {  	_ =	shalt  }
0x84: {  	_ =	shalt  }
0x85: {  	_ =	shalt  }
0x86: {  	_ =	shalt  }
0x87: {  	_ =	shalt  }
.Lfunc_end0:
.L_simem_size_0:
called_computation.1_lowered:
.L_overlay_start_0:
0x88: {  	s2 =	sld [smem:$0x3FD9]  }
0x89: {  	s3 =	sld [smem:$0x3FFE];
	_ =	sdelay $0x1  }
0x8a: {  	s1 =	srdreg.scid  }
0x8b: {  	s0 =	sand.u32 $0x1, s1  }
0x8c: {  	s18 =	sshll.u32 s0, $0xA;
	s2 =	sadd.s32 s3, s2  }
0x8d: {  	s2 =	sadd.s32 s2, s18  }
0x8e: {  	[smem:$0x3FC3] =	sst s2  }
0x8f: {  	_ = 	snop  }
0x90: {  	s19 =	sld [smem:$0x3FC9]  }
0x91: {  	s4 =	sld [smem:$0x3FC7]  }
0x92: {  	s5 =	sld [smem:$0x3FD0];
	(tm) =	ssettm $0x1  }
0x93: {  	s20 =	sld [smem:$0x3FFB];
	_ =	sdelay $0x3  }
0x94: {  	_ =	strace s20  }
0x95: {  	s2 =	sld [smem:$0x3FFC];
	_ =	sdelay $0x3  }
0x96: {  	_ =	strace s2  }
0x97: {  	s2 =	sld [smem:$0x3FFD];
	_ =	sdelay $0x3  }
0x98: {  	_ =	strace s2  }
0x99: {  	_ =	strace $0x8FFFFFFF  }
0x9a: {  	s21 =	sld [smem:$0x3FDB];
	_ =	sdelay $0x1  }
0x9b: {  	s6 =	simm.s32 $_scs_section_size  }
0x9c: {  	s7 =	simm.s32 $_size__tile_overlayer_lowered;
	s8 =	simm.s32 $_tile_overlayer_lowered  }
0x9d: {  	s9 =	simm.s32 $0x1BFF;
	s22 =	sshll.u32 s8, $0x1;
	s6 =	sadd.s32 s6, s21  }
0x9e: {  	s23 =	simm.s32 $0x0;
	s7 =	sshll.u32 s7, $0x1;
	s8 =	sadd.s32 s22, s6  }
0x9f: {  	[timem:s23], [sflag:s9] =	dma.local [hbm:s8], s7  }
0xa0: {  	_ =	swait.ge [sflag:s9], s7  }
0xa1: {  	s7 =	ssub.s32 $0x0, s7;
	[sflag:s9] =	ssyncset.done $0x0  }
0xa2: {  	[sflag:s9] =	ssyncadd.s32 s7;
	_ =	sdelay $0x1  }
0xa3: {  	s24 =	simm.s32 $0x1B8B  }
0xa4: {  	_ =	swait.ge [sflag:s24], $0x1  }
0xa5: {  	[sflag:s24] =	ssyncset.done $0x0  }
0xa6: {  	[sflag:s24] =	ssyncadd.s32 $0xFFFFFFFF  }
0xa7: {  	s7 =	sld [smem:$0x0]  }
0xa8: {  	s8 =	sand.u32 $0xFFFFFFFE, s1  }
0xa9: {  	p0 =	sne.s32 s1, s8  }
0xaa: {  	s8 =	sshll.u32 @p0 s8, $0xE  }
0xab: {  	s8 =	sadd.s32 @p0 $0x11B8D, s8;
	s9 =	sshll.u32 @p0 s7, $0x11  }
0xac: {  	s8 =	sor.u32 @p0 s9, s8  }
0xad: {  	[sflag:s8] =	ssyncadd.remote.s32 @p0 $0x1;
	_ =	sdelay $0x1  }
0xae: {  	s8 =	simm.s32 @p0 $0x1B8D  }
0xaf: {  	_ =	swait.eq @p0 [sflag:s8], $0x1  }
0xb0: {  	[sflag:s8] =	ssyncadd.s32 @p0 $0xFFFFFFFF  }
0xb1: {  	s9 =	sshll.u32 @!p0 s1, $0xE  }
0xb2: {  	s9 =	sor.u32 @!p0 $0x4000, s9;
	s8 =	simm.s32 @!p0 $0x1B8D  }
0xb3: {  	s7 =	sshll.u32 @!p0 s7, $0x11;
	s9 =	sadd.s32 @!p0 $0x11B8D, s9;
	_ =	swait.eq @!p0 [sflag:s8], $0x1  }
0xb4: {  	s7 =	sor.u32 @!p0 s7, s9;
	[sflag:s8] =	ssyncadd.s32 @!p0 $0xFFFFFFFF  }
0xb5: {  	s25 =	simm.s32 $0x1B8E;
	[sflag:s7] =	ssyncadd.remote.s32 @!p0 $0x1  }
0xb6: {  	s26 =	simm.s32 $execute0_lowered;
	[smem:$0x3FD2] =	sst s25  }
0xb7: {  	s7 =	sshll.u32 s26, $0x1;
	_ =	strace $0x80000049;
	[dreg:$0x1] =	wrdreg $0xFFFFFFFF  }
0xb8: {  	s28 =	simm.s32 $_size_execute0_lowered;
	s6 =	sadd.s32 s6, s7;
	[dreg:$0x0] =	wrdreg $0x0  }
0xb9: {  	s7 =	sshll.u32 s28, $0x1;
	[dreg:$0x2] =	wrdreg s6  }
0xba: {  	[dreg:$0x3] =	wrdreg s7  }
0xbb: {  	[dreg:$0x4] =	wrdreg $0xC0  }
0xbc: {  	_ =	task [dreg:s23], $0x5FFFF  }
0xbd: {  	[dreg:$0x1] =	wrdreg $0xFFFFFFFF  }
0xbe: {  	[dreg:$0x0] =	wrdreg $0x60  }
0xbf: {  	[dreg:$0x2] =	wrdreg s19  }
0xc0: {  	[dreg:$0x3] =	wrdreg s4  }
0xc1: {  	[dreg:$0x4] =	wrdreg s5  }
0xc2: {  	[dreg:$0x5] =	wrdreg $0xA  }
0xc3: {  	_ =	task.clear_ibuf [dreg:s23], $0x6FFFF;
	_ =	strace $0x90000049  }
0xc4: {  	s29 =	simm.s32 $0xA;
	_ =	strace $0x8000004B  }
0xc5: {  	_ =	swait.ge [sflag:s29], $0x1  }
0xc6: {  	[sflag:s29] =	ssyncadd.s32 $0xFFFFFFFF  }
0xc7: {  	_ =	strace $0x9000004B  }
0xc8: {  	_ =	sfence  }
0xc9: {  	s30 =	sld [smem:$0x0];
	_ =	sdelay $0x2  }
0xca: {  	s31 =	sshll.u32 s1, $0xD;
	s1 =	sshrl.u32 s1, $0x2  }
0xcb: {  	s4 =	sand.u32 $0x4000, s31;
	s1 =	sadd.s32 s1, s30  }
0xcc: {  	s0 =	sor.u32 s4, s0;
	s1 =	sshll.u32 s1, $0x11  }
0xcd: {  	s0 =	sor.u32 s1, s0  }
0xce: {  	s0 =	sadd.s32 $0x8F2B, s0  }
0xcf: {  	[sflag:s0] =	ssyncadd.remote.s32 $0x1  }
0xd0: {  	_ =	sfence.sel $0xFFFF  }
0xd1: {  	[dreg:$0x0] =	wrdreg $0xFFFFFFFF;
	(pc) =	sbr.abs _section_cstart, $3  }
0xd2: {  	[dreg:$0x1] =	wrdreg $0xFFFFFFFF  }
0xd3: {  	_ =	task.clear_ibuf [dreg:s23], $0x2FFFF;
	_ =	strace $0x9FFFFFFF  }
0xd4: {  	(tm) =	ssettm $0x7FFFFFFF  }
0xd5: {  	_ =	shalt  }
tec
execute0_lowered:
.L_overlay_start_1:
0x0: {  	(tag) =	ssettag $0x1  }
0x1: {  	s4 =	rddreg [dreg:$0x0]  }
0x2: {  	s1 =	rddreg [dreg:$0x1]  }
0x3: {  	s5 =	rddreg [dreg:$0x2]  }
0x4: {  	s0 =	rddreg [dreg:$0x3]  }
0x5: {  	s3 =	simm.s32 $0x0;
	s6 =	srdreg.scid;
	s2 =	stileid.u32  }
0x6: {  	v0 =	vlaneseq.u32;
	s10 =	simm.s32 $0x7A1400;
	s11 =	simm.s32 $0x2080;
	s12 =	simm.s32 $0x4080  }
0x7: {  	s13 =	simm.s32 $0x6080;
	s14 =	simm.s32 $0x8080;
	s15 =	simm.s32 $0x80;
	v0 =	vmul.u32 $0x80, v0  }
0x8: {  	s16 =	simm.s32 $0x8000;
	s17 =	simm.s32 $0x0;
	s6 =	sand.u32 $0x1, s6  }
0x9: {  	[smem:$0x7FF] =	sst s3;
	s7 =	sshll.u32 s2, $0x1;
	s8 =	ssub.s32 $0x2, s6;
	v1 =	vor.u32 $0x800, v0;
	v2 =	vor.u32 $0x1000, v0;
	v3 =	vor.u32 $0x1800, v0  }
0xa: {  	_ =	strace $0x8000004A;
	s6 =	sor.u32 s6, s7;
	s31 =	sshrl.u32 s8, $0x1;
	v4 =	vor.u32 $0x2000, v0;
	v5 =	vor.u32 $0x2800, v0;
	v6 =	vor.u32 $0x3000, v0  }
0xb: {  	s9 =	sshll.u32 s6, $0x4;
	s6 =	sshll.u32 s6, $0x7;
	v7 =	vor.u32 $0x3800, v0;
	v8 =	vor.u32 $0x4000, v0;
	v9 =	vor.u32 $0x4800, v0;
	s7 =	ssub.s32 s8, s31  }
0xc: {  	v10 =	vor.u32 $0x5000, v0;
	v11 =	vor.u32 $0x5800, v0;
	v12 =	vor.u32 $0x6000, v0;
	s4 =	sadd.s32 s4, s9;
	s5 =	sadd.s32 s5, s6;
	s8 =	simm.s32 $0x400  }
0xd: {  	v13 =	vor.u32 $0x6800, v0;
	v14 =	vor.u32 $0x7000, v0;
	v15 =	vor.u32 $0x7800, v0;
	s9 =	simm.s32 $0x1;
	s6 =	smax.u32 s7, $0x1;
	s7 =	simm.s32 $0x2  }
.LBB2_1:
0xe: {  	[tilespmem:s3], [sflag:$0x2] =	stream.linear.gather [hbm4b:s4+s3], $0x80, $0x38;
	[tilespmem:$0xA080] =	vst v63  }
0xf: {  	_ =	swait.ge [sflag:s7], $0x80  }
0x10: {  	[sflag:s7] =	ssyncset.done $0x0  }
0x11: {  	s18 =	simm.s32 $0xF;
	s19 =	simm.s32 $0x0;
	[sflag:s7] =	ssyncadd.s32 $0xFFFFFF80  }
.LBB2_2:
0x12: {  	v16 =	vld [tilespmem:s19+$0x0];
	_ =	sdelay $0x4  }
0x13: {  	(v2sf) =	vpush v16, $0x0;
	_ =	sdelay $0xa  }
0x14: {  	(v2sf) =	vpush v16, $0x1;
	_ =	sdelay $0x3  }
0x15: {  	s20 =	spop (v2sf)  }
0x16: {  	s21 =	sand.u32 $0x7F, s20  }
0x17: {  	s22 =	sshra.s32 s20, $0x1F;
	p0 =	slt.s32 s20, $0x1;
	p1 =	sne.s32 s21, $0x0  }
0x18: {  	(v2sf) =	vpush v16, $0x2;
	s26 =	sshrl.u32 s22, $0x19;
	p0 =	por !p0, !p1  }
0x19: {  	s22 =	simm.s32 $0x1;
	s21 =	sadd.s32 s26, s20;
	p0 =	por !p0, !p0  }
0x1a: {  	s21 =	sshrl.u32 s21, $0x7;
	s22 =	simm.s32 @!p0 $0x0  }
0x1b: {  	s21 =	ssub.s32 s21, s22  }
0x1c: {  	s24 =	sshll.u32 s21, $0x7  }
0x1d: {  	s21 =	sand.u32 $0x1FFFFF80, s24  }
0x1e: {  	s21 =	sadd.s32 s1, s21  }
0x1f: {  	[tilespmem:s11], [sflag:$0x1] =	stream.strided.gather [hbm4b:s21+s8], $0x2000, s10, s8, $0x38;
	[tilespmem:$0xA080] =	vst v63  }
0x20: {  	s21 =	spop (v2sf)  }
0x21: {  	s28 =	sand.u32 $0x7F, s21  }
0x22: {  	s23 =	sshra.s32 s21, $0x1F;
	p1 =	slt.s32 s21, $0x1;
	p2 =	sne.s32 s28, $0x0  }
0x23: {  	s29 =	sshrl.u32 s23, $0x19;
	p0 =	por !p1, !p2  }
0x24: {  	(v2sf) =	vpush v16, $0x3;
	s23 =	simm.s32 $0x1;
	s22 =	sadd.s32 s29, s21;
	p0 =	por !p0, !p0  }
0x25: {  	s22 =	sshrl.u32 s22, $0x7;
	s23 =	simm.s32 @!p0 $0x0  }
0x26: {  	s22 =	ssub.s32 s22, s23  }
0x27: {  	s25 =	sshll.u32 s22, $0x7;
	s22 =	spop (v2sf)  }
0x28: {  	s30 =	sand.u32 $0x1FFFFF80, s25;
	s31 =	sand.u32 $0x7F, s22;
	s26 =	sshra.s32 s22, $0x1F  }
0x29: {  	p3 =	slt.s32 s22, $0x1;
	s23 =	sadd.s32 s1, s30;
	p4 =	sne.s32 s31, $0x0  }
0x2a: {  	[tilespmem:s12], [sflag:$0x1] =	stream.strided.gather [hbm4b:s23+s8], $0x2000, s10, s8, $0x38;
	[tilespmem:$0xA080] =	vst v63  }
0x2b: {  	s28 =	sshrl.u32 s26, $0x19;
	p0 =	por !p3, !p4  }
0x2c: {  	s26 =	simm.s32 $0x1;
	s23 =	sadd.s32 s28, s22;
	p0 =	por !p0, !p0  }
0x2d: {  	s23 =	sshrl.u32 s23, $0x7;
	s26 =	simm.s32 @!p0 $0x0  }
0x2e: {  	s23 =	ssub.s32 s23, s26  }
0x2f: {  	s26 =	sshll.u32 s23, $0x7  }
0x30: {  	s23 =	sand.u32 $0x1FFFFF80, s26  }
0x31: {  	s23 =	sadd.s32 s1, s23  }
0x32: {  	[tilespmem:s13], [sflag:$0x1] =	stream.strided.gather [hbm4b:s23+s8], $0x2000, s10, s8, $0x38;
	[tilespmem:$0xA080] =	vst v63  }
0x33: {  	s23 =	spop (v2sf)  }
0x34: {  	s28 =	sand.u32 $0x7F, s23  }
0x35: {  	s29 =	sshra.s32 s23, $0x1F;
	p5 =	slt.s32 s23, $0x1;
	p6 =	sne.s32 s28, $0x0  }
0x36: {  	s29 =	sshrl.u32 s29, $0x19;
	p0 =	por !p5, !p6  }
0x37: {  	s28 =	sadd.s32 s29, s23;
	s29 =	simm.s32 $0x1;
	p0 =	por !p0, !p0  }
0x38: {  	s28 =	sshrl.u32 s28, $0x7;
	s29 =	simm.s32 @!p0 $0x0  }
0x39: {  	s28 =	ssub.s32 s28, s29  }
0x3a: {  	s28 =	sshll.u32 s28, $0x7  }
0x3b: {  	s20 =	ssub.s32 s20, s24;
	s30 =	sand.u32 $0x1FFFFF80, s28  }
0x3c: {  	v17 =	vadd.s32 s20, v0;
	s31 =	sadd.s32 $0xFFFFFFF1, s18;
	s29 =	sadd.s32 s1, s30  }
0x3d: {  	v18 =	vmov s31;
	[tilespmem:s14], [sflag:$0x1] =	stream.strided.gather [hbm4b:s29+s8], $0x2000, s10, s8, $0x38;
	[tilespmem:$0xA080] =	vst v63  }
0x3e: {  	v18 =	vand.u32 $0x70, v18;
	_ =	swait.ge [sflag:s9], $0x2000  }
0x3f: {  	v18 =	vbroadcast v18, $0x0;
	[sflag:s9] =	ssyncset.done $0x0  }
0x40: {  	(v2sf) =	vpush v16, $0x4;
	[sflag:s9] =	ssyncadd.s32 $0xFFFFE000  }
0x41: {  	v19 =	vor.u32 v0, v18;
	v17 =	vld.idx.msk [tilespmem:v17+s11+$0x0], $0xffff  }
0x42: {  	v20 =	vadd.s32 s20, v1;
	_ =	sdelay $0x3  }
0x43: {  	[tilespmem:v19+s15+$0x0] =	vst.idx.msk $0xffff, v17  }
0x44: {  	v39 =	vor.u32 v1, v18;
	v17 =	vld.idx.msk [tilespmem:v20+s11+$0x0], $0xffff  }
0x45: {  	v40 =	vadd.s32 s20, v2;
	_ =	sdelay $0x3  }
0x46: {  	[tilespmem:v39+s15+$0x0] =	vst.idx.msk $0xffff, v17  }
0x47: {  	v41 =	vor.u32 v2, v18;
	v17 =	vld.idx.msk [tilespmem:v40+s11+$0x0], $0xffff  }
0x48: {  	v42 =	vadd.s32 s20, v3  }
0x49: {  	s20 =	spop (v2sf)  }
0x4a: {  	s30 =	sand.u32 $0x7F, s20  }
0x4b: {  	s31 =	sshra.s32 s20, $0x1F;
	p1 =	slt.s32 s20, $0x1;
	p2 =	sne.s32 s30, $0x0  }
0x4c: {  	s30 =	sshrl.u32 s31, $0x19;
	p0 =	por !p1, !p2;
	[tilespmem:v41+s15+$0x0] =	vst.idx.msk $0xffff, v17  }
0x4d: {  	v18 =	vor.u32 v3, v18;
	s29 =	simm.s32 $0x1;
	s24 =	sadd.s32 s30, s20;
	p0 =	por !p0, !p0;
	v17 =	vld.idx.msk [tilespmem:v42+s11+$0x0], $0xffff  }
0x4e: {  	s24 =	sshrl.u32 s24, $0x7;
	s29 =	simm.s32 @!p0 $0x0  }
0x4f: {  	s24 =	ssub.s32 s24, s29  }
0x50: {  	s24 =	sshll.u32 s24, $0x7  }
0x51: {  	s21 =	ssub.s32 s21, s25;
	s31 =	sand.u32 $0x1FFFFF80, s24  }
0x52: {  	s30 =	sadd.s32 s1, s31;
	s31 =	sadd.s32 $0xFFFFFFF2, s18;
	[tilespmem:v18+s15+$0x0] =	vst.idx.msk $0xffff, v17;
	v17 =	vadd.s32 s21, v4  }
0x53: {  	v43 =	vmov s31;
	[tilespmem:s11], [sflag:$0x1] =	stream.strided.gather [hbm4b:s30+s8], $0x2000, s10, s8, $0x38;
	[tilespmem:$0xA080] =	vst v63  }
0x54: {  	v18 =	vand.u32 $0x71, v43;
	_ =	swait.ge [sflag:s9], $0x2000  }
0x55: {  	v18 =	vbroadcast v18, $0x0;
	[sflag:s9] =	ssyncset.done $0x0  }
0x56: {  	(v2sf) =	vpush v16, $0x5;
	[sflag:s9] =	ssyncadd.s32 $0xFFFFE000  }
0x57: {  	v44 =	vor.u32 v0, v18;
	v17 =	vld.idx.msk [tilespmem:v17+s11+$0x0], $0xffff  }
0x58: {  	v45 =	vadd.s32 s21, v5;
	_ =	sdelay $0x3  }
0x59: {  	[tilespmem:v44+s15+$0x0] =	vst.idx.msk $0xffff, v17  }
0x5a: {  	v46 =	vor.u32 v1, v18;
	v17 =	vld.idx.msk [tilespmem:v45+s11+$0x0], $0xffff  }
0x5b: {  	v47 =	vadd.s32 s21, v6;
	_ =	sdelay $0x3  }
0x5c: {  	[tilespmem:v46+s15+$0x0] =	vst.idx.msk $0xffff, v17  }
0x5d: {  	v48 =	vor.u32 v2, v18;
	v17 =	vld.idx.msk [tilespmem:v47+s11+$0x0], $0xffff  }
0x5e: {  	v49 =	vadd.s32 s21, v7  }
0x5f: {  	s21 =	spop (v2sf)  }
0x60: {  	s30 =	sand.u32 $0x7F, s21  }
0x61: {  	s31 =	sshra.s32 s21, $0x1F;
	p3 =	slt.s32 s21, $0x1;
	p4 =	sne.s32 s30, $0x0  }
0x62: {  	s30 =	sshrl.u32 s31, $0x19;
	p0 =	por !p3, !p4;
	[tilespmem:v48+s15+$0x0] =	vst.idx.msk $0xffff, v17  }
0x63: {  	s29 =	simm.s32 $0x1;
	v18 =	vor.u32 v3, v18;
	s25 =	sadd.s32 s30, s21;
	p0 =	por !p0, !p0;
	v17 =	vld.idx.msk [tilespmem:v49+s11+$0x0], $0xffff  }
0x64: {  	s25 =	sshrl.u32 s25, $0x7;
	s29 =	simm.s32 @!p0 $0x0  }
0x65: {  	s25 =	ssub.s32 s25, s29  }
0x66: {  	s25 =	sshll.u32 s25, $0x7  }
0x67: {  	s22 =	ssub.s32 s22, s26;
	s31 =	sand.u32 $0x1FFFFF80, s25  }
0x68: {  	s30 =	sadd.s32 s1, s31;
	s31 =	sadd.s32 $0xFFFFFFF3, s18;
	[tilespmem:v18+s15+$0x0] =	vst.idx.msk $0xffff, v17;
	v17 =	vadd.s32 s22, v8  }
0x69: {  	v50 =	vmov s31;
	[tilespmem:s12], [sflag:$0x1] =	stream.strided.gather [hbm4b:s30+s8], $0x2000, s10, s8, $0x38;
	[tilespmem:$0xA080] =	vst v63  }
0x6a: {  	v18 =	vand.u32 $0x72, v50;
	_ =	swait.ge [sflag:s9], $0x2000  }
0x6b: {  	v18 =	vbroadcast v18, $0x0;
	[sflag:s9] =	ssyncset.done $0x0  }
0x6c: {  	(v2sf) =	vpush v16, $0x6;
	[sflag:s9] =	ssyncadd.s32 $0xFFFFE000  }
0x6d: {  	v51 =	vor.u32 v0, v18;
	v17 =	vld.idx.msk [tilespmem:v17+s11+$0x0], $0xffff  }
0x6e: {  	v52 =	vadd.s32 s22, v9;
	_ =	sdelay $0x3  }
0x6f: {  	[tilespmem:v51+s15+$0x0] =	vst.idx.msk $0xffff, v17  }
0x70: {  	v53 =	vor.u32 v1, v18;
	v17 =	vld.idx.msk [tilespmem:v52+s11+$0x0], $0xffff  }
0x71: {  	v54 =	vadd.s32 s22, v10;
	_ =	sdelay $0x3  }
0x72: {  	[tilespmem:v53+s15+$0x0] =	vst.idx.msk $0xffff, v17  }
0x73: {  	v55 =	vor.u32 v2, v18;
	v17 =	vld.idx.msk [tilespmem:v54+s11+$0x0], $0xffff  }
0x74: {  	v56 =	vadd.s32 s22, v11  }
0x75: {  	s22 =	spop (v2sf)  }
0x76: {  	s30 =	sand.u32 $0x7F, s22  }
0x77: {  	s31 =	sshra.s32 s22, $0x1F;
	p5 =	slt.s32 s22, $0x1;
	p6 =	sne.s32 s30, $0x0  }
0x78: {  	s30 =	sshrl.u32 s31, $0x19;
	p0 =	por !p5, !p6;
	[tilespmem:v55+s15+$0x0] =	vst.idx.msk $0xffff, v17  }
0x79: {  	s29 =	simm.s32 $0x1;
	v18 =	vor.u32 v3, v18;
	s26 =	sadd.s32 s30, s22;
	p0 =	por !p0, !p0;
	v17 =	vld.idx.msk [tilespmem:v56+s11+$0x0], $0xffff  }
0x7a: {  	s26 =	sshrl.u32 s26, $0x7;
	s29 =	simm.s32 @!p0 $0x0  }
0x7b: {  	s26 =	ssub.s32 s26, s29  }
0x7c: {  	s26 =	sshll.u32 s26, $0x7  }
0x7d: {  	s23 =	ssub.s32 s23, s28;
	s31 =	sand.u32 $0x1FFFFF80, s26  }
0x7e: {  	s30 =	sadd.s32 s1, s31;
	s31 =	sadd.s32 $0xFFFFFFF4, s18;
	[tilespmem:v18+s15+$0x0] =	vst.idx.msk $0xffff, v17;
	v17 =	vadd.s32 s23, v12  }
0x7f: {  	v57 =	vmov s31;
	[tilespmem:s13], [sflag:$0x1] =	stream.strided.gather [hbm4b:s30+s8], $0x2000, s10, s8, $0x38;
	[tilespmem:$0xA080] =	vst v63  }
0x80: {  	v18 =	vand.u32 $0x73, v57;
	_ =	swait.ge [sflag:s9], $0x2000  }
0x81: {  	v18 =	vbroadcast v18, $0x0;
	[sflag:s9] =	ssyncset.done $0x0  }
0x82: {  	(v2sf) =	vpush v16, $0x7;
	[sflag:s9] =	ssyncadd.s32 $0xFFFFE000  }
0x83: {  	v58 =	vor.u32 v0, v18;
	v17 =	vld.idx.msk [tilespmem:v17+s11+$0x0], $0xffff  }
0x84: {  	v59 =	vadd.s32 s23, v13;
	_ =	sdelay $0x3  }
0x85: {  	[tilespmem:v58+s15+$0x0] =	vst.idx.msk $0xffff, v17  }
0x86: {  	v60 =	vor.u32 v1, v18;
	v17 =	vld.idx.msk [tilespmem:v59+s11+$0x0], $0xffff  }
0x87: {  	v61 =	vadd.s32 s23, v14;
	_ =	sdelay $0x3  }
0x88: {  	[tilespmem:v60+s15+$0x0] =	vst.idx.msk $0xffff, v17  }
0x89: {  	v62 =	vor.u32 v2, v18;
	v17 =	vld.idx.msk [tilespmem:v61+s11+$0x0], $0xffff  }
0x8a: {  	v63 =	vadd.s32 s23, v15  }
0x8b: {  	s23 =	spop (v2sf)  }
0x8c: {  	s30 =	sand.u32 $0x7F, s23  }
0x8d: {  	s31 =	sshra.s32 s23, $0x1F;
	p1 =	slt.s32 s23, $0x1;
	p2 =	sne.s32 s30, $0x0  }
0x8e: {  	s30 =	sshrl.u32 s31, $0x19;
	p0 =	por !p1, !p2;
	[tilespmem:v62+s15+$0x0] =	vst.idx.msk $0xffff, v17  }
0x8f: {  	s29 =	simm.s32 $0x1;
	v18 =	vor.u32 v3, v18;
	s28 =	sadd.s32 s30, s23;
	p0 =	por !p0, !p0;
	v17 =	vld.idx.msk [tilespmem:v63+s11+$0x0], $0xffff  }
0x90: {  	s28 =	sshrl.u32 s28, $0x7;
	s29 =	simm.s32 @!p0 $0x0  }
0x91: {  	s28 =	ssub.s32 s28, s29  }
0x92: {  	s28 =	sshll.u32 s28, $0x7  }
0x93: {  	s20 =	ssub.s32 s20, s24;
	s31 =	sand.u32 $0x1FFFFF80, s28  }
0x94: {  	s30 =	sadd.s32 s1, s31;
	s31 =	sadd.s32 $0xFFFFFFF5, s18;
	[tilespmem:v18+s15+$0x0] =	vst.idx.msk $0xffff, v17;
	v17 =	vadd.s32 s20, v0  }
0x95: {  	v24 =	vmov s31;
	[tilespmem:s14], [sflag:$0x1] =	stream.strided.gather [hbm4b:s30+s8], $0x2000, s10, s8, $0x38;
	[tilespmem:$0xA080] =	vst v63  }
0x96: {  	v18 =	vand.u32 $0x74, v24;
	_ =	swait.ge [sflag:s9], $0x2000  }
0x97: {  	v18 =	vbroadcast v18, $0x0;
	[sflag:s9] =	ssyncset.done $0x0  }
0x98: {  	(v2sf) =	vpush v16, $0x8;
	[sflag:s9] =	ssyncadd.s32 $0xFFFFE000  }
0x99: {  	v25 =	vor.u32 v0, v18;
	v17 =	vld.idx.msk [tilespmem:v17+s11+$0x0], $0xffff  }
0x9a: {  	v26 =	vadd.s32 s20, v1;
	_ =	sdelay $0x3  }
0x9b: {  	[tilespmem:v25+s15+$0x0] =	vst.idx.msk $0xffff, v17  }
0x9c: {  	v27 =	vor.u32 v1, v18;
	v17 =	vld.idx.msk [tilespmem:v26+s11+$0x0], $0xffff  }
0x9d: {  	v28 =	vadd.s32 s20, v2;
	_ =	sdelay $0x3  }
0x9e: {  	[tilespmem:v27+s15+$0x0] =	vst.idx.msk $0xffff, v17  }
0x9f: {  	v29 =	vor.u32 v2, v18;
	v17 =	vld.idx.msk [tilespmem:v28+s11+$0x0], $0xffff  }
0xa0: {  	v30 =	vadd.s32 s20, v3  }
0xa1: {  	s20 =	spop (v2sf)  }
0xa2: {  	s30 =	sand.u32 $0x7F, s20  }
0xa3: {  	s31 =	sshra.s32 s20, $0x1F;
	p3 =	slt.s32 s20, $0x1;
	p4 =	sne.s32 s30, $0x0  }
0xa4: {  	s30 =	sshrl.u32 s31, $0x19;
	p0 =	por !p3, !p4;
	[tilespmem:v29+s15+$0x0] =	vst.idx.msk $0xffff, v17  }
0xa5: {  	s29 =	simm.s32 $0x1;
	v18 =	vor.u32 v3, v18;
	s24 =	sadd.s32 s30, s20;
	p0 =	por !p0, !p0;
	v17 =	vld.idx.msk [tilespmem:v30+s11+$0x0], $0xffff  }
0xa6: {  	s24 =	sshrl.u32 s24, $0x7;
	s29 =	simm.s32 @!p0 $0x0  }
0xa7: {  	s24 =	ssub.s32 s24, s29  }
0xa8: {  	s24 =	sshll.u32 s24, $0x7  }
0xa9: {  	s21 =	ssub.s32 s21, s25;
	s31 =	sand.u32 $0x1FFFFF80, s24  }
0xaa: {  	s30 =	sadd.s32 s1, s31;
	s31 =	sadd.s32 $0xFFFFFFF6, s18;
	[tilespmem:v18+s15+$0x0] =	vst.idx.msk $0xffff, v17;
	v17 =	vadd.s32 s21, v4  }
0xab: {  	v31 =	vmov s31;
	[tilespmem:s11], [sflag:$0x1] =	stream.strided.gather [hbm4b:s30+s8], $0x2000, s10, s8, $0x38;
	[tilespmem:$0xA080] =	vst v63  }
0xac: {  	v18 =	vand.u32 $0x75, v31;
	_ =	swait.ge [sflag:s9], $0x2000  }
0xad: {  	v18 =	vbroadcast v18, $0x0;
	[sflag:s9] =	ssyncset.done $0x0  }
0xae: {  	(v2sf) =	vpush v16, $0x9;
	[sflag:s9] =	ssyncadd.s32 $0xFFFFE000  }
0xaf: {  	v32 =	vor.u32 v0, v18;
	v17 =	vld.idx.msk [tilespmem:v17+s11+$0x0], $0xffff  }
0xb0: {  	v33 =	vadd.s32 s21, v5;
	_ =	sdelay $0x3  }
0xb1: {  	[tilespmem:v32+s15+$0x0] =	vst.idx.msk $0xffff, v17  }
0xb2: {  	v34 =	vor.u32 v1, v18;
	v17 =	vld.idx.msk [tilespmem:v33+s11+$0x0], $0xffff  }
0xb3: {  	v35 =	vadd.s32 s21, v6;
	_ =	sdelay $0x3  }
0xb4: {  	[tilespmem:v34+s15+$0x0] =	vst.idx.msk $0xffff, v17  }
0xb5: {  	v36 =	vor.u32 v2, v18;
	v17 =	vld.idx.msk [tilespmem:v35+s11+$0x0], $0xffff  }
0xb6: {  	v37 =	vadd.s32 s21, v7  }
0xb7: {  	s21 =	spop (v2sf)  }
0xb8: {  	s30 =	sand.u32 $0x7F, s21  }
0xb9: {  	s31 =	sshra.s32 s21, $0x1F;
	p5 =	slt.s32 s21, $0x1;
	p6 =	sne.s32 s30, $0x0  }
0xba: {  	s30 =	sshrl.u32 s31, $0x19;
	p0 =	por !p5, !p6;
	[tilespmem:v36+s15+$0x0] =	vst.idx.msk $0xffff, v17  }
0xbb: {  	s29 =	simm.s32 $0x1;
	v18 =	vor.u32 v3, v18;
	s25 =	sadd.s32 s30, s21;
	p0 =	por !p0, !p0;
	v17 =	vld.idx.msk [tilespmem:v37+s11+$0x0], $0xffff  }
0xbc: {  	s25 =	sshrl.u32 s25, $0x7;
	s29 =	simm.s32 @!p0 $0x0  }
0xbd: {  	s25 =	ssub.s32 s25, s29  }
0xbe: {  	s25 =	sshll.u32 s25, $0x7  }
0xbf: {  	s22 =	ssub.s32 s22, s26;
	s31 =	sand.u32 $0x1FFFFF80, s25  }
0xc0: {  	s30 =	sadd.s32 s1, s31;
	s31 =	sadd.s32 $0xFFFFFFF7, s18;
	[tilespmem:v18+s15+$0x0] =	vst.idx.msk $0xffff, v17;
	v17 =	vadd.s32 s22, v8  }
0xc1: {  	v38 =	vmov s31;
	[tilespmem:s12], [sflag:$0x1] =	stream.strided.gather [hbm4b:s30+s8], $0x2000, s10, s8, $0x38;
	[tilespmem:$0xA080] =	vst v63  }
0xc2: {  	v18 =	vand.u32 $0x76, v38;
	_ =	swait.ge [sflag:s9], $0x2000  }
0xc3: {  	v18 =	vbroadcast v18, $0x0;
	[sflag:s9] =	ssyncset.done $0x0  }
0xc4: {  	(v2sf) =	vpush v16, $0xA;
	[sflag:s9] =	ssyncadd.s32 $0xFFFFE000  }
0xc5: {  	v39 =	vor.u32 v0, v18;
	v17 =	vld.idx.msk [tilespmem:v17+s11+$0x0], $0xffff  }
0xc6: {  	v40 =	vadd.s32 s22, v9;
	_ =	sdelay $0x3  }
0xc7: {  	[tilespmem:v39+s15+$0x0] =	vst.idx.msk $0xffff, v17  }
0xc8: {  	v41 =	vor.u32 v1, v18;
	v17 =	vld.idx.msk [tilespmem:v40+s11+$0x0], $0xffff  }
0xc9: {  	v42 =	vadd.s32 s22, v10;
	_ =	sdelay $0x3  }
0xca: {  	[tilespmem:v41+s15+$0x0] =	vst.idx.msk $0xffff, v17  }
0xcb: {  	v43 =	vor.u32 v2, v18;
	v17 =	vld.idx.msk [tilespmem:v42+s11+$0x0], $0xffff  }
0xcc: {  	v44 =	vadd.s32 s22, v11  }
0xcd: {  	s22 =	spop (v2sf)  }
0xce: {  	s30 =	sand.u32 $0x7F, s22  }
0xcf: {  	s31 =	sshra.s32 s22, $0x1F;
	p1 =	slt.s32 s22, $0x1;
	p2 =	sne.s32 s30, $0x0  }
0xd0: {  	s30 =	sshrl.u32 s31, $0x19;
	p0 =	por !p1, !p2;
	[tilespmem:v43+s15+$0x0] =	vst.idx.msk $0xffff, v17  }
0xd1: {  	s29 =	simm.s32 $0x1;
	v18 =	vor.u32 v3, v18;
	s26 =	sadd.s32 s30, s22;
	p0 =	por !p0, !p0;
	v17 =	vld.idx.msk [tilespmem:v44+s11+$0x0], $0xffff  }
0xd2: {  	s26 =	sshrl.u32 s26, $0x7;
	s29 =	simm.s32 @!p0 $0x0  }
0xd3: {  	s26 =	ssub.s32 s26, s29  }
0xd4: {  	s26 =	sshll.u32 s26, $0x7  }
0xd5: {  	s23 =	ssub.s32 s23, s28;
	s31 =	sand.u32 $0x1FFFFF80, s26  }
0xd6: {  	s30 =	sadd.s32 s1, s31;
	s31 =	sadd.s32 $0xFFFFFFF8, s18;
	[tilespmem:v18+s15+$0x0] =	vst.idx.msk $0xffff, v17;
	v17 =	vadd.s32 s23, v12  }
0xd7: {  	v45 =	vmov s31;
	[tilespmem:s13], [sflag:$0x1] =	stream.strided.gather [hbm4b:s30+s8], $0x2000, s10, s8, $0x38;
	[tilespmem:$0xA080] =	vst v63  }
0xd8: {  	v18 =	vand.u32 $0x77, v45;
	_ =	swait.ge [sflag:s9], $0x2000  }
0xd9: {  	v18 =	vbroadcast v18, $0x0;
	[sflag:s9] =	ssyncset.done $0x0  }
0xda: {  	(v2sf) =	vpush v16, $0xB;
	[sflag:s9] =	ssyncadd.s32 $0xFFFFE000  }
0xdb: {  	v46 =	vor.u32 v0, v18;
	v17 =	vld.idx.msk [tilespmem:v17+s11+$0x0], $0xffff  }
0xdc: {  	v47 =	vadd.s32 s23, v13;
	_ =	sdelay $0x3  }
0xdd: {  	[tilespmem:v46+s15+$0x0] =	vst.idx.msk $0xffff, v17  }
0xde: {  	v48 =	vor.u32 v1, v18;
	v17 =	vld.idx.msk [tilespmem:v47+s11+$0x0], $0xffff  }
0xdf: {  	v49 =	vadd.s32 s23, v14;
	_ =	sdelay $0x3  }
0xe0: {  	[tilespmem:v48+s15+$0x0] =	vst.idx.msk $0xffff, v17  }
0xe1: {  	v50 =	vor.u32 v2, v18;
	v17 =	vld.idx.msk [tilespmem:v49+s11+$0x0], $0xffff  }
0xe2: {  	v51 =	vadd.s32 s23, v15  }
0xe3: {  	s23 =	spop (v2sf)  }
0xe4: {  	s30 =	sand.u32 $0x7F, s23  }
0xe5: {  	s31 =	sshra.s32 s23, $0x1F;
	p3 =	slt.s32 s23, $0x1;
	p4 =	sne.s32 s30, $0x0  }
0xe6: {  	s30 =	sshrl.u32 s31, $0x19;
	p0 =	por !p3, !p4;
	[tilespmem:v50+s15+$0x0] =	vst.idx.msk $0xffff, v17  }
0xe7: {  	s29 =	simm.s32 $0x1;
	v18 =	vor.u32 v3, v18;
	s28 =	sadd.s32 s30, s23;
	p0 =	por !p0, !p0;
	v17 =	vld.idx.msk [tilespmem:v51+s11+$0x0], $0xffff  }
0xe8: {  	s28 =	sshrl.u32 s28, $0x7;
	s29 =	simm.s32 @!p0 $0x0  }
0xe9: {  	s28 =	ssub.s32 s28, s29  }
0xea: {  	s28 =	sshll.u32 s28, $0x7  }
0xeb: {  	s20 =	ssub.s32 s20, s24;
	s31 =	sand.u32 $0x1FFFFF80, s28  }
0xec: {  	s30 =	sadd.s32 s1, s31;
	s31 =	sadd.s32 $0xFFFFFFF9, s18;
	[tilespmem:v18+s15+$0x0] =	vst.idx.msk $0xffff, v17;
	v17 =	vadd.s32 s20, v0  }
0xed: {  	v52 =	vmov s31;
	[tilespmem:s14], [sflag:$0x1] =	stream.strided.gather [hbm4b:s30+s8], $0x2000, s10, s8, $0x38;
	[tilespmem:$0xA080] =	vst v63  }
0xee: {  	v18 =	vand.u32 $0x78, v52;
	_ =	swait.ge [sflag:s9], $0x2000  }
0xef: {  	v18 =	vbroadcast v18, $0x0;
	[sflag:s9] =	ssyncset.done $0x0  }
0xf0: {  	(v2sf) =	vpush v16, $0xC;
	[sflag:s9] =	ssyncadd.s32 $0xFFFFE000  }
0xf1: {  	v53 =	vor.u32 v0, v18;
	v17 =	vld.idx.msk [tilespmem:v17+s11+$0x0], $0xffff  }
0xf2: {  	v54 =	vadd.s32 s20, v1;
	_ =	sdelay $0x3  }
0xf3: {  	[tilespmem:v53+s15+$0x0] =	vst.idx.msk $0xffff, v17  }
0xf4: {  	v55 =	vor.u32 v1, v18;
	v17 =	vld.idx.msk [tilespmem:v54+s11+$0x0], $0xffff  }
0xf5: {  	v56 =	vadd.s32 s20, v2;
	_ =	sdelay $0x3  }
0xf6: {  	[tilespmem:v55+s15+$0x0] =	vst.idx.msk $0xffff, v17  }
0xf7: {  	v57 =	vor.u32 v2, v18;
	v17 =	vld.idx.msk [tilespmem:v56+s11+$0x0], $0xffff  }
0xf8: {  	v58 =	vadd.s32 s20, v3  }
0xf9: {  	s20 =	spop (v2sf)  }
0xfa: {  	s30 =	sand.u32 $0x7F, s20  }
0xfb: {  	s31 =	sshra.s32 s20, $0x1F;
	p5 =	slt.s32 s20, $0x1;
	p6 =	sne.s32 s30, $0x0  }
0xfc: {  	s30 =	sshrl.u32 s31, $0x19;
	p0 =	por !p5, !p6;
	[tilespmem:v57+s15+$0x0] =	vst.idx.msk $0xffff, v17  }
0xfd: {  	s29 =	simm.s32 $0x1;
	v18 =	vor.u32 v3, v18;
	s24 =	sadd.s32 s30, s20;
	p0 =	por !p0, !p0;
	v17 =	vld.idx.msk [tilespmem:v58+s11+$0x0], $0xffff  }
0xfe: {  	s24 =	sshrl.u32 s24, $0x7;
	s29 =	simm.s32 @!p0 $0x0  }
0xff: {  	s24 =	ssub.s32 s24, s29  }
0x100: {  	s24 =	sshll.u32 s24, $0x7  }
0x101: {  	s21 =	ssub.s32 s21, s25;
	s31 =	sand.u32 $0x1FFFFF80, s24  }
0x102: {  	s30 =	sadd.s32 s1, s31;
	s31 =	sadd.s32 $0xFFFFFFFA, s18;
	[tilespmem:v18+s15+$0x0] =	vst.idx.msk $0xffff, v17;
	v17 =	vadd.s32 s21, v4  }
0x103: {  	v59 =	vmov s31;
	[tilespmem:s11], [sflag:$0x1] =	stream.strided.gather [hbm4b:s30+s8], $0x2000, s10, s8, $0x38;
	[tilespmem:$0xA080] =	vst v63  }
0x104: {  	v18 =	vand.u32 $0x79, v59;
	_ =	swait.ge [sflag:s9], $0x2000  }
0x105: {  	v18 =	vbroadcast v18, $0x0;
	[sflag:s9] =	ssyncset.done $0x0  }
0x106: {  	(v2sf) =	vpush v16, $0xD;
	[sflag:s9] =	ssyncadd.s32 $0xFFFFE000  }
0x107: {  	v60 =	vor.u32 v0, v18;
	v17 =	vld.idx.msk [tilespmem:v17+s11+$0x0], $0xffff  }
0x108: {  	v61 =	vadd.s32 s21, v5;
	_ =	sdelay $0x3  }
0x109: {  	[tilespmem:v60+s15+$0x0] =	vst.idx.msk $0xffff, v17  }
0x10a: {  	v62 =	vor.u32 v1, v18;
	v17 =	vld.idx.msk [tilespmem:v61+s11+$0x0], $0xffff  }
0x10b: {  	v63 =	vadd.s32 s21, v6;
	_ =	sdelay $0x3  }
0x10c: {  	[tilespmem:v62+s15+$0x0] =	vst.idx.msk $0xffff, v17  }
0x10d: {  	v24 =	vor.u32 v2, v18;
	v17 =	vld.idx.msk [tilespmem:v63+s11+$0x0], $0xffff  }
0x10e: {  	v25 =	vadd.s32 s21, v7  }
0x10f: {  	s21 =	spop (v2sf)  }
0x110: {  	s30 =	sand.u32 $0x7F, s21  }
0x111: {  	s31 =	sshra.s32 s21, $0x1F;
	p1 =	slt.s32 s21, $0x1;
	p2 =	sne.s32 s30, $0x0  }
0x112: {  	s30 =	sshrl.u32 s31, $0x19;
	p0 =	por !p1, !p2;
	[tilespmem:v24+s15+$0x0] =	vst.idx.msk $0xffff, v17  }
0x113: {  	s29 =	simm.s32 $0x1;
	v18 =	vor.u32 v3, v18;
	s25 =	sadd.s32 s30, s21;
	p0 =	por !p0, !p0;
	v17 =	vld.idx.msk [tilespmem:v25+s11+$0x0], $0xffff  }
0x114: {  	s25 =	sshrl.u32 s25, $0x7;
	s29 =	simm.s32 @!p0 $0x0  }
0x115: {  	s25 =	ssub.s32 s25, s29  }
0x116: {  	s25 =	sshll.u32 s25, $0x7  }
0x117: {  	s22 =	ssub.s32 s22, s26;
	s31 =	sand.u32 $0x1FFFFF80, s25  }
0x118: {  	s30 =	sadd.s32 s1, s31;
	s31 =	sadd.s32 $0xFFFFFFFB, s18;
	[tilespmem:v18+s15+$0x0] =	vst.idx.msk $0xffff, v17;
	v17 =	vadd.s32 s22, v8  }
0x119: {  	v26 =	vmov s31;
	[tilespmem:s12], [sflag:$0x1] =	stream.strided.gather [hbm4b:s30+s8], $0x2000, s10, s8, $0x38;
	[tilespmem:$0xA080] =	vst v63  }
0x11a: {  	v18 =	vand.u32 $0x7A, v26;
	_ =	swait.ge [sflag:s9], $0x2000  }
0x11b: {  	v18 =	vbroadcast v18, $0x0;
	[sflag:s9] =	ssyncset.done $0x0  }
0x11c: {  	(v2sf) =	vpush v16, $0xE;
	[sflag:s9] =	ssyncadd.s32 $0xFFFFE000  }
0x11d: {  	v27 =	vor.u32 v0, v18;
	v17 =	vld.idx.msk [tilespmem:v17+s11+$0x0], $0xffff  }
0x11e: {  	v28 =	vadd.s32 s22, v9;
	_ =	sdelay $0x3  }
0x11f: {  	[tilespmem:v27+s15+$0x0] =	vst.idx.msk $0xffff, v17  }
0x120: {  	v29 =	vor.u32 v1, v18;
	v17 =	vld.idx.msk [tilespmem:v28+s11+$0x0], $0xffff  }
0x121: {  	v30 =	vadd.s32 s22, v10;
	_ =	sdelay $0x3  }
0x122: {  	[tilespmem:v29+s15+$0x0] =	vst.idx.msk $0xffff, v17  }
0x123: {  	v31 =	vor.u32 v2, v18;
	v17 =	vld.idx.msk [tilespmem:v30+s11+$0x0], $0xffff  }
0x124: {  	v32 =	vadd.s32 s22, v11  }
0x125: {  	s22 =	spop (v2sf)  }
0x126: {  	s30 =	sand.u32 $0x7F, s22  }
0x127: {  	s31 =	sshra.s32 s22, $0x1F;
	p3 =	slt.s32 s22, $0x1;
	p4 =	sne.s32 s30, $0x0  }
0x128: {  	s30 =	sshrl.u32 s31, $0x19;
	p0 =	por !p3, !p4;
	[tilespmem:v31+s15+$0x0] =	vst.idx.msk $0xffff, v17  }
0x129: {  	s29 =	simm.s32 $0x1;
	v18 =	vor.u32 v3, v18;
	s26 =	sadd.s32 s30, s22;
	p0 =	por !p0, !p0;
	v17 =	vld.idx.msk [tilespmem:v32+s11+$0x0], $0xffff  }
0x12a: {  	s26 =	sshrl.u32 s26, $0x7;
	s29 =	simm.s32 @!p0 $0x0  }
0x12b: {  	s26 =	ssub.s32 s26, s29  }
0x12c: {  	s26 =	sshll.u32 s26, $0x7  }
0x12d: {  	s23 =	ssub.s32 s23, s28;
	s31 =	sand.u32 $0x1FFFFF80, s26  }
0x12e: {  	s30 =	sadd.s32 s1, s31;
	s31 =	sadd.s32 $0xFFFFFFFC, s18;
	[tilespmem:v18+s15+$0x0] =	vst.idx.msk $0xffff, v17;
	v17 =	vadd.s32 s23, v12  }
0x12f: {  	v33 =	vmov s31;
	[tilespmem:s13], [sflag:$0x1] =	stream.strided.gather [hbm4b:s30+s8], $0x2000, s10, s8, $0x38;
	[tilespmem:$0xA080] =	vst v63  }
0x130: {  	v18 =	vand.u32 $0x7B, v33;
	_ =	swait.ge [sflag:s9], $0x2000  }
0x131: {  	v18 =	vbroadcast v18, $0x0;
	[sflag:s9] =	ssyncset.done $0x0  }
0x132: {  	(v2sf) =	vpush v16, $0xF;
	[sflag:s9] =	ssyncadd.s32 $0xFFFFE000  }
0x133: {  	v16 =	vld.idx.msk [tilespmem:v17+s11+$0x0], $0xffff;
	v17 =	vor.u32 v0, v18  }
0x134: {  	v34 =	vadd.s32 s23, v13;
	_ =	sdelay $0x3  }
0x135: {  	[tilespmem:v17+s15+$0x0] =	vst.idx.msk $0xffff, v16  }
0x136: {  	v17 =	vor.u32 v1, v18;
	v16 =	vld.idx.msk [tilespmem:v34+s11+$0x0], $0xffff  }
0x137: {  	v35 =	vadd.s32 s23, v14;
	_ =	sdelay $0x3  }
0x138: {  	[tilespmem:v17+s15+$0x0] =	vst.idx.msk $0xffff, v16  }
0x139: {  	v17 =	vor.u32 v2, v18;
	v16 =	vld.idx.msk [tilespmem:v35+s11+$0x0], $0xffff  }
0x13a: {  	v36 =	vadd.s32 s23, v15  }
0x13b: {  	s23 =	spop (v2sf)  }
0x13c: {  	s30 =	sand.u32 $0x7F, s23  }
0x13d: {  	s31 =	sshra.s32 s23, $0x1F;
	p5 =	slt.s32 s23, $0x1;
	p6 =	sne.s32 s30, $0x0  }
0x13e: {  	s30 =	sshrl.u32 s31, $0x19;
	p0 =	por !p5, !p6;
	[tilespmem:v17+s15+$0x0] =	vst.idx.msk $0xffff, v16  }
0x13f: {  	s29 =	simm.s32 $0x1;
	s28 =	sadd.s32 s30, s23;
	v17 =	vor.u32 v3, v18;
	p0 =	por !p0, !p0;
	v16 =	vld.idx.msk [tilespmem:v36+s11+$0x0], $0xffff  }
0x140: {  	s28 =	sshrl.u32 s28, $0x7;
	s29 =	simm.s32 @!p0 $0x0  }
0x141: {  	s28 =	ssub.s32 s28, s29  }
0x142: {  	s28 =	sshll.u32 s28, $0x7  }
0x143: {  	s20 =	ssub.s32 s20, s24;
	s31 =	sand.u32 $0x1FFFFF80, s28  }
0x144: {  	s30 =	sadd.s32 s1, s31;
	s31 =	sadd.s32 $0xFFFFFFFD, s18;
	[tilespmem:v17+s15+$0x0] =	vst.idx.msk $0xffff, v16;
	v16 =	vadd.s32 s20, v0  }
0x145: {  	v17 =	vmov s31;
	[tilespmem:s14], [sflag:$0x1] =	stream.strided.gather [hbm4b:s30+s8], $0x2000, s10, s8, $0x38;
	[tilespmem:$0xA080] =	vst v63  }
0x146: {  	v17 =	vand.u32 $0x7C, v17;
	_ =	swait.ge [sflag:s9], $0x2000  }
0x147: {  	v17 =	vbroadcast v17, $0x0;
	[sflag:s9] =	ssyncset.done $0x0  }
0x148: {  	[sflag:s9] =	ssyncadd.s32 $0xFFFFE000  }
0x149: {  	v37 =	vor.u32 v0, v17;
	v16 =	vld.idx.msk [tilespmem:v16+s11+$0x0], $0xffff  }
0x14a: {  	v38 =	vadd.s32 s20, v1;
	_ =	sdelay $0x3  }
0x14b: {  	[tilespmem:v37+s15+$0x0] =	vst.idx.msk $0xffff, v16  }
0x14c: {  	v39 =	vor.u32 v1, v17;
	v16 =	vld.idx.msk [tilespmem:v38+s11+$0x0], $0xffff  }
0x14d: {  	v40 =	vadd.s32 s20, v2;
	_ =	sdelay $0x3  }
0x14e: {  	[tilespmem:v39+s15+$0x0] =	vst.idx.msk $0xffff, v16  }
0x14f: {  	v41 =	vor.u32 v2, v17;
	v16 =	vld.idx.msk [tilespmem:v40+s11+$0x0], $0xffff  }
0x150: {  	v42 =	vadd.s32 s20, v3;
	_ =	sdelay $0x3  }
0x151: {  	[tilespmem:v41+s15+$0x0] =	vst.idx.msk $0xffff, v16  }
0x152: {  	v17 =	vor.u32 v3, v17;
	v16 =	vld.idx.msk [tilespmem:v42+s11+$0x0], $0xffff;
	_ =	sdelay $0x2  }
0x153: {  	s24 =	ssub.s32 s21, s25  }
0x154: {  	s25 =	sadd.s32 $0xFFFFFFFE, s18;
	v43 =	vadd.s32 s24, v4  }
0x155: {  	[tilespmem:v17+s15+$0x0] =	vst.idx.msk $0xffff, v16;
	v16 =	vmov s25  }
0x156: {  	_ =	swait.ge [sflag:s9], $0x2000;
	v16 =	vand.u32 $0x7D, v16  }
0x157: {  	[sflag:s9] =	ssyncset.done $0x0;
	v16 =	vbroadcast v16, $0x0  }
0x158: {  	[sflag:s9] =	ssyncadd.s32 $0xFFFFE000  }
0x159: {  	v17 =	vld.idx.msk [tilespmem:v43+s11+$0x0], $0xffff;
	v44 =	vor.u32 v0, v16  }
0x15a: {  	v45 =	vadd.s32 s24, v5;
	_ =	sdelay $0x3  }
0x15b: {  	[tilespmem:v44+s15+$0x0] =	vst.idx.msk $0xffff, v17  }
0x15c: {  	v46 =	vor.u32 v1, v16;
	v17 =	vld.idx.msk [tilespmem:v45+s11+$0x0], $0xffff  }
0x15d: {  	v47 =	vadd.s32 s24, v6;
	_ =	sdelay $0x3  }
0x15e: {  	[tilespmem:v46+s15+$0x0] =	vst.idx.msk $0xffff, v17  }
0x15f: {  	v48 =	vor.u32 v2, v16;
	v17 =	vld.idx.msk [tilespmem:v47+s11+$0x0], $0xffff  }
0x160: {  	v49 =	vadd.s32 s24, v7;
	_ =	sdelay $0x3  }
0x161: {  	[tilespmem:v48+s15+$0x0] =	vst.idx.msk $0xffff, v17  }
0x162: {  	v16 =	vor.u32 v3, v16;
	v17 =	vld.idx.msk [tilespmem:v49+s11+$0x0], $0xffff;
	_ =	sdelay $0x2  }
0x163: {  	s29 =	ssub.s32 s22, s26  }
0x164: {  	v50 =	vadd.s32 s29, v8;
	s30 =	sadd.s32 $0xFFFFFFFF, s18  }
0x165: {  	[tilespmem:v16+s15+$0x0] =	vst.idx.msk $0xffff, v17;
	v16 =	vmov s30  }
0x166: {  	_ =	swait.ge [sflag:s9], $0x2000;
	v16 =	vand.u32 $0x7E, v16  }
0x167: {  	[sflag:s9] =	ssyncset.done $0x0;
	v16 =	vbroadcast v16, $0x0  }
0x168: {  	[sflag:s9] =	ssyncadd.s32 $0xFFFFE000  }
0x169: {  	v17 =	vld.idx.msk [tilespmem:v50+s11+$0x0], $0xffff;
	v51 =	vor.u32 v0, v16  }
0x16a: {  	v52 =	vadd.s32 s29, v9;
	_ =	sdelay $0x3  }
0x16b: {  	[tilespmem:v51+s15+$0x0] =	vst.idx.msk $0xffff, v17  }
0x16c: {  	v53 =	vor.u32 v1, v16;
	v17 =	vld.idx.msk [tilespmem:v52+s11+$0x0], $0xffff  }
0x16d: {  	v54 =	vadd.s32 s29, v10;
	_ =	sdelay $0x3  }
0x16e: {  	[tilespmem:v53+s15+$0x0] =	vst.idx.msk $0xffff, v17  }
0x16f: {  	v55 =	vor.u32 v2, v16;
	v17 =	vld.idx.msk [tilespmem:v54+s11+$0x0], $0xffff  }
0x170: {  	v56 =	vadd.s32 s29, v11;
	_ =	sdelay $0x3  }
0x171: {  	[tilespmem:v55+s15+$0x0] =	vst.idx.msk $0xffff, v17  }
0x172: {  	v16 =	vor.u32 v3, v16;
	v17 =	vld.idx.msk [tilespmem:v56+s11+$0x0], $0xffff;
	_ =	sdelay $0x2  }
0x173: {  	s31 =	ssub.s32 s23, s28  }
0x174: {  	v57 =	vadd.s32 s31, v12  }
0x175: {  	[tilespmem:v16+s15+$0x0] =	vst.idx.msk $0xffff, v17;
	v16 =	vmov s18  }
0x176: {  	_ =	swait.ge [sflag:s9], $0x2000;
	v16 =	vand.u32 $0x7F, v16  }
0x177: {  	[sflag:s9] =	ssyncset.done $0x0;
	v16 =	vbroadcast v16, $0x0  }
0x178: {  	[sflag:s9] =	ssyncadd.s32 $0xFFFFE000  }
0x179: {  	v17 =	vld.idx.msk [tilespmem:v57+s11+$0x0], $0xffff;
	v58 =	vor.u32 v0, v16  }
0x17a: {  	v59 =	vadd.s32 s31, v13;
	_ =	sdelay $0x3  }
0x17b: {  	[tilespmem:v58+s15+$0x0] =	vst.idx.msk $0xffff, v17  }
0x17c: {  	v60 =	vor.u32 v1, v16;
	v17 =	vld.idx.msk [tilespmem:v59+s11+$0x0], $0xffff  }
0x17d: {  	v61 =	vadd.s32 s31, v14;
	_ =	sdelay $0x3  }
0x17e: {  	[tilespmem:v60+s15+$0x0] =	vst.idx.msk $0xffff, v17  }
0x17f: {  	v62 =	vor.u32 v2, v16;
	v17 =	vld.idx.msk [tilespmem:v61+s11+$0x0], $0xffff  }
0x180: {  	v63 =	vadd.s32 s31, v15;
	_ =	sdelay $0x3  }
0x181: {  	[tilespmem:v62+s15+$0x0] =	vst.idx.msk $0xffff, v17  }
0x182: {  	p0 =	sne.s32 s18, $0x7F;
	v16 =	vor.u32 v3, v16;
	v17 =	vld.idx.msk [tilespmem:v63+s11+$0x0], $0xffff  }
.Ltmp0:
0x183: {  	_ = 	snop;
	(pc) =	sbr.rel @p0 .LBB2_2-.Ltmp0, $2  }
0x184: {  	_ =	sdelay $0x2  }
0x185: {  	s19 =	sadd.s32 $0x10, s19;
	s18 =	sadd.s32 $0x10, s18;
	[tilespmem:v16+s15+$0x0] =	vst.idx.msk $0xffff, v17  }
0x186: {  	s17 =	sadd.s32 $0x1, s17  }
0x187: {  	p0 =	sne.s32 s17, s6  }
.Ltmp1:
0x188: {  	_ = 	snop;
	(pc) =	sbr.rel @p0 .LBB2_1-.Ltmp1, $4  }
0x189: {  	[hbm4b:s5+s8] =	stream.strided.scatter [tilespmem:s15], [sflag:$0x2], $0x2000, s16, s8, $0x38;
	[tilespmem:$0xA080] =	vst v63  }
0x18a: {  	_ =	swait.ge [sflag:s7], $0x2000  }
0x18b: {  	[sflag:s7] =	ssyncset.done $0x0  }
0x18c: {  	[sflag:s7] =	ssyncadd.s32 $0xFFFFE000  }
0x18d: {  	_ =	sfence.sel $0x180000  }
0x18e: {  	[bflag:$0x0] =	sbarrier.arrive $0xFFFF  }
0x18f: {  	p0 =	sne.s32 s2, $0x0;
	_ =	strace $0x9000004A  }
0x190: {  	s0 =	sadd.s32 @!p0 $0x100000, s0;
	[bflag:$0x2] =	sbarrier.arrive $0xFFFF  }
0x191: {  	[sflag:s0] =	ssyncadd.tile.s32 @!p0 $0x1;
	_ =	shalt  }
.Lfunc_end2:
_tile_overlayer_lowered:
.L_overlay_start_2:
0x192: {  	(tag) =	ssettag $0x2  }
0x193: {  	s0 =	rddreg [dreg:$0x0];
	s2 =	stileid.u32  }
0x194: {  	s1 =	rddreg [dreg:$0x1];
	p0 =	sne.s32 s2, $0x0  }
0x195: {  	s3 =	rddreg [dreg:$0x2];
	[bflag:$0x3] =	sbarrier.arrive $0xFFFF;
	s2 =	simm.s32 @!p0 $0x1C02  }
0x196: {  	[timem:s3], [sflag:s2] =	dma.local @!p0 [hbm:s0], s1  }
0x197: {  	s0 =	simm.s32 @!p0 $0x2  }
0x198: {  	_ =	swait.ge @!p0 [sflag:s0], s1  }
0x199: {  	s1 =	ssub.s32 @!p0 $0x0, s1;
	[sflag:s0] =	ssyncset.done @!p0 $0x0  }
0x19a: {  	[sflag:s0] =	ssyncadd.s32 @!p0 s1  }
0x19b: {  	[bflag:$0x3] =	sbarrier.arrive $0xFFFF  }
0x19c: {  	_ =	shalt  }

</sc_bundles>
